<compile_context>
chip_gen: v7x
topology: tpu7x:2x2x1
jax: 0.10.2.dev20260603
libtpu: 0.0.44.dev20260713+nightly
codegen_flags: <defaults>
</compile_context>

<pallas_src>
import functools

import jax
import jax.numpy as jnp
from jax import lax
from jax.experimental import pallas as pl
from jax.experimental.pallas import tpu as pltpu
from jax.experimental.pallas import tpu_sc as plsc

_LANES = 16
_CHUNK = 1024
_GPC = _CHUNK // _LANES


def _floor(x):
    ti = x.astype(jnp.int32)
    tf = ti.astype(jnp.float32)
    return tf - jnp.where(x < tf, 1.0, 0.0).astype(jnp.float32)


def _make_sc_kernel(n_nodes, n_edges):
    info = plsc.get_sparse_core_info()
    nc, ns = info.num_cores, info.num_subcores
    nw = nc * ns
    assert n_edges % _CHUNK == 0
    n_chunks = n_edges // _CHUNK
    base_chunks = n_chunks // nw
    extra = n_chunks - base_chunks * nw
    assert base_chunks >= 2

    mesh = plsc.VectorSubcoreMesh(core_axis_name="c", subcore_axis_name="s")

    def scr():
        return (
            pltpu.VMEM((_CHUNK * 2,), jnp.int32),
            pltpu.VMEM((_CHUNK * 16,), jnp.float32),
            pltpu.VMEM((_CHUNK * 3,), jnp.float32),
            pltpu.VMEM((_CHUNK, 8), jnp.float32),
            pltpu.VMEM((_CHUNK, 8), jnp.float32),
            pltpu.VMEM((_CHUNK,), jnp.int32),
            pltpu.VMEM((_CHUNK,), jnp.int32),
            pltpu.VMEM((_CHUNK * 3,), jnp.float32),
            pltpu.SemaphoreType.DMA,
            pltpu.SemaphoreType.DMA,
            pltpu.SemaphoreType.DMA,
            pltpu.SemaphoreType.DMA,
        )

    @functools.partial(
        pl.kernel,
        mesh=mesh,
        compiler_params=pltpu.CompilerParams(
            needs_layout_passes=False, use_tc_tiling_on_sc=False),
        out_type=jax.ShapeDtypeStruct((n_edges * 3,), jnp.float32),
        scratch_types=[scr(), scr()],
    )
    def body(frac_hbm, idx_hbm, sym_hbm, trans_hbm, out_hbm, buf0, buf1):
        wid = lax.axis_index("s") * nc + lax.axis_index("c")
        my_chunks = base_chunks + jnp.where(wid < extra, 1, 0)
        iota = lax.broadcasted_iota(jnp.int32, (_LANES,), 0)
        zero16 = jnp.zeros((_LANES,), jnp.int32)
        bufs = (buf0, buf1)

        def e0_of(ci):
            return (wid + ci * nw) * _CHUNK

        def issue_in(ci, b):
            idx_c, sym_c, trans_c = bufs[b][0], bufs[b][1], bufs[b][2]
            sem_i, sem_st = bufs[b][8], bufs[b][9]
            e0 = e0_of(ci)
            pltpu.async_copy(idx_hbm.at[pl.ds(e0 * 2, _CHUNK * 2)], idx_c, sem_i)
            pltpu.async_copy(sym_hbm.at[pl.ds(e0 * 16, _CHUNK * 16)], sym_c, sem_st)
            pltpu.async_copy(trans_hbm.at[pl.ds(e0 * 3, _CHUNK * 3)], trans_c, sem_st)

        def lookahead(ci, b):
            idx_c, rows_s, rows_d = bufs[b][0], bufs[b][3], bufs[b][4]
            sidx, didx = bufs[b][5], bufs[b][6]
            sem_i, sem_g = bufs[b][8], bufs[b][10]
            e0 = e0_of(ci)
            pltpu.make_async_copy(
                idx_hbm.at[pl.ds(e0 * 2, _CHUNK * 2)], idx_c, sem_i).wait()

            @plsc.parallel_loop(0, _GPC, unroll=4)
            def deint(g):
                a = g * (2 * _LANES) + 2 * iota
                s = plsc.load_gather(idx_c, [a])
                d = plsc.load_gather(idx_c, [a + 1])
                sidx[pl.ds(g * _LANES, _LANES)] = s
                didx[pl.ds(g * _LANES, _LANES)] = d

            pltpu.async_copy(frac_hbm.at[sidx], rows_s, sem_g)
            pltpu.async_copy(frac_hbm.at[didx], rows_d, sem_g)

        def main(ci, b, first):
            (idx_c, sym_c, trans_c, rows_s, rows_d, sidx, didx, out_c,
             sem_i, sem_st, sem_g, sem_o) = bufs[b]
            e0 = e0_of(ci)
            pltpu.make_async_copy(
                sym_hbm.at[pl.ds(e0 * 16, _CHUNK * 16)], sym_c, sem_st).wait()
            pltpu.make_async_copy(
                trans_hbm.at[pl.ds(e0 * 3, _CHUNK * 3)], trans_c, sem_st).wait()
            pltpu.make_async_copy(frac_hbm.at[sidx], rows_s, sem_g).wait()
            pltpu.make_async_copy(frac_hbm.at[didx], rows_d, sem_g).wait()
            if not first:
                pltpu.make_async_copy(
                    out_c, out_hbm.at[pl.ds(e0 * 3, _CHUNK * 3)], sem_o).wait()

            @plsc.parallel_loop(0, _GPC, unroll=4)
            def comp(g):
                ed = g * _LANES + iota
                o0 = plsc.load_gather(rows_d, [ed, zero16])
                o1 = plsc.load_gather(rows_d, [ed, zero16 + 1])
                o2 = plsc.load_gather(rows_d, [ed, zero16 + 2])
                ins = (plsc.load_gather(rows_s, [ed, zero16]),
                       plsc.load_gather(rows_s, [ed, zero16 + 1]),
                       plsc.load_gather(rows_s, [ed, zero16 + 2]))
                am = g * (16 * _LANES) + 16 * iota
                at = g * (3 * _LANES) + 3 * iota
                for k in range(3):
                    m0 = plsc.load_gather(sym_c, [am + (4 * k + 0)])
                    m1 = plsc.load_gather(sym_c, [am + (4 * k + 1)])
                    m2 = plsc.load_gather(sym_c, [am + (4 * k + 2)])
                    m3 = plsc.load_gather(sym_c, [am + (4 * k + 3)])
                    tr = plsc.load_gather(trans_c, [at + k])
                    t = m0 * o0 + m1 * o1 + m2 * o2 + m3
                    w = t - _floor(t) + tr
                    dk = ins[k] - w
                    plsc.store_scatter(out_c, [at + k], dk)

            pltpu.async_copy(out_c, out_hbm.at[pl.ds(e0 * 3, _CHUNK * 3)], sem_o)

        def step(n, b, first):
            @pl.when(n + 1 < my_chunks)
            def _():
                lookahead(n + 1, 1 - b)
            main(n, b, first)

            @pl.when(n + 2 < my_chunks)
            def _():
                issue_in(n + 2, b)

        issue_in(0, 0)
        issue_in(1, 1)
        lookahead(0, 0)
        step(0, 0, True)
        step(1, 1, True)

        def pair(i, carry):
            n = 2 + 2 * i

            @pl.when(n < my_chunks)
            def _():
                step(n, 0, False)

            @pl.when(n + 1 < my_chunks)
            def _():
                step(n + 1, 1, False)
            return carry
        lax.fori_loop(0, (base_chunks + 1 - 2) // 2 + 1, pair, 0)

        for b in range(2):
            pltpu.make_async_copy(
                bufs[b][7], out_hbm.at[pl.ds(0, _CHUNK * 3)],
                bufs[b][11]).wait()

    return body


@jax.jit
def kernel(frac_coordinates, edge_indices, symmetry_ops, cell_translations):
    n_nodes = frac_coordinates.shape[0]
    n_edges = edge_indices.shape[0]
    sym_flat = symmetry_ops.reshape(n_edges * 16)
    idx_flat = edge_indices.reshape(n_edges * 2)
    trans_flat = cell_translations.reshape(n_edges * 3)
    frac_pad = jnp.pad(frac_coordinates, ((0, 0), (0, 5)))
    body = _make_sc_kernel(n_nodes, n_edges)
    out = body(frac_pad, idx_flat, sym_flat, trans_flat)
    return out.reshape(n_edges, 3)

# --- scband reference (transcript-rebuilt; emitter-appended) ---
"""Pipeline reference for scband-displacement-vectors-asu-67559835566336 (READ-ONLY COPY).

The authoritative reference and input builder live on the scoring server;
editing this copy changes nothing except your own understanding.
"""

import jax, jax.numpy as jnp
import numpy as np

N_NODES = 100000
N_EDGES = 3200000


def setup_inputs(seed: int = 0) -> dict:
    key = jax.random.key(seed)
    k1, k2, k3, k4 = jax.random.split(key, 4)
    frac_coordinates = jax.random.uniform(k1, (N_NODES, 3), dtype=jnp.float32)
    edge_indices = jax.random.randint(k2, (N_EDGES, 2), 0, N_NODES, dtype=jnp.int32)
    symmetry_ops = jax.random.normal(k3, (N_EDGES, 4, 4), dtype=jnp.float32)
    cell_translations = jax.random.normal(k4, (N_EDGES, 3), dtype=jnp.float32)
    return {
        "frac_coordinates": frac_coordinates,
        "edge_indices": edge_indices,
        "symmetry_ops": symmetry_ops,
        "cell_translations": cell_translations,
    }


def reference(frac_coordinates, edge_indices, symmetry_ops, cell_translations):
    # NodePosition / GatherNodes: gather node positions for edge endpoints (selection [0, 1])
    in_frac_coords = jnp.take(frac_coordinates, edge_indices[:, 0], axis=0)
    out_frac_coords = jnp.take(frac_coordinates, edge_indices[:, 1], axis=0)
    # Homogeneous coordinates: append column of ones -> (M, 4)
    ones_col = jnp.expand_dims(jnp.ones_like(out_frac_coords[:, 0]), axis=1)
    out_frac_coords_ = jnp.concatenate([out_frac_coords, ones_col], axis=1)
    # Apply per-edge affine symmetry operation: einsum('ij,ikj->ik')
    out_frac_coords = jnp.einsum("ij,ikj->ik", out_frac_coords_, symmetry_ops)[:, :-1]
    # Wrap back into unit cell
    out_frac_coords = out_frac_coords - jnp.floor(out_frac_coords)
    # Apply cell translation displacement
    out_frac_coords = out_frac_coords + cell_translations
    offset = in_frac_coords - out_frac_coords
    return offset

if __name__ == "__main__":
    import jax
    _d = setup_inputs()
    print(jax.jit(kernel)(*tuple(_d.values())))

</pallas_src>

<mosaic_0001>
#map = affine_map<(d0, d1) -> (0, 0)>
#map1 = affine_map<(d0, d1) -> (0)>
module attributes {stable_mosaic.version = 14 : i64} {
  func.func @body(%arg0: i32, %arg1: i32, %arg2: memref<100000x8xf32, #tpu.memory_space<hbm>>, %arg3: memref<6400000xi32, #tpu.memory_space<hbm>>, %arg4: memref<51200000xf32, #tpu.memory_space<hbm>>, %arg5: memref<9600000xf32, #tpu.memory_space<hbm>>, %arg6: memref<9600000xf32, #tpu.memory_space<hbm>>, %arg7: memref<2048xi32, #tpu.memory_space<vmem>>, %arg8: memref<16384xf32, #tpu.memory_space<vmem>>, %arg9: memref<3072xf32, #tpu.memory_space<vmem>>, %arg10: memref<1024x8xf32, #tpu.memory_space<vmem>>, %arg11: memref<1024x8xf32, #tpu.memory_space<vmem>>, %arg12: memref<1024xi32, #tpu.memory_space<vmem>>, %arg13: memref<1024xi32, #tpu.memory_space<vmem>>, %arg14: memref<3072xf32, #tpu.memory_space<vmem>>, %arg15: memref<!tpu.dma_semaphore, #tpu.memory_space<semaphore_mem>>, %arg16: memref<!tpu.dma_semaphore, #tpu.memory_space<semaphore_mem>>, %arg17: memref<!tpu.dma_semaphore, #tpu.memory_space<semaphore_mem>>, %arg18: memref<!tpu.dma_semaphore, #tpu.memory_space<semaphore_mem>>, %arg19: memref<2048xi32, #tpu.memory_space<vmem>>, %arg20: memref<16384xf32, #tpu.memory_space<vmem>>, %arg21: memref<3072xf32, #tpu.memory_space<vmem>>, %arg22: memref<1024x8xf32, #tpu.memory_space<vmem>>, %arg23: memref<1024x8xf32, #tpu.memory_space<vmem>>, %arg24: memref<1024xi32, #tpu.memory_space<vmem>>, %arg25: memref<1024xi32, #tpu.memory_space<vmem>>, %arg26: memref<3072xf32, #tpu.memory_space<vmem>>, %arg27: memref<!tpu.dma_semaphore, #tpu.memory_space<semaphore_mem>>, %arg28: memref<!tpu.dma_semaphore, #tpu.memory_space<semaphore_mem>>, %arg29: memref<!tpu.dma_semaphore, #tpu.memory_space<semaphore_mem>>, %arg30: memref<!tpu.dma_semaphore, #tpu.memory_space<semaphore_mem>>) attributes {dimension_semantics = [#tpu.dimension_semantics<core_parallel>, #tpu.dimension_semantics<subcore_parallel>], iteration_bounds = array<i64: 2, 16>, scalar_prefetch = 0 : i64, scratch_operands = 24 : i64, tpu.core_type = #tpu.core_type<sc_vector_subcore>, window_params = [{transform_indices = #map}, {transform_indices = #map1}, {transform_indices = #map1}, {transform_indices = #map1}, {transform_indices = #map1}]} {
    %mul3A = arith.constant 2 : i32
    %mul3A_0 = arith.muli %arg1, %mul3A : i32
    %add3A = arith.addi %mul3A_0, %arg0 : i32
    %lt3A = arith.constant 21 : i32
    %lt3A_1 = arith.cmpi slt, %add3A, %lt3A : i32
    %jit3A = arith.constant 1 : i32
    %jit3A_2 = arith.constant 0 : i32
    %select_n3A = arith.select %lt3A_1, %jit3A, %jit3A_2 : i32
    %add3A_3 = arith.constant 97 : i32
    %add3A_4 = arith.addi %add3A_3, %select_n3A : i32
    %iota3A = tpu.iota {dimensions = array<i32: 0>} : vector<16xi32>
    %broadcast_in_dim3A = arith.constant 0 : i32
    %broadcast_in_dim3A_5 = vector.broadcast %broadcast_in_dim3A : i32 to vector<16xi32>
    %add3A_6 = arith.constant 0 : i32
    %add3A_7 = arith.addi %add3A, %add3A_6 : i32
    %mul3A_8 = arith.constant 1024 : i32
    %mul3A_9 = arith.muli %add3A_7, %mul3A_8 : i32
    %mul3A_10 = arith.constant 2 : i32
    %mul3A_11 = arith.muli %mul3A_9, %mul3A_10 : i32
    %dma_start3A = tpu.memref_slice %arg3[%mul3A_11] : memref<6400000xi32, #tpu.memory_space<hbm>> -> memref<2048xi32, #tpu.memory_space<hbm>>
    %dma_start3A_12 = tpu.memref_slice %arg3[%mul3A_11] : memref<6400000xi32, #tpu.memory_space<hbm>> -> memref<2048xi32, #tpu.memory_space<hbm>>
    tpu.enqueue_dma source(%dma_start3A_12 : memref<2048xi32, #tpu.memory_space<hbm>>) target(%arg7 : memref<2048xi32, #tpu.memory_space<vmem>>) target_semaphore(%arg15 : memref<!tpu.dma_semaphore, #tpu.memory_space<semaphore_mem>>)
    %mul3A_13 = arith.constant 16 : i32
    %mul3A_14 = arith.muli %mul3A_9, %mul3A_13 : i32
    %dma_start3A_15 = tpu.memref_slice %arg4[%mul3A_14] : memref<51200000xf32, #tpu.memory_space<hbm>> -> memref<16384xf32, #tpu.memory_space<hbm>>
    %dma_start3A_16 = tpu.memref_slice %arg4[%mul3A_14] : memref<51200000xf32, #tpu.memory_space<hbm>> -> memref<16384xf32, #tpu.memory_space<hbm>>
    tpu.enqueue_dma source(%dma_start3A_16 : memref<16384xf32, #tpu.memory_space<hbm>>) target(%arg8 : memref<16384xf32, #tpu.memory_space<vmem>>) target_semaphore(%arg16 : memref<!tpu.dma_semaphore, #tpu.memory_space<semaphore_mem>>)
    %mul3A_17 = arith.constant 3 : i32
    %mul3A_18 = arith.muli %mul3A_9, %mul3A_17 : i32
    %dma_start3A_19 = tpu.memref_slice %arg5[%mul3A_18] : memref<9600000xf32, #tpu.memory_space<hbm>> -> memref<3072xf32, #tpu.memory_space<hbm>>
    %dma_start3A_20 = tpu.memref_slice %arg5[%mul3A_18] : memref<9600000xf32, #tpu.memory_space<hbm>> -> memref<3072xf32, #tpu.memory_space<hbm>>
    tpu.enqueue_dma source(%dma_start3A_20 : memref<3072xf32, #tpu.memory_space<hbm>>) target(%arg9 : memref<3072xf32, #tpu.memory_space<vmem>>) target_semaphore(%arg16 : memref<!tpu.dma_semaphore, #tpu.memory_space<semaphore_mem>>)
    %add3A_21 = arith.constant 32 : i32
    %add3A_22 = arith.addi %add3A, %add3A_21 : i32
    %mul3A_23 = arith.constant 1024 : i32
    %mul3A_24 = arith.muli %add3A_22, %mul3A_23 : i32
    %mul3A_25 = arith.constant 2 : i32
    %mul3A_26 = arith.muli %mul3A_24, %mul3A_25 : i32
    %dma_start3A_27 = tpu.memref_slice %arg3[%mul3A_26] : memref<6400000xi32, #tpu.memory_space<hbm>> -> memref<2048xi32, #tpu.memory_space<hbm>>
    %dma_start3A_28 = tpu.memref_slice %arg3[%mul3A_26] : memref<6400000xi32, #tpu.memory_space<hbm>> -> memref<2048xi32, #tpu.memory_space<hbm>>
    tpu.enqueue_dma source(%dma_start3A_28 : memref<2048xi32, #tpu.memory_space<hbm>>) target(%arg19 : memref<2048xi32, #tpu.memory_space<vmem>>) target_semaphore(%arg27 : memref<!tpu.dma_semaphore, #tpu.memory_space<semaphore_mem>>)
    %mul3A_29 = arith.constant 16 : i32
    %mul3A_30 = arith.muli %mul3A_24, %mul3A_29 : i32
    %dma_start3A_31 = tpu.memref_slice %arg4[%mul3A_30] : memref<51200000xf32, #tpu.memory_space<hbm>> -> memref<16384xf32, #tpu.memory_space<hbm>>
    %dma_start3A_32 = tpu.memref_slice %arg4[%mul3A_30] : memref<51200000xf32, #tpu.memory_space<hbm>> -> memref<16384xf32, #tpu.memory_space<hbm>>
    tpu.enqueue_dma source(%dma_start3A_32 : memref<16384xf32, #tpu.memory_space<hbm>>) target(%arg20 : memref<16384xf32, #tpu.memory_space<vmem>>) target_semaphore(%arg28 : memref<!tpu.dma_semaphore, #tpu.memory_space<semaphore_mem>>)
    %mul3A_33 = arith.constant 3 : i32
    %mul3A_34 = arith.muli %mul3A_24, %mul3A_33 : i32
    %dma_start3A_35 = tpu.memref_slice %arg5[%mul3A_34] : memref<9600000xf32, #tpu.memory_space<hbm>> -> memref<3072xf32, #tpu.memory_space<hbm>>
    %dma_start3A_36 = tpu.memref_slice %arg5[%mul3A_34] : memref<9600000xf32, #tpu.memory_space<hbm>> -> memref<3072xf32, #tpu.memory_space<hbm>>
    tpu.enqueue_dma source(%dma_start3A_36 : memref<3072xf32, #tpu.memory_space<hbm>>) target(%arg21 : memref<3072xf32, #tpu.memory_space<vmem>>) target_semaphore(%arg28 : memref<!tpu.dma_semaphore, #tpu.memory_space<semaphore_mem>>)
    %add3A_37 = arith.constant 0 : i32
    %add3A_38 = arith.addi %add3A, %add3A_37 : i32
    %mul3A_39 = arith.constant 1024 : i32
    %mul3A_40 = arith.muli %add3A_38, %mul3A_39 : i32
    %mul3A_41 = arith.constant 2 : i32
    %mul3A_42 = arith.muli %mul3A_40, %mul3A_41 : i32
    %dma_wait3A = tpu.memref_slice %arg3[%mul3A_42] : memref<6400000xi32, #tpu.memory_space<hbm>> -> memref<2048xi32, #tpu.memory_space<hbm>>
    %dma_wait3A_43 = tpu.memref_slice %arg3[%mul3A_42] : memref<6400000xi32, #tpu.memory_space<hbm>> -> memref<2048xi32, #tpu.memory_space<hbm>>
    tpu.wait_dma2 semaphore(%arg15 : memref<!tpu.dma_semaphore, #tpu.memory_space<semaphore_mem>>) src(%dma_wait3A_43 : memref<2048xi32, #tpu.memory_space<hbm>>) dst(%arg7 : memref<2048xi32, #tpu.memory_space<vmem>>)
    %parallel_loop3A = arith.constant 0 : i32
    %parallel_loop3A_44 = arith.constant 64 : i32
    %parallel_loop3A_45 = arith.constant 1 : i32
    scf.for %parallel_loop3A_132 = %parallel_loop3A to %parallel_loop3A_44 step %parallel_loop3A_45  : i32 {
      %parallel_loop3A_133 = arith.constant 32 : i32
      %parallel_loop3A_134 = arith.muli %parallel_loop3A_132, %parallel_loop3A_133 : i32
      %parallel_loop3A_135 = arith.constant 2 : i32
      %parallel_loop3A_136 = vector.broadcast %parallel_loop3A_135 : i32 to vector<16xi32>
      %parallel_loop3A_137 = arith.muli %parallel_loop3A_136, %iota3A : vector<16xi32>
      %parallel_loop3A_138 = vector.broadcast %parallel_loop3A_134 : i32 to vector<16xi32>
      %parallel_loop3A_139 = arith.addi %parallel_loop3A_138, %parallel_loop3A_137 : vector<16xi32>
      %parallel_loop3A_140 = tpu.vector_load_idx %arg7[%parallel_loop3A_139] : memref<2048xi32, #tpu.memory_space<vmem>>[vector<16xi32>], vector<16xi32>,
      %parallel_loop3A_141 = arith.constant 1 : i32
      %parallel_loop3A_142 = vector.broadcast %parallel_loop3A_141 : i32 to vector<16xi32>
      %parallel_loop3A_143 = arith.addi %parallel_loop3A_139, %parallel_loop3A_142 : vector<16xi32>
      %parallel_loop3A_144 = tpu.vector_load_idx %arg7[%parallel_loop3A_143] : memref<2048xi32, #tpu.memory_space<vmem>>[vector<16xi32>], vector<16xi32>,
      %parallel_loop3A_145 = arith.constant 16 : i32
      %parallel_loop3A_146 = arith.muli %parallel_loop3A_132, %parallel_loop3A_145 : i32
      %parallel_loop3A_147 = arith.index_cast %parallel_loop3A_146 : i32 to index
      %parallel_loop3A_148 = tpu.vector_load %arg12[%parallel_loop3A_147] {strides = array<i32>} : memref<1024xi32, #tpu.memory_space<vmem>>, vector<16xi32>,
      tpu.vector_store %arg12[%parallel_loop3A_147], %parallel_loop3A_140 {strides = array<i32>} : memref<1024xi32, #tpu.memory_space<vmem>>, vector<16xi32>,
      %parallel_loop3A_149 = arith.constant 16 : i32
      %parallel_loop3A_150 = arith.muli %parallel_loop3A_132, %parallel_loop3A_149 : i32
      %parallel_loop3A_151 = arith.index_cast %parallel_loop3A_150 : i32 to index
      %parallel_loop3A_152 = tpu.vector_load %arg13[%parallel_loop3A_151] {strides = array<i32>} : memref<1024xi32, #tpu.memory_space<vmem>>, vector<16xi32>,
      tpu.vector_store %arg13[%parallel_loop3A_151], %parallel_loop3A_144 {strides = array<i32>} : memref<1024xi32, #tpu.memory_space<vmem>>, vector<16xi32>,
    } {sc.loop_unroll_factor = 4 : i64, sc.parallel_access}
    %dma_start3A_46 = arith.constant 0 : i32
    %dma_start3A_47 = arith.constant 0 : i32
    %dma_start3A_48 = tpu.memref_slice %arg2[%dma_start3A_46, %dma_start3A_47] : memref<100000x8xf32, #tpu.memory_space<hbm>> -> memref<100000x8xf32, #tpu.memory_space<hbm>>
    tpu.enqueue_indirect_dma source(%dma_start3A_48 : memref<100000x8xf32, #tpu.memory_space<hbm>>) target(%arg10 : memref<1024x8xf32, #tpu.memory_space<vmem>>) offsets(%arg12 : memref<1024xi32, #tpu.memory_space<vmem>>) semaphore(%arg17 : memref<!tpu.dma_semaphore, #tpu.memory_space<semaphore_mem>>)
    %dma_start3A_49 = arith.constant 0 : i32
    %dma_start3A_50 = arith.constant 0 : i32
    %dma_start3A_51 = tpu.memref_slice %arg2[%dma_start3A_49, %dma_start3A_50] : memref<100000x8xf32, #tpu.memory_space<hbm>> -> memref<100000x8xf32, #tpu.memory_space<hbm>>
    tpu.enqueue_indirect_dma source(%dma_start3A_51 : memref<100000x8xf32, #tpu.memory_space<hbm>>) target(%arg11 : memref<1024x8xf32, #tpu.memory_space<vmem>>) offsets(%arg13 : memref<1024xi32, #tpu.memory_space<vmem>>) semaphore(%arg17 : memref<!tpu.dma_semaphore, #tpu.memory_space<semaphore_mem>>)
    %gt3A = arith.constant 1 : i32
    %gt3A_52 = arith.cmpi sgt, %add3A_4, %gt3A : i32
    %convert_element_type3A = arith.extui %gt3A_52 : i1 to i32
    %cond3A = arith.constant 0 : i32
    %cond3A_53 = arith.cmpi ne, %convert_element_type3A, %cond3A : i32
    scf.if %cond3A_53 {
      %add3A_132 = arith.constant 32 : i32
      %add3A_133 = arith.addi %add3A, %add3A_132 : i32
      %mul3A_134 = arith.constant 1024 : i32
      %mul3A_135 = arith.muli %add3A_133, %mul3A_134 : i32
      %mul3A_136 = arith.constant 2 : i32
      %mul3A_137 = arith.muli %mul3A_135, %mul3A_136 : i32
      %dma_wait3A_138 = tpu.memref_slice %arg3[%mul3A_137] : memref<6400000xi32, #tpu.memory_space<hbm>> -> memref<2048xi32, #tpu.memory_space<hbm>>
      %dma_wait3A_139 = tpu.memref_slice %arg3[%mul3A_137] : memref<6400000xi32, #tpu.memory_space<hbm>> -> memref<2048xi32, #tpu.memory_space<hbm>>
      tpu.wait_dma2 semaphore(%arg27 : memref<!tpu.dma_semaphore, #tpu.memory_space<semaphore_mem>>) src(%dma_wait3A_139 : memref<2048xi32, #tpu.memory_space<hbm>>) dst(%arg19 : memref<2048xi32, #tpu.memory_space<vmem>>)
      %parallel_loop3A_140 = arith.constant 0 : i32
      %parallel_loop3A_141 = arith.constant 64 : i32
      %parallel_loop3A_142 = arith.constant 1 : i32
      scf.for %parallel_loop3A_149 = %parallel_loop3A_140 to %parallel_loop3A_141 step %parallel_loop3A_142  : i32 {
        %parallel_loop3A_150 = arith.constant 32 : i32
        %parallel_loop3A_151 = arith.muli %parallel_loop3A_149, %parallel_loop3A_150 : i32
        %parallel_loop3A_152 = arith.constant 2 : i32
        %parallel_loop3A_153 = vector.broadcast %parallel_loop3A_152 : i32 to vector<16xi32>
        %parallel_loop3A_154 = arith.muli %parallel_loop3A_153, %iota3A : vector<16xi32>
        %parallel_loop3A_155 = vector.broadcast %parallel_loop3A_151 : i32 to vector<16xi32>
        %parallel_loop3A_156 = arith.addi %parallel_loop3A_155, %parallel_loop3A_154 : vector<16xi32>
        %parallel_loop3A_157 = tpu.vector_load_idx %arg19[%parallel_loop3A_156] : memref<2048xi32, #tpu.memory_space<vmem>>[vector<16xi32>], vector<16xi32>,
        %parallel_loop3A_158 = arith.constant 1 : i32
        %parallel_loop3A_159 = vector.broadcast %parallel_loop3A_158 : i32 to vector<16xi32>
        %parallel_loop3A_160 = arith.addi %parallel_loop3A_156, %parallel_loop3A_159 : vector<16xi32>
        %parallel_loop3A_161 = tpu.vector_load_idx %arg19[%parallel_loop3A_160] : memref<2048xi32, #tpu.memory_space<vmem>>[vector<16xi32>], vector<16xi32>,
        %parallel_loop3A_162 = arith.constant 16 : i32
        %parallel_loop3A_163 = arith.muli %parallel_loop3A_149, %parallel_loop3A_162 : i32
        %parallel_loop3A_164 = arith.index_cast %parallel_loop3A_163 : i32 to index
        %parallel_loop3A_165 = tpu.vector_load %arg24[%parallel_loop3A_164] {strides = array<i32>} : memref<1024xi32, #tpu.memory_space<vmem>>, vector<16xi32>,
        tpu.vector_store %arg24[%parallel_loop3A_164], %parallel_loop3A_157 {strides = array<i32>} : memref<1024xi32, #tpu.memory_space<vmem>>, vector<16xi32>,
        %parallel_loop3A_166 = arith.constant 16 : i32
        %parallel_loop3A_167 = arith.muli %parallel_loop3A_149, %parallel_loop3A_166 : i32
        %parallel_loop3A_168 = arith.index_cast %parallel_loop3A_167 : i32 to index
        %parallel_loop3A_169 = tpu.vector_load %arg25[%parallel_loop3A_168] {strides = array<i32>} : memref<1024xi32, #tpu.memory_space<vmem>>, vector<16xi32>,
        tpu.vector_store %arg25[%parallel_loop3A_168], %parallel_loop3A_161 {strides = array<i32>} : memref<1024xi32, #tpu.memory_space<vmem>>, vector<16xi32>,
      } {sc.loop_unroll_factor = 4 : i64, sc.parallel_access}
      %dma_start3A_143 = arith.constant 0 : i32
      %dma_start3A_144 = arith.constant 0 : i32
      %dma_start3A_145 = tpu.memref_slice %arg2[%dma_start3A_143, %dma_start3A_144] : memref<100000x8xf32, #tpu.memory_space<hbm>> -> memref<100000x8xf32, #tpu.memory_space<hbm>>
      tpu.enqueue_indirect_dma source(%dma_start3A_145 : memref<100000x8xf32, #tpu.memory_space<hbm>>) target(%arg22 : memref<1024x8xf32, #tpu.memory_space<vmem>>) offsets(%arg24 : memref<1024xi32, #tpu.memory_space<vmem>>) semaphore(%arg29 : memref<!tpu.dma_semaphore, #tpu.memory_space<semaphore_mem>>)
      %dma_start3A_146 = arith.constant 0 : i32
      %dma_start3A_147 = arith.constant 0 : i32
      %dma_start3A_148 = tpu.memref_slice %arg2[%dma_start3A_146, %dma_start3A_147] : memref<100000x8xf32, #tpu.memory_space<hbm>> -> memref<100000x8xf32, #tpu.memory_space<hbm>>
      tpu.enqueue_indirect_dma source(%dma_start3A_148 : memref<100000x8xf32, #tpu.memory_space<hbm>>) target(%arg23 : memref<1024x8xf32, #tpu.memory_space<vmem>>) offsets(%arg25 : memref<1024xi32, #tpu.memory_space<vmem>>) semaphore(%arg29 : memref<!tpu.dma_semaphore, #tpu.memory_space<semaphore_mem>>)
    } else {
    }
    %add3A_54 = arith.constant 0 : i32
    %add3A_55 = arith.addi %add3A, %add3A_54 : i32
    %mul3A_56 = arith.constant 1024 : i32
    %mul3A_57 = arith.muli %add3A_55, %mul3A_56 : i32
    %mul3A_58 = arith.constant 16 : i32
    %mul3A_59 = arith.muli %mul3A_57, %mul3A_58 : i32
    %dma_wait3A_60 = tpu.memref_slice %arg4[%mul3A_59] : memref<51200000xf32, #tpu.memory_space<hbm>> -> memref<16384xf32, #tpu.memory_space<hbm>>
    %dma_wait3A_61 = tpu.memref_slice %arg4[%mul3A_59] : memref<51200000xf32, #tpu.memory_space<hbm>> -> memref<16384xf32, #tpu.memory_space<hbm>>
    tpu.wait_dma2 semaphore(%arg16 : memref<!tpu.dma_semaphore, #tpu.memory_space<semaphore_mem>>) src(%dma_wait3A_61 : memref<16384xf32, #tpu.memory_space<hbm>>) dst(%arg8 : memref<16384xf32, #tpu.memory_space<vmem>>)
    %mul3A_62 = arith.constant 3 : i32
    %mul3A_63 = arith.muli %mul3A_57, %mul3A_62 : i32
    %dma_wait3A_64 = tpu.memref_slice %arg5[%mul3A_63] : memref<9600000xf32, #tpu.memory_space<hbm>> -> memref<3072xf32, #tpu.memory_space<hbm>>
    %dma_wait3A_65 = tpu.memref_slice %arg5[%mul3A_63] : memref<9600000xf32, #tpu.memory_space<hbm>> -> memref<3072xf32, #tpu.memory_space<hbm>>
    tpu.wait_dma2 semaphore(%arg16 : memref<!tpu.dma_semaphore, #tpu.memory_space<semaphore_mem>>) src(%dma_wait3A_65 : memref<3072xf32, #tpu.memory_space<hbm>>) dst(%arg9 : memref<3072xf32, #tpu.memory_space<vmem>>)
    %dma_wait3A_66 = arith.constant 0 : i32
    %dma_wait3A_67 = arith.constant 0 : i32
    %dma_wait3A_68 = tpu.memref_slice %arg2[%dma_wait3A_66, %dma_wait3A_67] : memref<100000x8xf32, #tpu.memory_space<hbm>> -> memref<100000x8xf32, #tpu.memory_space<hbm>>
    tpu.wait_indirect_dma semaphore(%arg17 : memref<!tpu.dma_semaphore, #tpu.memory_space<semaphore_mem>>) src(%dma_wait3A_68 : memref<100000x8xf32, #tpu.memory_space<hbm>>) dst(%arg10 : memref<1024x8xf32, #tpu.memory_space<vmem>>)
    %dma_wait3A_69 = arith.constant 0 : i32
    %dma_wait3A_70 = arith.constant 0 : i32
    %dma_wait3A_71 = tpu.memref_slice %arg2[%dma_wait3A_69, %dma_wait3A_70] : memref<100000x8xf32, #tpu.memory_space<hbm>> -> memref<100000x8xf32, #tpu.memory_space<hbm>>
    tpu.wait_indirect_dma semaphore(%arg17 : memref<!tpu.dma_semaphore, #tpu.memory_space<semaphore_mem>>) src(%dma_wait3A_71 : memref<100000x8xf32, #tpu.memory_space<hbm>>) dst(%arg11 : memref<1024x8xf32, #tpu.memory_space<vmem>>)
    %parallel_loop3A_72 = arith.constant 0 : i32
    %parallel_loop3A_73 = arith.constant 64 : i32
    %parallel_loop3A_74 = arith.constant 1 : i32
    scf.for %parallel_loop3A_132 = %parallel_loop3A_72 to %parallel_loop3A_73 step %parallel_loop3A_74  : i32 {
      %parallel_loop3A_133 = arith.constant 16 : i32
      %parallel_loop3A_134 = arith.muli %parallel_loop3A_132, %parallel_loop3A_133 : i32
      %parallel_loop3A_135 = vector.broadcast %parallel_loop3A_134 : i32 to vector<16xi32>
      %parallel_loop3A_136 = arith.addi %parallel_loop3A_135, %iota3A : vector<16xi32>
      %parallel_loop3A_137 = tpu.vector_load_idx %arg11[%parallel_loop3A_136, %broadcast_in_dim3A_5] : memref<1024x8xf32, #tpu.memory_space<vmem>>[vector<16xi32>, vector<16xi32>], vector<16xf32>,
      %parallel_loop3A_138 = arith.constant 1 : i32
      %parallel_loop3A_139 = vector.broadcast %parallel_loop3A_138 : i32 to vector<16xi32>
      %parallel_loop3A_140 = arith.addi %broadcast_in_dim3A_5, %parallel_loop3A_139 : vector<16xi32>
      %parallel_loop3A_141 = tpu.vector_load_idx %arg11[%parallel_loop3A_136, %parallel_loop3A_140] : memref<1024x8xf32, #tpu.memory_space<vmem>>[vector<16xi32>, vector<16xi32>], vector<16xf32>,
      %parallel_loop3A_142 = arith.constant 2 : i32
      %parallel_loop3A_143 = vector.broadcast %parallel_loop3A_142 : i32 to vector<16xi32>
      %parallel_loop3A_144 = arith.addi %broadcast_in_dim3A_5, %parallel_loop3A_143 : vector<16xi32>
      %parallel_loop3A_145 = tpu.vector_load_idx %arg11[%parallel_loop3A_136, %parallel_loop3A_144] : memref<1024x8xf32, #tpu.memory_space<vmem>>[vector<16xi32>, vector<16xi32>], vector<16xf32>,
      %parallel_loop3A_146 = tpu.vector_load_idx %arg10[%parallel_loop3A_136, %broadcast_in_dim3A_5] : memref<1024x8xf32, #tpu.memory_space<vmem>>[vector<16xi32>, vector<16xi32>], vector<16xf32>,
      %parallel_loop3A_147 = arith.constant 1 : i32
      %parallel_loop3A_148 = vector.broadcast %parallel_loop3A_147 : i32 to vector<16xi32>
      %parallel_loop3A_149 = arith.addi %broadcast_in_dim3A_5, %parallel_loop3A_148 : vector<16xi32>
      %parallel_loop3A_150 = tpu.vector_load_idx %arg10[%parallel_loop3A_136, %parallel_loop3A_149] : memref<1024x8xf32, #tpu.memory_space<vmem>>[vector<16xi32>, vector<16xi32>], vector<16xf32>,
      %parallel_loop3A_151 = arith.constant 2 : i32
      %parallel_loop3A_152 = vector.broadcast %parallel_loop3A_151 : i32 to vector<16xi32>
      %parallel_loop3A_153 = arith.addi %broadcast_in_dim3A_5, %parallel_loop3A_152 : vector<16xi32>
      %parallel_loop3A_154 = tpu.vector_load_idx %arg10[%parallel_loop3A_136, %parallel_loop3A_153] : memref<1024x8xf32, #tpu.memory_space<vmem>>[vector<16xi32>, vector<16xi32>], vector<16xf32>,
      %parallel_loop3A_155 = arith.constant 256 : i32
      %parallel_loop3A_156 = arith.muli %parallel_loop3A_132, %parallel_loop3A_155 : i32
      %parallel_loop3A_157 = arith.constant 16 : i32
      %parallel_loop3A_158 = vector.broadcast %parallel_loop3A_157 : i32 to vector<16xi32>
      %parallel_loop3A_159 = arith.muli %parallel_loop3A_158, %iota3A : vector<16xi32>
      %parallel_loop3A_160 = vector.broadcast %parallel_loop3A_156 : i32 to vector<16xi32>
      %parallel_loop3A_161 = arith.addi %parallel_loop3A_160, %parallel_loop3A_159 : vector<16xi32>
      %parallel_loop3A_162 = arith.constant 48 : i32
      %parallel_loop3A_163 = arith.muli %parallel_loop3A_132, %parallel_loop3A_162 : i32
      %parallel_loop3A_164 = arith.constant 3 : i32
      %parallel_loop3A_165 = vector.broadcast %parallel_loop3A_164 : i32 to vector<16xi32>
      %parallel_loop3A_166 = arith.muli %parallel_loop3A_165, %iota3A : vector<16xi32>
      %parallel_loop3A_167 = vector.broadcast %parallel_loop3A_163 : i32 to vector<16xi32>
      %parallel_loop3A_168 = arith.addi %parallel_loop3A_167, %parallel_loop3A_166 : vector<16xi32>
      %parallel_loop3A_169 = arith.constant 0 : i32
      %parallel_loop3A_170 = vector.broadcast %parallel_loop3A_169 : i32 to vector<16xi32>
      %parallel_loop3A_171 = arith.addi %parallel_loop3A_161, %parallel_loop3A_170 : vector<16xi32>
      %parallel_loop3A_172 = tpu.vector_load_idx %arg8[%parallel_loop3A_171] : memref<16384xf32, #tpu.memory_space<vmem>>[vector<16xi32>], vector<16xf32>,
      %parallel_loop3A_173 = arith.constant 1 : i32
      %parallel_loop3A_174 = vector.broadcast %parallel_loop3A_173 : i32 to vector<16xi32>
      %parallel_loop3A_175 = arith.addi %parallel_loop3A_161, %parallel_loop3A_174 : vector<16xi32>
      %parallel_loop3A_176 = tpu.vector_load_idx %arg8[%parallel_loop3A_175] : memref<16384xf32, #tpu.memory_space<vmem>>[vector<16xi32>], vector<16xf32>,
      %parallel_loop3A_177 = arith.constant 2 : i32
      %parallel_loop3A_178 = vector.broadcast %parallel_loop3A_177 : i32 to vector<16xi32>
      %parallel_loop3A_179 = arith.addi %parallel_loop3A_161, %parallel_loop3A_178 : vector<16xi32>
      %parallel_loop3A_180 = tpu.vector_load_idx %arg8[%parallel_loop3A_179] : memref<16384xf32, #tpu.memory_space<vmem>>[vector<16xi32>], vector<16xf32>,
      %parallel_loop3A_181 = arith.constant 3 : i32
      %parallel_loop3A_182 = vector.broadcast %parallel_loop3A_181 : i32 to vector<16xi32>
      %parallel_loop3A_183 = arith.addi %parallel_loop3A_161, %parallel_loop3A_182 : vector<16xi32>
      %parallel_loop3A_184 = tpu.vector_load_idx %arg8[%parallel_loop3A_183] : memref<16384xf32, #tpu.memory_space<vmem>>[vector<16xi32>], vector<16xf32>,
      %parallel_loop3A_185 = arith.constant 0 : i32
      %parallel_loop3A_186 = vector.broadcast %parallel_loop3A_185 : i32 to vector<16xi32>
      %parallel_loop3A_187 = arith.addi %parallel_loop3A_168, %parallel_loop3A_186 : vector<16xi32>
      %parallel_loop3A_188 = tpu.vector_load_idx %arg9[%parallel_loop3A_187] : memref<3072xf32, #tpu.memory_space<vmem>>[vector<16xi32>], vector<16xf32>,
      %parallel_loop3A_189 = arith.mulf %parallel_loop3A_172, %parallel_loop3A_137 : vector<16xf32>
      %parallel_loop3A_190 = arith.mulf %parallel_loop3A_176, %parallel_loop3A_141 : vector<16xf32>
      %parallel_loop3A_191 = arith.addf %parallel_loop3A_189, %parallel_loop3A_190 : vector<16xf32>
      %parallel_loop3A_192 = arith.mulf %parallel_loop3A_180, %parallel_loop3A_145 : vector<16xf32>
      %parallel_loop3A_193 = arith.addf %parallel_loop3A_191, %parallel_loop3A_192 : vector<16xf32>
      %parallel_loop3A_194 = arith.addf %parallel_loop3A_193, %parallel_loop3A_184 : vector<16xf32>
      %parallel_loop3A_195 = arith.fptosi %parallel_loop3A_194 : vector<16xf32> to vector<16xi32>
      %parallel_loop3A_196 = arith.sitofp %parallel_loop3A_195 : vector<16xi32> to vector<16xf32>
      %parallel_loop3A_197 = arith.cmpf olt, %parallel_loop3A_194, %parallel_loop3A_196 : vector<16xf32>
      %parallel_loop3A_198 = arith.constant 1.000000e+00 : f32
      %parallel_loop3A_199 = arith.constant 0.000000e+00 : f32
      %parallel_loop3A_200 = vector.broadcast %parallel_loop3A_198 : f32 to vector<16xf32>
      %parallel_loop3A_201 = vector.broadcast %parallel_loop3A_199 : f32 to vector<16xf32>
      %parallel_loop3A_202 = arith.select %parallel_loop3A_197, %parallel_loop3A_200, %parallel_loop3A_201 : vector<16xi1>, vector<16xf32>
      %parallel_loop3A_203 = arith.subf %parallel_loop3A_196, %parallel_loop3A_202 : vector<16xf32>
      %parallel_loop3A_204 = arith.subf %parallel_loop3A_194, %parallel_loop3A_203 : vector<16xf32>
      %parallel_loop3A_205 = arith.addf %parallel_loop3A_204, %parallel_loop3A_188 : vector<16xf32>
      %parallel_loop3A_206 = arith.subf %parallel_loop3A_146, %parallel_loop3A_205 : vector<16xf32>
      %parallel_loop3A_207 = arith.constant 0 : i32
      %parallel_loop3A_208 = vector.broadcast %parallel_loop3A_207 : i32 to vector<16xi32>
      %parallel_loop3A_209 = arith.addi %parallel_loop3A_168, %parallel_loop3A_208 : vector<16xi32>
      tpu.vector_store_idx %arg14[%parallel_loop3A_209], %parallel_loop3A_206 : memref<3072xf32, #tpu.memory_space<vmem>>[vector<16xi32>], vector<16xf32>,
      %parallel_loop3A_210 = arith.constant 4 : i32
      %parallel_loop3A_211 = vector.broadcast %parallel_loop3A_210 : i32 to vector<16xi32>
      %parallel_loop3A_212 = arith.addi %parallel_loop3A_161, %parallel_loop3A_211 : vector<16xi32>
      %parallel_loop3A_213 = tpu.vector_load_idx %arg8[%parallel_loop3A_212] : memref<16384xf32, #tpu.memory_space<vmem>>[vector<16xi32>], vector<16xf32>,
      %parallel_loop3A_214 = arith.constant 5 : i32
      %parallel_loop3A_215 = vector.broadcast %parallel_loop3A_214 : i32 to vector<16xi32>
      %parallel_loop3A_216 = arith.addi %parallel_loop3A_161, %parallel_loop3A_215 : vector<16xi32>
      %parallel_loop3A_217 = tpu.vector_load_idx %arg8[%parallel_loop3A_216] : memref<16384xf32, #tpu.memory_space<vmem>>[vector<16xi32>], vector<16xf32>,
      %parallel_loop3A_218 = arith.constant 6 : i32
      %parallel_loop3A_219 = vector.broadcast %parallel_loop3A_218 : i32 to vector<16xi32>
      %parallel_loop3A_220 = arith.addi %parallel_loop3A_161, %parallel_loop3A_219 : vector<16xi32>
      %parallel_loop3A_221 = tpu.vector_load_idx %arg8[%parallel_loop3A_220] : memref<16384xf32, #tpu.memory_space<vmem>>[vector<16xi32>], vector<16xf32>,
      %parallel_loop3A_222 = arith.constant 7 : i32
      %parallel_loop3A_223 = vector.broadcast %parallel_loop3A_222 : i32 to vector<16xi32>
      %parallel_loop3A_224 = arith.addi %parallel_loop3A_161, %parallel_loop3A_223 : vector<16xi32>
      %parallel_loop3A_225 = tpu.vector_load_idx %arg8[%parallel_loop3A_224] : memref<16384xf32, #tpu.memory_space<vmem>>[vector<16xi32>], vector<16xf32>,
      %parallel_loop3A_226 = arith.constant 1 : i32
      %parallel_loop3A_227 = vector.broadcast %parallel_loop3A_226 : i32 to vector<16xi32>
      %parallel_loop3A_228 = arith.addi %parallel_loop3A_168, %parallel_loop3A_227 : vector<16xi32>
      %parallel_loop3A_229 = tpu.vector_load_idx %arg9[%parallel_loop3A_228] : memref<3072xf32, #tpu.memory_space<vmem>>[vector<16xi32>], vector<16xf32>,
      %parallel_loop3A_230 = arith.mulf %parallel_loop3A_213, %parallel_loop3A_137 : vector<16xf32>
      %parallel_loop3A_231 = arith.mulf %parallel_loop3A_217, %parallel_loop3A_141 : vector<16xf32>
      %parallel_loop3A_232 = arith.addf %parallel_loop3A_230, %parallel_loop3A_231 : vector<16xf32>
      %parallel_loop3A_233 = arith.mulf %parallel_loop3A_221, %parallel_loop3A_145 : vector<16xf32>
      %parallel_loop3A_234 = arith.addf %parallel_loop3A_232, %parallel_loop3A_233 : vector<16xf32>
      %parallel_loop3A_235 = arith.addf %parallel_loop3A_234, %parallel_loop3A_225 : vector<16xf32>
      %parallel_loop3A_236 = arith.fptosi %parallel_loop3A_235 : vector<16xf32> to vector<16xi32>
      %parallel_loop3A_237 = arith.sitofp %parallel_loop3A_236 : vector<16xi32> to vector<16xf32>
      %parallel_loop3A_238 = arith.cmpf olt, %parallel_loop3A_235, %parallel_loop3A_237 : vector<16xf32>
      %parallel_loop3A_239 = arith.constant 1.000000e+00 : f32
      %parallel_loop3A_240 = arith.constant 0.000000e+00 : f32
      %parallel_loop3A_241 = vector.broadcast %parallel_loop3A_239 : f32 to vector<16xf32>
      %parallel_loop3A_242 = vector.broadcast %parallel_loop3A_240 : f32 to vector<16xf32>
      %parallel_loop3A_243 = arith.select %parallel_loop3A_238, %parallel_loop3A_241, %parallel_loop3A_242 : vector<16xi1>, vector<16xf32>
      %parallel_loop3A_244 = arith.subf %parallel_loop3A_237, %parallel_loop3A_243 : vector<16xf32>
      %parallel_loop3A_245 = arith.subf %parallel_loop3A_235, %parallel_loop3A_244 : vector<16xf32>
      %parallel_loop3A_246 = arith.addf %parallel_loop3A_245, %parallel_loop3A_229 : vector<16xf32>
      %parallel_loop3A_247 = arith.subf %parallel_loop3A_150, %parallel_loop3A_246 : vector<16xf32>
      %parallel_loop3A_248 = arith.constant 1 : i32
      %parallel_loop3A_249 = vector.broadcast %parallel_loop3A_248 : i32 to vector<16xi32>
      %parallel_loop3A_250 = arith.addi %parallel_loop3A_168, %parallel_loop3A_249 : vector<16xi32>
      tpu.vector_store_idx %arg14[%parallel_loop3A_250], %parallel_loop3A_247 : memref<3072xf32, #tpu.memory_space<vmem>>[vector<16xi32>], vector<16xf32>,
      %parallel_loop3A_251 = arith.constant 8 : i32
      %parallel_loop3A_252 = vector.broadcast %parallel_loop3A_251 : i32 to vector<16xi32>
      %parallel_loop3A_253 = arith.addi %parallel_loop3A_161, %parallel_loop3A_252 : vector<16xi32>
      %parallel_loop3A_254 = tpu.vector_load_idx %arg8[%parallel_loop3A_253] : memref<16384xf32, #tpu.memory_space<vmem>>[vector<16xi32>], vector<16xf32>,
      %parallel_loop3A_255 = arith.constant 9 : i32
      %parallel_loop3A_256 = vector.broadcast %parallel_loop3A_255 : i32 to vector<16xi32>
      %parallel_loop3A_257 = arith.addi %parallel_loop3A_161, %parallel_loop3A_256 : vector<16xi32>
      %parallel_loop3A_258 = tpu.vector_load_idx %arg8[%parallel_loop3A_257] : memref<16384xf32, #tpu.memory_space<vmem>>[vector<16xi32>], vector<16xf32>,
      %parallel_loop3A_259 = arith.constant 10 : i32
      %parallel_loop3A_260 = vector.broadcast %parallel_loop3A_259 : i32 to vector<16xi32>
      %parallel_loop3A_261 = arith.addi %parallel_loop3A_161, %parallel_loop3A_260 : vector<16xi32>
      %parallel_loop3A_262 = tpu.vector_load_idx %arg8[%parallel_loop3A_261] : memref<16384xf32, #tpu.memory_space<vmem>>[vector<16xi32>], vector<16xf32>,
      %parallel_loop3A_263 = arith.constant 11 : i32
      %parallel_loop3A_264 = vector.broadcast %parallel_loop3A_263 : i32 to vector<16xi32>
      %parallel_loop3A_265 = arith.addi %parallel_loop3A_161, %parallel_loop3A_264 : vector<16xi32>
      %parallel_loop3A_266 = tpu.vector_load_idx %arg8[%parallel_loop3A_265] : memref<16384xf32, #tpu.memory_space<vmem>>[vector<16xi32>], vector<16xf32>,
      %parallel_loop3A_267 = arith.constant 2 : i32
      %parallel_loop3A_268 = vector.broadcast %parallel_loop3A_267 : i32 to vector<16xi32>
      %parallel_loop3A_269 = arith.addi %parallel_loop3A_168, %parallel_loop3A_268 : vector<16xi32>
      %parallel_loop3A_270 = tpu.vector_load_idx %arg9[%parallel_loop3A_269] : memref<3072xf32, #tpu.memory_space<vmem>>[vector<16xi32>], vector<16xf32>,
      %parallel_loop3A_271 = arith.mulf %parallel_loop3A_254, %parallel_loop3A_137 : vector<16xf32>
      %parallel_loop3A_272 = arith.mulf %parallel_loop3A_258, %parallel_loop3A_141 : vector<16xf32>
      %parallel_loop3A_273 = arith.addf %parallel_loop3A_271, %parallel_loop3A_272 : vector<16xf32>
      %parallel_loop3A_274 = arith.mulf %parallel_loop3A_262, %parallel_loop3A_145 : vector<16xf32>
      %parallel_loop3A_275 = arith.addf %parallel_loop3A_273, %parallel_loop3A_274 : vector<16xf32>
      %parallel_loop3A_276 = arith.addf %parallel_loop3A_275, %parallel_loop3A_266 : vector<16xf32>
      %parallel_loop3A_277 = arith.fptosi %parallel_loop3A_276 : vector<16xf32> to vector<16xi32>
      %parallel_loop3A_278 = arith.sitofp %parallel_loop3A_277 : vector<16xi32> to vector<16xf32>
      %parallel_loop3A_279 = arith.cmpf olt, %parallel_loop3A_276, %parallel_loop3A_278 : vector<16xf32>
      %parallel_loop3A_280 = arith.constant 1.000000e+00 : f32
      %parallel_loop3A_281 = arith.constant 0.000000e+00 : f32
      %parallel_loop3A_282 = vector.broadcast %parallel_loop3A_280 : f32 to vector<16xf32>
      %parallel_loop3A_283 = vector.broadcast %parallel_loop3A_281 : f32 to vector<16xf32>
      %parallel_loop3A_284 = arith.select %parallel_loop3A_279, %parallel_loop3A_282, %parallel_loop3A_283 : vector<16xi1>, vector<16xf32>
      %parallel_loop3A_285 = arith.subf %parallel_loop3A_278, %parallel_loop3A_284 : vector<16xf32>
      %parallel_loop3A_286 = arith.subf %parallel_loop3A_276, %parallel_loop3A_285 : vector<16xf32>
      %parallel_loop3A_287 = arith.addf %parallel_loop3A_286, %parallel_loop3A_270 : vector<16xf32>
      %parallel_loop3A_288 = arith.subf %parallel_loop3A_154, %parallel_loop3A_287 : vector<16xf32>
      %parallel_loop3A_289 = arith.constant 2 : i32
      %parallel_loop3A_290 = vector.broadcast %parallel_loop3A_289 : i32 to vector<16xi32>
      %parallel_loop3A_291 = arith.addi %parallel_loop3A_168, %parallel_loop3A_290 : vector<16xi32>
      tpu.vector_store_idx %arg14[%parallel_loop3A_291], %parallel_loop3A_288 : memref<3072xf32, #tpu.memory_space<vmem>>[vector<16xi32>], vector<16xf32>,
    } {sc.loop_unroll_factor = 4 : i64, sc.parallel_access}
    %mul3A_75 = arith.constant 3 : i32
    %mul3A_76 = arith.muli %mul3A_57, %mul3A_75 : i32
    %dma_start3A_77 = tpu.memref_slice %arg6[%mul3A_76] : memref<9600000xf32, #tpu.memory_space<hbm>> -> memref<3072xf32, #tpu.memory_space<hbm>>
    %dma_start3A_78 = tpu.memref_slice %arg6[%mul3A_76] : memref<9600000xf32, #tpu.memory_space<hbm>> -> memref<3072xf32, #tpu.memory_space<hbm>>
    tpu.enqueue_dma source(%arg14 : memref<3072xf32, #tpu.memory_space<vmem>>) target(%dma_start3A_78 : memref<3072xf32, #tpu.memory_space<hbm>>) target_semaphore(%arg18 : memref<!tpu.dma_semaphore, #tpu.memory_space<semaphore_mem>>)
    %gt3A_79 = arith.constant 2 : i32
    %gt3A_80 = arith.cmpi sgt, %add3A_4, %gt3A_79 : i32
    %convert_element_type3A_81 = arith.extui %gt3A_80 : i1 to i32
    %cond3A_82 = arith.constant 0 : i32
    %cond3A_83 = arith.cmpi ne, %convert_element_type3A_81, %cond3A_82 : i32
    scf.if %cond3A_83 {
      %add3A_132 = arith.constant 64 : i32
      %add3A_133 = arith.addi %add3A, %add3A_132 : i32
      %mul3A_134 = arith.constant 1024 : i32
      %mul3A_135 = arith.muli %add3A_133, %mul3A_134 : i32
      %mul3A_136 = arith.constant 2 : i32
      %mul3A_137 = arith.muli %mul3A_135, %mul3A_136 : i32
      %dma_start3A_138 = tpu.memref_slice %arg3[%mul3A_137] : memref<6400000xi32, #tpu.memory_space<hbm>> -> memref<2048xi32, #tpu.memory_space<hbm>>
      %dma_start3A_139 = tpu.memref_slice %arg3[%mul3A_137] : memref<6400000xi32, #tpu.memory_space<hbm>> -> memref<2048xi32, #tpu.memory_space<hbm>>
      tpu.enqueue_dma source(%dma_start3A_139 : memref<2048xi32, #tpu.memory_space<hbm>>) target(%arg7 : memref<2048xi32, #tpu.memory_space<vmem>>) target_semaphore(%arg15 : memref<!tpu.dma_semaphore, #tpu.memory_space<semaphore_mem>>)
      %mul3A_140 = arith.constant 16 : i32
      %mul3A_141 = arith.muli %mul3A_135, %mul3A_140 : i32
      %dma_start3A_142 = tpu.memref_slice %arg4[%mul3A_141] : memref<51200000xf32, #tpu.memory_space<hbm>> -> memref<16384xf32, #tpu.memory_space<hbm>>
      %dma_start3A_143 = tpu.memref_slice %arg4[%mul3A_141] : memref<51200000xf32, #tpu.memory_space<hbm>> -> memref<16384xf32, #tpu.memory_space<hbm>>
      tpu.enqueue_dma source(%dma_start3A_143 : memref<16384xf32, #tpu.memory_space<hbm>>) target(%arg8 : memref<16384xf32, #tpu.memory_space<vmem>>) target_semaphore(%arg16 : memref<!tpu.dma_semaphore, #tpu.memory_space<semaphore_mem>>)
      %mul3A_144 = arith.constant 3 : i32
      %mul3A_145 = arith.muli %mul3A_135, %mul3A_144 : i32
      %dma_start3A_146 = tpu.memref_slice %arg5[%mul3A_145] : memref<9600000xf32, #tpu.memory_space<hbm>> -> memref<3072xf32, #tpu.memory_space<hbm>>
      %dma_start3A_147 = tpu.memref_slice %arg5[%mul3A_145] : memref<9600000xf32, #tpu.memory_space<hbm>> -> memref<3072xf32, #tpu.memory_space<hbm>>
      tpu.enqueue_dma source(%dma_start3A_147 : memref<3072xf32, #tpu.memory_space<hbm>>) target(%arg9 : memref<3072xf32, #tpu.memory_space<vmem>>) target_semaphore(%arg16 : memref<!tpu.dma_semaphore, #tpu.memory_space<semaphore_mem>>)
    } else {
    }
    %gt3A_84 = arith.constant 2 : i32
    %gt3A_85 = arith.cmpi sgt, %add3A_4, %gt3A_84 : i32
    %convert_element_type3A_86 = arith.extui %gt3A_85 : i1 to i32
    %cond3A_87 = arith.constant 0 : i32
    %cond3A_88 = arith.cmpi ne, %convert_element_type3A_86, %cond3A_87 : i32
    scf.if %cond3A_88 {
      %add3A_132 = arith.constant 64 : i32
      %add3A_133 = arith.addi %add3A, %add3A_132 : i32
      %mul3A_134 = arith.constant 1024 : i32
      %mul3A_135 = arith.muli %add3A_133, %mul3A_134 : i32
      %mul3A_136 = arith.constant 2 : i32
      %mul3A_137 = arith.muli %mul3A_135, %mul3A_136 : i32
      %dma_wait3A_138 = tpu.memref_slice %arg3[%mul3A_137] : memref<6400000xi32, #tpu.memory_space<hbm>> -> memref<2048xi32, #tpu.memory_space<hbm>>
      %dma_wait3A_139 = tpu.memref_slice %arg3[%mul3A_137] : memref<6400000xi32, #tpu.memory_space<hbm>> -> memref<2048xi32, #tpu.memory_space<hbm>>
      tpu.wait_dma2 semaphore(%arg15 : memref<!tpu.dma_semaphore, #tpu.memory_space<semaphore_mem>>) src(%dma_wait3A_139 : memref<2048xi32, #tpu.memory_space<hbm>>) dst(%arg7 : memref<2048xi32, #tpu.memory_space<vmem>>)
      %parallel_loop3A_140 = arith.constant 0 : i32
      %parallel_loop3A_141 = arith.constant 64 : i32
      %parallel_loop3A_142 = arith.constant 1 : i32
      scf.for %parallel_loop3A_149 = %parallel_loop3A_140 to %parallel_loop3A_141 step %parallel_loop3A_142  : i32 {
        %parallel_loop3A_150 = arith.constant 32 : i32
        %parallel_loop3A_151 = arith.muli %parallel_loop3A_149, %parallel_loop3A_150 : i32
        %parallel_loop3A_152 = arith.constant 2 : i32
        %parallel_loop3A_153 = vector.broadcast %parallel_loop3A_152 : i32 to vector<16xi32>
        %parallel_loop3A_154 = arith.muli %parallel_loop3A_153, %iota3A : vector<16xi32>
        %parallel_loop3A_155 = vector.broadcast %parallel_loop3A_151 : i32 to vector<16xi32>
        %parallel_loop3A_156 = arith.addi %parallel_loop3A_155, %parallel_loop3A_154 : vector<16xi32>
        %parallel_loop3A_157 = tpu.vector_load_idx %arg7[%parallel_loop3A_156] : memref<2048xi32, #tpu.memory_space<vmem>>[vector<16xi32>], vector<16xi32>,
        %parallel_loop3A_158 = arith.constant 1 : i32
        %parallel_loop3A_159 = vector.broadcast %parallel_loop3A_158 : i32 to vector<16xi32>
        %parallel_loop3A_160 = arith.addi %parallel_loop3A_156, %parallel_loop3A_159 : vector<16xi32>
        %parallel_loop3A_161 = tpu.vector_load_idx %arg7[%parallel_loop3A_160] : memref<2048xi32, #tpu.memory_space<vmem>>[vector<16xi32>], vector<16xi32>,
        %parallel_loop3A_162 = arith.constant 16 : i32
        %parallel_loop3A_163 = arith.muli %parallel_loop3A_149, %parallel_loop3A_162 : i32
        %parallel_loop3A_164 = arith.index_cast %parallel_loop3A_163 : i32 to index
        %parallel_loop3A_165 = tpu.vector_load %arg12[%parallel_loop3A_164] {strides = array<i32>} : memref<1024xi32, #tpu.memory_space<vmem>>, vector<16xi32>,
        tpu.vector_store %arg12[%parallel_loop3A_164], %parallel_loop3A_157 {strides = array<i32>} : memref<1024xi32, #tpu.memory_space<vmem>>, vector<16xi32>,
        %parallel_loop3A_166 = arith.constant 16 : i32
        %parallel_loop3A_167 = arith.muli %parallel_loop3A_149, %parallel_loop3A_166 : i32
        %parallel_loop3A_168 = arith.index_cast %parallel_loop3A_167 : i32 to index
        %parallel_loop3A_169 = tpu.vector_load %arg13[%parallel_loop3A_168] {strides = array<i32>} : memref<1024xi32, #tpu.memory_space<vmem>>, vector<16xi32>,
        tpu.vector_store %arg13[%parallel_loop3A_168], %parallel_loop3A_161 {strides = array<i32>} : memref<1024xi32, #tpu.memory_space<vmem>>, vector<16xi32>,
      } {sc.loop_unroll_factor = 4 : i64, sc.parallel_access}
      %dma_start3A_143 = arith.constant 0 : i32
      %dma_start3A_144 = arith.constant 0 : i32
      %dma_start3A_145 = tpu.memref_slice %arg2[%dma_start3A_143, %dma_start3A_144] : memref<100000x8xf32, #tpu.memory_space<hbm>> -> memref<100000x8xf32, #tpu.memory_space<hbm>>
      tpu.enqueue_indirect_dma source(%dma_start3A_145 : memref<100000x8xf32, #tpu.memory_space<hbm>>) target(%arg10 : memref<1024x8xf32, #tpu.memory_space<vmem>>) offsets(%arg12 : memref<1024xi32, #tpu.memory_space<vmem>>) semaphore(%arg17 : memref<!tpu.dma_semaphore, #tpu.memory_space<semaphore_mem>>)
      %dma_start3A_146 = arith.constant 0 : i32
      %dma_start3A_147 = arith.constant 0 : i32
      %dma_start3A_148 = tpu.memref_slice %arg2[%dma_start3A_146, %dma_start3A_147] : memref<100000x8xf32, #tpu.memory_space<hbm>> -> memref<100000x8xf32, #tpu.memory_space<hbm>>
      tpu.enqueue_indirect_dma source(%dma_start3A_148 : memref<100000x8xf32, #tpu.memory_space<hbm>>) target(%arg11 : memref<1024x8xf32, #tpu.memory_space<vmem>>) offsets(%arg13 : memref<1024xi32, #tpu.memory_space<vmem>>) semaphore(%arg17 : memref<!tpu.dma_semaphore, #tpu.memory_space<semaphore_mem>>)
    } else {
    }
    %add3A_89 = arith.constant 32 : i32
    %add3A_90 = arith.addi %add3A, %add3A_89 : i32
    %mul3A_91 = arith.constant 1024 : i32
    %mul3A_92 = arith.muli %add3A_90, %mul3A_91 : i32
    %mul3A_93 = arith.constant 16 : i32
    %mul3A_94 = arith.muli %mul3A_92, %mul3A_93 : i32
    %dma_wait3A_95 = tpu.memref_slice %arg4[%mul3A_94] : memref<51200000xf32, #tpu.memory_space<hbm>> -> memref<16384xf32, #tpu.memory_space<hbm>>
    %dma_wait3A_96 = tpu.memref_slice %arg4[%mul3A_94] : memref<51200000xf32, #tpu.memory_space<hbm>> -> memref<16384xf32, #tpu.memory_space<hbm>>
    tpu.wait_dma2 semaphore(%arg28 : memref<!tpu.dma_semaphore, #tpu.memory_space<semaphore_mem>>) src(%dma_wait3A_96 : memref<16384xf32, #tpu.memory_space<hbm>>) dst(%arg20 : memref<16384xf32, #tpu.memory_space<vmem>>)
    %mul3A_97 = arith.constant 3 : i32
    %mul3A_98 = arith.muli %mul3A_92, %mul3A_97 : i32
    %dma_wait3A_99 = tpu.memref_slice %arg5[%mul3A_98] : memref<9600000xf32, #tpu.memory_space<hbm>> -> memref<3072xf32, #tpu.memory_space<hbm>>
    %dma_wait3A_100 = tpu.memref_slice %arg5[%mul3A_98] : memref<9600000xf32, #tpu.memory_space<hbm>> -> memref<3072xf32, #tpu.memory_space<hbm>>
    tpu.wait_dma2 semaphore(%arg28 : memref<!tpu.dma_semaphore, #tpu.memory_space<semaphore_mem>>) src(%dma_wait3A_100 : memref<3072xf32, #tpu.memory_space<hbm>>) dst(%arg21 : memref<3072xf32, #tpu.memory_space<vmem>>)
    %dma_wait3A_101 = arith.constant 0 : i32
    %dma_wait3A_102 = arith.constant 0 : i32
    %dma_wait3A_103 = tpu.memref_slice %arg2[%dma_wait3A_101, %dma_wait3A_102] : memref<100000x8xf32, #tpu.memory_space<hbm>> -> memref<100000x8xf32, #tpu.memory_space<hbm>>
    tpu.wait_indirect_dma semaphore(%arg29 : memref<!tpu.dma_semaphore, #tpu.memory_space<semaphore_mem>>) src(%dma_wait3A_103 : memref<100000x8xf32, #tpu.memory_space<hbm>>) dst(%arg22 : memref<1024x8xf32, #tpu.memory_space<vmem>>)
    %dma_wait3A_104 = arith.constant 0 : i32
    %dma_wait3A_105 = arith.constant 0 : i32
    %dma_wait3A_106 = tpu.memref_slice %arg2[%dma_wait3A_104, %dma_wait3A_105] : memref<100000x8xf32, #tpu.memory_space<hbm>> -> memref<100000x8xf32, #tpu.memory_space<hbm>>
    tpu.wait_indirect_dma semaphore(%arg29 : memref<!tpu.dma_semaphore, #tpu.memory_space<semaphore_mem>>) src(%dma_wait3A_106 : memref<100000x8xf32, #tpu.memory_space<hbm>>) dst(%arg23 : memref<1024x8xf32, #tpu.memory_space<vmem>>)
    %parallel_loop3A_107 = arith.constant 0 : i32
    %parallel_loop3A_108 = arith.constant 64 : i32
    %parallel_loop3A_109 = arith.constant 1 : i32
    scf.for %parallel_loop3A_132 = %parallel_loop3A_107 to %parallel_loop3A_108 step %parallel_loop3A_109  : i32 {
      %parallel_loop3A_133 = arith.constant 16 : i32
      %parallel_loop3A_134 = arith.muli %parallel_loop3A_132, %parallel_loop3A_133 : i32
      %parallel_loop3A_135 = vector.broadcast %parallel_loop3A_134 : i32 to vector<16xi32>
      %parallel_loop3A_136 = arith.addi %parallel_loop3A_135, %iota3A : vector<16xi32>
      %parallel_loop3A_137 = tpu.vector_load_idx %arg23[%parallel_loop3A_136, %broadcast_in_dim3A_5] : memref<1024x8xf32, #tpu.memory_space<vmem>>[vector<16xi32>, vector<16xi32>], vector<16xf32>,
      %parallel_loop3A_138 = arith.constant 1 : i32
      %parallel_loop3A_139 = vector.broadcast %parallel_loop3A_138 : i32 to vector<16xi32>
      %parallel_loop3A_140 = arith.addi %broadcast_in_dim3A_5, %parallel_loop3A_139 : vector<16xi32>
      %parallel_loop3A_141 = tpu.vector_load_idx %arg23[%parallel_loop3A_136, %parallel_loop3A_140] : memref<1024x8xf32, #tpu.memory_space<vmem>>[vector<16xi32>, vector<16xi32>], vector<16xf32>,
      %parallel_loop3A_142 = arith.constant 2 : i32
      %parallel_loop3A_143 = vector.broadcast %parallel_loop3A_142 : i32 to vector<16xi32>
      %parallel_loop3A_144 = arith.addi %broadcast_in_dim3A_5, %parallel_loop3A_143 : vector<16xi32>
      %parallel_loop3A_145 = tpu.vector_load_idx %arg23[%parallel_loop3A_136, %parallel_loop3A_144] : memref<1024x8xf32, #tpu.memory_space<vmem>>[vector<16xi32>, vector<16xi32>], vector<16xf32>,
      %parallel_loop3A_146 = tpu.vector_load_idx %arg22[%parallel_loop3A_136, %broadcast_in_dim3A_5] : memref<1024x8xf32, #tpu.memory_space<vmem>>[vector<16xi32>, vector<16xi32>], vector<16xf32>,
      %parallel_loop3A_147 = arith.constant 1 : i32
      %parallel_loop3A_148 = vector.broadcast %parallel_loop3A_147 : i32 to vector<16xi32>
      %parallel_loop3A_149 = arith.addi %broadcast_in_dim3A_5, %parallel_loop3A_148 : vector<16xi32>
      %parallel_loop3A_150 = tpu.vector_load_idx %arg22[%parallel_loop3A_136, %parallel_loop3A_149] : memref<1024x8xf32, #tpu.memory_space<vmem>>[vector<16xi32>, vector<16xi32>], vector<16xf32>,
      %parallel_loop3A_151 = arith.constant 2 : i32
      %parallel_loop3A_152 = vector.broadcast %parallel_loop3A_151 : i32 to vector<16xi32>
      %parallel_loop3A_153 = arith.addi %broadcast_in_dim3A_5, %parallel_loop3A_152 : vector<16xi32>
      %parallel_loop3A_154 = tpu.vector_load_idx %arg22[%parallel_loop3A_136, %parallel_loop3A_153] : memref<1024x8xf32, #tpu.memory_space<vmem>>[vector<16xi32>, vector<16xi32>], vector<16xf32>,
      %parallel_loop3A_155 = arith.constant 256 : i32
      %parallel_loop3A_156 = arith.muli %parallel_loop3A_132, %parallel_loop3A_155 : i32
      %parallel_loop3A_157 = arith.constant 16 : i32
      %parallel_loop3A_158 = vector.broadcast %parallel_loop3A_157 : i32 to vector<16xi32>
      %parallel_loop3A_159 = arith.muli %parallel_loop3A_158, %iota3A : vector<16xi32>
      %parallel_loop3A_160 = vector.broadcast %parallel_loop3A_156 : i32 to vector<16xi32>
      %parallel_loop3A_161 = arith.addi %parallel_loop3A_160, %parallel_loop3A_159 : vector<16xi32>
      %parallel_loop3A_162 = arith.constant 48 : i32
      %parallel_loop3A_163 = arith.muli %parallel_loop3A_132, %parallel_loop3A_162 : i32
      %parallel_loop3A_164 = arith.constant 3 : i32
      %parallel_loop3A_165 = vector.broadcast %parallel_loop3A_164 : i32 to vector<16xi32>
      %parallel_loop3A_166 = arith.muli %parallel_loop3A_165, %iota3A : vector<16xi32>
      %parallel_loop3A_167 = vector.broadcast %parallel_loop3A_163 : i32 to vector<16xi32>
      %parallel_loop3A_168 = arith.addi %parallel_loop3A_167, %parallel_loop3A_166 : vector<16xi32>
      %parallel_loop3A_169 = arith.constant 0 : i32
      %parallel_loop3A_170 = vector.broadcast %parallel_loop3A_169 : i32 to vector<16xi32>
      %parallel_loop3A_171 = arith.addi %parallel_loop3A_161, %parallel_loop3A_170 : vector<16xi32>
      %parallel_loop3A_172 = tpu.vector_load_idx %arg20[%parallel_loop3A_171] : memref<16384xf32, #tpu.memory_space<vmem>>[vector<16xi32>], vector<16xf32>,
      %parallel_loop3A_173 = arith.constant 1 : i32
      %parallel_loop3A_174 = vector.broadcast %parallel_loop3A_173 : i32 to vector<16xi32>
      %parallel_loop3A_175 = arith.addi %parallel_loop3A_161, %parallel_loop3A_174 : vector<16xi32>
      %parallel_loop3A_176 = tpu.vector_load_idx %arg20[%parallel_loop3A_175] : memref<16384xf32, #tpu.memory_space<vmem>>[vector<16xi32>], vector<16xf32>,
      %parallel_loop3A_177 = arith.constant 2 : i32
      %parallel_loop3A_178 = vector.broadcast %parallel_loop3A_177 : i32 to vector<16xi32>
      %parallel_loop3A_179 = arith.addi %parallel_loop3A_161, %parallel_loop3A_178 : vector<16xi32>
      %parallel_loop3A_180 = tpu.vector_load_idx %arg20[%parallel_loop3A_179] : memref<16384xf32, #tpu.memory_space<vmem>>[vector<16xi32>], vector<16xf32>,
      %parallel_loop3A_181 = arith.constant 3 : i32
      %parallel_loop3A_182 = vector.broadcast %parallel_loop3A_181 : i32 to vector<16xi32>
      %parallel_loop3A_183 = arith.addi %parallel_loop3A_161, %parallel_loop3A_182 : vector<16xi32>
      %parallel_loop3A_184 = tpu.vector_load_idx %arg20[%parallel_loop3A_183] : memref<16384xf32, #tpu.memory_space<vmem>>[vector<16xi32>], vector<16xf32>,
      %parallel_loop3A_185 = arith.constant 0 : i32
      %parallel_loop3A_186 = vector.broadcast %parallel_loop3A_185 : i32 to vector<16xi32>
      %parallel_loop3A_187 = arith.addi %parallel_loop3A_168, %parallel_loop3A_186 : vector<16xi32>
      %parallel_loop3A_188 = tpu.vector_load_idx %arg21[%parallel_loop3A_187] : memref<3072xf32, #tpu.memory_space<vmem>>[vector<16xi32>], vector<16xf32>,
      %parallel_loop3A_189 = arith.mulf %parallel_loop3A_172, %parallel_loop3A_137 : vector<16xf32>
      %parallel_loop3A_190 = arith.mulf %parallel_loop3A_176, %parallel_loop3A_141 : vector<16xf32>
      %parallel_loop3A_191 = arith.addf %parallel_loop3A_189, %parallel_loop3A_190 : vector<16xf32>
      %parallel_loop3A_192 = arith.mulf %parallel_loop3A_180, %parallel_loop3A_145 : vector<16xf32>
      %parallel_loop3A_193 = arith.addf %parallel_loop3A_191, %parallel_loop3A_192 : vector<16xf32>
      %parallel_loop3A_194 = arith.addf %parallel_loop3A_193, %parallel_loop3A_184 : vector<16xf32>
      %parallel_loop3A_195 = arith.fptosi %parallel_loop3A_194 : vector<16xf32> to vector<16xi32>
      %parallel_loop3A_196 = arith.sitofp %parallel_loop3A_195 : vector<16xi32> to vector<16xf32>
      %parallel_loop3A_197 = arith.cmpf olt, %parallel_loop3A_194, %parallel_loop3A_196 : vector<16xf32>
      %parallel_loop3A_198 = arith.constant 1.000000e+00 : f32
      %parallel_loop3A_199 = arith.constant 0.000000e+00 : f32
      %parallel_loop3A_200 = vector.broadcast %parallel_loop3A_198 : f32 to vector<16xf32>
      %parallel_loop3A_201 = vector.broadcast %parallel_loop3A_199 : f32 to vector<16xf32>
      %parallel_loop3A_202 = arith.select %parallel_loop3A_197, %parallel_loop3A_200, %parallel_loop3A_201 : vector<16xi1>, vector<16xf32>
      %parallel_loop3A_203 = arith.subf %parallel_loop3A_196, %parallel_loop3A_202 : vector<16xf32>
      %parallel_loop3A_204 = arith.subf %parallel_loop3A_194, %parallel_loop3A_203 : vector<16xf32>
      %parallel_loop3A_205 = arith.addf %parallel_loop3A_204, %parallel_loop3A_188 : vector<16xf32>
      %parallel_loop3A_206 = arith.subf %parallel_loop3A_146, %parallel_loop3A_205 : vector<16xf32>
      %parallel_loop3A_207 = arith.constant 0 : i32
      %parallel_loop3A_208 = vector.broadcast %parallel_loop3A_207 : i32 to vector<16xi32>
      %parallel_loop3A_209 = arith.addi %parallel_loop3A_168, %parallel_loop3A_208 : vector<16xi32>
      tpu.vector_store_idx %arg26[%parallel_loop3A_209], %parallel_loop3A_206 : memref<3072xf32, #tpu.memory_space<vmem>>[vector<16xi32>], vector<16xf32>,
      %parallel_loop3A_210 = arith.constant 4 : i32
      %parallel_loop3A_211 = vector.broadcast %parallel_loop3A_210 : i32 to vector<16xi32>
      %parallel_loop3A_212 = arith.addi %parallel_loop3A_161, %parallel_loop3A_211 : vector<16xi32>
      %parallel_loop3A_213 = tpu.vector_load_idx %arg20[%parallel_loop3A_212] : memref<16384xf32, #tpu.memory_space<vmem>>[vector<16xi32>], vector<16xf32>,
      %parallel_loop3A_214 = arith.constant 5 : i32
      %parallel_loop3A_215 = vector.broadcast %parallel_loop3A_214 : i32 to vector<16xi32>
      %parallel_loop3A_216 = arith.addi %parallel_loop3A_161, %parallel_loop3A_215 : vector<16xi32>
      %parallel_loop3A_217 = tpu.vector_load_idx %arg20[%parallel_loop3A_216] : memref<16384xf32, #tpu.memory_space<vmem>>[vector<16xi32>], vector<16xf32>,
      %parallel_loop3A_218 = arith.constant 6 : i32
      %parallel_loop3A_219 = vector.broadcast %parallel_loop3A_218 : i32 to vector<16xi32>
      %parallel_loop3A_220 = arith.addi %parallel_loop3A_161, %parallel_loop3A_219 : vector<16xi32>
      %parallel_loop3A_221 = tpu.vector_load_idx %arg20[%parallel_loop3A_220] : memref<16384xf32, #tpu.memory_space<vmem>>[vector<16xi32>], vector<16xf32>,
      %parallel_loop3A_222 = arith.constant 7 : i32
      %parallel_loop3A_223 = vector.broadcast %parallel_loop3A_222 : i32 to vector<16xi32>
      %parallel_loop3A_224 = arith.addi %parallel_loop3A_161, %parallel_loop3A_223 : vector<16xi32>
      %parallel_loop3A_225 = tpu.vector_load_idx %arg20[%parallel_loop3A_224] : memref<16384xf32, #tpu.memory_space<vmem>>[vector<16xi32>], vector<16xf32>,
      %parallel_loop3A_226 = arith.constant 1 : i32
      %parallel_loop3A_227 = vector.broadcast %parallel_loop3A_226 : i32 to vector<16xi32>
      %parallel_loop3A_228 = arith.addi %parallel_loop3A_168, %parallel_loop3A_227 : vector<16xi32>
      %parallel_loop3A_229 = tpu.vector_load_idx %arg21[%parallel_loop3A_228] : memref<3072xf32, #tpu.memory_space<vmem>>[vector<16xi32>], vector<16xf32>,
      %parallel_loop3A_230 = arith.mulf %parallel_loop3A_213, %parallel_loop3A_137 : vector<16xf32>
      %parallel_loop3A_231 = arith.mulf %parallel_loop3A_217, %parallel_loop3A_141 : vector<16xf32>
      %parallel_loop3A_232 = arith.addf %parallel_loop3A_230, %parallel_loop3A_231 : vector<16xf32>
      %parallel_loop3A_233 = arith.mulf %parallel_loop3A_221, %parallel_loop3A_145 : vector<16xf32>
      %parallel_loop3A_234 = arith.addf %parallel_loop3A_232, %parallel_loop3A_233 : vector<16xf32>
      %parallel_loop3A_235 = arith.addf %parallel_loop3A_234, %parallel_loop3A_225 : vector<16xf32>
      %parallel_loop3A_236 = arith.fptosi %parallel_loop3A_235 : vector<16xf32> to vector<16xi32>
      %parallel_loop3A_237 = arith.sitofp %parallel_loop3A_236 : vector<16xi32> to vector<16xf32>
      %parallel_loop3A_238 = arith.cmpf olt, %parallel_loop3A_235, %parallel_loop3A_237 : vector<16xf32>
      %parallel_loop3A_239 = arith.constant 1.000000e+00 : f32
      %parallel_loop3A_240 = arith.constant 0.000000e+00 : f32
      %parallel_loop3A_241 = vector.broadcast %parallel_loop3A_239 : f32 to vector<16xf32>
      %parallel_loop3A_242 = vector.broadcast %parallel_loop3A_240 : f32 to vector<16xf32>
      %parallel_loop3A_243 = arith.select %parallel_loop3A_238, %parallel_loop3A_241, %parallel_loop3A_242 : vector<16xi1>, vector<16xf32>
      %parallel_loop3A_244 = arith.subf %parallel_loop3A_237, %parallel_loop3A_243 : vector<16xf32>
      %parallel_loop3A_245 = arith.subf %parallel_loop3A_235, %parallel_loop3A_244 : vector<16xf32>
      %parallel_loop3A_246 = arith.addf %parallel_loop3A_245, %parallel_loop3A_229 : vector<16xf32>
      %parallel_loop3A_247 = arith.subf %parallel_loop3A_150, %parallel_loop3A_246 : vector<16xf32>
      %parallel_loop3A_248 = arith.constant 1 : i32
      %parallel_loop3A_249 = vector.broadcast %parallel_loop3A_248 : i32 to vector<16xi32>
      %parallel_loop3A_250 = arith.addi %parallel_loop3A_168, %parallel_loop3A_249 : vector<16xi32>
      tpu.vector_store_idx %arg26[%parallel_loop3A_250], %parallel_loop3A_247 : memref<3072xf32, #tpu.memory_space<vmem>>[vector<16xi32>], vector<16xf32>,
      %parallel_loop3A_251 = arith.constant 8 : i32
      %parallel_loop3A_252 = vector.broadcast %parallel_loop3A_251 : i32 to vector<16xi32>
      %parallel_loop3A_253 = arith.addi %parallel_loop3A_161, %parallel_loop3A_252 : vector<16xi32>
      %parallel_loop3A_254 = tpu.vector_load_idx %arg20[%parallel_loop3A_253] : memref<16384xf32, #tpu.memory_space<vmem>>[vector<16xi32>], vector<16xf32>,
      %parallel_loop3A_255 = arith.constant 9 : i32
      %parallel_loop3A_256 = vector.broadcast %parallel_loop3A_255 : i32 to vector<16xi32>
      %parallel_loop3A_257 = arith.addi %parallel_loop3A_161, %parallel_loop3A_256 : vector<16xi32>
      %parallel_loop3A_258 = tpu.vector_load_idx %arg20[%parallel_loop3A_257] : memref<16384xf32, #tpu.memory_space<vmem>>[vector<16xi32>], vector<16xf32>,
      %parallel_loop3A_259 = arith.constant 10 : i32
      %parallel_loop3A_260 = vector.broadcast %parallel_loop3A_259 : i32 to vector<16xi32>
      %parallel_loop3A_261 = arith.addi %parallel_loop3A_161, %parallel_loop3A_260 : vector<16xi32>
      %parallel_loop3A_262 = tpu.vector_load_idx %arg20[%parallel_loop3A_261] : memref<16384xf32, #tpu.memory_space<vmem>>[vector<16xi32>], vector<16xf32>,
      %parallel_loop3A_263 = arith.constant 11 : i32
      %parallel_loop3A_264 = vector.broadcast %parallel_loop3A_263 : i32 to vector<16xi32>
      %parallel_loop3A_265 = arith.addi %parallel_loop3A_161, %parallel_loop3A_264 : vector<16xi32>
      %parallel_loop3A_266 = tpu.vector_load_idx %arg20[%parallel_loop3A_265] : memref<16384xf32, #tpu.memory_space<vmem>>[vector<16xi32>], vector<16xf32>,
      %parallel_loop3A_267 = arith.constant 2 : i32
      %parallel_loop3A_268 = vector.broadcast %parallel_loop3A_267 : i32 to vector<16xi32>
      %parallel_loop3A_269 = arith.addi %parallel_loop3A_168, %parallel_loop3A_268 : vector<16xi32>
      %parallel_loop3A_270 = tpu.vector_load_idx %arg21[%parallel_loop3A_269] : memref<3072xf32, #tpu.memory_space<vmem>>[vector<16xi32>], vector<16xf32>,
      %parallel_loop3A_271 = arith.mulf %parallel_loop3A_254, %parallel_loop3A_137 : vector<16xf32>
      %parallel_loop3A_272 = arith.mulf %parallel_loop3A_258, %parallel_loop3A_141 : vector<16xf32>
      %parallel_loop3A_273 = arith.addf %parallel_loop3A_271, %parallel_loop3A_272 : vector<16xf32>
      %parallel_loop3A_274 = arith.mulf %parallel_loop3A_262, %parallel_loop3A_145 : vector<16xf32>
      %parallel_loop3A_275 = arith.addf %parallel_loop3A_273, %parallel_loop3A_274 : vector<16xf32>
      %parallel_loop3A_276 = arith.addf %parallel_loop3A_275, %parallel_loop3A_266 : vector<16xf32>
      %parallel_loop3A_277 = arith.fptosi %parallel_loop3A_276 : vector<16xf32> to vector<16xi32>
      %parallel_loop3A_278 = arith.sitofp %parallel_loop3A_277 : vector<16xi32> to vector<16xf32>
      %parallel_loop3A_279 = arith.cmpf olt, %parallel_loop3A_276, %parallel_loop3A_278 : vector<16xf32>
      %parallel_loop3A_280 = arith.constant 1.000000e+00 : f32
      %parallel_loop3A_281 = arith.constant 0.000000e+00 : f32
      %parallel_loop3A_282 = vector.broadcast %parallel_loop3A_280 : f32 to vector<16xf32>
      %parallel_loop3A_283 = vector.broadcast %parallel_loop3A_281 : f32 to vector<16xf32>
      %parallel_loop3A_284 = arith.select %parallel_loop3A_279, %parallel_loop3A_282, %parallel_loop3A_283 : vector<16xi1>, vector<16xf32>
      %parallel_loop3A_285 = arith.subf %parallel_loop3A_278, %parallel_loop3A_284 : vector<16xf32>
      %parallel_loop3A_286 = arith.subf %parallel_loop3A_276, %parallel_loop3A_285 : vector<16xf32>
      %parallel_loop3A_287 = arith.addf %parallel_loop3A_286, %parallel_loop3A_270 : vector<16xf32>
      %parallel_loop3A_288 = arith.subf %parallel_loop3A_154, %parallel_loop3A_287 : vector<16xf32>
      %parallel_loop3A_289 = arith.constant 2 : i32
      %parallel_loop3A_290 = vector.broadcast %parallel_loop3A_289 : i32 to vector<16xi32>
      %parallel_loop3A_291 = arith.addi %parallel_loop3A_168, %parallel_loop3A_290 : vector<16xi32>
      tpu.vector_store_idx %arg26[%parallel_loop3A_291], %parallel_loop3A_288 : memref<3072xf32, #tpu.memory_space<vmem>>[vector<16xi32>], vector<16xf32>,
    } {sc.loop_unroll_factor = 4 : i64, sc.parallel_access}
    %mul3A_110 = arith.constant 3 : i32
    %mul3A_111 = arith.muli %mul3A_92, %mul3A_110 : i32
    %dma_start3A_112 = tpu.memref_slice %arg6[%mul3A_111] : memref<9600000xf32, #tpu.memory_space<hbm>> -> memref<3072xf32, #tpu.memory_space<hbm>>
    %dma_start3A_113 = tpu.memref_slice %arg6[%mul3A_111] : memref<9600000xf32, #tpu.memory_space<hbm>> -> memref<3072xf32, #tpu.memory_space<hbm>>
    tpu.enqueue_dma source(%arg26 : memref<3072xf32, #tpu.memory_space<vmem>>) target(%dma_start3A_113 : memref<3072xf32, #tpu.memory_space<hbm>>) target_semaphore(%arg30 : memref<!tpu.dma_semaphore, #tpu.memory_space<semaphore_mem>>)
    %gt3A_114 = arith.constant 3 : i32
    %gt3A_115 = arith.cmpi sgt, %add3A_4, %gt3A_114 : i32
    %convert_element_type3A_116 = arith.extui %gt3A_115 : i1 to i32
    %cond3A_117 = arith.constant 0 : i32
    %cond3A_118 = arith.cmpi ne, %convert_element_type3A_116, %cond3A_117 : i32
    scf.if %cond3A_118 {
      %add3A_132 = arith.constant 96 : i32
      %add3A_133 = arith.addi %add3A, %add3A_132 : i32
      %mul3A_134 = arith.constant 1024 : i32
      %mul3A_135 = arith.muli %add3A_133, %mul3A_134 : i32
      %mul3A_136 = arith.constant 2 : i32
      %mul3A_137 = arith.muli %mul3A_135, %mul3A_136 : i32
      %dma_start3A_138 = tpu.memref_slice %arg3[%mul3A_137] : memref<6400000xi32, #tpu.memory_space<hbm>> -> memref<2048xi32, #tpu.memory_space<hbm>>
      %dma_start3A_139 = tpu.memref_slice %arg3[%mul3A_137] : memref<6400000xi32, #tpu.memory_space<hbm>> -> memref<2048xi32, #tpu.memory_space<hbm>>
      tpu.enqueue_dma source(%dma_start3A_139 : memref<2048xi32, #tpu.memory_space<hbm>>) target(%arg19 : memref<2048xi32, #tpu.memory_space<vmem>>) target_semaphore(%arg27 : memref<!tpu.dma_semaphore, #tpu.memory_space<semaphore_mem>>)
      %mul3A_140 = arith.constant 16 : i32
      %mul3A_141 = arith.muli %mul3A_135, %mul3A_140 : i32
      %dma_start3A_142 = tpu.memref_slice %arg4[%mul3A_141] : memref<51200000xf32, #tpu.memory_space<hbm>> -> memref<16384xf32, #tpu.memory_space<hbm>>
      %dma_start3A_143 = tpu.memref_slice %arg4[%mul3A_141] : memref<51200000xf32, #tpu.memory_space<hbm>> -> memref<16384xf32, #tpu.memory_space<hbm>>
      tpu.enqueue_dma source(%dma_start3A_143 : memref<16384xf32, #tpu.memory_space<hbm>>) target(%arg20 : memref<16384xf32, #tpu.memory_space<vmem>>) target_semaphore(%arg28 : memref<!tpu.dma_semaphore, #tpu.memory_space<semaphore_mem>>)
      %mul3A_144 = arith.constant 3 : i32
      %mul3A_145 = arith.muli %mul3A_135, %mul3A_144 : i32
      %dma_start3A_146 = tpu.memref_slice %arg5[%mul3A_145] : memref<9600000xf32, #tpu.memory_space<hbm>> -> memref<3072xf32, #tpu.memory_space<hbm>>
      %dma_start3A_147 = tpu.memref_slice %arg5[%mul3A_145] : memref<9600000xf32, #tpu.memory_space<hbm>> -> memref<3072xf32, #tpu.memory_space<hbm>>
      tpu.enqueue_dma source(%dma_start3A_147 : memref<3072xf32, #tpu.memory_space<hbm>>) target(%arg21 : memref<3072xf32, #tpu.memory_space<vmem>>) target_semaphore(%arg28 : memref<!tpu.dma_semaphore, #tpu.memory_space<semaphore_mem>>)
    } else {
    }
    %scan3A = arith.constant 0 : i32
    %scan3A_119 = arith.constant 0 : i32
    %scan3A_120 = arith.constant 49 : i32
    %scan3A_121 = arith.addi %scan3A_119, %scan3A_120 : i32
    %scan3A_122 = arith.constant 1 : i32
    scf.for %scan3A_132 = %scan3A_119 to %scan3A_121 step %scan3A_122  : i32 {
      %mul3A_133 = arith.constant 2 : i32
      %mul3A_134 = arith.muli %mul3A_133, %scan3A_132 : i32
      %add3A_135 = arith.constant 2 : i32
      %add3A_136 = arith.addi %add3A_135, %mul3A_134 : i32
      %lt3A_137 = arith.cmpi slt, %add3A_136, %add3A_4 : i32
      %convert_element_type3A_138 = arith.extui %lt3A_137 : i1 to i32
      %cond3A_139 = arith.constant 0 : i32
      %cond3A_140 = arith.cmpi ne, %convert_element_type3A_138, %cond3A_139 : i32
      scf.if %cond3A_140 {
        %add3A_147 = arith.constant 1 : i32
        %add3A_148 = arith.addi %add3A_136, %add3A_147 : i32
        %lt3A_149 = arith.cmpi slt, %add3A_148, %add3A_4 : i32
        %convert_element_type3A_150 = arith.extui %lt3A_149 : i1 to i32
        %cond3A_151 = arith.constant 0 : i32
        %cond3A_152 = arith.cmpi ne, %convert_element_type3A_150, %cond3A_151 : i32
        scf.if %cond3A_152 {
          %add3A_189 = arith.constant 1 : i32
          %add3A_190 = arith.addi %add3A_136, %add3A_189 : i32
          %mul3A_191 = arith.constant 32 : i32
          %mul3A_192 = arith.muli %add3A_190, %mul3A_191 : i32
          %add3A_193 = arith.addi %add3A, %mul3A_192 : i32
          %mul3A_194 = arith.constant 1024 : i32
          %mul3A_195 = arith.muli %add3A_193, %mul3A_194 : i32
          %mul3A_196 = arith.constant 2 : i32
          %mul3A_197 = arith.muli %mul3A_195, %mul3A_196 : i32
          %dma_wait3A_198 = tpu.memref_slice %arg3[%mul3A_197] : memref<6400000xi32, #tpu.memory_space<hbm>> -> memref<2048xi32, #tpu.memory_space<hbm>>
          %dma_wait3A_199 = tpu.memref_slice %arg3[%mul3A_197] : memref<6400000xi32, #tpu.memory_space<hbm>> -> memref<2048xi32, #tpu.memory_space<hbm>>
          tpu.wait_dma2 semaphore(%arg27 : memref<!tpu.dma_semaphore, #tpu.memory_space<semaphore_mem>>) src(%dma_wait3A_199 : memref<2048xi32, #tpu.memory_space<hbm>>) dst(%arg19 : memref<2048xi32, #tpu.memory_space<vmem>>)
          %parallel_loop3A_200 = arith.constant 0 : i32
          %parallel_loop3A_201 = arith.constant 64 : i32
          %parallel_loop3A_202 = arith.constant 1 : i32
          scf.for %parallel_loop3A_209 = %parallel_loop3A_200 to %parallel_loop3A_201 step %parallel_loop3A_202  : i32 {
            %parallel_loop3A_210 = arith.constant 32 : i32
            %parallel_loop3A_211 = arith.muli %parallel_loop3A_209, %parallel_loop3A_210 : i32
            %parallel_loop3A_212 = arith.constant 2 : i32
            %parallel_loop3A_213 = vector.broadcast %parallel_loop3A_212 : i32 to vector<16xi32>
            %parallel_loop3A_214 = arith.muli %parallel_loop3A_213, %iota3A : vector<16xi32>
            %parallel_loop3A_215 = vector.broadcast %parallel_loop3A_211 : i32 to vector<16xi32>
            %parallel_loop3A_216 = arith.addi %parallel_loop3A_215, %parallel_loop3A_214 : vector<16xi32>
            %parallel_loop3A_217 = tpu.vector_load_idx %arg19[%parallel_loop3A_216] : memref<2048xi32, #tpu.memory_space<vmem>>[vector<16xi32>], vector<16xi32>,
            %parallel_loop3A_218 = arith.constant 1 : i32
            %parallel_loop3A_219 = vector.broadcast %parallel_loop3A_218 : i32 to vector<16xi32>
            %parallel_loop3A_220 = arith.addi %parallel_loop3A_216, %parallel_loop3A_219 : vector<16xi32>
            %parallel_loop3A_221 = tpu.vector_load_idx %arg19[%parallel_loop3A_220] : memref<2048xi32, #tpu.memory_space<vmem>>[vector<16xi32>], vector<16xi32>,
            %parallel_loop3A_222 = arith.constant 16 : i32
            %parallel_loop3A_223 = arith.muli %parallel_loop3A_209, %parallel_loop3A_222 : i32
            %parallel_loop3A_224 = arith.index_cast %parallel_loop3A_223 : i32 to index
            %parallel_loop3A_225 = tpu.vector_load %arg24[%parallel_loop3A_224] {strides = array<i32>} : memref<1024xi32, #tpu.memory_space<vmem>>, vector<16xi32>,
            tpu.vector_store %arg24[%parallel_loop3A_224], %parallel_loop3A_217 {strides = array<i32>} : memref<1024xi32, #tpu.memory_space<vmem>>, vector<16xi32>,
            %parallel_loop3A_226 = arith.constant 16 : i32
            %parallel_loop3A_227 = arith.muli %parallel_loop3A_209, %parallel_loop3A_226 : i32
            %parallel_loop3A_228 = arith.index_cast %parallel_loop3A_227 : i32 to index
            %parallel_loop3A_229 = tpu.vector_load %arg25[%parallel_loop3A_228] {strides = array<i32>} : memref<1024xi32, #tpu.memory_space<vmem>>, vector<16xi32>,
            tpu.vector_store %arg25[%parallel_loop3A_228], %parallel_loop3A_221 {strides = array<i32>} : memref<1024xi32, #tpu.memory_space<vmem>>, vector<16xi32>,
          } {sc.loop_unroll_factor = 4 : i64, sc.parallel_access}
          %dma_start3A_203 = arith.constant 0 : i32
          %dma_start3A_204 = arith.constant 0 : i32
          %dma_start3A_205 = tpu.memref_slice %arg2[%dma_start3A_203, %dma_start3A_204] : memref<100000x8xf32, #tpu.memory_space<hbm>> -> memref<100000x8xf32, #tpu.memory_space<hbm>>
          tpu.enqueue_indirect_dma source(%dma_start3A_205 : memref<100000x8xf32, #tpu.memory_space<hbm>>) target(%arg22 : memref<1024x8xf32, #tpu.memory_space<vmem>>) offsets(%arg24 : memref<1024xi32, #tpu.memory_space<vmem>>) semaphore(%arg29 : memref<!tpu.dma_semaphore, #tpu.memory_space<semaphore_mem>>)
          %dma_start3A_206 = arith.constant 0 : i32
          %dma_start3A_207 = arith.constant 0 : i32
          %dma_start3A_208 = tpu.memref_slice %arg2[%dma_start3A_206, %dma_start3A_207] : memref<100000x8xf32, #tpu.memory_space<hbm>> -> memref<100000x8xf32, #tpu.memory_space<hbm>>
          tpu.enqueue_indirect_dma source(%dma_start3A_208 : memref<100000x8xf32, #tpu.memory_space<hbm>>) target(%arg23 : memref<1024x8xf32, #tpu.memory_space<vmem>>) offsets(%arg25 : memref<1024xi32, #tpu.memory_space<vmem>>) semaphore(%arg29 : memref<!tpu.dma_semaphore, #tpu.memory_space<semaphore_mem>>)
        } else {
        }
        %mul3A_153 = arith.constant 32 : i32
        %mul3A_154 = arith.muli %add3A_136, %mul3A_153 : i32
        %add3A_155 = arith.addi %add3A, %mul3A_154 : i32
        %mul3A_156 = arith.constant 1024 : i32
        %mul3A_157 = arith.muli %add3A_155, %mul3A_156 : i32
        %mul3A_158 = arith.constant 16 : i32
        %mul3A_159 = arith.muli %mul3A_157, %mul3A_158 : i32
        %dma_wait3A_160 = tpu.memref_slice %arg4[%mul3A_159] : memref<51200000xf32, #tpu.memory_space<hbm>> -> memref<16384xf32, #tpu.memory_space<hbm>>
        %dma_wait3A_161 = tpu.memref_slice %arg4[%mul3A_159] : memref<51200000xf32, #tpu.memory_space<hbm>> -> memref<16384xf32, #tpu.memory_space<hbm>>
        tpu.wait_dma2 semaphore(%arg16 : memref<!tpu.dma_semaphore, #tpu.memory_space<semaphore_mem>>) src(%dma_wait3A_161 : memref<16384xf32, #tpu.memory_space<hbm>>) dst(%arg8 : memref<16384xf32, #tpu.memory_space<vmem>>)
        %mul3A_162 = arith.constant 3 : i32
        %mul3A_163 = arith.muli %mul3A_157, %mul3A_162 : i32
        %dma_wait3A_164 = tpu.memref_slice %arg5[%mul3A_163] : memref<9600000xf32, #tpu.memory_space<hbm>> -> memref<3072xf32, #tpu.memory_space<hbm>>
        %dma_wait3A_165 = tpu.memref_slice %arg5[%mul3A_163] : memref<9600000xf32, #tpu.memory_space<hbm>> -> memref<3072xf32, #tpu.memory_space<hbm>>
        tpu.wait_dma2 semaphore(%arg16 : memref<!tpu.dma_semaphore, #tpu.memory_space<semaphore_mem>>) src(%dma_wait3A_165 : memref<3072xf32, #tpu.memory_space<hbm>>) dst(%arg9 : memref<3072xf32, #tpu.memory_space<vmem>>)
        %dma_wait3A_166 = arith.constant 0 : i32
        %dma_wait3A_167 = arith.constant 0 : i32
        %dma_wait3A_168 = tpu.memref_slice %arg2[%dma_wait3A_166, %dma_wait3A_167] : memref<100000x8xf32, #tpu.memory_space<hbm>> -> memref<100000x8xf32, #tpu.memory_space<hbm>>
        tpu.wait_indirect_dma semaphore(%arg17 : memref<!tpu.dma_semaphore, #tpu.memory_space<semaphore_mem>>) src(%dma_wait3A_168 : memref<100000x8xf32, #tpu.memory_space<hbm>>) dst(%arg10 : memref<1024x8xf32, #tpu.memory_space<vmem>>)
        %dma_wait3A_169 = arith.constant 0 : i32
        %dma_wait3A_170 = arith.constant 0 : i32
        %dma_wait3A_171 = tpu.memref_slice %arg2[%dma_wait3A_169, %dma_wait3A_170] : memref<100000x8xf32, #tpu.memory_space<hbm>> -> memref<100000x8xf32, #tpu.memory_space<hbm>>
        tpu.wait_indirect_dma semaphore(%arg17 : memref<!tpu.dma_semaphore, #tpu.memory_space<semaphore_mem>>) src(%dma_wait3A_171 : memref<100000x8xf32, #tpu.memory_space<hbm>>) dst(%arg11 : memref<1024x8xf32, #tpu.memory_space<vmem>>)
        %mul3A_172 = arith.constant 3 : i32
        %mul3A_173 = arith.muli %mul3A_157, %mul3A_172 : i32
        %dma_wait3A_174 = tpu.memref_slice %arg6[%mul3A_173] : memref<9600000xf32, #tpu.memory_space<hbm>> -> memref<3072xf32, #tpu.memory_space<hbm>>
        %dma_wait3A_175 = tpu.memref_slice %arg6[%mul3A_173] : memref<9600000xf32, #tpu.memory_space<hbm>> -> memref<3072xf32, #tpu.memory_space<hbm>>
        tpu.wait_dma2 semaphore(%arg18 : memref<!tpu.dma_semaphore, #tpu.memory_space<semaphore_mem>>) src(%arg14 : memref<3072xf32, #tpu.memory_space<vmem>>) dst(%dma_wait3A_175 : memref<3072xf32, #tpu.memory_space<hbm>>)
        %parallel_loop3A_176 = arith.constant 0 : i32
        %parallel_loop3A_177 = arith.constant 64 : i32
        %parallel_loop3A_178 = arith.constant 1 : i32
        scf.for %parallel_loop3A_189 = %parallel_loop3A_176 to %parallel_loop3A_177 step %parallel_loop3A_178  : i32 {
          %parallel_loop3A_190 = arith.constant 16 : i32
          %parallel_loop3A_191 = arith.muli %parallel_loop3A_189, %parallel_loop3A_190 : i32
          %parallel_loop3A_192 = vector.broadcast %parallel_loop3A_191 : i32 to vector<16xi32>
          %parallel_loop3A_193 = arith.addi %parallel_loop3A_192, %iota3A : vector<16xi32>
          %parallel_loop3A_194 = tpu.vector_load_idx %arg11[%parallel_loop3A_193, %broadcast_in_dim3A_5] : memref<1024x8xf32, #tpu.memory_space<vmem>>[vector<16xi32>, vector<16xi32>], vector<16xf32>,
          %parallel_loop3A_195 = arith.constant 1 : i32
          %parallel_loop3A_196 = vector.broadcast %parallel_loop3A_195 : i32 to vector<16xi32>
          %parallel_loop3A_197 = arith.addi %broadcast_in_dim3A_5, %parallel_loop3A_196 : vector<16xi32>
          %parallel_loop3A_198 = tpu.vector_load_idx %arg11[%parallel_loop3A_193, %parallel_loop3A_197] : memref<1024x8xf32, #tpu.memory_space<vmem>>[vector<16xi32>, vector<16xi32>], vector<16xf32>,
          %parallel_loop3A_199 = arith.constant 2 : i32
          %parallel_loop3A_200 = vector.broadcast %parallel_loop3A_199 : i32 to vector<16xi32>
          %parallel_loop3A_201 = arith.addi %broadcast_in_dim3A_5, %parallel_loop3A_200 : vector<16xi32>
          %parallel_loop3A_202 = tpu.vector_load_idx %arg11[%parallel_loop3A_193, %parallel_loop3A_201] : memref<1024x8xf32, #tpu.memory_space<vmem>>[vector<16xi32>, vector<16xi32>], vector<16xf32>,
          %parallel_loop3A_203 = tpu.vector_load_idx %arg10[%parallel_loop3A_193, %broadcast_in_dim3A_5] : memref<1024x8xf32, #tpu.memory_space<vmem>>[vector<16xi32>, vector<16xi32>], vector<16xf32>,
          %parallel_loop3A_204 = arith.constant 1 : i32
          %parallel_loop3A_205 = vector.broadcast %parallel_loop3A_204 : i32 to vector<16xi32>
          %parallel_loop3A_206 = arith.addi %broadcast_in_dim3A_5, %parallel_loop3A_205 : vector<16xi32>
          %parallel_loop3A_207 = tpu.vector_load_idx %arg10[%parallel_loop3A_193, %parallel_loop3A_206] : memref<1024x8xf32, #tpu.memory_space<vmem>>[vector<16xi32>, vector<16xi32>], vector<16xf32>,
          %parallel_loop3A_208 = arith.constant 2 : i32
          %parallel_loop3A_209 = vector.broadcast %parallel_loop3A_208 : i32 to vector<16xi32>
          %parallel_loop3A_210 = arith.addi %broadcast_in_dim3A_5, %parallel_loop3A_209 : vector<16xi32>
          %parallel_loop3A_211 = tpu.vector_load_idx %arg10[%parallel_loop3A_193, %parallel_loop3A_210] : memref<1024x8xf32, #tpu.memory_space<vmem>>[vector<16xi32>, vector<16xi32>], vector<16xf32>,
          %parallel_loop3A_212 = arith.constant 256 : i32
          %parallel_loop3A_213 = arith.muli %parallel_loop3A_189, %parallel_loop3A_212 : i32
          %parallel_loop3A_214 = arith.constant 16 : i32
          %parallel_loop3A_215 = vector.broadcast %parallel_loop3A_214 : i32 to vector<16xi32>
          %parallel_loop3A_216 = arith.muli %parallel_loop3A_215, %iota3A : vector<16xi32>
          %parallel_loop3A_217 = vector.broadcast %parallel_loop3A_213 : i32 to vector<16xi32>
          %parallel_loop3A_218 = arith.addi %parallel_loop3A_217, %parallel_loop3A_216 : vector<16xi32>
          %parallel_loop3A_219 = arith.constant 48 : i32
          %parallel_loop3A_220 = arith.muli %parallel_loop3A_189, %parallel_loop3A_219 : i32
          %parallel_loop3A_221 = arith.constant 3 : i32
          %parallel_loop3A_222 = vector.broadcast %parallel_loop3A_221 : i32 to vector<16xi32>
          %parallel_loop3A_223 = arith.muli %parallel_loop3A_222, %iota3A : vector<16xi32>
          %parallel_loop3A_224 = vector.broadcast %parallel_loop3A_220 : i32 to vector<16xi32>
          %parallel_loop3A_225 = arith.addi %parallel_loop3A_224, %parallel_loop3A_223 : vector<16xi32>
          %parallel_loop3A_226 = arith.constant 0 : i32
          %parallel_loop3A_227 = vector.broadcast %parallel_loop3A_226 : i32 to vector<16xi32>
          %parallel_loop3A_228 = arith.addi %parallel_loop3A_218, %parallel_loop3A_227 : vector<16xi32>
          %parallel_loop3A_229 = tpu.vector_load_idx %arg8[%parallel_loop3A_228] : memref<16384xf32, #tpu.memory_space<vmem>>[vector<16xi32>], vector<16xf32>,
          %parallel_loop3A_230 = arith.constant 1 : i32
          %parallel_loop3A_231 = vector.broadcast %parallel_loop3A_230 : i32 to vector<16xi32>
          %parallel_loop3A_232 = arith.addi %parallel_loop3A_218, %parallel_loop3A_231 : vector<16xi32>
          %parallel_loop3A_233 = tpu.vector_load_idx %arg8[%parallel_loop3A_232] : memref<16384xf32, #tpu.memory_space<vmem>>[vector<16xi32>], vector<16xf32>,
          %parallel_loop3A_234 = arith.constant 2 : i32
          %parallel_loop3A_235 = vector.broadcast %parallel_loop3A_234 : i32 to vector<16xi32>
          %parallel_loop3A_236 = arith.addi %parallel_loop3A_218, %parallel_loop3A_235 : vector<16xi32>
          %parallel_loop3A_237 = tpu.vector_load_idx %arg8[%parallel_loop3A_236] : memref<16384xf32, #tpu.memory_space<vmem>>[vector<16xi32>], vector<16xf32>,
          %parallel_loop3A_238 = arith.constant 3 : i32
          %parallel_loop3A_239 = vector.broadcast %parallel_loop3A_238 : i32 to vector<16xi32>
          %parallel_loop3A_240 = arith.addi %parallel_loop3A_218, %parallel_loop3A_239 : vector<16xi32>
          %parallel_loop3A_241 = tpu.vector_load_idx %arg8[%parallel_loop3A_240] : memref<16384xf32, #tpu.memory_space<vmem>>[vector<16xi32>], vector<16xf32>,
          %parallel_loop3A_242 = arith.constant 0 : i32
          %parallel_loop3A_243 = vector.broadcast %parallel_loop3A_242 : i32 to vector<16xi32>
          %parallel_loop3A_244 = arith.addi %parallel_loop3A_225, %parallel_loop3A_243 : vector<16xi32>
          %parallel_loop3A_245 = tpu.vector_load_idx %arg9[%parallel_loop3A_244] : memref<3072xf32, #tpu.memory_space<vmem>>[vector<16xi32>], vector<16xf32>,
          %parallel_loop3A_246 = arith.mulf %parallel_loop3A_229, %parallel_loop3A_194 : vector<16xf32>
          %parallel_loop3A_247 = arith.mulf %parallel_loop3A_233, %parallel_loop3A_198 : vector<16xf32>
          %parallel_loop3A_248 = arith.addf %parallel_loop3A_246, %parallel_loop3A_247 : vector<16xf32>
          %parallel_loop3A_249 = arith.mulf %parallel_loop3A_237, %parallel_loop3A_202 : vector<16xf32>
          %parallel_loop3A_250 = arith.addf %parallel_loop3A_248, %parallel_loop3A_249 : vector<16xf32>
          %parallel_loop3A_251 = arith.addf %parallel_loop3A_250, %parallel_loop3A_241 : vector<16xf32>
          %parallel_loop3A_252 = arith.fptosi %parallel_loop3A_251 : vector<16xf32> to vector<16xi32>
          %parallel_loop3A_253 = arith.sitofp %parallel_loop3A_252 : vector<16xi32> to vector<16xf32>
          %parallel_loop3A_254 = arith.cmpf olt, %parallel_loop3A_251, %parallel_loop3A_253 : vector<16xf32>
          %parallel_loop3A_255 = arith.constant 1.000000e+00 : f32
          %parallel_loop3A_256 = arith.constant 0.000000e+00 : f32
          %parallel_loop3A_257 = vector.broadcast %parallel_loop3A_255 : f32 to vector<16xf32>
          %parallel_loop3A_258 = vector.broadcast %parallel_loop3A_256 : f32 to vector<16xf32>
          %parallel_loop3A_259 = arith.select %parallel_loop3A_254, %parallel_loop3A_257, %parallel_loop3A_258 : vector<16xi1>, vector<16xf32>
          %parallel_loop3A_260 = arith.subf %parallel_loop3A_253, %parallel_loop3A_259 : vector<16xf32>
          %parallel_loop3A_261 = arith.subf %parallel_loop3A_251, %parallel_loop3A_260 : vector<16xf32>
          %parallel_loop3A_262 = arith.addf %parallel_loop3A_261, %parallel_loop3A_245 : vector<16xf32>
          %parallel_loop3A_263 = arith.subf %parallel_loop3A_203, %parallel_loop3A_262 : vector<16xf32>
          %parallel_loop3A_264 = arith.constant 0 : i32
          %parallel_loop3A_265 = vector.broadcast %parallel_loop3A_264 : i32 to vector<16xi32>
          %parallel_loop3A_266 = arith.addi %parallel_loop3A_225, %parallel_loop3A_265 : vector<16xi32>
          tpu.vector_store_idx %arg14[%parallel_loop3A_266], %parallel_loop3A_263 : memref<3072xf32, #tpu.memory_space<vmem>>[vector<16xi32>], vector<16xf32>,
          %parallel_loop3A_267 = arith.constant 4 : i32
          %parallel_loop3A_268 = vector.broadcast %parallel_loop3A_267 : i32 to vector<16xi32>
          %parallel_loop3A_269 = arith.addi %parallel_loop3A_218, %parallel_loop3A_268 : vector<16xi32>
          %parallel_loop3A_270 = tpu.vector_load_idx %arg8[%parallel_loop3A_269] : memref<16384xf32, #tpu.memory_space<vmem>>[vector<16xi32>], vector<16xf32>,
          %parallel_loop3A_271 = arith.constant 5 : i32
          %parallel_loop3A_272 = vector.broadcast %parallel_loop3A_271 : i32 to vector<16xi32>
          %parallel_loop3A_273 = arith.addi %parallel_loop3A_218, %parallel_loop3A_272 : vector<16xi32>
          %parallel_loop3A_274 = tpu.vector_load_idx %arg8[%parallel_loop3A_273] : memref<16384xf32, #tpu.memory_space<vmem>>[vector<16xi32>], vector<16xf32>,
          %parallel_loop3A_275 = arith.constant 6 : i32
          %parallel_loop3A_276 = vector.broadcast %parallel_loop3A_275 : i32 to vector<16xi32>
          %parallel_loop3A_277 = arith.addi %parallel_loop3A_218, %parallel_loop3A_276 : vector<16xi32>
          %parallel_loop3A_278 = tpu.vector_load_idx %arg8[%parallel_loop3A_277] : memref<16384xf32, #tpu.memory_space<vmem>>[vector<16xi32>], vector<16xf32>,
          %parallel_loop3A_279 = arith.constant 7 : i32
          %parallel_loop3A_280 = vector.broadcast %parallel_loop3A_279 : i32 to vector<16xi32>
          %parallel_loop3A_281 = arith.addi %parallel_loop3A_218, %parallel_loop3A_280 : vector<16xi32>
          %parallel_loop3A_282 = tpu.vector_load_idx %arg8[%parallel_loop3A_281] : memref<16384xf32, #tpu.memory_space<vmem>>[vector<16xi32>], vector<16xf32>,
          %parallel_loop3A_283 = arith.constant 1 : i32
          %parallel_loop3A_284 = vector.broadcast %parallel_loop3A_283 : i32 to vector<16xi32>
          %parallel_loop3A_285 = arith.addi %parallel_loop3A_225, %parallel_loop3A_284 : vector<16xi32>
          %parallel_loop3A_286 = tpu.vector_load_idx %arg9[%parallel_loop3A_285] : memref<3072xf32, #tpu.memory_space<vmem>>[vector<16xi32>], vector<16xf32>,
          %parallel_loop3A_287 = arith.mulf %parallel_loop3A_270, %parallel_loop3A_194 : vector<16xf32>
          %parallel_loop3A_288 = arith.mulf %parallel_loop3A_274, %parallel_loop3A_198 : vector<16xf32>
          %parallel_loop3A_289 = arith.addf %parallel_loop3A_287, %parallel_loop3A_288 : vector<16xf32>
          %parallel_loop3A_290 = arith.mulf %parallel_loop3A_278, %parallel_loop3A_202 : vector<16xf32>
          %parallel_loop3A_291 = arith.addf %parallel_loop3A_289, %parallel_loop3A_290 : vector<16xf32>
          %parallel_loop3A_292 = arith.addf %parallel_loop3A_291, %parallel_loop3A_282 : vector<16xf32>
          %parallel_loop3A_293 = arith.fptosi %parallel_loop3A_292 : vector<16xf32> to vector<16xi32>
          %parallel_loop3A_294 = arith.sitofp %parallel_loop3A_293 : vector<16xi32> to vector<16xf32>
          %parallel_loop3A_295 = arith.cmpf olt, %parallel_loop3A_292, %parallel_loop3A_294 : vector<16xf32>
          %parallel_loop3A_296 = arith.constant 1.000000e+00 : f32
          %parallel_loop3A_297 = arith.constant 0.000000e+00 : f32
          %parallel_loop3A_298 = vector.broadcast %parallel_loop3A_296 : f32 to vector<16xf32>
          %parallel_loop3A_299 = vector.broadcast %parallel_loop3A_297 : f32 to vector<16xf32>
          %parallel_loop3A_300 = arith.select %parallel_loop3A_295, %parallel_loop3A_298, %parallel_loop3A_299 : vector<16xi1>, vector<16xf32>
          %parallel_loop3A_301 = arith.subf %parallel_loop3A_294, %parallel_loop3A_300 : vector<16xf32>
          %parallel_loop3A_302 = arith.subf %parallel_loop3A_292, %parallel_loop3A_301 : vector<16xf32>
          %parallel_loop3A_303 = arith.addf %parallel_loop3A_302, %parallel_loop3A_286 : vector<16xf32>
          %parallel_loop3A_304 = arith.subf %parallel_loop3A_207, %parallel_loop3A_303 : vector<16xf32>
          %parallel_loop3A_305 = arith.constant 1 : i32
          %parallel_loop3A_306 = vector.broadcast %parallel_loop3A_305 : i32 to vector<16xi32>
          %parallel_loop3A_307 = arith.addi %parallel_loop3A_225, %parallel_loop3A_306 : vector<16xi32>
          tpu.vector_store_idx %arg14[%parallel_loop3A_307], %parallel_loop3A_304 : memref<3072xf32, #tpu.memory_space<vmem>>[vector<16xi32>], vector<16xf32>,
          %parallel_loop3A_308 = arith.constant 8 : i32
          %parallel_loop3A_309 = vector.broadcast %parallel_loop3A_308 : i32 to vector<16xi32>
          %parallel_loop3A_310 = arith.addi %parallel_loop3A_218, %parallel_loop3A_309 : vector<16xi32>
          %parallel_loop3A_311 = tpu.vector_load_idx %arg8[%parallel_loop3A_310] : memref<16384xf32, #tpu.memory_space<vmem>>[vector<16xi32>], vector<16xf32>,
          %parallel_loop3A_312 = arith.constant 9 : i32
          %parallel_loop3A_313 = vector.broadcast %parallel_loop3A_312 : i32 to vector<16xi32>
          %parallel_loop3A_314 = arith.addi %parallel_loop3A_218, %parallel_loop3A_313 : vector<16xi32>
          %parallel_loop3A_315 = tpu.vector_load_idx %arg8[%parallel_loop3A_314] : memref<16384xf32, #tpu.memory_space<vmem>>[vector<16xi32>], vector<16xf32>,
          %parallel_loop3A_316 = arith.constant 10 : i32
          %parallel_loop3A_317 = vector.broadcast %parallel_loop3A_316 : i32 to vector<16xi32>
          %parallel_loop3A_318 = arith.addi %parallel_loop3A_218, %parallel_loop3A_317 : vector<16xi32>
          %parallel_loop3A_319 = tpu.vector_load_idx %arg8[%parallel_loop3A_318] : memref<16384xf32, #tpu.memory_space<vmem>>[vector<16xi32>], vector<16xf32>,
          %parallel_loop3A_320 = arith.constant 11 : i32
          %parallel_loop3A_321 = vector.broadcast %parallel_loop3A_320 : i32 to vector<16xi32>
          %parallel_loop3A_322 = arith.addi %parallel_loop3A_218, %parallel_loop3A_321 : vector<16xi32>
          %parallel_loop3A_323 = tpu.vector_load_idx %arg8[%parallel_loop3A_322] : memref<16384xf32, #tpu.memory_space<vmem>>[vector<16xi32>], vector<16xf32>,
          %parallel_loop3A_324 = arith.constant 2 : i32
          %parallel_loop3A_325 = vector.broadcast %parallel_loop3A_324 : i32 to vector<16xi32>
          %parallel_loop3A_326 = arith.addi %parallel_loop3A_225, %parallel_loop3A_325 : vector<16xi32>
          %parallel_loop3A_327 = tpu.vector_load_idx %arg9[%parallel_loop3A_326] : memref<3072xf32, #tpu.memory_space<vmem>>[vector<16xi32>], vector<16xf32>,
          %parallel_loop3A_328 = arith.mulf %parallel_loop3A_311, %parallel_loop3A_194 : vector<16xf32>
          %parallel_loop3A_329 = arith.mulf %parallel_loop3A_315, %parallel_loop3A_198 : vector<16xf32>
          %parallel_loop3A_330 = arith.addf %parallel_loop3A_328, %parallel_loop3A_329 : vector<16xf32>
          %parallel_loop3A_331 = arith.mulf %parallel_loop3A_319, %parallel_loop3A_202 : vector<16xf32>
          %parallel_loop3A_332 = arith.addf %parallel_loop3A_330, %parallel_loop3A_331 : vector<16xf32>
          %parallel_loop3A_333 = arith.addf %parallel_loop3A_332, %parallel_loop3A_323 : vector<16xf32>
          %parallel_loop3A_334 = arith.fptosi %parallel_loop3A_333 : vector<16xf32> to vector<16xi32>
          %parallel_loop3A_335 = arith.sitofp %parallel_loop3A_334 : vector<16xi32> to vector<16xf32>
          %parallel_loop3A_336 = arith.cmpf olt, %parallel_loop3A_333, %parallel_loop3A_335 : vector<16xf32>
          %parallel_loop3A_337 = arith.constant 1.000000e+00 : f32
          %parallel_loop3A_338 = arith.constant 0.000000e+00 : f32
          %parallel_loop3A_339 = vector.broadcast %parallel_loop3A_337 : f32 to vector<16xf32>
          %parallel_loop3A_340 = vector.broadcast %parallel_loop3A_338 : f32 to vector<16xf32>
          %parallel_loop3A_341 = arith.select %parallel_loop3A_336, %parallel_loop3A_339, %parallel_loop3A_340 : vector<16xi1>, vector<16xf32>
          %parallel_loop3A_342 = arith.subf %parallel_loop3A_335, %parallel_loop3A_341 : vector<16xf32>
          %parallel_loop3A_343 = arith.subf %parallel_loop3A_333, %parallel_loop3A_342 : vector<16xf32>
          %parallel_loop3A_344 = arith.addf %parallel_loop3A_343, %parallel_loop3A_327 : vector<16xf32>
          %parallel_loop3A_345 = arith.subf %parallel_loop3A_211, %parallel_loop3A_344 : vector<16xf32>
          %parallel_loop3A_346 = arith.constant 2 : i32
          %parallel_loop3A_347 = vector.broadcast %parallel_loop3A_346 : i32 to vector<16xi32>
          %parallel_loop3A_348 = arith.addi %parallel_loop3A_225, %parallel_loop3A_347 : vector<16xi32>
          tpu.vector_store_idx %arg14[%parallel_loop3A_348], %parallel_loop3A_345 : memref<3072xf32, #tpu.memory_space<vmem>>[vector<16xi32>], vector<16xf32>,
        } {sc.loop_unroll_factor = 4 : i64, sc.parallel_access}
        %mul3A_179 = arith.constant 3 : i32
        %mul3A_180 = arith.muli %mul3A_157, %mul3A_179 : i32
        %dma_start3A_181 = tpu.memref_slice %arg6[%mul3A_180] : memref<9600000xf32, #tpu.memory_space<hbm>> -> memref<3072xf32, #tpu.memory_space<hbm>>
        %dma_start3A_182 = tpu.memref_slice %arg6[%mul3A_180] : memref<9600000xf32, #tpu.memory_space<hbm>> -> memref<3072xf32, #tpu.memory_space<hbm>>
        tpu.enqueue_dma source(%arg14 : memref<3072xf32, #tpu.memory_space<vmem>>) target(%dma_start3A_182 : memref<3072xf32, #tpu.memory_space<hbm>>) target_semaphore(%arg18 : memref<!tpu.dma_semaphore, #tpu.memory_space<semaphore_mem>>)
        %add3A_183 = arith.constant 2 : i32
        %add3A_184 = arith.addi %add3A_136, %add3A_183 : i32
        %lt3A_185 = arith.cmpi slt, %add3A_184, %add3A_4 : i32
        %convert_element_type3A_186 = arith.extui %lt3A_185 : i1 to i32
        %cond3A_187 = arith.constant 0 : i32
        %cond3A_188 = arith.cmpi ne, %convert_element_type3A_186, %cond3A_187 : i32
        scf.if %cond3A_188 {
          %add3A_189 = arith.constant 2 : i32
          %add3A_190 = arith.addi %add3A_136, %add3A_189 : i32
          %mul3A_191 = arith.constant 32 : i32
          %mul3A_192 = arith.muli %add3A_190, %mul3A_191 : i32
          %add3A_193 = arith.addi %add3A, %mul3A_192 : i32
          %mul3A_194 = arith.constant 1024 : i32
          %mul3A_195 = arith.muli %add3A_193, %mul3A_194 : i32
          %mul3A_196 = arith.constant 2 : i32
          %mul3A_197 = arith.muli %mul3A_195, %mul3A_196 : i32
          %dma_start3A_198 = tpu.memref_slice %arg3[%mul3A_197] : memref<6400000xi32, #tpu.memory_space<hbm>> -> memref<2048xi32, #tpu.memory_space<hbm>>
          %dma_start3A_199 = tpu.memref_slice %arg3[%mul3A_197] : memref<6400000xi32, #tpu.memory_space<hbm>> -> memref<2048xi32, #tpu.memory_space<hbm>>
          tpu.enqueue_dma source(%dma_start3A_199 : memref<2048xi32, #tpu.memory_space<hbm>>) target(%arg7 : memref<2048xi32, #tpu.memory_space<vmem>>) target_semaphore(%arg15 : memref<!tpu.dma_semaphore, #tpu.memory_space<semaphore_mem>>)
          %mul3A_200 = arith.constant 16 : i32
          %mul3A_201 = arith.muli %mul3A_195, %mul3A_200 : i32
          %dma_start3A_202 = tpu.memref_slice %arg4[%mul3A_201] : memref<51200000xf32, #tpu.memory_space<hbm>> -> memref<16384xf32, #tpu.memory_space<hbm>>
          %dma_start3A_203 = tpu.memref_slice %arg4[%mul3A_201] : memref<51200000xf32, #tpu.memory_space<hbm>> -> memref<16384xf32, #tpu.memory_space<hbm>>
          tpu.enqueue_dma source(%dma_start3A_203 : memref<16384xf32, #tpu.memory_space<hbm>>) target(%arg8 : memref<16384xf32, #tpu.memory_space<vmem>>) target_semaphore(%arg16 : memref<!tpu.dma_semaphore, #tpu.memory_space<semaphore_mem>>)
          %mul3A_204 = arith.constant 3 : i32
          %mul3A_205 = arith.muli %mul3A_195, %mul3A_204 : i32
          %dma_start3A_206 = tpu.memref_slice %arg5[%mul3A_205] : memref<9600000xf32, #tpu.memory_space<hbm>> -> memref<3072xf32, #tpu.memory_space<hbm>>
          %dma_start3A_207 = tpu.memref_slice %arg5[%mul3A_205] : memref<9600000xf32, #tpu.memory_space<hbm>> -> memref<3072xf32, #tpu.memory_space<hbm>>
          tpu.enqueue_dma source(%dma_start3A_207 : memref<3072xf32, #tpu.memory_space<hbm>>) target(%arg9 : memref<3072xf32, #tpu.memory_space<vmem>>) target_semaphore(%arg16 : memref<!tpu.dma_semaphore, #tpu.memory_space<semaphore_mem>>)
        } else {
        }
      } else {
      }
      %add3A_141 = arith.constant 1 : i32
      %add3A_142 = arith.addi %add3A_136, %add3A_141 : i32
      %lt3A_143 = arith.cmpi slt, %add3A_142, %add3A_4 : i32
      %convert_element_type3A_144 = arith.extui %lt3A_143 : i1 to i32
      %cond3A_145 = arith.constant 0 : i32
      %cond3A_146 = arith.cmpi ne, %convert_element_type3A_144, %cond3A_145 : i32
      scf.if %cond3A_146 {
        %add3A_147 = arith.constant 1 : i32
        %add3A_148 = arith.addi %add3A_136, %add3A_147 : i32
        %add3A_149 = arith.constant 1 : i32
        %add3A_150 = arith.addi %add3A_148, %add3A_149 : i32
        %lt3A_151 = arith.cmpi slt, %add3A_150, %add3A_4 : i32
        %convert_element_type3A_152 = arith.extui %lt3A_151 : i1 to i32
        %cond3A_153 = arith.constant 0 : i32
        %cond3A_154 = arith.cmpi ne, %convert_element_type3A_152, %cond3A_153 : i32
        scf.if %cond3A_154 {
          %add3A_191 = arith.constant 1 : i32
          %add3A_192 = arith.addi %add3A_148, %add3A_191 : i32
          %mul3A_193 = arith.constant 32 : i32
          %mul3A_194 = arith.muli %add3A_192, %mul3A_193 : i32
          %add3A_195 = arith.addi %add3A, %mul3A_194 : i32
          %mul3A_196 = arith.constant 1024 : i32
          %mul3A_197 = arith.muli %add3A_195, %mul3A_196 : i32
          %mul3A_198 = arith.constant 2 : i32
          %mul3A_199 = arith.muli %mul3A_197, %mul3A_198 : i32
          %dma_wait3A_200 = tpu.memref_slice %arg3[%mul3A_199] : memref<6400000xi32, #tpu.memory_space<hbm>> -> memref<2048xi32, #tpu.memory_space<hbm>>
          %dma_wait3A_201 = tpu.memref_slice %arg3[%mul3A_199] : memref<6400000xi32, #tpu.memory_space<hbm>> -> memref<2048xi32, #tpu.memory_space<hbm>>
          tpu.wait_dma2 semaphore(%arg15 : memref<!tpu.dma_semaphore, #tpu.memory_space<semaphore_mem>>) src(%dma_wait3A_201 : memref<2048xi32, #tpu.memory_space<hbm>>) dst(%arg7 : memref<2048xi32, #tpu.memory_space<vmem>>)
          %parallel_loop3A_202 = arith.constant 0 : i32
          %parallel_loop3A_203 = arith.constant 64 : i32
          %parallel_loop3A_204 = arith.constant 1 : i32
          scf.for %parallel_loop3A_211 = %parallel_loop3A_202 to %parallel_loop3A_203 step %parallel_loop3A_204  : i32 {
            %parallel_loop3A_212 = arith.constant 32 : i32
            %parallel_loop3A_213 = arith.muli %parallel_loop3A_211, %parallel_loop3A_212 : i32
            %parallel_loop3A_214 = arith.constant 2 : i32
            %parallel_loop3A_215 = vector.broadcast %parallel_loop3A_214 : i32 to vector<16xi32>
            %parallel_loop3A_216 = arith.muli %parallel_loop3A_215, %iota3A : vector<16xi32>
            %parallel_loop3A_217 = vector.broadcast %parallel_loop3A_213 : i32 to vector<16xi32>
            %parallel_loop3A_218 = arith.addi %parallel_loop3A_217, %parallel_loop3A_216 : vector<16xi32>
            %parallel_loop3A_219 = tpu.vector_load_idx %arg7[%parallel_loop3A_218] : memref<2048xi32, #tpu.memory_space<vmem>>[vector<16xi32>], vector<16xi32>,
            %parallel_loop3A_220 = arith.constant 1 : i32
            %parallel_loop3A_221 = vector.broadcast %parallel_loop3A_220 : i32 to vector<16xi32>
            %parallel_loop3A_222 = arith.addi %parallel_loop3A_218, %parallel_loop3A_221 : vector<16xi32>
            %parallel_loop3A_223 = tpu.vector_load_idx %arg7[%parallel_loop3A_222] : memref<2048xi32, #tpu.memory_space<vmem>>[vector<16xi32>], vector<16xi32>,
            %parallel_loop3A_224 = arith.constant 16 : i32
            %parallel_loop3A_225 = arith.muli %parallel_loop3A_211, %parallel_loop3A_224 : i32
            %parallel_loop3A_226 = arith.index_cast %parallel_loop3A_225 : i32 to index
            %parallel_loop3A_227 = tpu.vector_load %arg12[%parallel_loop3A_226] {strides = array<i32>} : memref<1024xi32, #tpu.memory_space<vmem>>, vector<16xi32>,
            tpu.vector_store %arg12[%parallel_loop3A_226], %parallel_loop3A_219 {strides = array<i32>} : memref<1024xi32, #tpu.memory_space<vmem>>, vector<16xi32>,
            %parallel_loop3A_228 = arith.constant 16 : i32
            %parallel_loop3A_229 = arith.muli %parallel_loop3A_211, %parallel_loop3A_228 : i32
            %parallel_loop3A_230 = arith.index_cast %parallel_loop3A_229 : i32 to index
            %parallel_loop3A_231 = tpu.vector_load %arg13[%parallel_loop3A_230] {strides = array<i32>} : memref<1024xi32, #tpu.memory_space<vmem>>, vector<16xi32>,
            tpu.vector_store %arg13[%parallel_loop3A_230], %parallel_loop3A_223 {strides = array<i32>} : memref<1024xi32, #tpu.memory_space<vmem>>, vector<16xi32>,
          } {sc.loop_unroll_factor = 4 : i64, sc.parallel_access}
          %dma_start3A_205 = arith.constant 0 : i32
          %dma_start3A_206 = arith.constant 0 : i32
          %dma_start3A_207 = tpu.memref_slice %arg2[%dma_start3A_205, %dma_start3A_206] : memref<100000x8xf32, #tpu.memory_space<hbm>> -> memref<100000x8xf32, #tpu.memory_space<hbm>>
          tpu.enqueue_indirect_dma source(%dma_start3A_207 : memref<100000x8xf32, #tpu.memory_space<hbm>>) target(%arg10 : memref<1024x8xf32, #tpu.memory_space<vmem>>) offsets(%arg12 : memref<1024xi32, #tpu.memory_space<vmem>>) semaphore(%arg17 : memref<!tpu.dma_semaphore, #tpu.memory_space<semaphore_mem>>)
          %dma_start3A_208 = arith.constant 0 : i32
          %dma_start3A_209 = arith.constant 0 : i32
          %dma_start3A_210 = tpu.memref_slice %arg2[%dma_start3A_208, %dma_start3A_209] : memref<100000x8xf32, #tpu.memory_space<hbm>> -> memref<100000x8xf32, #tpu.memory_space<hbm>>
          tpu.enqueue_indirect_dma source(%dma_start3A_210 : memref<100000x8xf32, #tpu.memory_space<hbm>>) target(%arg11 : memref<1024x8xf32, #tpu.memory_space<vmem>>) offsets(%arg13 : memref<1024xi32, #tpu.memory_space<vmem>>) semaphore(%arg17 : memref<!tpu.dma_semaphore, #tpu.memory_space<semaphore_mem>>)
        } else {
        }
        %mul3A_155 = arith.constant 32 : i32
        %mul3A_156 = arith.muli %add3A_148, %mul3A_155 : i32
        %add3A_157 = arith.addi %add3A, %mul3A_156 : i32
        %mul3A_158 = arith.constant 1024 : i32
        %mul3A_159 = arith.muli %add3A_157, %mul3A_158 : i32
        %mul3A_160 = arith.constant 16 : i32
        %mul3A_161 = arith.muli %mul3A_159, %mul3A_160 : i32
        %dma_wait3A_162 = tpu.memref_slice %arg4[%mul3A_161] : memref<51200000xf32, #tpu.memory_space<hbm>> -> memref<16384xf32, #tpu.memory_space<hbm>>
        %dma_wait3A_163 = tpu.memref_slice %arg4[%mul3A_161] : memref<51200000xf32, #tpu.memory_space<hbm>> -> memref<16384xf32, #tpu.memory_space<hbm>>
        tpu.wait_dma2 semaphore(%arg28 : memref<!tpu.dma_semaphore, #tpu.memory_space<semaphore_mem>>) src(%dma_wait3A_163 : memref<16384xf32, #tpu.memory_space<hbm>>) dst(%arg20 : memref<16384xf32, #tpu.memory_space<vmem>>)
        %mul3A_164 = arith.constant 3 : i32
        %mul3A_165 = arith.muli %mul3A_159, %mul3A_164 : i32
        %dma_wait3A_166 = tpu.memref_slice %arg5[%mul3A_165] : memref<9600000xf32, #tpu.memory_space<hbm>> -> memref<3072xf32, #tpu.memory_space<hbm>>
        %dma_wait3A_167 = tpu.memref_slice %arg5[%mul3A_165] : memref<9600000xf32, #tpu.memory_space<hbm>> -> memref<3072xf32, #tpu.memory_space<hbm>>
        tpu.wait_dma2 semaphore(%arg28 : memref<!tpu.dma_semaphore, #tpu.memory_space<semaphore_mem>>) src(%dma_wait3A_167 : memref<3072xf32, #tpu.memory_space<hbm>>) dst(%arg21 : memref<3072xf32, #tpu.memory_space<vmem>>)
        %dma_wait3A_168 = arith.constant 0 : i32
        %dma_wait3A_169 = arith.constant 0 : i32
        %dma_wait3A_170 = tpu.memref_slice %arg2[%dma_wait3A_168, %dma_wait3A_169] : memref<100000x8xf32, #tpu.memory_space<hbm>> -> memref<100000x8xf32, #tpu.memory_space<hbm>>
        tpu.wait_indirect_dma semaphore(%arg29 : memref<!tpu.dma_semaphore, #tpu.memory_space<semaphore_mem>>) src(%dma_wait3A_170 : memref<100000x8xf32, #tpu.memory_space<hbm>>) dst(%arg22 : memref<1024x8xf32, #tpu.memory_space<vmem>>)
        %dma_wait3A_171 = arith.constant 0 : i32
        %dma_wait3A_172 = arith.constant 0 : i32
        %dma_wait3A_173 = tpu.memref_slice %arg2[%dma_wait3A_171, %dma_wait3A_172] : memref<100000x8xf32, #tpu.memory_space<hbm>> -> memref<100000x8xf32, #tpu.memory_space<hbm>>
        tpu.wait_indirect_dma semaphore(%arg29 : memref<!tpu.dma_semaphore, #tpu.memory_space<semaphore_mem>>) src(%dma_wait3A_173 : memref<100000x8xf32, #tpu.memory_space<hbm>>) dst(%arg23 : memref<1024x8xf32, #tpu.memory_space<vmem>>)
        %mul3A_174 = arith.constant 3 : i32
        %mul3A_175 = arith.muli %mul3A_159, %mul3A_174 : i32
        %dma_wait3A_176 = tpu.memref_slice %arg6[%mul3A_175] : memref<9600000xf32, #tpu.memory_space<hbm>> -> memref<3072xf32, #tpu.memory_space<hbm>>
        %dma_wait3A_177 = tpu.memref_slice %arg6[%mul3A_175] : memref<9600000xf32, #tpu.memory_space<hbm>> -> memref<3072xf32, #tpu.memory_space<hbm>>
        tpu.wait_dma2 semaphore(%arg30 : memref<!tpu.dma_semaphore, #tpu.memory_space<semaphore_mem>>) src(%arg26 : memref<3072xf32, #tpu.memory_space<vmem>>) dst(%dma_wait3A_177 : memref<3072xf32, #tpu.memory_space<hbm>>)
        %parallel_loop3A_178 = arith.constant 0 : i32
        %parallel_loop3A_179 = arith.constant 64 : i32
        %parallel_loop3A_180 = arith.constant 1 : i32
        scf.for %parallel_loop3A_191 = %parallel_loop3A_178 to %parallel_loop3A_179 step %parallel_loop3A_180  : i32 {
          %parallel_loop3A_192 = arith.constant 16 : i32
          %parallel_loop3A_193 = arith.muli %parallel_loop3A_191, %parallel_loop3A_192 : i32
          %parallel_loop3A_194 = vector.broadcast %parallel_loop3A_193 : i32 to vector<16xi32>
          %parallel_loop3A_195 = arith.addi %parallel_loop3A_194, %iota3A : vector<16xi32>
          %parallel_loop3A_196 = tpu.vector_load_idx %arg23[%parallel_loop3A_195, %broadcast_in_dim3A_5] : memref<1024x8xf32, #tpu.memory_space<vmem>>[vector<16xi32>, vector<16xi32>], vector<16xf32>,
          %parallel_loop3A_197 = arith.constant 1 : i32
          %parallel_loop3A_198 = vector.broadcast %parallel_loop3A_197 : i32 to vector<16xi32>
          %parallel_loop3A_199 = arith.addi %broadcast_in_dim3A_5, %parallel_loop3A_198 : vector<16xi32>
          %parallel_loop3A_200 = tpu.vector_load_idx %arg23[%parallel_loop3A_195, %parallel_loop3A_199] : memref<1024x8xf32, #tpu.memory_space<vmem>>[vector<16xi32>, vector<16xi32>], vector<16xf32>,
          %parallel_loop3A_201 = arith.constant 2 : i32
          %parallel_loop3A_202 = vector.broadcast %parallel_loop3A_201 : i32 to vector<16xi32>
          %parallel_loop3A_203 = arith.addi %broadcast_in_dim3A_5, %parallel_loop3A_202 : vector<16xi32>
          %parallel_loop3A_204 = tpu.vector_load_idx %arg23[%parallel_loop3A_195, %parallel_loop3A_203] : memref<1024x8xf32, #tpu.memory_space<vmem>>[vector<16xi32>, vector<16xi32>], vector<16xf32>,
          %parallel_loop3A_205 = tpu.vector_load_idx %arg22[%parallel_loop3A_195, %broadcast_in_dim3A_5] : memref<1024x8xf32, #tpu.memory_space<vmem>>[vector<16xi32>, vector<16xi32>], vector<16xf32>,
          %parallel_loop3A_206 = arith.constant 1 : i32
          %parallel_loop3A_207 = vector.broadcast %parallel_loop3A_206 : i32 to vector<16xi32>
          %parallel_loop3A_208 = arith.addi %broadcast_in_dim3A_5, %parallel_loop3A_207 : vector<16xi32>
          %parallel_loop3A_209 = tpu.vector_load_idx %arg22[%parallel_loop3A_195, %parallel_loop3A_208] : memref<1024x8xf32, #tpu.memory_space<vmem>>[vector<16xi32>, vector<16xi32>], vector<16xf32>,
          %parallel_loop3A_210 = arith.constant 2 : i32
          %parallel_loop3A_211 = vector.broadcast %parallel_loop3A_210 : i32 to vector<16xi32>
          %parallel_loop3A_212 = arith.addi %broadcast_in_dim3A_5, %parallel_loop3A_211 : vector<16xi32>
          %parallel_loop3A_213 = tpu.vector_load_idx %arg22[%parallel_loop3A_195, %parallel_loop3A_212] : memref<1024x8xf32, #tpu.memory_space<vmem>>[vector<16xi32>, vector<16xi32>], vector<16xf32>,
          %parallel_loop3A_214 = arith.constant 256 : i32
          %parallel_loop3A_215 = arith.muli %parallel_loop3A_191, %parallel_loop3A_214 : i32
          %parallel_loop3A_216 = arith.constant 16 : i32
          %parallel_loop3A_217 = vector.broadcast %parallel_loop3A_216 : i32 to vector<16xi32>
          %parallel_loop3A_218 = arith.muli %parallel_loop3A_217, %iota3A : vector<16xi32>
          %parallel_loop3A_219 = vector.broadcast %parallel_loop3A_215 : i32 to vector<16xi32>
          %parallel_loop3A_220 = arith.addi %parallel_loop3A_219, %parallel_loop3A_218 : vector<16xi32>
          %parallel_loop3A_221 = arith.constant 48 : i32
          %parallel_loop3A_222 = arith.muli %parallel_loop3A_191, %parallel_loop3A_221 : i32
          %parallel_loop3A_223 = arith.constant 3 : i32
          %parallel_loop3A_224 = vector.broadcast %parallel_loop3A_223 : i32 to vector<16xi32>
          %parallel_loop3A_225 = arith.muli %parallel_loop3A_224, %iota3A : vector<16xi32>
          %parallel_loop3A_226 = vector.broadcast %parallel_loop3A_222 : i32 to vector<16xi32>
          %parallel_loop3A_227 = arith.addi %parallel_loop3A_226, %parallel_loop3A_225 : vector<16xi32>
          %parallel_loop3A_228 = arith.constant 0 : i32
          %parallel_loop3A_229 = vector.broadcast %parallel_loop3A_228 : i32 to vector<16xi32>
          %parallel_loop3A_230 = arith.addi %parallel_loop3A_220, %parallel_loop3A_229 : vector<16xi32>
          %parallel_loop3A_231 = tpu.vector_load_idx %arg20[%parallel_loop3A_230] : memref<16384xf32, #tpu.memory_space<vmem>>[vector<16xi32>], vector<16xf32>,
          %parallel_loop3A_232 = arith.constant 1 : i32
          %parallel_loop3A_233 = vector.broadcast %parallel_loop3A_232 : i32 to vector<16xi32>
          %parallel_loop3A_234 = arith.addi %parallel_loop3A_220, %parallel_loop3A_233 : vector<16xi32>
          %parallel_loop3A_235 = tpu.vector_load_idx %arg20[%parallel_loop3A_234] : memref<16384xf32, #tpu.memory_space<vmem>>[vector<16xi32>], vector<16xf32>,
          %parallel_loop3A_236 = arith.constant 2 : i32
          %parallel_loop3A_237 = vector.broadcast %parallel_loop3A_236 : i32 to vector<16xi32>
          %parallel_loop3A_238 = arith.addi %parallel_loop3A_220, %parallel_loop3A_237 : vector<16xi32>
          %parallel_loop3A_239 = tpu.vector_load_idx %arg20[%parallel_loop3A_238] : memref<16384xf32, #tpu.memory_space<vmem>>[vector<16xi32>], vector<16xf32>,
          %parallel_loop3A_240 = arith.constant 3 : i32
          %parallel_loop3A_241 = vector.broadcast %parallel_loop3A_240 : i32 to vector<16xi32>
          %parallel_loop3A_242 = arith.addi %parallel_loop3A_220, %parallel_loop3A_241 : vector<16xi32>
          %parallel_loop3A_243 = tpu.vector_load_idx %arg20[%parallel_loop3A_242] : memref<16384xf32, #tpu.memory_space<vmem>>[vector<16xi32>], vector<16xf32>,
          %parallel_loop3A_244 = arith.constant 0 : i32
          %parallel_loop3A_245 = vector.broadcast %parallel_loop3A_244 : i32 to vector<16xi32>
          %parallel_loop3A_246 = arith.addi %parallel_loop3A_227, %parallel_loop3A_245 : vector<16xi32>
          %parallel_loop3A_247 = tpu.vector_load_idx %arg21[%parallel_loop3A_246] : memref<3072xf32, #tpu.memory_space<vmem>>[vector<16xi32>], vector<16xf32>,
          %parallel_loop3A_248 = arith.mulf %parallel_loop3A_231, %parallel_loop3A_196 : vector<16xf32>
          %parallel_loop3A_249 = arith.mulf %parallel_loop3A_235, %parallel_loop3A_200 : vector<16xf32>
          %parallel_loop3A_250 = arith.addf %parallel_loop3A_248, %parallel_loop3A_249 : vector<16xf32>
          %parallel_loop3A_251 = arith.mulf %parallel_loop3A_239, %parallel_loop3A_204 : vector<16xf32>
          %parallel_loop3A_252 = arith.addf %parallel_loop3A_250, %parallel_loop3A_251 : vector<16xf32>
          %parallel_loop3A_253 = arith.addf %parallel_loop3A_252, %parallel_loop3A_243 : vector<16xf32>
          %parallel_loop3A_254 = arith.fptosi %parallel_loop3A_253 : vector<16xf32> to vector<16xi32>
          %parallel_loop3A_255 = arith.sitofp %parallel_loop3A_254 : vector<16xi32> to vector<16xf32>
          %parallel_loop3A_256 = arith.cmpf olt, %parallel_loop3A_253, %parallel_loop3A_255 : vector<16xf32>
          %parallel_loop3A_257 = arith.constant 1.000000e+00 : f32
          %parallel_loop3A_258 = arith.constant 0.000000e+00 : f32
          %parallel_loop3A_259 = vector.broadcast %parallel_loop3A_257 : f32 to vector<16xf32>
          %parallel_loop3A_260 = vector.broadcast %parallel_loop3A_258 : f32 to vector<16xf32>
          %parallel_loop3A_261 = arith.select %parallel_loop3A_256, %parallel_loop3A_259, %parallel_loop3A_260 : vector<16xi1>, vector<16xf32>
          %parallel_loop3A_262 = arith.subf %parallel_loop3A_255, %parallel_loop3A_261 : vector<16xf32>
          %parallel_loop3A_263 = arith.subf %parallel_loop3A_253, %parallel_loop3A_262 : vector<16xf32>
          %parallel_loop3A_264 = arith.addf %parallel_loop3A_263, %parallel_loop3A_247 : vector<16xf32>
          %parallel_loop3A_265 = arith.subf %parallel_loop3A_205, %parallel_loop3A_264 : vector<16xf32>
          %parallel_loop3A_266 = arith.constant 0 : i32
          %parallel_loop3A_267 = vector.broadcast %parallel_loop3A_266 : i32 to vector<16xi32>
          %parallel_loop3A_268 = arith.addi %parallel_loop3A_227, %parallel_loop3A_267 : vector<16xi32>
          tpu.vector_store_idx %arg26[%parallel_loop3A_268], %parallel_loop3A_265 : memref<3072xf32, #tpu.memory_space<vmem>>[vector<16xi32>], vector<16xf32>,
          %parallel_loop3A_269 = arith.constant 4 : i32
          %parallel_loop3A_270 = vector.broadcast %parallel_loop3A_269 : i32 to vector<16xi32>
          %parallel_loop3A_271 = arith.addi %parallel_loop3A_220, %parallel_loop3A_270 : vector<16xi32>
          %parallel_loop3A_272 = tpu.vector_load_idx %arg20[%parallel_loop3A_271] : memref<16384xf32, #tpu.memory_space<vmem>>[vector<16xi32>], vector<16xf32>,
          %parallel_loop3A_273 = arith.constant 5 : i32
          %parallel_loop3A_274 = vector.broadcast %parallel_loop3A_273 : i32 to vector<16xi32>
          %parallel_loop3A_275 = arith.addi %parallel_loop3A_220, %parallel_loop3A_274 : vector<16xi32>
          %parallel_loop3A_276 = tpu.vector_load_idx %arg20[%parallel_loop3A_275] : memref<16384xf32, #tpu.memory_space<vmem>>[vector<16xi32>], vector<16xf32>,
          %parallel_loop3A_277 = arith.constant 6 : i32
          %parallel_loop3A_278 = vector.broadcast %parallel_loop3A_277 : i32 to vector<16xi32>
          %parallel_loop3A_279 = arith.addi %parallel_loop3A_220, %parallel_loop3A_278 : vector<16xi32>
          %parallel_loop3A_280 = tpu.vector_load_idx %arg20[%parallel_loop3A_279] : memref<16384xf32, #tpu.memory_space<vmem>>[vector<16xi32>], vector<16xf32>,
          %parallel_loop3A_281 = arith.constant 7 : i32
          %parallel_loop3A_282 = vector.broadcast %parallel_loop3A_281 : i32 to vector<16xi32>
          %parallel_loop3A_283 = arith.addi %parallel_loop3A_220, %parallel_loop3A_282 : vector<16xi32>
          %parallel_loop3A_284 = tpu.vector_load_idx %arg20[%parallel_loop3A_283] : memref<16384xf32, #tpu.memory_space<vmem>>[vector<16xi32>], vector<16xf32>,
          %parallel_loop3A_285 = arith.constant 1 : i32
          %parallel_loop3A_286 = vector.broadcast %parallel_loop3A_285 : i32 to vector<16xi32>
          %parallel_loop3A_287 = arith.addi %parallel_loop3A_227, %parallel_loop3A_286 : vector<16xi32>
          %parallel_loop3A_288 = tpu.vector_load_idx %arg21[%parallel_loop3A_287] : memref<3072xf32, #tpu.memory_space<vmem>>[vector<16xi32>], vector<16xf32>,
          %parallel_loop3A_289 = arith.mulf %parallel_loop3A_272, %parallel_loop3A_196 : vector<16xf32>
          %parallel_loop3A_290 = arith.mulf %parallel_loop3A_276, %parallel_loop3A_200 : vector<16xf32>
          %parallel_loop3A_291 = arith.addf %parallel_loop3A_289, %parallel_loop3A_290 : vector<16xf32>
          %parallel_loop3A_292 = arith.mulf %parallel_loop3A_280, %parallel_loop3A_204 : vector<16xf32>
          %parallel_loop3A_293 = arith.addf %parallel_loop3A_291, %parallel_loop3A_292 : vector<16xf32>
          %parallel_loop3A_294 = arith.addf %parallel_loop3A_293, %parallel_loop3A_284 : vector<16xf32>
          %parallel_loop3A_295 = arith.fptosi %parallel_loop3A_294 : vector<16xf32> to vector<16xi32>
          %parallel_loop3A_296 = arith.sitofp %parallel_loop3A_295 : vector<16xi32> to vector<16xf32>
          %parallel_loop3A_297 = arith.cmpf olt, %parallel_loop3A_294, %parallel_loop3A_296 : vector<16xf32>
          %parallel_loop3A_298 = arith.constant 1.000000e+00 : f32
          %parallel_loop3A_299 = arith.constant 0.000000e+00 : f32
          %parallel_loop3A_300 = vector.broadcast %parallel_loop3A_298 : f32 to vector<16xf32>
          %parallel_loop3A_301 = vector.broadcast %parallel_loop3A_299 : f32 to vector<16xf32>
          %parallel_loop3A_302 = arith.select %parallel_loop3A_297, %parallel_loop3A_300, %parallel_loop3A_301 : vector<16xi1>, vector<16xf32>
          %parallel_loop3A_303 = arith.subf %parallel_loop3A_296, %parallel_loop3A_302 : vector<16xf32>
          %parallel_loop3A_304 = arith.subf %parallel_loop3A_294, %parallel_loop3A_303 : vector<16xf32>
          %parallel_loop3A_305 = arith.addf %parallel_loop3A_304, %parallel_loop3A_288 : vector<16xf32>
          %parallel_loop3A_306 = arith.subf %parallel_loop3A_209, %parallel_loop3A_305 : vector<16xf32>
          %parallel_loop3A_307 = arith.constant 1 : i32
          %parallel_loop3A_308 = vector.broadcast %parallel_loop3A_307 : i32 to vector<16xi32>
          %parallel_loop3A_309 = arith.addi %parallel_loop3A_227, %parallel_loop3A_308 : vector<16xi32>
          tpu.vector_store_idx %arg26[%parallel_loop3A_309], %parallel_loop3A_306 : memref<3072xf32, #tpu.memory_space<vmem>>[vector<16xi32>], vector<16xf32>,
          %parallel_loop3A_310 = arith.constant 8 : i32
          %parallel_loop3A_311 = vector.broadcast %parallel_loop3A_310 : i32 to vector<16xi32>
          %parallel_loop3A_312 = arith.addi %parallel_loop3A_220, %parallel_loop3A_311 : vector<16xi32>
          %parallel_loop3A_313 = tpu.vector_load_idx %arg20[%parallel_loop3A_312] : memref<16384xf32, #tpu.memory_space<vmem>>[vector<16xi32>], vector<16xf32>,
          %parallel_loop3A_314 = arith.constant 9 : i32
          %parallel_loop3A_315 = vector.broadcast %parallel_loop3A_314 : i32 to vector<16xi32>
          %parallel_loop3A_316 = arith.addi %parallel_loop3A_220, %parallel_loop3A_315 : vector<16xi32>
          %parallel_loop3A_317 = tpu.vector_load_idx %arg20[%parallel_loop3A_316] : memref<16384xf32, #tpu.memory_space<vmem>>[vector<16xi32>], vector<16xf32>,
          %parallel_loop3A_318 = arith.constant 10 : i32
          %parallel_loop3A_319 = vector.broadcast %parallel_loop3A_318 : i32 to vector<16xi32>
          %parallel_loop3A_320 = arith.addi %parallel_loop3A_220, %parallel_loop3A_319 : vector<16xi32>
          %parallel_loop3A_321 = tpu.vector_load_idx %arg20[%parallel_loop3A_320] : memref<16384xf32, #tpu.memory_space<vmem>>[vector<16xi32>], vector<16xf32>,
          %parallel_loop3A_322 = arith.constant 11 : i32
          %parallel_loop3A_323 = vector.broadcast %parallel_loop3A_322 : i32 to vector<16xi32>
          %parallel_loop3A_324 = arith.addi %parallel_loop3A_220, %parallel_loop3A_323 : vector<16xi32>
          %parallel_loop3A_325 = tpu.vector_load_idx %arg20[%parallel_loop3A_324] : memref<16384xf32, #tpu.memory_space<vmem>>[vector<16xi32>], vector<16xf32>,
          %parallel_loop3A_326 = arith.constant 2 : i32
          %parallel_loop3A_327 = vector.broadcast %parallel_loop3A_326 : i32 to vector<16xi32>
          %parallel_loop3A_328 = arith.addi %parallel_loop3A_227, %parallel_loop3A_327 : vector<16xi32>
          %parallel_loop3A_329 = tpu.vector_load_idx %arg21[%parallel_loop3A_328] : memref<3072xf32, #tpu.memory_space<vmem>>[vector<16xi32>], vector<16xf32>,
          %parallel_loop3A_330 = arith.mulf %parallel_loop3A_313, %parallel_loop3A_196 : vector<16xf32>
          %parallel_loop3A_331 = arith.mulf %parallel_loop3A_317, %parallel_loop3A_200 : vector<16xf32>
          %parallel_loop3A_332 = arith.addf %parallel_loop3A_330, %parallel_loop3A_331 : vector<16xf32>
          %parallel_loop3A_333 = arith.mulf %parallel_loop3A_321, %parallel_loop3A_204 : vector<16xf32>
          %parallel_loop3A_334 = arith.addf %parallel_loop3A_332, %parallel_loop3A_333 : vector<16xf32>
          %parallel_loop3A_335 = arith.addf %parallel_loop3A_334, %parallel_loop3A_325 : vector<16xf32>
          %parallel_loop3A_336 = arith.fptosi %parallel_loop3A_335 : vector<16xf32> to vector<16xi32>
          %parallel_loop3A_337 = arith.sitofp %parallel_loop3A_336 : vector<16xi32> to vector<16xf32>
          %parallel_loop3A_338 = arith.cmpf olt, %parallel_loop3A_335, %parallel_loop3A_337 : vector<16xf32>
          %parallel_loop3A_339 = arith.constant 1.000000e+00 : f32
          %parallel_loop3A_340 = arith.constant 0.000000e+00 : f32
          %parallel_loop3A_341 = vector.broadcast %parallel_loop3A_339 : f32 to vector<16xf32>
          %parallel_loop3A_342 = vector.broadcast %parallel_loop3A_340 : f32 to vector<16xf32>
          %parallel_loop3A_343 = arith.select %parallel_loop3A_338, %parallel_loop3A_341, %parallel_loop3A_342 : vector<16xi1>, vector<16xf32>
          %parallel_loop3A_344 = arith.subf %parallel_loop3A_337, %parallel_loop3A_343 : vector<16xf32>
          %parallel_loop3A_345 = arith.subf %parallel_loop3A_335, %parallel_loop3A_344 : vector<16xf32>
          %parallel_loop3A_346 = arith.addf %parallel_loop3A_345, %parallel_loop3A_329 : vector<16xf32>
          %parallel_loop3A_347 = arith.subf %parallel_loop3A_213, %parallel_loop3A_346 : vector<16xf32>
          %parallel_loop3A_348 = arith.constant 2 : i32
          %parallel_loop3A_349 = vector.broadcast %parallel_loop3A_348 : i32 to vector<16xi32>
          %parallel_loop3A_350 = arith.addi %parallel_loop3A_227, %parallel_loop3A_349 : vector<16xi32>
          tpu.vector_store_idx %arg26[%parallel_loop3A_350], %parallel_loop3A_347 : memref<3072xf32, #tpu.memory_space<vmem>>[vector<16xi32>], vector<16xf32>,
        } {sc.loop_unroll_factor = 4 : i64, sc.parallel_access}
        %mul3A_181 = arith.constant 3 : i32
        %mul3A_182 = arith.muli %mul3A_159, %mul3A_181 : i32
        %dma_start3A_183 = tpu.memref_slice %arg6[%mul3A_182] : memref<9600000xf32, #tpu.memory_space<hbm>> -> memref<3072xf32, #tpu.memory_space<hbm>>
        %dma_start3A_184 = tpu.memref_slice %arg6[%mul3A_182] : memref<9600000xf32, #tpu.memory_space<hbm>> -> memref<3072xf32, #tpu.memory_space<hbm>>
        tpu.enqueue_dma source(%arg26 : memref<3072xf32, #tpu.memory_space<vmem>>) target(%dma_start3A_184 : memref<3072xf32, #tpu.memory_space<hbm>>) target_semaphore(%arg30 : memref<!tpu.dma_semaphore, #tpu.memory_space<semaphore_mem>>)
        %add3A_185 = arith.constant 2 : i32
        %add3A_186 = arith.addi %add3A_148, %add3A_185 : i32
        %lt3A_187 = arith.cmpi slt, %add3A_186, %add3A_4 : i32
        %convert_element_type3A_188 = arith.extui %lt3A_187 : i1 to i32
        %cond3A_189 = arith.constant 0 : i32
        %cond3A_190 = arith.cmpi ne, %convert_element_type3A_188, %cond3A_189 : i32
        scf.if %cond3A_190 {
          %add3A_191 = arith.constant 2 : i32
          %add3A_192 = arith.addi %add3A_148, %add3A_191 : i32
          %mul3A_193 = arith.constant 32 : i32
          %mul3A_194 = arith.muli %add3A_192, %mul3A_193 : i32
          %add3A_195 = arith.addi %add3A, %mul3A_194 : i32
          %mul3A_196 = arith.constant 1024 : i32
          %mul3A_197 = arith.muli %add3A_195, %mul3A_196 : i32
          %mul3A_198 = arith.constant 2 : i32
          %mul3A_199 = arith.muli %mul3A_197, %mul3A_198 : i32
          %dma_start3A_200 = tpu.memref_slice %arg3[%mul3A_199] : memref<6400000xi32, #tpu.memory_space<hbm>> -> memref<2048xi32, #tpu.memory_space<hbm>>
          %dma_start3A_201 = tpu.memref_slice %arg3[%mul3A_199] : memref<6400000xi32, #tpu.memory_space<hbm>> -> memref<2048xi32, #tpu.memory_space<hbm>>
          tpu.enqueue_dma source(%dma_start3A_201 : memref<2048xi32, #tpu.memory_space<hbm>>) target(%arg19 : memref<2048xi32, #tpu.memory_space<vmem>>) target_semaphore(%arg27 : memref<!tpu.dma_semaphore, #tpu.memory_space<semaphore_mem>>)
          %mul3A_202 = arith.constant 16 : i32
          %mul3A_203 = arith.muli %mul3A_197, %mul3A_202 : i32
          %dma_start3A_204 = tpu.memref_slice %arg4[%mul3A_203] : memref<51200000xf32, #tpu.memory_space<hbm>> -> memref<16384xf32, #tpu.memory_space<hbm>>
          %dma_start3A_205 = tpu.memref_slice %arg4[%mul3A_203] : memref<51200000xf32, #tpu.memory_space<hbm>> -> memref<16384xf32, #tpu.memory_space<hbm>>
          tpu.enqueue_dma source(%dma_start3A_205 : memref<16384xf32, #tpu.memory_space<hbm>>) target(%arg20 : memref<16384xf32, #tpu.memory_space<vmem>>) target_semaphore(%arg28 : memref<!tpu.dma_semaphore, #tpu.memory_space<semaphore_mem>>)
          %mul3A_206 = arith.constant 3 : i32
          %mul3A_207 = arith.muli %mul3A_197, %mul3A_206 : i32
          %dma_start3A_208 = tpu.memref_slice %arg5[%mul3A_207] : memref<9600000xf32, #tpu.memory_space<hbm>> -> memref<3072xf32, #tpu.memory_space<hbm>>
          %dma_start3A_209 = tpu.memref_slice %arg5[%mul3A_207] : memref<9600000xf32, #tpu.memory_space<hbm>> -> memref<3072xf32, #tpu.memory_space<hbm>>
          tpu.enqueue_dma source(%dma_start3A_209 : memref<3072xf32, #tpu.memory_space<hbm>>) target(%arg21 : memref<3072xf32, #tpu.memory_space<vmem>>) target_semaphore(%arg28 : memref<!tpu.dma_semaphore, #tpu.memory_space<semaphore_mem>>)
        } else {
        }
      } else {
      }
    }
    %scan3A_123 = arith.constant 49 : i32
    %dma_wait3A_124 = arith.constant 0 : i32
    %dma_wait3A_125 = tpu.memref_slice %arg6[%dma_wait3A_124] : memref<9600000xf32, #tpu.memory_space<hbm>> -> memref<3072xf32, #tpu.memory_space<hbm>>
    %dma_wait3A_126 = arith.constant 0 : i32
    %dma_wait3A_127 = tpu.memref_slice %arg6[%dma_wait3A_126] : memref<9600000xf32, #tpu.memory_space<hbm>> -> memref<3072xf32, #tpu.memory_space<hbm>>
    tpu.wait_dma2 semaphore(%arg18 : memref<!tpu.dma_semaphore, #tpu.memory_space<semaphore_mem>>) src(%arg14 : memref<3072xf32, #tpu.memory_space<vmem>>) dst(%dma_wait3A_127 : memref<3072xf32, #tpu.memory_space<hbm>>)
    %dma_wait3A_128 = arith.constant 0 : i32
    %dma_wait3A_129 = tpu.memref_slice %arg6[%dma_wait3A_128] : memref<9600000xf32, #tpu.memory_space<hbm>> -> memref<3072xf32, #tpu.memory_space<hbm>>
    %dma_wait3A_130 = arith.constant 0 : i32
    %dma_wait3A_131 = tpu.memref_slice %arg6[%dma_wait3A_130] : memref<9600000xf32, #tpu.memory_space<hbm>> -> memref<3072xf32, #tpu.memory_space<hbm>>
    tpu.wait_dma2 semaphore(%arg30 : memref<!tpu.dma_semaphore, #tpu.memory_space<semaphore_mem>>) src(%arg26 : memref<3072xf32, #tpu.memory_space<vmem>>) dst(%dma_wait3A_131 : memref<3072xf32, #tpu.memory_space<hbm>>)
    return
  }
}

</mosaic_0001>

<sc_bundles>
// kernel: kernel.3.cloned.1.call-start
scs
__scs_entry_jumppad:
0x0: {  	(pc) =	sbr.rel $0x88, $3  }
0x1: {  	(tag) =	ssettag $0x0;
	lr =	simm.s32 $0x1  }
0x2: {  	[smem:$0x3F9D] =	sst lr;
	_ =	strace $0xD0000000  }
0x3: {  	_ = 	snop  }
0x4: {  	_ = 	snop  }
0x5: {  	_ = 	snop  }
0x6: {  	_ = 	snop  }
0x7: {  	_ = 	snop  }
__scs_overlays_trampoline_lowered:
0x8: {  	[smem:$0x3FAC] =	sst s0  }
0x9: {  	[smem:$0x3FAD] =	sst s1  }
0xa: {  	[smem:$0x3FAE] =	sst s2  }
0xb: {  	[smem:$0x3FAF] =	sst s3  }
0xc: {  	[smem:$0x3FB0] =	sst s4  }
0xd: {  	[smem:$0x3FB1] =	sst s5  }
0xe: {  	[smem:$0x3FB2] =	sst s6  }
0xf: {  	[smem:$0x3FB3] =	sst s7  }
0x10: {  	[smem:$0x3FB4] =	sst s8  }
0x11: {  	[smem:$0x3FB5] =	sst s9;
	s0 =	simm.s32 @!p0 $0x0  }
0x12: {  	s1 =	sld [smem:$0x3F9B];
	s0 =	simm.s32 @p0 $0x1  }
0x13: {  	[smem:$0x3FB6] =	sst s0;
	s0 =	simm.s32 @!p1 $0x0  }
0x14: {  	s2 =	sld [smem:$0x3F9A];
	s0 =	simm.s32 @p1 $0x1  }
0x15: {  	[smem:$0x3FB7] =	sst s0;
	s0 =	simm.s32 @!p2 $0x0  }
0x16: {  	s3 =	sld [smem:$0x3FDB];
	s0 =	simm.s32 @p2 $0x1  }
0x17: {  	s4 =	simm.s32 $0x1BF5;
	[smem:$0x3FB9] =	sst s0  }
0x18: {  	s0 =	sld [smem:$0x3F9C];
	_ =	swait.ge [sflag:s4], $0x0  }
0x19: {  	s7 =	sld [smem:$0x3F9D]  }
0x1a: {  	s8 =	sadd.s32 $0xFFFFE003, lr  }
0x1b: {  	s9 =	sadd.s32 $0xFFFFFEF7, lr;
	s5 =	simm.s32 $0xFFFFFFFF;
	p2 =	slt.u32 s8, $0xFFFFF086  }
0x1c: {  	p1 =	slt.u32 s9, $0xF7A;
	s5 =	simm.s32 @!p2 $0x0  }
0x1d: {  	s5 =	simm.s32 @p1 $0x1;
	p0 =	seq.s32 s7, s2  }
0x1e: {  	s7 =	smul.u32 @!p0 $0xF7A, s2;
	p2 =	seq.s32 @!p0 s5, $0x0  }
0x1f: {  	s9 =	smul.u32 $0xF7A, s1;
	s8 =	simm.s32 @!p0 $0x1BF5;
	p2 =	por !p2, p0  }
0x20: {  	[sflag:s8] =	ssyncset.s32 @!p0 $0xFFFFF086;
	s6 =	sadd.s32 @!p0 s3, s7;
	s7 =	simm.s32 @!p0 $0x108  }
0x21: {  	s3 =	sadd.s32 s3, s9;
	s6 =	sadd.s32 @!p0 $0x88, s6;
	s7 =	simm.s32 @p2 $0x1082  }
0x22: {  	[simem:s7], [sflag:s8] =	dma.local @!p0 [hbm:s6], $0xF7A  }
0x23: {  	s9 =	sor.u32 $0xD0000000, s2;
	s6 =	simm.s32 $0x108;
	_ =	swait.ge @!p0 [sflag:s8], $0x0  }
0x24: {  	s3 =	sadd.s32 $0x88, s3;
	s6 =	simm.s32 @!p1 $0x1082;
	[sflag:s4] =	ssyncset.s32 $0xFFFFF086  }
0x25: {  	[simem:s6], [sflag:s4] =	dma.local [hbm:s3], $0xF7A  }
0x26: {  	[smem:$0x3F9D] =	sst s1;
	(tag) =	ssettag s2;
	_ =	strace s9  }
0x27: {  	s1 =	sld [smem:$0x3FAD]  }
0x28: {  	s2 =	sld [smem:$0x3FAE]  }
0x29: {  	s4 =	sld [smem:$0x3FB0]  }
0x2a: {  	p0 =	seq.s32 s5, $0x0;
	s5 =	sld [smem:$0x3FB1]  }
0x2b: {  	s6 =	sld [smem:$0x3FB2]  }
0x2c: {  	s7 =	sld [smem:$0x3FB3]  }
0x2d: {  	s3 =	simm.s32 $0x108;
	s8 =	sld [smem:$0x3FB4]  }
0x2e: {  	s3 =	simm.s32 @!p0 $0x1082;
	s9 =	sld [smem:$0x3FB5]  }
0x2f: {  	lr =	sadd.s32 s0, s3;
	s0 =	sld [smem:$0x3FAC]  }
0x30: {  	s3 =	sld [smem:$0x3FAF]  }
0x31: {  	[smem:$0x3FB8] =	sst s10  }
0x32: {  	s10 =	sld [smem:$0x3FB6];
	_ =	sdelay $0x3  }
0x33: {  	p0 =	seq.s32 s10, $0x1;
	s10 =	sld [smem:$0x3FB8];
	_ =	sdelay $0x3  }
0x34: {  	[smem:$0x3FB8] =	sst s10  }
0x35: {  	s10 =	sld [smem:$0x3FB7];
	_ =	sdelay $0x3  }
0x36: {  	p1 =	seq.s32 s10, $0x1;
	s10 =	sld [smem:$0x3FB8];
	_ =	sdelay $0x3  }
0x37: {  	[smem:$0x3FB8] =	sst s10  }
0x38: {  	s10 =	sld [smem:$0x3FB9]  }
0x39: {  	_ = 	snop;
	(pc) =	sbr.ind lr, $3  }
0x3a: {  	_ = 	snop  }
0x3b: {  	_ = 	snop  }
0x3c: {  	p2 =	seq.s32 s10, $0x1;
	s10 =	sld [smem:$0x3FB8]  }
0x3d: {  	_ =	shalt  }
0x3e: {  	_ =	shalt  }
0x3f: {  	_ =	shalt  }
0x40: {  	_ =	shalt  }
0x41: {  	_ =	shalt  }
0x42: {  	_ =	shalt  }
0x43: {  	_ =	shalt  }
0x44: {  	_ =	shalt  }
0x45: {  	_ =	shalt  }
0x46: {  	_ =	shalt  }
0x47: {  	_ =	shalt  }
0x48: {  	_ =	shalt  }
0x49: {  	_ =	shalt  }
0x4a: {  	_ =	shalt  }
0x4b: {  	_ =	shalt  }
0x4c: {  	_ =	shalt  }
0x4d: {  	_ =	shalt  }
0x4e: {  	_ =	shalt  }
0x4f: {  	_ =	shalt  }
0x50: {  	_ =	shalt  }
0x51: {  	_ =	shalt  }
0x52: {  	_ =	shalt  }
0x53: {  	_ =	shalt  }
0x54: {  	_ =	shalt  }
0x55: {  	_ =	shalt  }
0x56: {  	_ =	shalt  }
0x57: {  	_ =	shalt  }
0x58: {  	_ =	shalt  }
0x59: {  	_ =	shalt  }
0x5a: {  	_ =	shalt  }
0x5b: {  	_ =	shalt  }
0x5c: {  	_ =	shalt  }
0x5d: {  	_ =	shalt  }
0x5e: {  	_ =	shalt  }
0x5f: {  	_ =	shalt  }
0x60: {  	_ =	shalt  }
0x61: {  	_ =	shalt  }
0x62: {  	_ =	shalt  }
0x63: {  	_ =	shalt  }
0x64: {  	_ =	shalt  }
0x65: {  	_ =	shalt  }
0x66: {  	_ =	shalt  }
0x67: {  	_ =	shalt  }
0x68: {  	_ =	shalt  }
0x69: {  	_ =	shalt  }
0x6a: {  	_ =	shalt  }
0x6b: {  	_ =	shalt  }
0x6c: {  	_ =	shalt  }
0x6d: {  	_ =	shalt  }
0x6e: {  	_ =	shalt  }
0x6f: {  	_ =	shalt  }
0x70: {  	_ =	shalt  }
0x71: {  	_ =	shalt  }
0x72: {  	_ =	shalt  }
0x73: {  	_ =	shalt  }
0x74: {  	_ =	shalt  }
0x75: {  	_ =	shalt  }
0x76: {  	_ =	shalt  }
0x77: {  	_ =	shalt  }
0x78: {  	_ =	shalt  }
0x79: {  	_ =	shalt  }
0x7a: {  	_ =	shalt  }
0x7b: {  	_ =	shalt  }
0x7c: {  	_ =	shalt  }
0x7d: {  	_ =	shalt  }
0x7e: {  	_ =	shalt  }
0x7f: {  	_ =	shalt  }
0x80: {  	_ =	shalt  }
0x81: {  	_ =	shalt  }
0x82: {  	_ =	shalt  }
0x83: {  	_ =	shalt  }
0x84: {  	_ =	shalt  }
0x85: {  	_ =	shalt  }
0x86: {  	_ =	shalt  }
0x87: {  	_ =	shalt  }
.Lfunc_end0:
.L_simem_size_0:
called_computation.1_lowered:
.L_overlay_start_0:
0x88: {  	s2 =	sld [smem:$0x3FD9]  }
0x89: {  	s3 =	sld [smem:$0x3FFE];
	_ =	sdelay $0x1  }
0x8a: {  	s1 =	srdreg.scid  }
0x8b: {  	s0 =	sand.u32 $0x1, s1  }
0x8c: {  	s17 =	sshll.u32 s0, $0xA;
	s2 =	sadd.s32 s3, s2  }
0x8d: {  	s2 =	sadd.s32 s2, s17  }
0x8e: {  	[smem:$0x3FC4] =	sst s2  }
0x8f: {  	_ = 	snop  }
0x90: {  	s2 =	sld [smem:$0x3FD0];
	(tm) =	ssettm $0x1  }
0x91: {  	s18 =	sld [smem:$0x3FFB];
	_ =	sdelay $0x3  }
0x92: {  	_ =	strace s18  }
0x93: {  	s3 =	sld [smem:$0x3FFC];
	_ =	sdelay $0x3  }
0x94: {  	_ =	strace s3  }
0x95: {  	s3 =	sld [smem:$0x3FFD];
	_ =	sdelay $0x3  }
0x96: {  	_ =	strace s3  }
0x97: {  	_ =	strace $0x8FFFFFFF  }
0x98: {  	s19 =	sld [smem:$0x3FDB];
	_ =	sdelay $0x1  }
0x99: {  	s4 =	simm.s32 $_scs_section_size  }
0x9a: {  	s5 =	simm.s32 $_size__tile_overlayer_lowered;
	s6 =	simm.s32 $_tile_overlayer_lowered  }
0x9b: {  	s22 =	simm.s32 $0x1BFF;
	s21 =	sshll.u32 s6, $0x1;
	s3 =	sadd.s32 s4, s19  }
0x9c: {  	s7 =	simm.s32 $0x0;
	s20 =	sshll.u32 s5, $0x1;
	s5 =	sadd.s32 s21, s3  }
0x9d: {  	[timem:s7], [sflag:s22] =	dma.local [hbm:s5], s20  }
0x9e: {  	_ =	swait.ge [sflag:s22], s20  }
0x9f: {  	s4 =	ssub.s32 $0x0, s20;
	[sflag:s22] =	ssyncset.done $0x0  }
0xa0: {  	[sflag:s22] =	ssyncadd.s32 s4;
	_ =	sdelay $0x1  }
0xa1: {  	s23 =	simm.s32 $0x1B8B  }
0xa2: {  	_ =	swait.ge [sflag:s23], $0x1  }
0xa3: {  	[sflag:s23] =	ssyncset.done $0x0  }
0xa4: {  	s25 =	simm.s32 $0x1B8E;
	s24 =	sld [smem:$0x3FFE];
	[sflag:s23] =	ssyncadd.s32 $0xFFFFFFFF  }
0xa5: {  	s26 =	simm.s32 $execute0_lowered;
	[smem:$0x3FD2] =	sst s25  }
0xa6: {  	s5 =	sshll.u32 s26, $0x1;
	_ =	strace $0x80000046;
	[dreg:$0x1] =	wrdreg $0xFFFFFFFF  }
0xa7: {  	s28 =	simm.s32 $_size_execute0_lowered;
	s3 =	sadd.s32 s3, s5;
	[dreg:$0x0] =	wrdreg $0x0  }
0xa8: {  	s5 =	sshll.u32 s28, $0x1;
	[dreg:$0x2] =	wrdreg s3  }
0xa9: {  	[dreg:$0x3] =	wrdreg s5  }
0xaa: {  	[dreg:$0x4] =	wrdreg $0xC0  }
0xab: {  	_ =	task [dreg:s7], $0x5FFFF  }
0xac: {  	[dreg:$0x1] =	wrdreg $0xFFFFFFFF  }
0xad: {  	[dreg:$0x0] =	wrdreg $0x60  }
0xae: {  	[dreg:$0x2] =	wrdreg s24  }
0xaf: {  	[dreg:$0x3] =	wrdreg s2  }
0xb0: {  	[dreg:$0x4] =	wrdreg $0x9  }
0xb1: {  	_ =	task.clear_ibuf [dreg:s7], $0x5FFFF;
	_ =	strace $0x90000046  }
0xb2: {  	s29 =	simm.s32 $0x9;
	_ =	strace $0x80000048  }
0xb3: {  	_ =	swait.ge [sflag:s29], $0x1  }
0xb4: {  	[sflag:s29] =	ssyncadd.s32 $0xFFFFFFFF  }
0xb5: {  	_ =	strace $0x90000048  }
0xb6: {  	_ =	sfence  }
0xb7: {  	s30 =	sld [smem:$0x0];
	_ =	sdelay $0x2  }
0xb8: {  	s31 =	sshll.u32 s1, $0xD;
	s1 =	sshrl.u32 s1, $0x2  }
0xb9: {  	s3 =	sand.u32 $0x4000, s31;
	s1 =	sadd.s32 s1, s30  }
0xba: {  	s0 =	sor.u32 s3, s0;
	s1 =	sshll.u32 s1, $0x11  }
0xbb: {  	s0 =	sor.u32 s1, s0  }
0xbc: {  	s0 =	sadd.s32 $0x8F2B, s0  }
0xbd: {  	[sflag:s0] =	ssyncadd.remote.s32 $0x1  }
0xbe: {  	_ =	sfence.sel $0xFFFF  }
0xbf: {  	[dreg:$0x0] =	wrdreg $0xFFFFFFFF;
	(pc) =	sbr.abs _section_cstart, $3  }
0xc0: {  	[dreg:$0x1] =	wrdreg $0xFFFFFFFF  }
0xc1: {  	_ =	task.clear_ibuf [dreg:s7], $0x2FFFF;
	_ =	strace $0x9FFFFFFF  }
0xc2: {  	(tm) =	ssettm $0x7FFFFFFF  }
0xc3: {  	_ =	shalt  }
tec
execute0_lowered:
.L_overlay_start_1:
0x0: {  	(tag) =	ssettag $0x1  }
0x1: {  	s0 =	rddreg [dreg:$0x0]  }
0x2: {  	s6 =	rddreg [dreg:$0x1];
	v0 =	vlaneseq.u32  }
0x3: {  	s2 =	simm.s32 $0x0;
	s1 =	srdreg.scid;
	s5 =	stileid.u32;
	v18 =	vmul.u32 $0x2, v0  }
0x4: {  	s9 =	simm.s32 $0x62;
	s28 =	simm.s32 $0x800;
	[smem:$0x7FF] =	sst s2;
	v47 =	vmul.u32 $0x10, v0  }
0x5: {  	s29 =	simm.s32 $0x4800;
	s30 =	simm.s32 $0xA800;
	v48 =	vmul.u32 $0x8, v0;
	_ =	strace $0x80000047;
	[tilespmem:$0x1FE80] =	vst v18  }
0x6: {  	s31 =	simm.s32 $0xB000;
	s3 =	sadd.s32 $0x187600, s0;
	s1 =	sand.u32 $0x1, s1;
	v49 =	vmul.u32 $0x3, v0;
	[tilespmem:$0x1FEE0] =	vst v47  }
0x7: {  	s7 =	sadd.s32 $0x31F9C00, s0;
	s10 =	sadd.s32 $0xC350C00, s0;
	[dreg:$0x3] =	wrdreg s3;
	[tilespmem:$0x1FEF0] =	vst v48  }
0x8: {  	s5 =	sshll.u32 s5, $0x1;
	s11 =	sadd.s32 $0x30D4C00, s0;
	[dreg:$0x4] =	wrdreg s7;
	v56 =	vor.u32 $0x2, v47;
	[tilespmem:$0x1FF00] =	vst v49  }
0x9: {  	s24 =	ssub.s32 $0x2, s1;
	s8 =	sor.u32 s1, s5;
	[dreg:$0x5] =	wrdreg s10;
	v2 =	vor.u32 $0x8, v47;
	[tilespmem:$0x1FE60] =	vst v56  }
0xa: {  	[dreg:$0x6] =	wrdreg s11;
	s4 =	sshrl.u32 s24, $0x1;
	p0 =	slt.u32 s8, $0x15;
	v20 =	vor.u32 $0x1, v18;
	[tilespmem:$0x1FE70] =	vst v2  }
0xb: {  	s1 =	sshll.u32 s8, $0x8;
	s25 =	sshll.u32 s8, $0xB;
	s26 =	smul.u32 $0x180, s8;
	v53 =	vor.u32 $0x1, v47;
	[tilespmem:$0x1FEA0] =	vst v20  }
0xc: {  	s16 =	sor.u32 $0x40, s8;
	s20 =	sor.u32 $0x60, s8;
	v60 =	vor.u32 $0x3, v47;
	s0 =	ssub.s32 s24, s4;
	[tilespmem:$0x1FF10] =	vst v53  }
0xd: {  	v62 =	vor.u32 $0x9, v47;
	s9 =	simm.s32 @!p0 $0x61;
	s1 =	sadd.s32 s7, s1;
	s4 =	sor.u32 $0x20, s8;
	[tilespmem:$0x1FF20] =	vst v60  }
0xe: {  	v3 =	vor.u32 $0xA, v47;
	s17 =	sshll.u32 s16, $0x8;
	[tilespmem:$0x1FF30] =	vst v62;
	[dreg:$0x7] =	wrdreg s1;
	s1 =	sadd.s32 s10, s25  }
0xf: {  	v4 =	vor.u32 $0xB, v47;
	s18 =	sshll.u32 s16, $0xB;
	[tilespmem:$0x1FF40] =	vst v3;
	s12 =	sadd.s32 s11, s26;
	[dreg:$0x8] =	wrdreg s1  }
0x10: {  	v5 =	vadd.s32 $0x2, v49;
	s21 =	sshll.u32 s20, $0x8;
	[tilespmem:$0x1FF50] =	vst v4;
	s19 =	sadd.s32 s10, s18;
	[dreg:$0x9] =	wrdreg s12  }
0x11: {  	v52 =	vor.u32 $0x4, v47;
	[tilespmem:$0x1FF60] =	vst v5;
	s5 =	sshll.u32 s4, $0x8;
	s25 =	sadd.s32 $0xFFFFFFFD, s9;
	[dreg:$0xf] =	wrdreg s19  }
0x12: {  	v36 =	vor.u32 $0x5, v47;
	[tilespmem:$0x1FFA0] =	vst v52;
	s13 =	sshll.u32 s4, $0xB;
	s0 =	smax.u32 s0, $0x1;
	[dreg:$0x15] =	wrdreg s25  }
0x13: {  	v1 =	vand.u32 $0x3, v0;
	v37 =	vor.u32 $0x6, v47;
	[tilespmem:$0x1FFB0] =	vst v36;
	s3 =	smul.u32 $0x180, s4;
	s4 =	sadd.s32 s7, s5;
	[dreg:$0x16] =	wrdreg s0  }
0x14: {  	v1 =	vmul.u32 $0x2, v1;
	v58 =	vor.u32 $0x7, v47;
	s22 =	smul.u32 $0x180, s20;
	[tilespmem:$0x1FFC0] =	vst v37;
	s14 =	sadd.s32 s10, s13;
	[dreg:$0xa] =	wrdreg s4  }
0x15: {  	v46 =	vimm.s32 $0xDAFC9EB8;
	v44 =	vadd.s32 $0x1, v49;
	s23 =	sshll.u32 s20, $0xB;
	[tilespmem:$0x1FFD0] =	vst v58;
	s1 =	sadd.s32 s6, s26;
	[dreg:$0xb] =	wrdreg s14  }
0x16: {  	v57 =	vimm.s32 $0x52741630;
	v19 =	vor.u32 $0xFFFFFF98, v1;
	[tilespmem:$0x1FFE0] =	vst v44;
	s24 =	sadd.s32 s11, s22;
	s26 =	sadd.s32 $0xFFFFFFFC, s9;
	[dreg:$0xd] =	wrdreg s1  }
0x17: {  	v59 =	vimm.s32 $0x63052741;
	v0 =	vunpack.c.l.s4.s8 v57;
	v21 =	vor.u32 $0xFFFFFFB8, v1;
	[tilespmem:$0x1FE90] =	vst v19;
	s0 =	simm.s32 $0xF000;
	s12 =	simm.s32 $0x5400;
	[dreg:$0x14] =	wrdreg s24  }
0x18: {  	v63 =	vimm.s32 $0x74163052;
	v50 =	vunpack.c.l.s4.s8 v46;
	v22 =	vor.u32 $0xFFFFFFD8, v1;
	[tilespmem:$0x1FEB0] =	vst v21;
	s19 =	simm.s32 $0x11C00;
	s15 =	sadd.s32 s11, s3;
	[dreg:$0x17] =	wrdreg s26  }
0x19: {  	v43 =	vunpack.c.0.s8.s32 v0;
	v23 =	vor.u32 $0xFFFFFFF8, v1;
	v2 =	vunpack.c.l.s4.s8 v63;
	[tilespmem:$0x1FEC0] =	vst v22;
	s1 =	smul.u32 $0x180, s16;
	s4 =	sadd.s32 s7, s17;
	[dreg:$0xc] =	wrdreg s15  }
.Ltmp0:
0x1a: {  	v41 =	vunpack.c.0.s8.s32 v50;
	v1 =	vunpack.c.l.s4.s8 v59;
	[tilespmem:$0x1FED0] =	vst v23;
	s3 =	sadd.s32 s6, s3;
	[dreg:$0xe] =	wrdreg s4;
	(pc) =	sbr.rel .LBB2_1-.Ltmp0, $4  }
0x1b: {  	[tilespmem:$0x1FF80] =	vst v43;
	s22 =	simm.s32 $0x9C00;
	v56 =	vunpack.c.0.s8.s32 v2;
	[dreg:$0x11] =	wrdreg s3;
	s1 =	sadd.s32 s11, s1  }
0x1c: {  	[tilespmem:$0x1FF90] =	vst v41;
	v63 =	vunpack.c.0.s8.s32 v1;
	s13 =	simm.s32 $0x0;
	[dreg:$0x10] =	wrdreg s1;
	s1 =	sadd.s32 s7, s21  }
0x1d: {  	s14 =	simm.s32 $0x7400;
	[tilespmem:$0x1FF70] =	vst v56;
	[dreg:$0x12] =	wrdreg s1;
	s1 =	sadd.s32 s10, s23  }
0x1e: {  	s17 =	simm.s32 $0xFC00;
	s16 =	simm.s32 $0x14400;
	[tilespmem:$0x1FFF0] =	vst v63;
	[dreg:$0x13] =	wrdreg s1  }
.LBB2_29:
0x1f: {  	s1 =	simm.s32 $0x4  }
0x20: {  	_ =	swait.ge [sflag:s1], $0xC00  }
0x21: {  	[sflag:s1] =	ssyncset.done $0x0  }
0x22: {  	s3 =	simm.s32 $0x8;
	[sflag:s1] =	ssyncadd.s32 $0xFFFFF400  }
0x23: {  	_ =	swait.ge [sflag:s3], $0xC00  }
0x24: {  	s13 =	rddreg [dreg:$0x18]  }
0x25: {  	s26 =	rddreg [dreg:$0x16];
	s13 =	sadd.s32 $0x1, s13  }
0x26: {  	p0 =	sne.s32 s13, s26  }
.Ltmp1:
0x27: {  	_ = 	snop;
	(pc) =	sbr.rel @!p0 .LBB2_30-.Ltmp1, $3  }
0x28: {  	_ =	sdelay $0x1  }
0x29: {  	[sflag:s3] =	ssyncset.done $0x0  }
0x2a: {  	[sflag:s3] =	ssyncadd.s32 $0xFFFFF400  }
.LBB2_1:
0x2b: {  	s1 =	rddreg [dreg:$0x7]  }
0x2c: {  	[tilespmem:s2], [sflag:$0x1] =	stream.linear.gather [hbm4b:s1+s2], $0x800, $0x38;
	[tilespmem:$0x15000] =	vst v63  }
0x2d: {  	s11 =	rddreg [dreg:$0x8]  }
0x2e: {  	[tilespmem:s28], [sflag:$0x2] =	stream.linear.gather [hbm4b:s11+s2], $0x4000, $0x38;
	[tilespmem:$0x15000] =	vst v63  }
0x2f: {  	s15 =	rddreg [dreg:$0x9]  }
0x30: {  	[tilespmem:s29], [sflag:$0x2] =	stream.linear.gather [hbm4b:s15+s2], $0xC00, $0x38;
	[tilespmem:$0x15000] =	vst v63  }
0x31: {  	s18 =	rddreg [dreg:$0xa]  }
0x32: {  	[tilespmem:s30], [sflag:$0x5] =	stream.linear.gather [hbm4b:s18+s2], $0x800, $0x38;
	[tilespmem:$0x15000] =	vst v63  }
0x33: {  	s20 =	rddreg [dreg:$0xb]  }
0x34: {  	[tilespmem:s31], [sflag:$0x6] =	stream.linear.gather [hbm4b:s20+s2], $0x4000, $0x38;
	[tilespmem:$0x15000] =	vst v63  }
0x35: {  	s21 =	rddreg [dreg:$0xc];
	v1 =	vor.u32 s2, v20;
	s23 =	simm.s32 $0x40;
	s4 =	simm.s32 $0x1  }
0x36: {  	v0 =	vor.u32 s2, v18;
	v3 =	vor.u32 s23, v20;
	[tilespmem:s0], [sflag:$0x6] =	stream.linear.gather [hbm4b:s21+s2], $0xC00, $0x38;
	[tilespmem:$0x15000] =	vst v63  }
0x37: {  	s3 =	simm.s32 $0x60;
	v0 =	vand.u32 v19, v0;
	v2 =	vor.u32 s23, v18;
	_ =	swait.ge [sflag:s4], $0x800  }
0x38: {  	s24 =	simm.s32 $0x20;
	v4 =	vor.u32 s3, v18;
	v2 =	vand.u32 v22, v2;
	[sflag:s4] =	ssyncset.done $0x0  }
0x39: {  	v5 =	vor.u32 s24, v18;
	v4 =	vand.u32 v23, v4;
	[sflag:s4] =	ssyncadd.s32 $0xFFFFF800  }
0x3a: {  	v5 =	vand.u32 v21, v5;
	v7 =	vld.idx.msk [tilespmem:v1+s2+$0x0], $0xffff  }
0x3b: {  	s25 =	simm.s32 $0x80;
	v12 =	vld.idx.msk [tilespmem:v3+s2+$0x0], $0xffff;
	v3 =	vor.u32 s3, v20  }
0x3c: {  	v6 =	vor.u32 s25, v18;
	v8 =	vor.u32 s25, v20;
	v0 =	vld.idx.msk [tilespmem:v0+s2+$0x0], $0xffff  }
0x3d: {  	v11 =	vand.u32 v19, v6;
	v10 =	vld.idx.msk [tilespmem:v2+s2+$0x0], $0xffff  }
0x3e: {  	v1 =	vor.u32 s24, v20;
	v9 =	vld.idx.msk [tilespmem:v4+s2+$0x0], $0xffff  }
0x3f: {  	s5 =	simm.s32 $0xA0;
	v6 =	vld.idx.msk [tilespmem:v5+s2+$0x0], $0xffff  }
0x40: {  	s26 =	simm.s32 $0xC0;
	s1 =	simm.s32 $0x9420;
	v2 =	vld.idx.msk [tilespmem:v3+s2+$0x0], $0xffff;
	v3 =	vor.u32 s5, v18  }
0x41: {  	s7 =	simm.s32 $0xE0;
	v13 =	vor.u32 s26, v20;
	s3 =	simm.s32 $0x9820;
	[tilespmem:s1+$0xFFFFFFE0] =	vst v0;
	v0 =	vld.idx.msk [tilespmem:v8+s2+$0x0], $0xffff;
	v4 =	vand.u32 v21, v3;
	v3 =	vor.u32 s26, v18  }
0x42: {  	v8 =	vor.u32 s7, v18;
	[tilespmem:s3+$0xFFFFFFE0] =	vst v7;
	v7 =	vld.idx.msk [tilespmem:v11+s2+$0x0], $0xffff;
	v11 =	vand.u32 v22, v3  }
0x43: {  	v5 =	vld.idx.msk [tilespmem:v1+s2+$0x0], $0xffff;
	[tilespmem:s1+$0x0] =	vst v10;
	v10 =	vand.u32 v23, v8;
	_ =	sdelay $0x1  }
0x44: {  	s6 =	simm.s32 $0x4;
	v1 =	vor.u32 s5, v20  }
0x45: {  	s4 =	simm.s32 $0x9460;
	s5 =	simm.s32 $0x9860;
	v8 =	vor.u32 s7, v20;
	s7 =	simm.s32 $0x100;
	[tilespmem:s3+$0x0] =	vst v12;
	v3 =	vld.idx.msk [tilespmem:v13+s2+$0x0], $0xffff  }
.LBB2_2:
0x46: {  	v12 =	vor.u32 s7, v18;
	v13 =	vor.u32 s7, v20;
	s10 =	sadd.s32 $0x20, s7;
	s11 =	sadd.s32 $0x60, s7;
	s6 =	sadd.s32 $0x4, s6;
	v14 =	vld.idx.msk [tilespmem:v11+s2+$0x0], $0xffff;
	[tilespmem:s1+$0xFFFFFFF0] =	vst v6  }
0x47: {  	v12 =	vand.u32 v19, v12;
	v11 =	vor.u32 s10, v18;
	v15 =	vor.u32 s10, v20;
	s10 =	sadd.s32 $0x40, s7;
	p0 =	slt.u32 s6, $0x3C;
	v16 =	vld.idx.msk [tilespmem:v10+s2+$0x0], $0xffff;
	[tilespmem:s3+$0xFFFFFFF0] =	vst v5  }
0x48: {  	v5 =	vor.u32 s10, v18;
	v17 =	vor.u32 s10, v20;
	v6 =	vld.idx.msk [tilespmem:v4+s2+$0x0], $0xffff;
	v4 =	vand.u32 v21, v11;
	[tilespmem:s1+$0x10] =	vst v9;
	s1 =	smov.u32 s4  }
.Ltmp2:
0x49: {  	v9 =	vor.u32 s11, v18;
	v11 =	vand.u32 v22, v5;
	v5 =	vld.idx.msk [tilespmem:v1+s2+$0x0], $0xffff;
	[tilespmem:s3+$0x10] =	vst v2;
	v1 =	vmov v15;
	s3 =	smov.u32 s5;
	(pc) =	sbr.rel @p0 .LBB2_2-.Ltmp2, $4  }
0x4a: {  	v10 =	vand.u32 v23, v9;
	[tilespmem:s4+$0xFFFFFFE0] =	vst v7;
	v2 =	vld.idx.msk [tilespmem:v8+s2+$0x0], $0xffff  }
0x4b: {  	[tilespmem:s5+$0xFFFFFFE0] =	vst v0;
	v0 =	vld.idx.msk [tilespmem:v13+s2+$0x0], $0xffff  }
0x4c: {  	v7 =	vld.idx.msk [tilespmem:v12+s2+$0x0], $0xffff;
	[tilespmem:s4+$0x0] =	vst v14  }
0x4d: {  	s7 =	sadd.s32 $0x80, s7;
	v8 =	vor.u32 s11, v20;
	s5 =	sadd.s32 $0x40, s5;
	s4 =	sadd.s32 $0x40, s4;
	v9 =	vmov v16;
	[tilespmem:s3+$0x0] =	vst v3;
	v3 =	vld.idx.msk [tilespmem:v17+s2+$0x0], $0xffff  }
0x4e: {  	_ =	sdelay $0x1  }
0x4f: {  	[dreg:$0x18] =	wrdreg s13  }
0x50: {  	[tilespmem:s1+$0xFFFFFFF0] =	vst v6  }
0x51: {  	v6 =	vld.idx.msk [tilespmem:v11+s2+$0x0], $0xffff;
	[tilespmem:s1+$0x10] =	vst v9  }
0x52: {  	v4 =	vld.idx.msk [tilespmem:v4+s2+$0x0], $0xffff;
	[tilespmem:s3+$0xFFFFFFF0] =	vst v5  }
0x53: {  	[tilespmem:s3+$0x10] =	vst v2  }
0x54: {  	v1 =	vld.idx.msk [tilespmem:v1+s2+$0x0], $0xffff;
	[tilespmem:s4+$0xFFFFFFE0] =	vst v7  }
0x55: {  	v2 =	vld.idx.msk [tilespmem:v10+s2+$0x0], $0xffff;
	[tilespmem:s5+$0xFFFFFFE0] =	vst v0  }
0x56: {  	v0 =	vld.idx.msk [tilespmem:v8+s2+$0x0], $0xffff;
	[tilespmem:s4+$0x0] =	vst v6  }
0x57: {  	[tilespmem:s4+$0xFFFFFFF0] =	vst v4  }
0x58: {  	[tilespmem:s5+$0x0] =	vst v3  }
0x59: {  	[tilespmem:s5+$0xFFFFFFF0] =	vst v1  }
0x5a: {  	[tilespmem:s4+$0x10] =	vst v2  }
0x5b: {  	s10 =	simm.s32 $0x400;
	[tilespmem:s5+$0x10] =	vst v0  }
0x5c: {  	s11 =	simm.s32 $0x9400;
	s13 =	simm.s32 $0x0;
	s3 =	rddreg [dreg:$0x3]  }
0x5d: {  	[tilespmem:s12], [sflag:$0x3] =	stream.indirect.gather [hbm4b:s3+s10], $0x8, s11, s10, $0xb8;
	[tilespmem:$0x15000] =	vst v63  }
0x5e: {  	s15 =	simm.s32 $0x9800;
	s18 =	simm.s32 $0x40;
	s20 =	simm.s32 $0x5;
	v1 =	vor.u32 s13, v20  }
0x5f: {  	v3 =	vor.u32 s18, v20;
	v0 =	vor.u32 s13, v18;
	[tilespmem:s14], [sflag:$0x3] =	stream.indirect.gather [hbm4b:s3+s10], $0x8, s15, s10, $0xb8;
	[tilespmem:$0x15000] =	vst v63  }
0x60: {  	s21 =	simm.s32 $0x60;
	v2 =	vor.u32 s18, v18;
	v0 =	vand.u32 v19, v0;
	_ =	swait.ge [sflag:s20], $0x800  }
0x61: {  	s23 =	simm.s32 $0x20;
	v4 =	vor.u32 s21, v18;
	v2 =	vand.u32 v22, v2;
	[sflag:s20] =	ssyncset.done $0x0  }
0x62: {  	v5 =	vor.u32 s23, v18;
	v4 =	vand.u32 v23, v4;
	[sflag:s20] =	ssyncadd.s32 $0xFFFFF800  }
0x63: {  	v5 =	vand.u32 v21, v5;
	v7 =	vld.idx.msk [tilespmem:v1+s30+$0x0], $0xffff  }
0x64: {  	s24 =	simm.s32 $0x80;
	v12 =	vld.idx.msk [tilespmem:v3+s30+$0x0], $0xffff;
	v3 =	vor.u32 s21, v20  }
0x65: {  	v8 =	vor.u32 s24, v20;
	v6 =	vor.u32 s24, v18;
	v0 =	vld.idx.msk [tilespmem:v0+s30+$0x0], $0xffff  }
0x66: {  	v11 =	vand.u32 v19, v6;
	v10 =	vld.idx.msk [tilespmem:v2+s30+$0x0], $0xffff  }
0x67: {  	v1 =	vor.u32 s23, v20;
	v9 =	vld.idx.msk [tilespmem:v4+s30+$0x0], $0xffff  }
0x68: {  	s26 =	simm.s32 $0xA0;
	v6 =	vld.idx.msk [tilespmem:v5+s30+$0x0], $0xffff  }
0x69: {  	s25 =	simm.s32 $0xC0;
	s1 =	simm.s32 $0x13C20;
	v2 =	vld.idx.msk [tilespmem:v3+s30+$0x0], $0xffff;
	v3 =	vor.u32 s26, v18  }
0x6a: {  	s7 =	simm.s32 $0xE0;
	v13 =	vor.u32 s25, v20;
	s3 =	simm.s32 $0x14020;
	[tilespmem:s1+$0xFFFFFFE0] =	vst v0;
	v0 =	vld.idx.msk [tilespmem:v8+s30+$0x0], $0xffff;
	v4 =	vand.u32 v21, v3;
	v3 =	vor.u32 s25, v18  }
0x6b: {  	v8 =	vor.u32 s7, v18;
	[tilespmem:s3+$0xFFFFFFE0] =	vst v7;
	v7 =	vld.idx.msk [tilespmem:v11+s30+$0x0], $0xffff;
	v11 =	vand.u32 v22, v3  }
0x6c: {  	v5 =	vld.idx.msk [tilespmem:v1+s30+$0x0], $0xffff;
	[tilespmem:s1+$0x0] =	vst v10;
	v10 =	vand.u32 v23, v8;
	_ =	sdelay $0x1  }
0x6d: {  	s6 =	simm.s32 $0x4;
	v1 =	vor.u32 s26, v20  }
0x6e: {  	s4 =	simm.s32 $0x13C60;
	s5 =	simm.s32 $0x14060;
	v8 =	vor.u32 s7, v20;
	s7 =	simm.s32 $0x100;
	[tilespmem:s3+$0x0] =	vst v12;
	v3 =	vld.idx.msk [tilespmem:v13+s30+$0x0], $0xffff  }
.LBB2_4:
0x6f: {  	v12 =	vor.u32 s7, v18;
	v13 =	vor.u32 s7, v20;
	s10 =	sadd.s32 $0x20, s7;
	s11 =	sadd.s32 $0x60, s7;
	s6 =	sadd.s32 $0x4, s6;
	v14 =	vld.idx.msk [tilespmem:v11+s30+$0x0], $0xffff;
	[tilespmem:s1+$0xFFFFFFF0] =	vst v6  }
0x70: {  	v12 =	vand.u32 v19, v12;
	v11 =	vor.u32 s10, v18;
	v15 =	vor.u32 s10, v20;
	s10 =	sadd.s32 $0x40, s7;
	p0 =	slt.u32 s6, $0x3C;
	v16 =	vld.idx.msk [tilespmem:v10+s30+$0x0], $0xffff;
	[tilespmem:s3+$0xFFFFFFF0] =	vst v5  }
0x71: {  	v5 =	vor.u32 s10, v18;
	v17 =	vor.u32 s10, v20;
	v6 =	vld.idx.msk [tilespmem:v4+s30+$0x0], $0xffff;
	v4 =	vand.u32 v21, v11;
	[tilespmem:s1+$0x10] =	vst v9;
	s1 =	smov.u32 s4  }
.Ltmp3:
0x72: {  	v9 =	vor.u32 s11, v18;
	v11 =	vand.u32 v22, v5;
	v5 =	vld.idx.msk [tilespmem:v1+s30+$0x0], $0xffff;
	[tilespmem:s3+$0x10] =	vst v2;
	v1 =	vmov v15;
	s3 =	smov.u32 s5;
	(pc) =	sbr.rel @p0 .LBB2_4-.Ltmp3, $4  }
0x73: {  	v10 =	vand.u32 v23, v9;
	[tilespmem:s4+$0xFFFFFFE0] =	vst v7;
	v2 =	vld.idx.msk [tilespmem:v8+s30+$0x0], $0xffff  }
0x74: {  	[tilespmem:s5+$0xFFFFFFE0] =	vst v0;
	v0 =	vld.idx.msk [tilespmem:v13+s30+$0x0], $0xffff  }
0x75: {  	v7 =	vld.idx.msk [tilespmem:v12+s30+$0x0], $0xffff;
	[tilespmem:s4+$0x0] =	vst v14  }
0x76: {  	s7 =	sadd.s32 $0x80, s7;
	v8 =	vor.u32 s11, v20;
	s5 =	sadd.s32 $0x40, s5;
	s4 =	sadd.s32 $0x40, s4;
	v9 =	vmov v16;
	[tilespmem:s3+$0x0] =	vst v3;
	v3 =	vld.idx.msk [tilespmem:v17+s30+$0x0], $0xffff  }
0x77: {  	_ =	sdelay $0x2  }
0x78: {  	[tilespmem:s1+$0xFFFFFFF0] =	vst v6  }
0x79: {  	v6 =	vld.idx.msk [tilespmem:v11+s30+$0x0], $0xffff;
	[tilespmem:s1+$0x10] =	vst v9  }
0x7a: {  	v4 =	vld.idx.msk [tilespmem:v4+s30+$0x0], $0xffff;
	[tilespmem:s3+$0xFFFFFFF0] =	vst v5  }
0x7b: {  	[tilespmem:s3+$0x10] =	vst v2  }
0x7c: {  	v1 =	vld.idx.msk [tilespmem:v1+s30+$0x0], $0xffff;
	[tilespmem:s4+$0xFFFFFFE0] =	vst v7  }
0x7d: {  	v2 =	vld.idx.msk [tilespmem:v10+s30+$0x0], $0xffff;
	[tilespmem:s5+$0xFFFFFFE0] =	vst v0  }
0x7e: {  	v0 =	vld.idx.msk [tilespmem:v8+s30+$0x0], $0xffff;
	[tilespmem:s4+$0x0] =	vst v6  }
0x7f: {  	[tilespmem:s4+$0xFFFFFFF0] =	vst v4  }
0x80: {  	[tilespmem:s5+$0x0] =	vst v3  }
0x81: {  	[tilespmem:s5+$0xFFFFFFF0] =	vst v1  }
0x82: {  	[tilespmem:s4+$0x10] =	vst v2  }
0x83: {  	[tilespmem:s5+$0x10] =	vst v0  }
0x84: {  	s24 =	simm.s32 $0x400;
	s25 =	simm.s32 $0x13C00;
	s1 =	rddreg [dreg:$0x3]  }
0x85: {  	[tilespmem:s17], [sflag:$0x7] =	stream.indirect.gather [hbm4b:s1+s24], $0x8, s25, s24, $0xb8;
	[tilespmem:$0x15000] =	vst v63  }
0x86: {  	s26 =	simm.s32 $0x14000;
	s4 =	simm.s32 $0x2  }
0x87: {  	[tilespmem:s19], [sflag:$0x7] =	stream.indirect.gather [hbm4b:s1+s24], $0x8, s26, s24, $0xb8;
	[tilespmem:$0x15000] =	vst v63  }
0x88: {  	_ =	swait.ge [sflag:s4], $0x4000  }
0x89: {  	[sflag:s4] =	ssyncset.done $0x0  }
0x8a: {  	[sflag:s4] =	ssyncadd.s32 $0xFFFFC000  }
0x8b: {  	_ =	swait.ge [sflag:s4], $0xC00  }
0x8c: {  	[sflag:s4] =	ssyncset.done $0x0  }
0x8d: {  	s5 =	simm.s32 $0x3;
	[sflag:s4] =	ssyncadd.s32 $0xFFFFF400  }
0x8e: {  	_ =	swait.ge [sflag:s5], $0x2000  }
0x8f: {  	s6 =	simm.s32 $0x20;
	s7 =	simm.s32 $0x200;
	[sflag:s5] =	ssyncset.done $0x0  }
0x90: {  	v1 =	vor.u32 s7, v47;
	v0 =	vmov s6;
	[sflag:s5] =	ssyncadd.s32 $0xFFFFE000  }
0x91: {  	v2 =	vor.u32 s7, v53;
	v0 =	vshll.u32 v0, $0x3;
	_ =	swait.ge [sflag:s5], $0x2000  }
0x92: {  	s13 =	simm.s32 $0x0;
	v4 =	vor.u32 v48, v0;
	v57 =	vld [tilespmem:$0x1FE60]  }
0x93: {  	v0 =	vmov s13;
	v7 =	vor.u32 $0x1, v4;
	[sflag:s5] =	ssyncset.done $0x0  }
0x94: {  	s15 =	simm.s32 $0x10;
	s3 =	simm.s32 $0x300;
	v0 =	vshll.u32 v0, $0x3;
	v14 =	vor.u32 $0x2, v4;
	[sflag:s5] =	ssyncadd.s32 $0xFFFFE000  }
0x95: {  	v5 =	vmov s15;
	v8 =	vor.u32 s3, v47;
	v15 =	vor.u32 v48, v0;
	v1 =	vld.idx.msk [tilespmem:v1+s28+$0x0], $0xffff  }
0x96: {  	v5 =	vshll.u32 v5, $0x3;
	v13 =	vor.u32 $0x1, v15;
	v10 =	vld.idx.msk [tilespmem:v2+s28+$0x0], $0xffff  }
0x97: {  	s18 =	simm.s32 $0x30;
	v16 =	vor.u32 v48, v5;
	v2 =	vld.idx.msk [tilespmem:v4+s14+$0x0], $0xffff;
	v3 =	vor.u32 s7, v57  }
0x98: {  	v11 =	vor.u32 $0x1, v16;
	v0 =	vmov s18;
	v6 =	vld.idx.msk [tilespmem:v7+s14+$0x0], $0xffff  }
0x99: {  	v5 =	vor.u32 s7, v60;
	v9 =	vshll.u32 v0, $0x3;
	v0 =	vld.idx.msk [tilespmem:v14+s14+$0x0], $0xffff  }
0x9a: {  	v17 =	vld.idx.msk [tilespmem:v8+s28+$0x0], $0xffff  }
0x9b: {  	s10 =	simm.s32 $0x0;
	v45 =	vld.idx.msk [tilespmem:v13+s14+$0x0], $0xffff  }
0x9c: {  	v18 =	vor.u32 s10, v47;
	v3 =	vld.idx.msk [tilespmem:v3+s28+$0x0], $0xffff  }
0x9d: {  	v19 =	vor.u32 s10, v53;
	s13 =	simm.s32 $0x100;
	v34 =	vld.idx.msk [tilespmem:v11+s14+$0x0], $0xffff  }
0x9e: {  	v22 =	vor.u32 s13, v47;
	v5 =	vld.idx.msk [tilespmem:v5+s28+$0x0], $0xffff  }
0x9f: {  	v23 =	vor.u32 $0x2, v16;
	v12 =	vld.idx.msk [tilespmem:v15+s14+$0x0], $0xffff;
	v1 =	vmul.f32 v1, v2;
	v10 =	vmul.f32 v10, v6  }
0xa0: {  	v20 =	vor.u32 $0x2, v15;
	v9 =	vor.u32 v48, v9;
	v46 =	vld.idx.msk [tilespmem:v16+s14+$0x0], $0xffff  }
0xa1: {  	v8 =	vor.u32 $0x1, v9;
	v18 =	vld.idx.msk [tilespmem:v18+s28+$0x0], $0xffff;
	v10 =	vadd.f32 v10, v1;
	v3 =	vmul.f32 v3, v0  }
0xa2: {  	v19 =	vld.idx.msk [tilespmem:v19+s28+$0x0], $0xffff;
	v21 =	vor.u32 s10, v57  }
0xa3: {  	s20 =	simm.s32 $0x60;
	v22 =	vld.idx.msk [tilespmem:v22+s28+$0x0], $0xffff;
	v3 =	vadd.f32 v3, v10;
	v10 =	vor.u32 s13, v53  }
0xa4: {  	v25 =	vadd.s32 s20, v49;
	v39 =	vld.idx.msk [tilespmem:v23+s14+$0x0], $0xffff;
	v26 =	vor.u32 s13, v57  }
0xa5: {  	v25 =	vand.u32 $0x1FF8, v25;
	v24 =	vadd.f32 v3, v5;
	v5 =	vor.u32 s10, v60;
	v3 =	vld.idx.msk [tilespmem:v20+s14+$0x0], $0xffff  }
0xa6: {  	v25 =	vor.u32 v43, v25;
	v1 =	vld.idx.msk [tilespmem:v8+s14+$0x0], $0xffff  }
0xa7: {  	v21 =	vld.idx.msk [tilespmem:v21+s28+$0x0], $0xffff;
	v27 =	vtrunc.f32 v24  }
0xa8: {  	v27 =	vcvt.f32.s32 v27;
	v28 =	vld.idx.msk [tilespmem:v10+s28+$0x0], $0xffff;
	[tilespmem:$0x1FCA0] =	vst v45  }
0xa9: {  	v10 =	vmul.f32 v18, v12;
	v26 =	vld.idx.msk [tilespmem:v26+s28+$0x0], $0xffff  }
0xaa: {  	v18 =	vmul.f32 v19, v45;
	v19 =	vcvt.s32.f32 v27;
	v27 =	vor.u32 s3, v53;
	v30 =	vld.idx.msk [tilespmem:v5+s28+$0x0], $0xffff;
	[tilespmem:$0x1FD50] =	vst v3  }
0xab: {  	v29 =	vor.u32 s13, v60;
	v31 =	vld.idx.msk [tilespmem:v25+s29+$0x0], $0xffff  }
0xac: {  	v5 =	vimm.f32 $0.0e+00;
	v35 =	vld.idx.msk [tilespmem:v9+s14+$0x0], $0xffff;
	[tilespmem:$0x1FCB0] =	vst v46;
	vm0 =	vlt.f32 v24, v19  }
0xad: {  	[tilespmem:$0x1FCC0] =	vst v34;
	v32 =	vsel vm0, $0x3F800000, v5  }
0xae: {  	v40 =	vld.idx.msk [tilespmem:v4+s12+$0x0], $0xffff;
	v19 =	vsub.f32 v19, v32  }
0xaf: {  	v18 =	vadd.f32 v18, v10;
	v21 =	vmul.f32 v21, v3;
	v27 =	vld.idx.msk [tilespmem:v27+s28+$0x0], $0xffff  }
0xb0: {  	v10 =	vor.u32 $0x2, v9;
	v19 =	vsub.f32 v24, v19;
	v24 =	vld.idx.msk [tilespmem:v29+s28+$0x0], $0xffff;
	[tilespmem:$0x1FD60] =	vst v39  }
0xb1: {  	v33 =	vor.u32 s3, v57;
	v18 =	vadd.f32 v21, v18;
	v38 =	vld.idx.msk [tilespmem:v7+s12+$0x0], $0xffff  }
0xb2: {  	s15 =	simm.s32 $0x0;
	v22 =	vmul.f32 v22, v46;
	v21 =	vor.u32 s3, v60;
	v28 =	vmul.f32 v28, v34;
	v7 =	vld.idx.msk [tilespmem:v14+s12+$0x0], $0xffff  }
0xb3: {  	v4 =	vor.u32 s15, v49;
	v26 =	vmul.f32 v26, v39;
	v18 =	vadd.f32 v18, v30  }
0xb4: {  	v22 =	vadd.f32 v28, v22;
	v28 =	vand.u32 v41, v4;
	v19 =	vadd.f32 v19, v31  }
0xb5: {  	v61 =	vor.u32 s7, v36;
	v4 =	vld.idx.msk [tilespmem:v10+s14+$0x0], $0xffff;
	v31 =	vor.u32 s7, v52  }
0xb6: {  	s18 =	simm.s32 $0x30;
	v29 =	vtrunc.f32 v18;
	v30 =	vld.idx.msk [tilespmem:v33+s28+$0x0], $0xffff;
	v22 =	vadd.f32 v26, v22;
	v19 =	vsub.f32 v40, v19  }
0xb7: {  	v59 =	vadd.s32 s18, v49;
	v21 =	vld.idx.msk [tilespmem:v21+s28+$0x0], $0xffff;
	v26 =	vcvt.f32.s32 v29;
	[tilespmem:$0x1FC80] =	vst v7  }
0xb8: {  	v17 =	vmul.f32 v17, v35;
	v29 =	vand.u32 $0x1FF8, v59;
	v22 =	vadd.f32 v22, v24;
	[tilespmem:v25+s22+$0x0] =	vst.idx.msk $0xffff, v19  }
0xb9: {  	v24 =	vcvt.s32.f32 v26;
	v26 =	vor.u32 v43, v29;
	v29 =	vor.u32 s7, v37;
	v40 =	vld.idx.msk [tilespmem:v28+s29+$0x0], $0xffff;
	[tilespmem:$0x1FD30] =	vst v35  }
0xba: {  	v27 =	vmul.f32 v27, v1;
	v19 =	vtrunc.f32 v22;
	v25 =	vld.idx.msk [tilespmem:v31+s28+$0x0], $0xffff;
	[tilespmem:$0x1FD40] =	vst v1  }
0xbb: {  	vm12 =	vlt.f32 v18, v24;
	v19 =	vcvt.f32.s32 v19;
	v33 =	vld.idx.msk [tilespmem:v61+s28+$0x0], $0xffff  }
0xbc: {  	v17 =	vadd.f32 v27, v17;
	v27 =	vmul.f32 v30, v4;
	v31 =	vsel vm12, $0x3F800000, v5;
	v15 =	vld.idx.msk [tilespmem:v15+s12+$0x0], $0xffff;
	[tilespmem:$0x1FD90] =	vst v4  }
0xbd: {  	v41 =	vor.u32 s7, v58;
	v24 =	vsub.f32 v24, v31;
	v19 =	vcvt.s32.f32 v19;
	v20 =	vld.idx.msk [tilespmem:v20+s12+$0x0], $0xffff  }
0xbe: {  	v17 =	vadd.f32 v27, v17;
	v29 =	vld.idx.msk [tilespmem:v29+s28+$0x0], $0xffff  }
0xbf: {  	v31 =	vld.idx.msk [tilespmem:v26+s29+$0x0], $0xffff;
	v18 =	vsub.f32 v18, v24;
	vm13 =	vlt.f32 v22, v19  }
0xc0: {  	v51 =	vmov v52;
	v17 =	vadd.f32 v17, v21;
	v16 =	vld.idx.msk [tilespmem:v16+s12+$0x0], $0xffff;
	v27 =	vsel vm13, $0x3F800000, v5  }
0xc1: {  	v13 =	vld.idx.msk [tilespmem:v13+s12+$0x0], $0xffff;
	v24 =	vor.u32 s10, v51;
	v14 =	vadd.f32 v18, v40;
	v19 =	vsub.f32 v19, v27  }
0xc2: {  	v30 =	vor.u32 s10, v36;
	v18 =	vld.idx.msk [tilespmem:v41+s28+$0x0], $0xffff;
	v25 =	vmul.f32 v25, v2;
	v33 =	vmul.f32 v33, v6;
	[tilespmem:$0x1FC50] =	vst v20  }
0xc3: {  	v50 =	vtrunc.f32 v17;
	v14 =	vsub.f32 v15, v14;
	v19 =	vsub.f32 v22, v19;
	v23 =	vld.idx.msk [tilespmem:v23+s12+$0x0], $0xffff  }
0xc4: {  	v27 =	vor.u32 s10, v37;
	v21 =	vmul.f32 v29, v0;
	v15 =	vadd.f32 v33, v25  }
0xc5: {  	s11 =	simm.s32 $0x90;
	v20 =	vor.u32 s13, v51;
	v22 =	vor.u32 s13, v36;
	[tilespmem:v28+s22+$0x0] =	vst.idx.msk $0xffff, v14;
	v19 =	vadd.f32 v19, v31  }
0xc6: {  	v25 =	vadd.s32 s11, v49;
	v14 =	vcvt.f32.s32 v50;
	v15 =	vadd.f32 v21, v15;
	v21 =	vld.idx.msk [tilespmem:v24+s28+$0x0], $0xffff  }
0xc7: {  	v25 =	vand.u32 $0x1FF8, v25;
	v24 =	vor.u32 s10, v58;
	v28 =	vld.idx.msk [tilespmem:v30+s28+$0x0], $0xffff;
	v16 =	vsub.f32 v16, v19  }
0xc8: {  	v11 =	vld.idx.msk [tilespmem:v11+s12+$0x0], $0xffff;
	v15 =	vadd.f32 v15, v18;
	v18 =	vor.u32 v43, v25;
	[tilespmem:$0x1FC60] =	vst v23  }
0xc9: {  	v14 =	vcvt.s32.f32 v14;
	v25 =	vor.u32 s13, v37;
	v19 =	vld.idx.msk [tilespmem:v27+s28+$0x0], $0xffff;
	[tilespmem:v26+s22+$0x0] =	vst.idx.msk $0xffff, v16  }
0xca: {  	v27 =	vtrunc.f32 v15;
	v16 =	vadd.s32 s20, v44;
	v20 =	vld.idx.msk [tilespmem:v20+s28+$0x0], $0xffff  }
0xcb: {  	vm14 =	vlt.f32 v17, v14;
	v26 =	vcvt.f32.s32 v27;
	v16 =	vand.u32 $0x1FF8, v16;
	v22 =	vld.idx.msk [tilespmem:v22+s28+$0x0], $0xffff  }
0xcc: {  	v21 =	vmul.f32 v21, v12;
	v27 =	vmul.f32 v28, v45;
	v24 =	vld.idx.msk [tilespmem:v24+s28+$0x0], $0xffff;
	v16 =	vor.u32 v63, v16  }
0xcd: {  	v55 =	vmov v58;
	v29 =	vsel vm14, $0x3F800000, v5;
	v30 =	vld.idx.msk [tilespmem:v18+s29+$0x0], $0xffff;
	v26 =	vcvt.s32.f32 v26  }
0xce: {  	v14 =	vsub.f32 v14, v29;
	v21 =	vadd.f32 v27, v21;
	v25 =	vld.idx.msk [tilespmem:v25+s28+$0x0], $0xffff;
	v19 =	vmul.f32 v19, v3  }
0xcf: {  	v59 =	vld.idx.msk [tilespmem:v9+s12+$0x0], $0xffff;
	v28 =	vor.u32 s13, v55;
	vm15 =	vlt.f32 v15, v26  }
0xd0: {  	v42 =	vmovc v34;
	v10 =	vld.idx.msk [tilespmem:v10+s12+$0x0], $0xffff;
	v14 =	vsub.f32 v17, v14;
	v17 =	vsel vm15, $0x3F800000, v5;
	v9 =	vadd.f32 v19, v21  }
0xd1: {  	v20 =	vmul.f32 v20, v46;
	v22 =	vmul.f32 v22, v42;
	v21 =	vld.idx.msk [tilespmem:v16+s29+$0x0], $0xffff;
	v17 =	vsub.f32 v26, v17  }
0xd2: {  	v14 =	vadd.f32 v14, v30;
	v24 =	vadd.f32 v9, v24  }
0xd3: {  	v61 =	vor.u32 s15, v44;
	v20 =	vadd.f32 v22, v20;
	v22 =	vmul.f32 v25, v39  }
0xd4: {  	v9 =	vld.idx.msk [tilespmem:v8+s12+$0x0], $0xffff;
	v33 =	vsub.f32 v15, v17;
	v8 =	vsub.f32 v59, v14;
	v25 =	vtrunc.f32 v24  }
0xd5: {  	v27 =	vor.u32 s3, v36;
	v26 =	vld.idx.msk [tilespmem:v28+s28+$0x0], $0xffff;
	[tilespmem:$0x1FC70] =	vst v10;
	v15 =	vcvt.f32.s32 v25  }
0xd6: {  	v3 =	vld [tilespmem:$0x1FE70];
	[tilespmem:v18+s22+$0x0] =	vst.idx.msk $0xffff, v8;
	v8 =	vadd.f32 v33, v21  }
0xd7: {  	v15 =	vcvt.s32.f32 v15  }
0xd8: {  	v25 =	vadd.s32 s18, v44;
	v7 =	vld [tilespmem:$0x1FF40];
	v8 =	vsub.f32 v38, v8  }
0xd9: {  	v10 =	vadd.f32 v22, v20;
	v18 =	vand.u32 $0x1FF8, v25;
	v25 =	vld.idx.msk [tilespmem:v61+s29+$0x0], $0xffff;
	vm4 =	vlt.f32 v24, v15  }
0xda: {  	v23 =	vor.u32 s3, v51;
	v22 =	vor.u32 v63, v18;
	v18 =	vld.idx.msk [tilespmem:v27+s28+$0x0], $0xffff;
	[tilespmem:v16+s22+$0x0] =	vst.idx.msk $0xffff, v8;
	v27 =	vsel vm4, $0x3F800000, v5  }
0xdb: {  	v31 =	vor.u32 s3, v37;
	v40 =	vld [tilespmem:$0x1FF60];
	v15 =	vsub.f32 v15, v27  }
0xdc: {  	v52 =	vmov v36;
	v36 =	vor.u32 s7, v3;
	v10 =	vadd.f32 v10, v26  }
0xdd: {  	v17 =	vadd.s32 s11, v44;
	v21 =	vor.u32 s7, v62;
	v39 =	vld [tilespmem:$0x1FF50];
	v15 =	vsub.f32 v24, v15  }
0xde: {  	v29 =	vor.u32 s3, v55;
	v17 =	vand.u32 $0x1FF8, v17;
	v26 =	vtrunc.f32 v10  }
0xdf: {  	v20 =	vld.idx.msk [tilespmem:v23+s28+$0x0], $0xffff;
	v8 =	vor.u32 v63, v17;
	v23 =	vor.u32 s7, v7;
	v15 =	vadd.f32 v15, v25  }
0xe0: {  	s21 =	simm.s32 $0x60;
	v28 =	vld.idx.msk [tilespmem:v31+s28+$0x0], $0xffff;
	v16 =	vcvt.f32.s32 v26;
	[tilespmem:$0x1FD10] =	vst v8;
	v18 =	vmul.f32 v18, v1;
	v26 =	vadd.s32 s20, v40  }
0xe1: {  	v14 =	vld.idx.msk [tilespmem:v36+s28+$0x0], $0xffff;
	v26 =	vand.u32 $0x1FF8, v26;
	v13 =	vsub.f32 v13, v15;
	v15 =	vmov s21  }
0xe2: {  	v21 =	vld.idx.msk [tilespmem:v21+s28+$0x0], $0xffff;
	v17 =	vor.u32 s7, v39;
	v1 =	vor.u32 v56, v26;
	v15 =	vshll.u32 v15, $0x3  }
0xe3: {  	v16 =	vcvt.s32.f32 v16;
	v24 =	vld.idx.msk [tilespmem:v29+s28+$0x0], $0xffff;
	[tilespmem:$0x1FE40] =	vst v1;
	v31 =	vor.u32 v48, v15  }
0xe4: {  	v19 =	vor.u32 s10, v3;
	v20 =	vmul.f32 v20, v35;
	v23 =	vld.idx.msk [tilespmem:v23+s28+$0x0], $0xffff  }
0xe5: {  	vm5 =	vlt.f32 v10, v16;
	v25 =	vld.idx.msk [tilespmem:v22+s29+$0x0], $0xffff  }
0xe6: {  	s6 =	simm.s32 $0x600;
	v18 =	vadd.f32 v18, v20;
	v20 =	vmul.f32 v28, v4;
	v26 =	vor.u32 s10, v62;
	v28 =	vld.idx.msk [tilespmem:v8+s29+$0x0], $0xffff  }
0xe7: {  	v29 =	vor.u32 s6, v47;
	v27 =	vsel vm5, $0x3F800000, v5;
	v30 =	vld.idx.msk [tilespmem:v17+s28+$0x0], $0xffff  }
0xe8: {  	v16 =	vsub.f32 v16, v27;
	[tilespmem:v61+s22+$0x0] =	vst.idx.msk $0xffff, v13;
	v17 =	vor.u32 s6, v53;
	v4 =	vld.idx.msk [tilespmem:v31+s14+$0x0], $0xffff  }
0xe9: {  	v15 =	vadd.f32 v20, v18;
	v18 =	vld.idx.msk [tilespmem:v19+s28+$0x0], $0xffff;
	v19 =	vor.u32 $0x1, v31  }
0xea: {  	v6 =	vmul.f32 v21, v6;
	v10 =	vsub.f32 v10, v16;
	v21 =	vor.u32 $0x2, v31;
	v27 =	vld.idx.msk [tilespmem:v1+s29+$0x0], $0xffff  }
0xeb: {  	v13 =	vld.idx.msk [tilespmem:v26+s28+$0x0], $0xffff  }
0xec: {  	v54 =	vmovc v37;
	v37 =	vor.u32 s6, v57;
	v2 =	vmul.f32 v14, v2;
	v10 =	vadd.f32 v10, v25;
	v25 =	vld.idx.msk [tilespmem:v29+s28+$0x0], $0xffff  }
0xed: {  	s23 =	simm.s32 $0x40;
	v38 =	vld.idx.msk [tilespmem:v17+s28+$0x0], $0xffff;
	[tilespmem:$0x1FCD0] =	vst v4  }
0xee: {  	v29 =	vadd.f32 v6, v2;
	v2 =	vmov s23;
	v41 =	vld.idx.msk [tilespmem:v19+s14+$0x0], $0xffff  }
0xef: {  	v24 =	vadd.f32 v15, v24;
	v15 =	vshll.u32 v2, $0x3;
	v2 =	vld.idx.msk [tilespmem:v21+s14+$0x0], $0xffff  }
0xf0: {  	v58 =	vmov v44;
	v44 =	vor.u32 s6, v60  }
0xf1: {  	v17 =	vmul.f32 v23, v0;
	v6 =	vsub.f32 v11, v10;
	v23 =	vld.idx.msk [tilespmem:v37+s28+$0x0], $0xffff  }
0xf2: {  	s24 =	simm.s32 $0x50  }
0xf3: {  	v20 =	vor.u32 s13, v3;
	v26 =	vor.u32 s13, v62;
	v10 =	vmov s24;
	[tilespmem:v22+s22+$0x0] =	vst.idx.msk $0xffff, v6  }
0xf4: {  	s5 =	simm.s32 $0x700;
	v15 =	vor.u32 v48, v15;
	v25 =	vmul.f32 v25, v4;
	[tilespmem:$0x1FCE0] =	vst v2;
	v32 =	vmul.f32 v38, v41  }
0xf5: {  	v11 =	vor.u32 s5, v47;
	v10 =	vshll.u32 v10, $0x3;
	v1 =	vor.u32 $0x1, v15;
	v33 =	vld.idx.msk [tilespmem:v44+s28+$0x0], $0xffff  }
0xf6: {  	v16 =	vor.u32 v48, v10;
	v23 =	vmul.f32 v23, v2;
	v25 =	vadd.f32 v32, v25  }
0xf7: {  	s25 =	simm.s32 $0x70;
	v29 =	vadd.f32 v17, v29;
	v14 =	vor.u32 $0x1, v16  }
0xf8: {  	v45 =	vtrunc.f32 v24;
	v22 =	vmov s25;
	v20 =	vld.idx.msk [tilespmem:v20+s28+$0x0], $0xffff;
	v23 =	vadd.f32 v23, v25  }
0xf9: {  	s7 =	simm.s32 $0x400;
	v34 =	vcvt.f32.s32 v45;
	v29 =	vadd.f32 v29, v30;
	v17 =	vshll.u32 v22, $0x3;
	v22 =	vld.idx.msk [tilespmem:v26+s28+$0x0], $0xffff  }
0xfa: {  	s26 =	simm.s32 $0x500;
	v35 =	vor.u32 s7, v53;
	v26 =	vld.idx.msk [tilespmem:v11+s28+$0x0], $0xffff;
	v23 =	vadd.f32 v23, v33  }
0xfb: {  	v30 =	vcvt.s32.f32 v34;
	v34 =	vor.u32 s26, v47;
	v59 =	vtrunc.f32 v29;
	v61 =	vld.idx.msk [tilespmem:v1+s14+$0x0], $0xffff  }
0xfc: {  	v37 =	vor.u32 s26, v53;
	v10 =	vld.idx.msk [tilespmem:v14+s14+$0x0], $0xffff;
	v25 =	vcvt.f32.s32 v59;
	v62 =	vtrunc.f32 v23  }
0xfd: {  	v45 =	vor.u32 $0x2, v16;
	v4 =	vld.idx.msk [tilespmem:v15+s14+$0x0], $0xffff;
	v44 =	vcvt.f32.s32 v62  }
0xfe: {  	v46 =	vor.u32 s7, v47;
	vm6 =	vlt.f32 v24, v30;
	v50 =	vld.idx.msk [tilespmem:v16+s14+$0x0], $0xffff;
	v25 =	vcvt.s32.f32 v25  }
0xff: {  	v17 =	vor.u32 v48, v17;
	v36 =	vsel vm6, $0x3F800000, v5;
	v35 =	vld.idx.msk [tilespmem:v35+s28+$0x0], $0xffff;
	v44 =	vcvt.s32.f32 v44  }
0x100: {  	v8 =	vor.u32 $0x1, v17;
	v30 =	vsub.f32 v30, v36;
	v34 =	vld.idx.msk [tilespmem:v34+s28+$0x0], $0xffff;
	vm7 =	vlt.f32 v29, v25  }
0x101: {  	s20 =	simm.s32 $0x120;
	v36 =	vor.u32 $0x2, v17;
	v37 =	vld.idx.msk [tilespmem:v37+s28+$0x0], $0xffff;
	v62 =	vsel vm7, $0x3F800000, v5;
	vm8 =	vlt.f32 v23, v44  }
0x102: {  	v38 =	vadd.s32 s20, v49;
	v6 =	vld.idx.msk [tilespmem:v45+s14+$0x0], $0xffff;
	v25 =	vsub.f32 v25, v62;
	v62 =	vsel vm8, $0x3F800000, v5  }
0x103: {  	v38 =	vand.u32 $0x1FF8, v38;
	v33 =	vor.u32 s5, v53;
	v44 =	vsub.f32 v44, v62;
	v62 =	vld [tilespmem:$0x1FC80]  }
0x104: {  	v42 =	vld.idx.msk [tilespmem:v17+s14+$0x0], $0xffff;
	v38 =	vor.u32 v43, v38;
	v25 =	vsub.f32 v29, v25  }
0x105: {  	v32 =	vld.idx.msk [tilespmem:v46+s28+$0x0], $0xffff;
	v59 =	vor.u32 $0x2, v15  }
0x106: {  	v0 =	vld.idx.msk [tilespmem:v8+s14+$0x0], $0xffff;
	v25 =	vadd.f32 v25, v27  }
0x107: {  	v24 =	vsub.f32 v24, v30;
	v2 =	vld.idx.msk [tilespmem:v36+s14+$0x0], $0xffff  }
0x108: {  	v30 =	vld.idx.msk [tilespmem:v33+s28+$0x0], $0xffff;
	v29 =	vor.u32 s7, v57;
	v25 =	vsub.f32 v62, v25  }
0x109: {  	v24 =	vadd.f32 v24, v28;
	v28 =	vor.u32 s26, v57;
	v33 =	vld.idx.msk [tilespmem:v38+s29+$0x0], $0xffff  }
0x10a: {  	v11 =	vld.idx.msk [tilespmem:v59+s14+$0x0], $0xffff;
	v27 =	vor.u32 s5, v57;
	[tilespmem:$0x1FE50] =	vst v25  }
0x10b: {  	v24 =	vsub.f32 v9, v24;
	v9 =	vor.u32 s7, v60;
	v25 =	vld.idx.msk [tilespmem:v31+s12+$0x0], $0xffff  }
0x10c: {  	v23 =	vsub.f32 v23, v44;
	v62 =	vld.idx.msk [tilespmem:v21+s12+$0x0], $0xffff  }
0x10d: {  	v29 =	vld.idx.msk [tilespmem:v29+s28+$0x0], $0xffff  }
0x10e: {  	v23 =	vadd.f32 v23, v33;
	v28 =	vld.idx.msk [tilespmem:v28+s28+$0x0], $0xffff  }
0x10f: {  	v27 =	vld.idx.msk [tilespmem:v27+s28+$0x0], $0xffff  }
0x110: {  	v9 =	vld.idx.msk [tilespmem:v9+s28+$0x0], $0xffff;
	v23 =	vsub.f32 v25, v23  }
0x111: {  	v19 =	vld.idx.msk [tilespmem:v19+s12+$0x0], $0xffff;
	[tilespmem:$0x1FC90] =	vst v62  }
0x112: {  	[tilespmem:v38+s22+$0x0] =	vst.idx.msk $0xffff, v23  }
0x113: {  	v37 =	vmul.f32 v37, v10;
	v44 =	vmov v10;
	v10 =	vld [tilespmem:$0x1FCA0];
	_ =	sdelay $0x4  }
0x114: {  	v13 =	vmul.f32 v13, v10;
	v10 =	vld [tilespmem:$0x1FCB0]  }
0x115: {  	v35 =	vmul.f32 v35, v61;
	v32 =	vmul.f32 v32, v4;
	v31 =	vor.u32 s26, v60  }
0x116: {  	v46 =	vor.u32 s5, v60;
	v26 =	vmul.f32 v26, v42;
	v30 =	vmul.f32 v30, v0  }
0x117: {  	v32 =	vadd.f32 v35, v32;
	v35 =	vor.u32 s6, v51  }
0x118: {  	v26 =	vadd.f32 v30, v26;
	v30 =	vor.u32 s6, v52  }
0x119: {  	v20 =	vmul.f32 v20, v10;
	v10 =	vld [tilespmem:$0x1FCC0]  }
0x11a: {  	s23 =	simm.s32 $0xF0;
	v31 =	vld.idx.msk [tilespmem:v31+s28+$0x0], $0xffff  }
0x11b: {  	v34 =	vmul.f32 v34, v50;
	v57 =	vadd.s32 s23, v49;
	v29 =	vmul.f32 v29, v11;
	v33 =	vld.idx.msk [tilespmem:v46+s28+$0x0], $0xffff  }
0x11c: {  	v21 =	vand.u32 $0x1FF8, v57;
	v35 =	vld.idx.msk [tilespmem:v35+s28+$0x0], $0xffff  }
0x11d: {  	v34 =	vadd.f32 v37, v34;
	v21 =	vor.u32 v43, v21;
	v29 =	vadd.f32 v29, v32;
	v30 =	vld.idx.msk [tilespmem:v30+s28+$0x0], $0xffff  }
0x11e: {  	v28 =	vmul.f32 v28, v6;
	v23 =	vor.u32 s6, v54;
	v57 =	vmul.f32 v22, v10;
	v10 =	vld [tilespmem:$0x1FCD0]  }
0x11f: {  	v38 =	vld [tilespmem:$0x1FF30];
	v29 =	vadd.f32 v29, v9;
	v9 =	vor.u32 s6, v55  }
0x120: {  	s1 =	simm.s32 $0x150;
	v28 =	vadd.f32 v28, v34;
	v46 =	vld [tilespmem:$0x1FF90]  }
0x121: {  	v25 =	vadd.s32 s1, v49;
	v17 =	vld.idx.msk [tilespmem:v17+s12+$0x0], $0xffff  }
0x122: {  	v25 =	vand.u32 $0x1FF8, v25;
	v28 =	vadd.f32 v28, v31;
	v31 =	vld.idx.msk [tilespmem:v21+s29+$0x0], $0xffff  }
0x123: {  	s21 =	simm.s32 $0xC0;
	v25 =	vor.u32 v43, v25;
	v23 =	vld.idx.msk [tilespmem:v23+s28+$0x0], $0xffff;
	v30 =	vmul.f32 v30, v41;
	v62 =	vmul.f32 v35, v10  }
0x124: {  	v18 =	vmul.f32 v18, v12;
	v12 =	vor.u32 s21, v49;
	v35 =	vor.u32 s3, v38;
	v38 =	vld.idx.msk [tilespmem:v9+s28+$0x0], $0xffff  }
0x125: {  	v32 =	vand.u32 v46, v12;
	v9 =	vadd.f32 v30, v62;
	v62 =	vld [tilespmem:$0x1FCE0]  }
0x126: {  	v46 =	vld.idx.msk [tilespmem:v1+s12+$0x0], $0xffff  }
0x127: {  	v27 =	vmul.f32 v27, v2;
	v1 =	vld.idx.msk [tilespmem:v45+s12+$0x0], $0xffff  }
0x128: {  	v37 =	vld.idx.msk [tilespmem:v25+s29+$0x0], $0xffff  }
0x129: {  	v12 =	vld.idx.msk [tilespmem:v16+s12+$0x0], $0xffff;
	v22 =	vadd.f32 v27, v26  }
0x12a: {  	v27 =	vld.idx.msk [tilespmem:v32+s29+$0x0], $0xffff;
	v23 =	vmul.f32 v23, v62  }
0x12b: {  	v22 =	vadd.f32 v22, v33;
	v33 =	vld.idx.msk [tilespmem:v15+s12+$0x0], $0xffff  }
0x12c: {  	v15 =	vadd.f32 v57, v20;
	v20 =	vadd.f32 v23, v9;
	v9 =	vld.idx.msk [tilespmem:v14+s12+$0x0], $0xffff;
	[tilespmem:$0x1FCF0] =	vst v1  }
0x12d: {  	v26 =	vtrunc.f32 v29;
	v1 =	vld.idx.msk [tilespmem:v59+s12+$0x0], $0xffff  }
0x12e: {  	v13 =	vadd.f32 v13, v18;
	v18 =	vtrunc.f32 v28;
	v26 =	vcvt.f32.s32 v26;
	v59 =	vmovc v0;
	v0 =	vld [tilespmem:$0x1FD10]  }
0x12f: {  	v18 =	vcvt.f32.s32 v18  }
0x130: {  	v26 =	vcvt.s32.f32 v26  }
0x131: {  	v16 =	vcvt.s32.f32 v18  }
0x132: {  	vm9 =	vlt.f32 v29, v26  }
0x133: {  	vm10 =	vlt.f32 v28, v16;
	v18 =	vtrunc.f32 v22;
	v23 =	vsel vm9, $0x3F800000, v5  }
0x134: {  	v43 =	vsel vm10, $0x3F800000, v5;
	v18 =	vcvt.f32.s32 v18;
	v23 =	vsub.f32 v26, v23  }
0x135: {  	v45 =	vld [tilespmem:$0x1FF30];
	v14 =	vsub.f32 v16, v43;
	[tilespmem:$0x1FD00] =	vst v1  }
0x136: {  	v18 =	vcvt.s32.f32 v18;
	v23 =	vsub.f32 v29, v23;
	[tilespmem:v0+s22+$0x0] =	vst.idx.msk $0xffff, v24;
	v0 =	vld.idx.msk [tilespmem:v36+s12+$0x0], $0xffff  }
0x137: {  	v20 =	vadd.f32 v20, v38;
	v38 =	vld.idx.msk [tilespmem:v8+s12+$0x0], $0xffff;
	v8 =	vsub.f32 v28, v14  }
0x138: {  	v34 =	vor.u32 s3, v3;
	vm11 =	vlt.f32 v22, v18;
	v23 =	vadd.f32 v23, v27  }
0x139: {  	v24 =	vsel vm11, $0x3F800000, v5;
	v8 =	vadd.f32 v8, v31  }
0x13a: {  	v23 =	vsub.f32 v33, v23;
	v18 =	vsub.f32 v18, v24  }
0x13b: {  	v16 =	vadd.s32 s20, v58;
	v8 =	vsub.f32 v12, v8;
	[tilespmem:$0x1FD20] =	vst v0  }
0x13c: {  	v30 =	vor.u32 s10, v7;
	v16 =	vand.u32 $0x1FF8, v16;
	v18 =	vsub.f32 v22, v18;
	[tilespmem:v32+s22+$0x0] =	vst.idx.msk $0xffff, v23  }
0x13d: {  	v16 =	vor.u32 v63, v16;
	v28 =	vld.idx.msk [tilespmem:v34+s28+$0x0], $0xffff;
	[tilespmem:v21+s22+$0x0] =	vst.idx.msk $0xffff, v8  }
0x13e: {  	v29 =	vtrunc.f32 v20;
	v18 =	vadd.f32 v18, v37;
	v0 =	vld [tilespmem:$0x1FD30]  }
0x13f: {  	v26 =	vor.u32 s13, v7;
	v29 =	vcvt.f32.s32 v29  }
0x140: {  	v14 =	vor.u32 s3, v7;
	v31 =	vld.idx.msk [tilespmem:v35+s28+$0x0], $0xffff;
	v17 =	vsub.f32 v17, v18  }
0x141: {  	v29 =	vcvt.s32.f32 v29;
	v24 =	vor.u32 s7, v51;
	v22 =	vld.idx.msk [tilespmem:v30+s28+$0x0], $0xffff  }
0x142: {  	v27 =	vor.u32 s7, v52;
	v57 =	vld.idx.msk [tilespmem:v16+s29+$0x0], $0xffff;
	[tilespmem:v25+s22+$0x0] =	vst.idx.msk $0xffff, v17  }
0x143: {  	vm12 =	vlt.f32 v20, v29;
	v36 =	vmul.f32 v28, v0;
	v0 =	vld [tilespmem:$0x1FD40]  }
0x144: {  	v34 =	vor.u32 s26, v51;
	v30 =	vsel vm12, $0x3F800000, v5;
	v26 =	vld.idx.msk [tilespmem:v26+s28+$0x0], $0xffff  }
0x145: {  	v43 =	vor.u32 s5, v51;
	v51 =	vld.idx.msk [tilespmem:v14+s28+$0x0], $0xffff;
	v29 =	vsub.f32 v29, v30;
	v30 =	vor.u32 s26, v52  }
0x146: {  	v21 =	vld.idx.msk [tilespmem:v24+s28+$0x0], $0xffff  }
0x147: {  	v18 =	vor.u32 s7, v54;
	v5 =	vld.idx.msk [tilespmem:v27+s28+$0x0], $0xffff;
	v8 =	vsub.f32 v20, v29  }
0x148: {  	v1 =	vmul.f32 v31, v0;
	v0 =	vld [tilespmem:$0x1FD50]  }
0x149: {  	v20 =	vor.u32 s5, v52;
	v8 =	vadd.f32 v8, v57;
	v28 =	vld.idx.msk [tilespmem:v34+s28+$0x0], $0xffff  }
0x14a: {  	v29 =	vld.idx.msk [tilespmem:v30+s28+$0x0], $0xffff  }
0x14b: {  	v57 =	vor.u32 s26, v54;
	v30 =	vld.idx.msk [tilespmem:v43+s28+$0x0], $0xffff;
	v8 =	vsub.f32 v19, v8  }
0x14c: {  	v25 =	vor.u32 s5, v54;
	v18 =	vld.idx.msk [tilespmem:v18+s28+$0x0], $0xffff  }
0x14d: {  	v27 =	vadd.s32 s18, v40;
	v19 =	vor.u32 s7, v55;
	v43 =	vmul.f32 v22, v0;
	v0 =	vld [tilespmem:$0x1FD60];
	[tilespmem:v16+s22+$0x0] =	vst.idx.msk $0xffff, v8  }
0x14e: {  	v27 =	vand.u32 $0x1FF8, v27;
	v20 =	vld.idx.msk [tilespmem:v20+s28+$0x0], $0xffff;
	[tilespmem:$0x1FD70] =	vst v4  }
0x14f: {  	v17 =	vadd.s32 s11, v40;
	v24 =	vor.u32 v56, v27;
	v22 =	vor.u32 s26, v55;
	[tilespmem:$0x1FD80] =	vst v61  }
0x150: {  	v27 =	vor.u32 s5, v55;
	v17 =	vand.u32 $0x1FF8, v17;
	v8 =	vor.u32 s6, v3;
	v12 =	vld.idx.msk [tilespmem:v57+s28+$0x0], $0xffff  }
0x151: {  	v5 =	vmul.f32 v5, v61;
	v16 =	vmul.f32 v21, v4;
	v21 =	vor.u32 s6, v45;
	v25 =	vld.idx.msk [tilespmem:v25+s28+$0x0], $0xffff;
	[tilespmem:$0x1FDA0] =	vst v50  }
0x152: {  	v32 =	vor.u32 v56, v17;
	v28 =	vmul.f32 v28, v50;
	v30 =	vmul.f32 v30, v42;
	v19 =	vld.idx.msk [tilespmem:v19+s28+$0x0], $0xffff  }
0x153: {  	v5 =	vadd.f32 v5, v16;
	v16 =	vmul.f32 v29, v44;
	[tilespmem:$0x1FDB0] =	vst v44;
	v26 =	vmul.f32 v26, v0;
	v0 =	vld [tilespmem:$0x1FD90]  }
0x154: {  	v33 =	vor.u32 s10, v39;
	v17 =	vmul.f32 v18, v11;
	v20 =	vmul.f32 v20, v59;
	v22 =	vld.idx.msk [tilespmem:v22+s28+$0x0], $0xffff;
	[tilespmem:$0x1FDC0] =	vst v42  }
0x155: {  	v29 =	vor.u32 s6, v7;
	v28 =	vadd.f32 v16, v28;
	v8 =	vld.idx.msk [tilespmem:v8+s28+$0x0], $0xffff;
	[tilespmem:$0x1FDD0] =	vst v11;
	v12 =	vmul.f32 v12, v6  }
0x156: {  	v23 =	vor.u32 s13, v39;
	v34 =	vor.u32 s26, v3;
	v20 =	vadd.f32 v20, v30;
	v18 =	vld.idx.msk [tilespmem:v21+s28+$0x0], $0xffff;
	[tilespmem:$0x1FDE0] =	vst v6  }
0x157: {  	v5 =	vadd.f32 v17, v5;
	[tilespmem:$0x1FDF0] =	vst v2;
	v17 =	vmul.f32 v25, v2;
	v12 =	vadd.f32 v12, v28  }
0x158: {  	v1 =	vadd.f32 v1, v36;
	v25 =	vld.idx.msk [tilespmem:v27+s28+$0x0], $0xffff;
	v4 =	vmul.f32 v51, v0;
	v0 =	vor.u32 s5, v3  }
0x159: {  	v17 =	vadd.f32 v17, v20;
	[tilespmem:$0x1FE00] =	vst v0;
	v20 =	vadd.f32 v12, v22;
	v22 =	vor.u32 s6, v39  }
0x15a: {  	v61 =	vor.u32 s7, v3;
	v6 =	vor.u32 s5, v45;
	v19 =	vadd.f32 v5, v19;
	v21 =	vld.idx.msk [tilespmem:v29+s28+$0x0], $0xffff  }
0x15b: {  	v5 =	vadd.s32 s1, v58;
	v0 =	vmul.f32 v8, v10;
	v8 =	vadd.s32 s23, v58  }
0x15c: {  	v5 =	vand.u32 $0x1FF8, v5;
	v2 =	vmul.f32 v18, v41;
	v8 =	vand.u32 $0x1FF8, v8  }
0x15d: {  	[tilespmem:$0x1FE10] =	vst v6;
	v55 =	vor.u32 v63, v8;
	v8 =	vadd.f32 v17, v25;
	v17 =	vtrunc.f32 v19  }
0x15e: {  	v54 =	vor.u32 v63, v5;
	v3 =	vadd.f32 v43, v13;
	v17 =	vcvt.f32.s32 v17;
	v18 =	vld.idx.msk [tilespmem:v22+s28+$0x0], $0xffff  }
0x15f: {  	v0 =	vadd.f32 v2, v0;
	v6 =	vmul.f32 v21, v62;
	v21 =	vtrunc.f32 v20  }
0x160: {  	v5 =	vor.u32 s7, v7;
	v2 =	vcvt.f32.s32 v21;
	v21 =	vtrunc.f32 v8  }
0x161: {  	v51 =	vcvt.s32.f32 v17;
	[tilespmem:$0x1FE20] =	vst v5;
	v17 =	vcvt.f32.s32 v21;
	v0 =	vadd.f32 v6, v0  }
0x162: {  	v25 =	vor.u32 s21, v58;
	v5 =	vimm.f32 $0.0e+00;
	v6 =	vld.idx.msk [tilespmem:v33+s28+$0x0], $0xffff;
	v2 =	vcvt.s32.f32 v2  }
0x163: {  	vm13 =	vlt.f32 v19, v51;
	v17 =	vcvt.s32.f32 v17;
	v52 =	vadd.f32 v0, v18  }
0x164: {  	v4 =	vadd.f32 v4, v1;
	v0 =	vsel vm13, $0x3F800000, v5;
	vm14 =	vlt.f32 v20, v2  }
0x165: {  	v0 =	vsub.f32 v51, v0;
	vm1 =	vlt.f32 v8, v17;
	v1 =	vtrunc.f32 v52  }
0x166: {  	v62 =	vld.idx.msk [tilespmem:v23+s28+$0x0], $0xffff;
	v22 =	vsel vm14, $0x3F800000, v5;
	v23 =	vsel vm1, $0x3F800000, v5;
	v5 =	vcvt.f32.s32 v1  }
0x167: {  	v21 =	vld.idx.msk [tilespmem:v25+s29+$0x0], $0xffff;
	v1 =	vsub.f32 v17, v23;
	v23 =	vadd.f32 v3, v6;
	v3 =	vor.u32 s5, v7  }
0x168: {  	v2 =	vsub.f32 v2, v22;
	v22 =	vld.idx.msk [tilespmem:v55+s29+$0x0], $0xffff;
	[tilespmem:$0x1FE30] =	vst v3  }
0x169: {  	v15 =	vadd.f32 v26, v15;
	v0 =	vsub.f32 v19, v0;
	v19 =	vcvt.s32.f32 v5;
	v6 =	vld.idx.msk [tilespmem:v54+s29+$0x0], $0xffff  }
0x16a: {  	v14 =	vor.u32 s3, v39;
	v31 =	vor.u32 s15, v40  }
0x16b: {  	v10 =	vimm.f32 $0.0e+00;
	v33 =	vadd.f32 v15, v62;
	vm15 =	vlt.f32 v52, v19  }
0x16c: {  	v2 =	vsub.f32 v20, v2;
	v8 =	vsub.f32 v8, v1;
	v15 =	vsel vm15, $0x3F800000, v10  }
0x16d: {  	v1 =	vadd.s32 s23, v40;
	v15 =	vsub.f32 v19, v15;
	v19 =	vadd.s32 s1, v40  }
0x16e: {  	v20 =	vadd.f32 v8, v6;
	v6 =	vand.u32 $0x1FF8, v1;
	v1 =	vand.u32 $0x1FF8, v19  }
0x16f: {  	v2 =	vadd.f32 v2, v22;
	v22 =	vor.u32 v56, v1;
	v1 =	vld [tilespmem:$0x1FE40]  }
0x170: {  	v63 =	vadd.f32 v0, v21;
	v0 =	vadd.s32 s20, v40  }
0x171: {  	v30 =	vor.u32 s26, v39;
	v0 =	vand.u32 $0x1FF8, v0;
	v14 =	vld.idx.msk [tilespmem:v14+s28+$0x0], $0xffff  }
0x172: {  	v50 =	vor.u32 s7, v45;
	v0 =	vor.u32 v56, v0;
	v8 =	vsub.f32 v9, v2;
	v2 =	vld [tilespmem:$0x1FE50]  }
0x173: {  	v16 =	vor.u32 s26, v45;
	v42 =	vor.u32 s7, v39;
	v26 =	vor.u32 s5, v39;
	v27 =	vld.idx.msk [tilespmem:v31+s29+$0x0], $0xffff  }
0x174: {  	v58 =	vor.u32 s26, v7;
	v39 =	vld.idx.msk [tilespmem:v24+s29+$0x0], $0xffff;
	v7 =	vtrunc.f32 v23;
	v13 =	vsub.f32 v46, v63  }
0x175: {  	v18 =	vor.u32 s21, v40;
	v29 =	vld.idx.msk [tilespmem:v32+s29+$0x0], $0xffff;
	v7 =	vcvt.f32.s32 v7;
	v10 =	vtrunc.f32 v33  }
0x176: {  	v17 =	vcvt.f32.s32 v10;
	v4 =	vadd.f32 v4, v14;
	v21 =	vor.u32 v56, v6;
	[tilespmem:v25+s22+$0x0] =	vst.idx.msk $0xffff, v13  }
0x177: {  	s3 =	simm.s32 $0x4;
	s13 =	simm.s32 $0xB00;
	s15 =	simm.s32 $0xB0;
	v6 =	vsub.f32 v52, v15;
	v9 =	vsub.f32 v38, v20;
	[tilespmem:v1+s22+$0x0] =	vst.idx.msk $0xffff, v2;
	v2 =	vld.idx.msk [tilespmem:v0+s29+$0x0], $0xffff  }
.LBB2_6:
0x178: {  	v3 =	vld [tilespmem:$0x1FE70]  }
0x179: {  	v1 =	vld [tilespmem:$0x1FC90]  }
0x17a: {  	[tilespmem:$0x1F9E0] =	vst v58;
	v63 =	vld [tilespmem:$0x1FFB0]  }
0x17b: {  	[tilespmem:$0x1FBA0] =	vst v18;
	v25 =	vld [tilespmem:$0x1FFC0]  }
0x17c: {  	[tilespmem:$0x1FA40] =	vst v59;
	v19 =	vld [tilespmem:$0x1FFD0]  }
0x17d: {  	[tilespmem:$0x1F9F0] =	vst v23;
	v18 =	vld [tilespmem:$0x1FDA0]  }
0x17e: {  	[tilespmem:$0x1F9D0] =	vst v7;
	v7 =	vld [tilespmem:$0x1FE60]  }
0x17f: {  	[tilespmem:$0x1FB80] =	vst v26;
	s5 =	sadd.s32 $0xFFFFFFF0, s15;
	v15 =	vmov v4;
	v4 =	vld [tilespmem:$0x1FFA0]  }
0x180: {  	s10 =	sadd.s32 $0xFFFFFF00, s13;
	[tilespmem:v55+s22+$0x0] =	vst.idx.msk $0xffff, v8;
	s11 =	sadd.s32 $0xFFFFFFD0, s15;
	v8 =	vmov s5;
	v11 =	vor.u32 s13, v47;
	v13 =	vld.idx.msk [tilespmem:v61+s28+$0x0], $0xffff;
	v2 =	vadd.f32 v6, v2  }
0x181: {  	[tilespmem:v54+s22+$0x0] =	vst.idx.msk $0xffff, v9;
	v9 =	vmov s11;
	v12 =	vor.u32 s10, v47;
	v26 =	vld.idx.msk [tilespmem:v50+s28+$0x0], $0xffff  }
0x182: {  	[tilespmem:$0x1FA00] =	vst v33;
	s4 =	sadd.s32 $0xFFFFFFE0, s15;
	v5 =	vshll.u32 v8, $0x3;
	v8 =	vor.u32 s10, v53;
	v50 =	vld.idx.msk [tilespmem:v34+s28+$0x0], $0xffff;
	v2 =	vsub.f32 v1, v2  }
0x183: {  	[tilespmem:$0x1FB40] =	vst v29;
	v9 =	vshll.u32 v9, $0x3;
	v6 =	vmov s4;
	v5 =	vor.u32 v48, v5;
	v52 =	vld.idx.msk [tilespmem:v16+s28+$0x0], $0xffff  }
0x184: {  	v33 =	vor.u32 v48, v9;
	v6 =	vshll.u32 v6, $0x3;
	[tilespmem:v0+s22+$0x0] =	vst.idx.msk $0xffff, v2;
	v2 =	vld [tilespmem:$0x1FF80]  }
0x185: {  	[tilespmem:$0x1FB90] =	vst v31;
	v10 =	vmov s15;
	v29 =	vor.u32 $0x1, v5;
	v31 =	vor.u32 v48, v6;
	v6 =	vld.idx.msk [tilespmem:v11+s28+$0x0], $0xffff  }
0x186: {  	[tilespmem:$0x1FB30] =	vst v39;
	v10 =	vshll.u32 v10, $0x3;
	v51 =	vor.u32 $0x2, v5;
	v12 =	vld.idx.msk [tilespmem:v12+s28+$0x0], $0xffff  }
0x187: {  	[tilespmem:$0x1FBF0] =	vst v32;
	s7 =	sadd.s32 $0xFFFFFD00, s13;
	v32 =	vor.u32 v48, v10;
	v0 =	vor.u32 s10, v7;
	v10 =	vld.idx.msk [tilespmem:v8+s28+$0x0], $0xffff  }
0x188: {  	[tilespmem:$0x1FBE0] =	vst v22;
	s6 =	sadd.s32 $0xFFFFFE00, s13;
	v20 =	vor.u32 s7, v47;
	v22 =	vor.u32 s10, v60;
	v40 =	vld.idx.msk [tilespmem:v5+s14+$0x0], $0xffff  }
0x189: {  	[tilespmem:$0x1FB70] =	vst v30;
	v54 =	vor.u32 s7, v60;
	v58 =	vor.u32 s6, v60;
	v59 =	vor.u32 s13, v60;
	v60 =	vld.idx.msk [tilespmem:v33+s14+$0x0], $0xffff  }
0x18a: {  	[tilespmem:$0x1FBD0] =	vst v24;
	v24 =	vor.u32 s7, v53;
	v41 =	vld.idx.msk [tilespmem:v29+s14+$0x0], $0xffff  }
0x18b: {  	[tilespmem:$0x1FBC0] =	vst v21;
	v30 =	vor.u32 s6, v47;
	v1 =	vor.u32 s7, v19;
	v9 =	vld.idx.msk [tilespmem:v51+s14+$0x0], $0xffff  }
0x18c: {  	s1 =	sadd.s32 $0xC0, s1;
	v46 =	vor.u32 s6, v53;
	[tilespmem:$0x1FAC0] =	vst v1;
	v1 =	vor.u32 s6, v19;
	v21 =	vld.idx.msk [tilespmem:v0+s28+$0x0], $0xffff  }
0x18d: {  	s25 =	sadd.s32 $0xFFFFFFA0, s1;
	v35 =	vor.u32 s13, v53;
	v38 =	vadd.s32 s1, v49;
	[tilespmem:$0x1FAD0] =	vst v1;
	v1 =	vor.u32 s13, v25;
	v37 =	vld.idx.msk [tilespmem:v22+s28+$0x0], $0xffff  }
0x18e: {  	v43 =	vadd.s32 s25, v49;
	v28 =	vor.u32 $0x1, v33;
	[tilespmem:$0x1FAB0] =	vst v1;
	v20 =	vld.idx.msk [tilespmem:v20+s28+$0x0], $0xffff;
	v0 =	vor.u32 s13, v19  }
0x18f: {  	v24 =	vld.idx.msk [tilespmem:v24+s28+$0x0], $0xffff;
	v12 =	vmul.f32 v12, v40;
	[tilespmem:$0x1FB10] =	vst v0;
	v0 =	vor.u32 s7, v3;
	v22 =	vmul.f32 v10, v41  }
0x190: {  	v23 =	vor.u32 $0x1, v32;
	v14 =	vor.u32 $0x2, v33;
	v1 =	vld.idx.msk [tilespmem:v30+s28+$0x0], $0xffff;
	[tilespmem:$0x1FA30] =	vst v0;
	v0 =	vor.u32 s7, v45  }
0x191: {  	v34 =	vld.idx.msk [tilespmem:v46+s28+$0x0], $0xffff;
	[tilespmem:$0x1FAE0] =	vst v0;
	v0 =	vor.u32 s6, v3;
	v12 =	vadd.f32 v22, v12;
	v36 =	vmul.f32 v21, v9  }
0x192: {  	v53 =	vor.u32 s7, v7;
	v55 =	vor.u32 s6, v7;
	v35 =	vld.idx.msk [tilespmem:v35+s28+$0x0], $0xffff;
	[tilespmem:$0x1FC00] =	vst v0;
	v0 =	vor.u32 s6, v45  }
0x193: {  	v56 =	vor.u32 s13, v7;
	v7 =	vor.u32 s7, v4;
	[tilespmem:$0x1FC10] =	vst v0;
	v0 =	vld [tilespmem:$0x1FF90];
	v12 =	vadd.f32 v36, v12  }
0x194: {  	v39 =	vor.u32 $0x2, v32;
	v47 =	vand.u32 $0x1FF8, v43;
	[tilespmem:$0x1FA10] =	vst v7;
	v7 =	vor.u32 s7, v63;
	v54 =	vld.idx.msk [tilespmem:v54+s28+$0x0], $0xffff  }
0x195: {  	s26 =	sadd.s32 $0xFFFFFFD0, s1;
	v38 =	vand.u32 $0x1FF8, v38;
	[tilespmem:$0x1FA20] =	vst v7;
	v7 =	vor.u32 s6, v4;
	v10 =	vmovc v17;
	v21 =	vld.idx.msk [tilespmem:v32+s14+$0x0], $0xffff;
	v17 =	vadd.f32 v12, v37  }
0x196: {  	s24 =	sadd.s32 $0xFFFFFF70, s1;
	v30 =	vadd.s32 s26, v49;
	[tilespmem:$0x1FA50] =	vst v7;
	v7 =	vor.u32 s6, v63;
	v36 =	vor.u32 s13, v3;
	v3 =	vld [tilespmem:$0x1FFE0]  }
0x197: {  	v57 =	vld.idx.msk [tilespmem:v28+s14+$0x0], $0xffff;
	[tilespmem:$0x1FA60] =	vst v7;
	v7 =	vor.u32 s7, v25;
	v12 =	vor.u32 s24, v49;
	v49 =	vtrunc.f32 v17  }
0x198: {  	[tilespmem:$0x1FA90] =	vst v7;
	v7 =	vor.u32 s13, v4;
	v44 =	vcvt.f32.s32 v49;
	v49 =	vand.u32 v0, v12;
	v0 =	vld [tilespmem:$0x1FFF0]  }
0x199: {  	v11 =	vor.u32 $0x1, v31;
	v30 =	vand.u32 $0x1FF8, v30;
	v61 =	vld.idx.msk [tilespmem:v31+s14+$0x0], $0xffff;
	[tilespmem:$0x1FA70] =	vst v7;
	v7 =	vor.u32 s13, v63  }
0x19a: {  	v48 =	vor.u32 s13, v45;
	v53 =	vld.idx.msk [tilespmem:v53+s28+$0x0], $0xffff;
	v62 =	vor.u32 v2, v30;
	[tilespmem:$0x1FA80] =	vst v7;
	v7 =	vor.u32 s6, v25  }
0x19b: {  	[tilespmem:$0x1FAA0] =	vst v7;
	v7 =	vld [tilespmem:$0x1FF50];
	v45 =	vmul.f32 v6, v21;
	v6 =	vmul.f32 v20, v60;
	v20 =	vadd.s32 s25, v3  }
0x19c: {  	v56 =	vld.idx.msk [tilespmem:v56+s28+$0x0], $0xffff;
	v38 =	vor.u32 v2, v38;
	v16 =	vadd.s32 s1, v3;
	v20 =	vand.u32 $0x1FF8, v20  }
0x19d: {  	[tilespmem:$0x1FB50] =	vst v42;
	v30 =	vld.idx.msk [tilespmem:v14+s14+$0x0], $0xffff;
	v37 =	vor.u32 v2, v47;
	v16 =	vand.u32 $0x1FF8, v16;
	v2 =	vor.u32 v0, v20  }
0x19e: {  	v8 =	vld.idx.msk [tilespmem:v11+s14+$0x0], $0xffff;
	[tilespmem:$0x1FB00] =	vst v2;
	v2 =	vor.u32 v0, v16  }
0x19f: {  	v22 =	vld.idx.msk [tilespmem:v23+s14+$0x0], $0xffff;
	v12 =	vmul.f32 v24, v57;
	v24 =	vcvt.s32.f32 v44;
	[tilespmem:$0x1FAF0] =	vst v2;
	v2 =	vor.u32 s24, v3  }
0x1a0: {  	v42 =	vor.u32 $0x2, v31;
	v47 =	vld.idx.msk [tilespmem:v62+s29+$0x0], $0xffff;
	[tilespmem:$0x1FB20] =	vst v2;
	v2 =	vor.u32 s7, v7  }
0x1a1: {  	v46 =	vadd.f32 v12, v6;
	v12 =	vimm.f32 $0.0e+00;
	vm0 =	vlt.f32 v17, v24;
	[tilespmem:$0x1FB60] =	vst v2;
	v2 =	vld [tilespmem:$0x1FD70]  }
0x1a2: {  	v44 =	vld.idx.msk [tilespmem:v39+s14+$0x0], $0xffff;
	v20 =	vsel vm0, $0x3F800000, v12  }
0x1a3: {  	v20 =	vsub.f32 v24, v20;
	v24 =	vld [tilespmem:$0x1FDB0]  }
0x1a4: {  	v55 =	vld.idx.msk [tilespmem:v55+s28+$0x0], $0xffff;
	v6 =	vmul.f32 v34, v8;
	v34 =	vmul.f32 v35, v22  }
0x1a5: {  	v43 =	vld.idx.msk [tilespmem:v42+s14+$0x0], $0xffff;
	v53 =	vmul.f32 v53, v30;
	v17 =	vsub.f32 v17, v20  }
0x1a6: {  	v1 =	vmul.f32 v1, v61;
	v45 =	vadd.f32 v34, v45;
	v13 =	vmul.f32 v13, v2;
	v2 =	vld [tilespmem:$0x1FD80]  }
0x1a7: {  	v35 =	vld.idx.msk [tilespmem:v5+s12+$0x0], $0xffff;
	v46 =	vadd.f32 v53, v46;
	v56 =	vmul.f32 v56, v44;
	v17 =	vadd.f32 v17, v47  }
0x1a8: {  	v47 =	vor.u32 s10, v4;
	v4 =	vor.u32 s13, v7;
	v52 =	vmul.f32 v52, v24;
	v24 =	vld [tilespmem:$0x1FF60]  }
0x1a9: {  	v1 =	vadd.f32 v6, v1;
	[tilespmem:$0x1FBB0] =	vst v4;
	v4 =	vld [tilespmem:$0x1F9D0]  }
0x1aa: {  	v58 =	vld.idx.msk [tilespmem:v58+s28+$0x0], $0xffff;
	v54 =	vadd.f32 v46, v54;
	v45 =	vadd.f32 v56, v45  }
0x1ab: {  	v20 =	vmovc v27;
	v27 =	vmov v60;
	v60 =	vmul.f32 v26, v2;
	v26 =	vmul.f32 v55, v43  }
0x1ac: {  	v59 =	vld.idx.msk [tilespmem:v59+s28+$0x0], $0xffff;
	v17 =	vsub.f32 v35, v17;
	v35 =	vmul.f32 v50, v18;
	v18 =	vmovc v61;
	v61 =	vtrunc.f32 v54  }
0x1ad: {  	v46 =	vadd.s32 s1, v24;
	v55 =	vor.u32 s10, v63;
	v63 =	vmovc v8;
	v8 =	vld.idx.msk [tilespmem:v51+s12+$0x0], $0xffff;
	v50 =	vadd.f32 v26, v1  }
0x1ae: {  	v51 =	vcvt.f32.s32 v61;
	v61 =	vand.u32 $0x1FF8, v46;
	v46 =	vcvt.s32.f32 v4;
	v4 =	vld.idx.msk [tilespmem:v28+s12+$0x0], $0xffff  }
0x1af: {  	v26 =	vld.idx.msk [tilespmem:v29+s12+$0x0], $0xffff;
	v1 =	vor.u32 s10, v25;
	[tilespmem:v62+s22+$0x0] =	vst.idx.msk $0xffff, v17;
	v17 =	vadd.f32 v50, v58;
	_ =	sdelay $0x1  }
0x1b0: {  	v45 =	vadd.f32 v45, v59;
	v47 =	vld.idx.msk [tilespmem:v47+s28+$0x0], $0xffff;
	v62 =	vtrunc.f32 v17  }
0x1b1: {  	v35 =	vadd.f32 v52, v35;
	v55 =	vld.idx.msk [tilespmem:v55+s28+$0x0], $0xffff;
	v52 =	vcvt.f32.s32 v62  }
0x1b2: {  	v56 =	vor.u32 s10, v19;
	v13 =	vadd.f32 v60, v13;
	v60 =	vtrunc.f32 v45;
	[tilespmem:$0x1FC20] =	vst v4;
	v4 =	vld.idx.msk [tilespmem:v11+s12+$0x0], $0xffff  }
0x1b3: {  	v51 =	vcvt.s32.f32 v51;
	v1 =	vld.idx.msk [tilespmem:v1+s28+$0x0], $0xffff;
	v52 =	vcvt.s32.f32 v52  }
0x1b4: {  	v62 =	vld.idx.msk [tilespmem:v31+s12+$0x0], $0xffff;
	v31 =	vcvt.f32.s32 v60  }
0x1b5: {  	vm8 =	vlt.f32 v54, v51;
	v60 =	vld.idx.msk [tilespmem:v32+s12+$0x0], $0xffff;
	v32 =	vmul.f32 v47, v40;
	vm9 =	vlt.f32 v17, v52  }
0x1b6: {  	v2 =	vmovc v57;
	v57 =	vld.idx.msk [tilespmem:v49+s29+$0x0], $0xffff;
	[tilespmem:$0x1FC90] =	vst v8;
	v8 =	vmovc v40;
	v40 =	vsel vm8, $0x3F800000, v12;
	v28 =	vcvt.s32.f32 v31;
	v31 =	vsel vm9, $0x3F800000, v12  }
0x1b7: {  	v56 =	vld.idx.msk [tilespmem:v56+s28+$0x0], $0xffff;
	v51 =	vsub.f32 v51, v40;
	v47 =	vmul.f32 v55, v41;
	v55 =	vsub.f32 v52, v31  }
0x1b8: {  	[tilespmem:$0x1FC30] =	vst v4;
	v4 =	vld.idx.msk [tilespmem:v23+s12+$0x0], $0xffff;
	v1 =	vmul.f32 v1, v9  }
0x1b9: {  	v25 =	vmovc v9;
	v23 =	vld.idx.msk [tilespmem:v39+s12+$0x0], $0xffff;
	v9 =	vsub.f32 v54, v51;
	v17 =	vsub.f32 v17, v55;
	v55 =	vadd.s32 s26, v3  }
0x1ba: {  	v47 =	vadd.f32 v47, v32;
	v32 =	vld.idx.msk [tilespmem:v42+s12+$0x0], $0xffff;
	v42 =	vand.u32 $0x1FF8, v55  }
0x1bb: {  	v39 =	vadd.f32 v9, v57;
	v57 =	vmov v36;
	v36 =	vor.u32 v0, v42;
	v0 =	vld [tilespmem:$0x1F9E0]  }
0x1bc: {  	v53 =	vld.idx.msk [tilespmem:v37+s29+$0x0], $0xffff  }
0x1bd: {  	v5 =	vld [tilespmem:$0x1FF40];
	vm10 =	vlt.f32 v45, v28  }
0x1be: {  	v58 =	vld.idx.msk [tilespmem:v38+s29+$0x0], $0xffff;
	v52 =	vsel vm10, $0x3F800000, v12;
	v1 =	vadd.f32 v1, v47  }
0x1bf: {  	v28 =	vsub.f32 v28, v52  }
0x1c0: {  	v33 =	vld.idx.msk [tilespmem:v33+s12+$0x0], $0xffff;
	v1 =	vadd.f32 v1, v56  }
0x1c1: {  	v28 =	vsub.f32 v45, v28;
	v56 =	vld [tilespmem:$0x1FE00];
	v17 =	vadd.f32 v17, v53  }
0x1c2: {  	v6 =	vor.u32 s7, v5;
	[tilespmem:$0x1FE00] =	vst v57;
	v57 =	vld [tilespmem:$0x1FE20]  }
0x1c3: {  	v28 =	vadd.f32 v28, v58;
	v58 =	vmov v6;
	v6 =	vsub.f32 v62, v17;
	v17 =	vld.idx.msk [tilespmem:v0+s28+$0x0], $0xffff  }
0x1c4: {  	v0 =	vld [tilespmem:$0x1FA10];
	_ =	sdelay $0x4  }
0x1c5: {  	v31 =	vld.idx.msk [tilespmem:v14+s12+$0x0], $0xffff;
	v33 =	vsub.f32 v33, v39  }
0x1c6: {  	v52 =	vld [tilespmem:$0x1FE10]  }
0x1c7: {  	v42 =	vld.idx.msk [tilespmem:v57+s28+$0x0], $0xffff;
	[tilespmem:v49+s22+$0x0] =	vst.idx.msk $0xffff, v33  }
0x1c8: {  	v49 =	vld.idx.msk [tilespmem:v0+s28+$0x0], $0xffff  }
0x1c9: {  	v0 =	vld [tilespmem:$0x1FA20];
	_ =	sdelay $0x3  }
0x1ca: {  	v50 =	vtrunc.f32 v15  }
0x1cb: {  	v50 =	vcvt.f32.s32 v50;
	_ =	sdelay $0x1  }
0x1cc: {  	v40 =	vcvt.s32.f32 v50;
	v50 =	vld.idx.msk [tilespmem:v52+s28+$0x0], $0xffff  }
0x1cd: {  	[tilespmem:v37+s22+$0x0] =	vst.idx.msk $0xffff, v6;
	v37 =	vld.idx.msk [tilespmem:v0+s28+$0x0], $0xffff  }
0x1ce: {  	v0 =	vld [tilespmem:$0x1FA40];
	_ =	sdelay $0x3  }
0x1cf: {  	v14 =	vtrunc.f32 v1  }
0x1d0: {  	v55 =	vcvt.f32.s32 v14;
	v14 =	vmul.f32 v50, v0;
	v0 =	vld [tilespmem:$0x1FA50];
	_ =	sdelay $0x7  }
0x1d1: {  	v9 =	vld.idx.msk [tilespmem:v0+s28+$0x0], $0xffff  }
0x1d2: {  	v0 =	vld [tilespmem:$0x1FA60];
	_ =	sdelay $0x4  }
0x1d3: {  	[tilespmem:$0x1FC40] =	vst v4;
	v4 =	vld [tilespmem:$0x1FE30];
	_ =	sdelay $0x2  }
0x1d4: {  	v50 =	vmov v21;
	v21 =	vld.idx.msk [tilespmem:v0+s28+$0x0], $0xffff  }
0x1d5: {  	v0 =	vld [tilespmem:$0x1FA70]  }
0x1d6: {  	v51 =	vld [tilespmem:$0x1FF70]  }
0x1d7: {  	v59 =	vadd.s32 s25, v24;
	v39 =	vcvt.s32.f32 v55  }
0x1d8: {  	v59 =	vand.u32 $0x1FF8, v59;
	v28 =	vsub.f32 v60, v28  }
0x1d9: {  	v54 =	vmov v48;
	v48 =	vld.idx.msk [tilespmem:v4+s28+$0x0], $0xffff;
	vm3 =	vlt.f32 v1, v39  }
0x1da: {  	v45 =	vld.idx.msk [tilespmem:v56+s28+$0x0], $0xffff;
	[tilespmem:v38+s22+$0x0] =	vst.idx.msk $0xffff, v28;
	v38 =	vsel vm3, $0x3F800000, v12  }
0x1db: {  	v56 =	vor.u32 v51, v59;
	v59 =	vmov v22;
	v22 =	vsub.f32 v39, v38;
	_ =	sdelay $0x1  }
0x1dc: {  	v1 =	vsub.f32 v1, v22;
	v22 =	vld.idx.msk [tilespmem:v0+s28+$0x0], $0xffff  }
0x1dd: {  	v0 =	vld [tilespmem:$0x1FA80];
	_ =	sdelay $0x7  }
0x1de: {  	v38 =	vld.idx.msk [tilespmem:v0+s28+$0x0], $0xffff  }
0x1df: {  	v0 =	vld [tilespmem:$0x1FA90]  }
0x1e0: {  	v11 =	vld [tilespmem:$0x1FDD0];
	_ =	sdelay $0x4  }
0x1e1: {  	[tilespmem:$0x1FE20] =	vst v58;
	v58 =	vld [tilespmem:$0x1FDF0];
	v42 =	vmul.f32 v42, v11  }
0x1e2: {  	v28 =	vld [tilespmem:$0x1FDC0]  }
0x1e3: {  	vm1 =	vlt.f32 v15, v40;
	v4 =	vmov v15;
	v15 =	vadd.f32 v42, v13;
	v42 =	vld.idx.msk [tilespmem:v0+s28+$0x0], $0xffff  }
0x1e4: {  	v0 =	vld [tilespmem:$0x1FAA0]  }
0x1e5: {  	v11 =	vld [tilespmem:$0x1FDE0];
	_ =	sdelay $0x2  }
0x1e6: {  	v28 =	vmul.f32 v45, v28;
	_ =	sdelay $0x1  }
0x1e7: {  	v13 =	vmul.f32 v48, v58;
	v11 =	vmul.f32 v17, v11;
	v17 =	vadd.f32 v14, v28;
	_ =	sdelay $0x1  }
0x1e8: {  	v14 =	vadd.f32 v11, v35;
	v11 =	vadd.f32 v13, v17;
	v17 =	vld.idx.msk [tilespmem:v0+s28+$0x0], $0xffff  }
0x1e9: {  	v0 =	vld [tilespmem:$0x1FAB0];
	_ =	sdelay $0x7  }
0x1ea: {  	v47 =	vcvt.s32.f32 v10;
	v10 =	vld.idx.msk [tilespmem:v0+s28+$0x0], $0xffff  }
0x1eb: {  	v0 =	vld [tilespmem:$0x1FAC0]  }
0x1ec: {  	v6 =	vld.idx.msk [tilespmem:v36+s29+$0x0], $0xffff;
	_ =	sdelay $0x4  }
0x1ed: {  	v1 =	vadd.f32 v1, v6  }
0x1ee: {  	v34 =	vor.u32 s13, v5  }
0x1ef: {  	v1 =	vsub.f32 v26, v1;
	v26 =	vld.idx.msk [tilespmem:v0+s28+$0x0], $0xffff;
	v0 =	vmov v34  }
0x1f0: {  	[tilespmem:$0x1FE30] =	vst v0;
	v0 =	vld [tilespmem:$0x1FAD0];
	_ =	sdelay $0x5  }
0x1f1: {  	[tilespmem:$0x1FE10] =	vst v54;
	v54 =	vmov v30;
	v30 =	vmul.f32 v49, v27;
	v62 =	vmul.f32 v37, v2;
	_ =	sdelay $0x1  }
0x1f2: {  	v13 =	vadd.f32 v62, v30;
	v30 =	vld.idx.msk [tilespmem:v0+s28+$0x0], $0xffff  }
0x1f3: {  	v0 =	vld [tilespmem:$0x1FB10];
	_ =	sdelay $0x2  }
0x1f4: {  	v19 =	vld [tilespmem:$0x1FA00];
	_ =	sdelay $0x1  }
0x1f5: {  	v35 =	vsel vm1, $0x3F800000, v12  }
0x1f6: {  	[tilespmem:v36+s22+$0x0] =	vst.idx.msk $0xffff, v1;
	v1 =	vmul.f32 v22, v50;
	v22 =	vsub.f32 v40, v35  }
0x1f7: {  	v3 =	vld [tilespmem:$0x1FE70]  }
0x1f8: {  	vm11 =	vlt.f32 v19, v47;
	v4 =	vsub.f32 v4, v22;
	v22 =	vld.idx.msk [tilespmem:v0+s28+$0x0], $0xffff  }
0x1f9: {  	v16 =	vor.u32 s6, v5;
	v28 =	vsel vm11, $0x3F800000, v12;
	v0 =	vld [tilespmem:$0x1FB30]  }
0x1fa: {  	v58 =	vmov v16;
	v16 =	vsub.f32 v47, v28;
	_ =	sdelay $0x1  }
0x1fb: {  	v45 =	vld [tilespmem:$0x1FF30];
	v6 =	vor.u32 s10, v3;
	v3 =	vsub.f32 v19, v16;
	_ =	sdelay $0x1  }
0x1fc: {  	v3 =	vadd.f32 v3, v0;
	v0 =	vld [tilespmem:$0x1FB40];
	_ =	sdelay $0x2  }
0x1fd: {  	v55 =	vmov v43;
	v43 =	vor.u32 s10, v45  }
0x1fe: {  	v57 =	vld [tilespmem:$0x1F9F0]  }
0x1ff: {  	v9 =	vmul.f32 v9, v18;
	v21 =	vmul.f32 v21, v63;
	v4 =	vadd.f32 v4, v0;
	v0 =	vld [tilespmem:$0x1FB50]  }
0x200: {  	v6 =	vld.idx.msk [tilespmem:v6+s28+$0x0], $0xffff  }
0x201: {  	v28 =	vor.u32 s10, v5;
	v5 =	vld [tilespmem:$0x1FB70];
	v9 =	vadd.f32 v21, v9;
	v21 =	vmul.f32 v38, v59  }
0x202: {  	[tilespmem:$0x1FD70] =	vst v27;
	v27 =	vmov v44;
	v36 =	vld.idx.msk [tilespmem:v43+s28+$0x0], $0xffff  }
0x203: {  	v1 =	vadd.f32 v21, v1;
	v10 =	vmul.f32 v10, v27;
	_ =	sdelay $0x1  }
0x204: {  	vm2 =	vlt.f32 v57, v46;
	v1 =	vadd.f32 v10, v1  }
0x205: {  	[tilespmem:$0x1FD80] =	vst v2;
	v39 =	vsel vm2, $0x3F800000, v12  }
0x206: {  	v6 =	vmul.f32 v6, v8;
	v2 =	vmul.f32 v36, v41;
	v1 =	vadd.f32 v1, v22;
	v22 =	vld.idx.msk [tilespmem:v0+s28+$0x0], $0xffff  }
0x207: {  	v39 =	vsub.f32 v46, v39;
	v46 =	vmul.f32 v42, v54;
	v0 =	vld [tilespmem:$0x1FB60]  }
0x208: {  	v2 =	vadd.f32 v2, v6;
	v6 =	vld.idx.msk [tilespmem:v5+s28+$0x0], $0xffff  }
0x209: {  	v5 =	vld [tilespmem:$0x1FB80];
	v13 =	vadd.f32 v46, v13  }
0x20a: {  	v21 =	vld.idx.msk [tilespmem:v28+s28+$0x0], $0xffff;
	v16 =	vmul.f32 v17, v55  }
0x20b: {  	v13 =	vadd.f32 v13, v26;
	v26 =	vld [tilespmem:$0x1FC50]  }
0x20c: {  	v44 =	vsub.f32 v57, v39;
	v9 =	vadd.f32 v16, v9;
	v42 =	vmov v0;
	v0 =	vld [tilespmem:$0x1FD00];
	_ =	sdelay $0x1  }
0x20d: {  	v28 =	vadd.f32 v44, v20;
	v9 =	vadd.f32 v9, v30;
	_ =	sdelay $0x1  }
0x20e: {  	v57 =	vld [tilespmem:$0x1FB20];
	v26 =	vsub.f32 v26, v28;
	v28 =	vtrunc.f32 v9  }
0x20f: {  	v20 =	vmov v0;
	v0 =	vmul.f32 v21, v25;
	v21 =	vcvt.f32.s32 v28;
	v28 =	vld.idx.msk [tilespmem:v5+s28+$0x0], $0xffff  }
0x210: {  	v5 =	vld [tilespmem:$0x1FB90];
	_ =	sdelay $0x6  }
0x211: {  	v62 =	vld.idx.msk [tilespmem:v57+s29+$0x0], $0xffff  }
0x212: {  	[tilespmem:v5+s22+$0x0] =	vst.idx.msk $0xffff, v26;
	v26 =	vld [tilespmem:$0x1FC60]  }
0x213: {  	v5 =	vld [tilespmem:$0x1FBB0];
	_ =	sdelay $0x4  }
0x214: {  	v3 =	vsub.f32 v26, v3;
	v26 =	vmov v5;
	v5 =	vld [tilespmem:$0x1FCF0];
	_ =	sdelay $0x2  }
0x215: {  	v19 =	vld [tilespmem:$0x1FBC0]  }
0x216: {  	[tilespmem:$0x1FDE0] =	vst v55;
	v55 =	vld [tilespmem:$0x1FB00]  }
0x217: {  	v8 =	vmov v5;
	v5 =	vld [tilespmem:$0x1FBD0];
	_ =	sdelay $0x5  }
0x218: {  	v39 =	vld.idx.msk [tilespmem:v19+s29+$0x0], $0xffff  }
0x219: {  	v16 =	vld.idx.msk [tilespmem:v55+s29+$0x0], $0xffff  }
0x21a: {  	[tilespmem:v5+s22+$0x0] =	vst.idx.msk $0xffff, v3;
	v3 =	vld [tilespmem:$0x1FC70]  }
0x21b: {  	v5 =	vld [tilespmem:$0x1FD20];
	_ =	sdelay $0x1  }
0x21c: {  	v17 =	vor.u32 s10, v7;
	_ =	sdelay $0x1  }
0x21d: {  	[tilespmem:$0x1FDD0] =	vst v54;
	v54 =	vld [tilespmem:$0x1FAF0];
	v3 =	vsub.f32 v3, v4;
	v4 =	vmov v32  }
0x21e: {  	v29 =	vor.u32 s6, v7;
	v7 =	vld [tilespmem:$0x1FBE0];
	v25 =	vadd.f32 v0, v2;
	v0 =	vmovc v5;
	[tilespmem:$0x1FCF0] =	vst v4;
	v4 =	vadd.s32 s26, v24  }
0x21f: {  	[tilespmem:$0x1FC70] =	vst v0;
	v0 =	vand.u32 $0x1FF8, v4;
	v4 =	vld [tilespmem:$0x1FBF0]  }
0x220: {  	v17 =	vld.idx.msk [tilespmem:v17+s28+$0x0], $0xffff;
	_ =	sdelay $0x1  }
0x221: {  	[tilespmem:$0x1FDF0] =	vst v27;
	v27 =	vtrunc.f32 v13  }
0x222: {  	[tilespmem:$0x1FC50] =	vst v20;
	v20 =	vcvt.f32.s32 v27;
	v27 =	vtrunc.f32 v1  }
0x223: {  	v2 =	vcvt.f32.s32 v27  }
0x224: {  	v20 =	vcvt.s32.f32 v20;
	v17 =	vadd.f32 v25, v17  }
0x225: {  	v10 =	vld.idx.msk [tilespmem:v54+s29+$0x0], $0xffff;
	v30 =	vmov v29;
	v2 =	vcvt.s32.f32 v2  }
0x226: {  	v29 =	vld.idx.msk [tilespmem:v7+s29+$0x0], $0xffff;
	vm12 =	vlt.f32 v13, v20;
	[tilespmem:v4+s22+$0x0] =	vst.idx.msk $0xffff, v3;
	v3 =	vtrunc.f32 v17;
	v4 =	vmov v23  }
0x227: {  	vm14 =	vlt.f32 v1, v2;
	[tilespmem:$0x1FD20] =	vst v4;
	v4 =	vsel vm12, $0x3F800000, v12;
	v3 =	vcvt.f32.s32 v3  }
0x228: {  	v4 =	vsub.f32 v20, v4;
	v20 =	vsel vm14, $0x3F800000, v12  }
0x229: {  	v33 =	vor.u32 s24, v24;
	v24 =	vmovc v19;
	v19 =	vcvt.s32.f32 v3;
	v3 =	vsub.f32 v2, v20  }
0x22a: {  	[tilespmem:$0x1FDA0] =	vst v18;
	v18 =	vld [tilespmem:$0x1FBA0]  }
0x22b: {  	[tilespmem:$0x1FC60] =	vst v8;
	v8 =	vcvt.s32.f32 v21;
	v1 =	vsub.f32 v1, v3;
	v3 =	vld [tilespmem:$0x1FC20]  }
0x22c: {  	v4 =	vsub.f32 v13, v4  }
0x22d: {  	vm13 =	vlt.f32 v9, v8  }
0x22e: {  	v53 =	vld [tilespmem:$0x1FF10];
	v5 =	vsel vm13, $0x3F800000, v12;
	v4 =	vadd.f32 v4, v62  }
0x22f: {  	v60 =	vld [tilespmem:$0x1FF20];
	v8 =	vsub.f32 v8, v5  }
0x230: {  	v4 =	vsub.f32 v3, v4;
	v3 =	vld [tilespmem:$0x1FC30]  }
0x231: {  	v52 =	vor.u32 v51, v61;
	v61 =	vld [tilespmem:$0x1FA30];
	v8 =	vsub.f32 v9, v8  }
0x232: {  	v27 =	vld.idx.msk [tilespmem:v18+s29+$0x0], $0xffff;
	v21 =	vmov v31;
	v31 =	vmov v18  }
0x233: {  	v48 =	vld [tilespmem:$0x1FEF0];
	v18 =	vmovc v33;
	v33 =	vadd.f32 v14, v6;
	v6 =	vadd.f32 v8, v16;
	vm15 =	vlt.f32 v17, v19  }
0x234: {  	s3 =	sadd.s32 $0x4, s3;
	v49 =	vld [tilespmem:$0x1FF00];
	v8 =	vsel vm15, $0x3F800000, v12  }
0x235: {  	p0 =	slt.u32 s3, $0x3C;
	v0 =	vor.u32 v51, v0;
	v9 =	vsub.f32 v19, v8;
	v8 =	vsub.f32 v3, v6;
	v3 =	vld [tilespmem:$0x1FC40]  }
.Ltmp4:
0x236: {  	[tilespmem:$0x1FDB0] =	vst v63;
	v47 =	vld [tilespmem:$0x1FEE0];
	v23 =	vadd.f32 v15, v22;
	(pc) =	sbr.rel @p0 .LBB2_6-.Ltmp4, $4  }
0x237: {  	[tilespmem:$0x1FDC0] =	vst v50;
	v50 =	vld [tilespmem:$0x1FAE0]  }
0x238: {  	v34 =	vld [tilespmem:$0x1FC00];
	[tilespmem:$0x1FD00] =	vst v21;
	v63 =	vtrunc.f32 v33;
	v1 =	vadd.f32 v1, v10;
	v10 =	vtrunc.f32 v23  }
0x239: {  	v21 =	vmovc v56;
	v32 =	vmov v7;
	v16 =	vld [tilespmem:$0x1FC10];
	v7 =	vcvt.f32.s32 v10;
	[tilespmem:v57+s22+$0x0] =	vst.idx.msk $0xffff, v4;
	v4 =	vadd.f32 v11, v28  }
0x23a: {  	s15 =	sadd.s32 $0x40, s15;
	s13 =	sadd.s32 $0x400, s13;
	v22 =	vmovc v52;
	v2 =	vld.idx.msk [tilespmem:v0+s29+$0x0], $0xffff;
	v6 =	vsub.f32 v17, v9;
	v17 =	vcvt.f32.s32 v63;
	v9 =	vsub.f32 v3, v1  }
0x23b: {  	v46 =	vld [tilespmem:$0x1FFF0]  }
0x23c: {  	v28 =	vld [tilespmem:$0x1FF80]  }
0x23d: {  	v44 =	vld [tilespmem:$0x1FFE0]  }
0x23e: {  	v43 =	vld [tilespmem:$0x1FFD0]  }
0x23f: {  	v38 =	vld [tilespmem:$0x1FFC0]  }
0x240: {  	v37 =	vld [tilespmem:$0x1FFB0]  }
0x241: {  	v36 =	vld [tilespmem:$0x1FFA0]  }
0x242: {  	v35 =	vld [tilespmem:$0x1FF90]  }
0x243: {  	v1 =	vld.idx.msk [tilespmem:v61+s28+$0x0], $0xffff  }
0x244: {  	[tilespmem:v55+s22+$0x0] =	vst.idx.msk $0xffff, v8;
	v8 =	vld.idx.msk [tilespmem:v50+s28+$0x0], $0xffff  }
0x245: {  	[tilespmem:v54+s22+$0x0] =	vst.idx.msk $0xffff, v9;
	v10 =	vld.idx.msk [tilespmem:v34+s28+$0x0], $0xffff  }
0x246: {  	v9 =	vld [tilespmem:$0x1FE00]  }
0x247: {  	v11 =	vld [tilespmem:$0x1FE10]  }
0x248: {  	v12 =	vld [tilespmem:$0x1FD70]  }
0x249: {  	v34 =	vld [tilespmem:$0x1FD80]  }
0x24a: {  	v40 =	vld [tilespmem:$0x1FE20]  }
0x24b: {  	v2 =	vadd.f32 v6, v2;
	v6 =	vld [tilespmem:$0x1FDA0]  }
0x24c: {  	v14 =	vld [tilespmem:$0x1FDB0]  }
0x24d: {  	v5 =	vld.idx.msk [tilespmem:v16+s28+$0x0], $0xffff;
	_ =	sdelay $0x1  }
0x24e: {  	v1 =	vmul.f32 v1, v12;
	v11 =	vld.idx.msk [tilespmem:v11+s28+$0x0], $0xffff  }
0x24f: {  	v6 =	vmul.f32 v10, v6;
	v10 =	vtrunc.f32 v4  }
0x250: {  	v8 =	vmul.f32 v8, v34;
	v9 =	vld.idx.msk [tilespmem:v9+s28+$0x0], $0xffff;
	v10 =	vcvt.f32.s32 v10  }
0x251: {  	v5 =	vmul.f32 v5, v14;
	v12 =	vld.idx.msk [tilespmem:v40+s28+$0x0], $0xffff  }
0x252: {  	v1 =	vadd.f32 v8, v1;
	v8 =	vcvt.s32.f32 v10;
	v10 =	vld [tilespmem:$0x1FDC0]  }
0x253: {  	v5 =	vadd.f32 v5, v6;
	v6 =	vmul.f32 v11, v59;
	v11 =	vld [tilespmem:$0x1FDD0];
	_ =	sdelay $0x2  }
0x254: {  	v3 =	vld [tilespmem:$0x1FE30]  }
0x255: {  	v9 =	vmul.f32 v9, v10;
	v10 =	vld.idx.msk [tilespmem:v42+s28+$0x0], $0xffff  }
0x256: {  	v11 =	vmul.f32 v12, v11;
	_ =	sdelay $0x1  }
0x257: {  	v7 =	vcvt.s32.f32 v7;
	v1 =	vadd.f32 v11, v1  }
0x258: {  	v13 =	vld.idx.msk [tilespmem:v58+s28+$0x0], $0xffff;
	v50 =	vcvt.s32.f32 v17  }
0x259: {  	v17 =	vimm.f32 $0.0e+00;
	vm0 =	vlt.f32 v23, v7;
	v16 =	vld [tilespmem:$0x1FDE0];
	v1 =	vadd.f32 v1, v10  }
0x25a: {  	v15 =	vld [tilespmem:$0x1FC90];
	v11 =	vsel vm0, $0x3F800000, v17  }
0x25b: {  	v41 =	vld.idx.msk [tilespmem:v3+s28+$0x0], $0xffff;
	v7 =	vsub.f32 v7, v11;
	v11 =	vtrunc.f32 v1  }
0x25c: {  	v6 =	vadd.f32 v6, v9;
	v9 =	vld [tilespmem:$0x1FDF0];
	v11 =	vcvt.f32.s32 v11  }
0x25d: {  	v51 =	vld.idx.msk [tilespmem:v30+s28+$0x0], $0xffff  }
0x25e: {  	v13 =	vmul.f32 v13, v16;
	v11 =	vcvt.s32.f32 v11;
	_ =	sdelay $0x1  }
0x25f: {  	vm1 =	vlt.f32 v33, v50;
	v16 =	vld.idx.msk [tilespmem:v26+s28+$0x0], $0xffff;
	v5 =	vadd.f32 v13, v5;
	vm13 =	vlt.f32 v1, v11  }
0x260: {  	v2 =	vsub.f32 v15, v2;
	v9 =	vmul.f32 v41, v9;
	v55 =	vsel vm13, $0x3F800000, v17  }
0x261: {  	v52 =	vsel vm1, $0x3F800000, v17;
	v5 =	vadd.f32 v5, v51;
	v11 =	vsub.f32 v11, v55  }
0x262: {  	v58 =	vld [tilespmem:$0x1FC50];
	v10 =	vsub.f32 v50, v52;
	v6 =	vadd.f32 v9, v6  }
0x263: {  	vm2 =	vlt.f32 v4, v8;
	v7 =	vsub.f32 v23, v7;
	v1 =	vsub.f32 v1, v11;
	v11 =	vld [tilespmem:$0x1FC60]  }
0x264: {  	v9 =	vsel vm2, $0x3F800000, v17;
	v3 =	vsub.f32 v33, v10;
	v6 =	vadd.f32 v6, v16  }
0x265: {  	v8 =	vsub.f32 v8, v9;
	v7 =	vadd.f32 v7, v27  }
0x266: {  	v9 =	vtrunc.f32 v5;
	v3 =	vadd.f32 v3, v39;
	v54 =	vtrunc.f32 v6  }
0x267: {  	v9 =	vcvt.f32.s32 v9;
	v7 =	vsub.f32 v58, v7;
	v10 =	vcvt.f32.s32 v54  }
0x268: {  	[tilespmem:v0+s22+$0x0] =	vst.idx.msk $0xffff, v2;
	v3 =	vsub.f32 v11, v3  }
0x269: {  	v4 =	vsub.f32 v4, v8;
	v8 =	vcvt.s32.f32 v9;
	v9 =	vcvt.s32.f32 v10;
	v10 =	vld.idx.msk [tilespmem:v18+s29+$0x0], $0xffff;
	[tilespmem:v31+s22+$0x0] =	vst.idx.msk $0xffff, v7  }
0x26a: {  	v2 =	vld [tilespmem:$0x1FC70];
	[tilespmem:v24+s22+$0x0] =	vst.idx.msk $0xffff, v3  }
0x26b: {  	v3 =	vld [tilespmem:$0x1FD00];
	_ =	sdelay $0x1  }
0x26c: {  	v4 =	vadd.f32 v4, v29  }
0x26d: {  	v1 =	vadd.f32 v1, v10  }
0x26e: {  	vm14 =	vlt.f32 v5, v8;
	v2 =	vsub.f32 v2, v4  }
0x26f: {  	v56 =	vld.idx.msk [tilespmem:v21+s29+$0x0], $0xffff;
	v57 =	vsel vm14, $0x3F800000, v17;
	vm15 =	vlt.f32 v6, v9;
	v1 =	vsub.f32 v3, v1  }
0x270: {  	v59 =	vld.idx.msk [tilespmem:v22+s29+$0x0], $0xffff;
	v8 =	vsub.f32 v8, v57;
	v61 =	vsel vm15, $0x3F800000, v17;
	[tilespmem:v32+s22+$0x0] =	vst.idx.msk $0xffff, v2  }
0x271: {  	v9 =	vsub.f32 v9, v61;
	v2 =	vld [tilespmem:$0x1FCF0];
	[tilespmem:v18+s22+$0x0] =	vst.idx.msk $0xffff, v1  }
0x272: {  	v5 =	vsub.f32 v5, v8;
	v1 =	vld [tilespmem:$0x1FD20]  }
0x273: {  	v0 =	vsub.f32 v6, v9  }
0x274: {  	v4 =	vadd.f32 v5, v56  }
0x275: {  	v0 =	vadd.f32 v0, v59  }
0x276: {  	v2 =	vsub.f32 v2, v4  }
0x277: {  	v0 =	vsub.f32 v1, v0  }
0x278: {  	[tilespmem:v21+s22+$0x0] =	vst.idx.msk $0xffff, v2  }
0x279: {  	[tilespmem:v22+s22+$0x0] =	vst.idx.msk $0xffff, v0  }
0x27a: {  	s1 =	simm.s32 $0x0;
	s3 =	rddreg [dreg:$0xd]  }
0x27b: {  	[hbm4b:s3+s1] =	stream.linear.scatter [tilespmem:s22], [sflag:$0x4], $0xC00, $0x38;
	[tilespmem:$0x15000] =	vst v63  }
0x27c: {  	s15 =	rddreg [dreg:$0xe];
	v18 =	vld [tilespmem:$0x1FE80]  }
0x27d: {  	v19 =	vld [tilespmem:$0x1FE90];
	[tilespmem:s1], [sflag:$0x1] =	stream.linear.gather [hbm4b:s15+s1], $0x800, $0x38  }
0x27e: {  	s18 =	rddreg [dreg:$0xf]  }
0x27f: {  	v20 =	vld [tilespmem:$0x1FEA0];
	[tilespmem:s28], [sflag:$0x2] =	stream.linear.gather [hbm4b:s18+s1], $0x4000, $0x38  }
0x280: {  	s4 =	simm.s32 $0x1;
	s20 =	rddreg [dreg:$0x10]  }
0x281: {  	v0 =	vor.u32 s1, v18;
	[tilespmem:s29], [sflag:$0x2] =	stream.linear.gather [hbm4b:s20+s1], $0xC00, $0x38;
	[tilespmem:$0x15000] =	vst v63  }
0x282: {  	v0 =	vand.u32 v19, v0;
	_ =	swait.ge [sflag:s4], $0x800  }
0x283: {  	v22 =	vld [tilespmem:$0x1FEC0]  }
0x284: {  	s21 =	simm.s32 $0x40;
	v1 =	vor.u32 s1, v20  }
0x285: {  	v3 =	vor.u32 s21, v20;
	[sflag:s4] =	ssyncset.done $0x0;
	v23 =	vld [tilespmem:$0x1FED0]  }
0x286: {  	s25 =	simm.s32 $0x80;
	v21 =	vld [tilespmem:$0x1FEB0];
	[sflag:s4] =	ssyncadd.s32 $0xFFFFF800  }
0x287: {  	v2 =	vor.u32 s21, v18;
	v8 =	vor.u32 s25, v20;
	v0 =	vld.idx.msk [tilespmem:v0+s2+$0x0], $0xffff  }
0x288: {  	v6 =	vor.u32 s25, v18;
	v2 =	vand.u32 v22, v2  }
0x289: {  	s23 =	simm.s32 $0x60;
	v11 =	vand.u32 v19, v6;
	v7 =	vld.idx.msk [tilespmem:v1+s2+$0x0], $0xffff  }
0x28a: {  	s24 =	simm.s32 $0x20;
	v4 =	vor.u32 s23, v18;
	v62 =	vld.idx.msk [tilespmem:v3+s2+$0x0], $0xffff;
	v3 =	vor.u32 s23, v20  }
0x28b: {  	v5 =	vor.u32 s24, v18;
	s1 =	simm.s32 $0x9420;
	v4 =	vand.u32 v23, v4  }
0x28c: {  	v5 =	vand.u32 v21, v5;
	[tilespmem:s1+$0xFFFFFFE0] =	vst v0;
	v0 =	vld.idx.msk [tilespmem:v8+s2+$0x0], $0xffff  }
0x28d: {  	s3 =	simm.s32 $0x9820;
	v1 =	vor.u32 s24, v20;
	v10 =	vld.idx.msk [tilespmem:v2+s2+$0x0], $0xffff  }
0x28e: {  	s5 =	simm.s32 $0xA0;
	[tilespmem:s3+$0xFFFFFFE0] =	vst v7;
	v7 =	vld.idx.msk [tilespmem:v11+s2+$0x0], $0xffff  }
0x28f: {  	s26 =	simm.s32 $0xC0;
	v2 =	vld.idx.msk [tilespmem:v3+s2+$0x0], $0xffff;
	v3 =	vor.u32 s5, v18  }
0x290: {  	s7 =	simm.s32 $0xE0;
	v63 =	vor.u32 s26, v20;
	v9 =	vld.idx.msk [tilespmem:v4+s2+$0x0], $0xffff;
	v4 =	vand.u32 v21, v3;
	v3 =	vor.u32 s26, v18  }
0x291: {  	v8 =	vor.u32 s7, v18;
	v6 =	vld.idx.msk [tilespmem:v5+s2+$0x0], $0xffff;
	v11 =	vand.u32 v22, v3  }
0x292: {  	v5 =	vld.idx.msk [tilespmem:v1+s2+$0x0], $0xffff;
	[tilespmem:s1+$0x0] =	vst v10;
	v10 =	vand.u32 v23, v8;
	_ =	sdelay $0x1  }
0x293: {  	s6 =	simm.s32 $0x4;
	v1 =	vor.u32 s5, v20  }
0x294: {  	s4 =	simm.s32 $0x9460;
	s5 =	simm.s32 $0x9860;
	v3 =	vld.idx.msk [tilespmem:v63+s2+$0x0], $0xffff;
	v8 =	vor.u32 s7, v20;
	s7 =	simm.s32 $0x100;
	[tilespmem:s3+$0x0] =	vst v62  }
.LBB2_8:
0x295: {  	v12 =	vor.u32 s7, v18;
	v13 =	vor.u32 s7, v20;
	s10 =	sadd.s32 $0x20, s7;
	s11 =	sadd.s32 $0x60, s7;
	s6 =	sadd.s32 $0x4, s6;
	v14 =	vld.idx.msk [tilespmem:v11+s2+$0x0], $0xffff;
	[tilespmem:s1+$0xFFFFFFF0] =	vst v6  }
0x296: {  	v12 =	vand.u32 v19, v12;
	v11 =	vor.u32 s10, v18;
	v15 =	vor.u32 s10, v20;
	s10 =	sadd.s32 $0x40, s7;
	p0 =	slt.u32 s6, $0x3C;
	v16 =	vld.idx.msk [tilespmem:v10+s2+$0x0], $0xffff;
	[tilespmem:s3+$0xFFFFFFF0] =	vst v5  }
0x297: {  	v5 =	vor.u32 s10, v18;
	v17 =	vor.u32 s10, v20;
	v6 =	vld.idx.msk [tilespmem:v4+s2+$0x0], $0xffff;
	v4 =	vand.u32 v21, v11;
	[tilespmem:s1+$0x10] =	vst v9;
	s1 =	smov.u32 s4  }
.Ltmp5:
0x298: {  	v9 =	vor.u32 s11, v18;
	v11 =	vand.u32 v22, v5;
	v5 =	vld.idx.msk [tilespmem:v1+s2+$0x0], $0xffff;
	[tilespmem:s3+$0x10] =	vst v2;
	v1 =	vmov v15;
	s3 =	smov.u32 s5;
	(pc) =	sbr.rel @p0 .LBB2_8-.Ltmp5, $4  }
0x299: {  	v10 =	vand.u32 v23, v9;
	[tilespmem:s4+$0xFFFFFFE0] =	vst v7;
	v2 =	vld.idx.msk [tilespmem:v8+s2+$0x0], $0xffff  }
0x29a: {  	[tilespmem:s5+$0xFFFFFFE0] =	vst v0;
	v0 =	vld.idx.msk [tilespmem:v13+s2+$0x0], $0xffff  }
0x29b: {  	v7 =	vld.idx.msk [tilespmem:v12+s2+$0x0], $0xffff;
	[tilespmem:s4+$0x0] =	vst v14  }
0x29c: {  	s7 =	sadd.s32 $0x80, s7;
	v8 =	vor.u32 s11, v20;
	s5 =	sadd.s32 $0x40, s5;
	s4 =	sadd.s32 $0x40, s4;
	v9 =	vmov v16;
	[tilespmem:s3+$0x0] =	vst v3;
	v3 =	vld.idx.msk [tilespmem:v17+s2+$0x0], $0xffff  }
0x29d: {  	_ =	sdelay $0x2  }
0x29e: {  	[tilespmem:s1+$0xFFFFFFF0] =	vst v6  }
0x29f: {  	v6 =	vld.idx.msk [tilespmem:v11+s2+$0x0], $0xffff;
	[tilespmem:s1+$0x10] =	vst v9  }
0x2a0: {  	v4 =	vld.idx.msk [tilespmem:v4+s2+$0x0], $0xffff;
	[tilespmem:s3+$0xFFFFFFF0] =	vst v5  }
0x2a1: {  	[tilespmem:s3+$0x10] =	vst v2  }
0x2a2: {  	v1 =	vld.idx.msk [tilespmem:v1+s2+$0x0], $0xffff;
	[tilespmem:s4+$0xFFFFFFE0] =	vst v7  }
0x2a3: {  	v2 =	vld.idx.msk [tilespmem:v10+s2+$0x0], $0xffff;
	[tilespmem:s5+$0xFFFFFFE0] =	vst v0  }
0x2a4: {  	v0 =	vld.idx.msk [tilespmem:v8+s2+$0x0], $0xffff;
	[tilespmem:s4+$0x0] =	vst v6  }
0x2a5: {  	[tilespmem:s4+$0xFFFFFFF0] =	vst v4  }
0x2a6: {  	[tilespmem:s5+$0x0] =	vst v3  }
0x2a7: {  	[tilespmem:s5+$0xFFFFFFF0] =	vst v1  }
0x2a8: {  	[tilespmem:s4+$0x10] =	vst v2  }
0x2a9: {  	[tilespmem:s5+$0x10] =	vst v0  }
0x2aa: {  	s24 =	simm.s32 $0x400;
	s25 =	simm.s32 $0x9400;
	s1 =	rddreg [dreg:$0x3]  }
0x2ab: {  	[tilespmem:s12], [sflag:$0x3] =	stream.indirect.gather [hbm4b:s1+s24], $0x8, s25, s24, $0xb8;
	[tilespmem:$0x15000] =	vst v63  }
0x2ac: {  	s26 =	simm.s32 $0x9800;
	s4 =	simm.s32 $0x6  }
0x2ad: {  	[tilespmem:s14], [sflag:$0x3] =	stream.indirect.gather [hbm4b:s1+s24], $0x8, s26, s24, $0xb8;
	[tilespmem:$0x15000] =	vst v63  }
0x2ae: {  	_ =	swait.ge [sflag:s4], $0x4000  }
0x2af: {  	[sflag:s4] =	ssyncset.done $0x0  }
0x2b0: {  	[sflag:s4] =	ssyncadd.s32 $0xFFFFC000  }
0x2b1: {  	_ =	swait.ge [sflag:s4], $0xC00  }
0x2b2: {  	[sflag:s4] =	ssyncset.done $0x0  }
0x2b3: {  	s5 =	simm.s32 $0x7;
	[sflag:s4] =	ssyncadd.s32 $0xFFFFF400  }
0x2b4: {  	_ =	swait.ge [sflag:s5], $0x2000  }
0x2b5: {  	[sflag:s5] =	ssyncset.done $0x0  }
0x2b6: {  	s6 =	simm.s32 $0x20;
	s7 =	simm.s32 $0x200;
	[sflag:s5] =	ssyncadd.s32 $0xFFFFE000  }
0x2b7: {  	v1 =	vor.u32 s7, v47;
	v0 =	vmov s6;
	_ =	swait.ge [sflag:s5], $0x2000  }
0x2b8: {  	v2 =	vor.u32 s7, v53;
	v0 =	vshll.u32 v0, $0x3;
	v57 =	vld [tilespmem:$0x1FE60]  }
0x2b9: {  	v4 =	vor.u32 v48, v0  }
0x2ba: {  	s13 =	simm.s32 $0x0;
	v7 =	vor.u32 $0x1, v4;
	[sflag:s5] =	ssyncset.done $0x0  }
0x2bb: {  	s15 =	simm.s32 $0x10;
	s3 =	simm.s32 $0x300;
	v0 =	vmov s13;
	v14 =	vor.u32 $0x2, v4;
	[sflag:s5] =	ssyncadd.s32 $0xFFFFE000  }
0x2bc: {  	v5 =	vmov s15;
	v8 =	vor.u32 s3, v47;
	v0 =	vshll.u32 v0, $0x3;
	v1 =	vld.idx.msk [tilespmem:v1+s31+$0x0], $0xffff  }
0x2bd: {  	v5 =	vshll.u32 v5, $0x3;
	v15 =	vor.u32 v48, v0;
	v10 =	vld.idx.msk [tilespmem:v2+s31+$0x0], $0xffff;
	v3 =	vor.u32 s7, v57  }
0x2be: {  	v16 =	vor.u32 v48, v5;
	v13 =	vor.u32 $0x1, v15;
	v2 =	vld.idx.msk [tilespmem:v4+s19+$0x0], $0xffff  }
0x2bf: {  	v11 =	vor.u32 $0x1, v16;
	v6 =	vld.idx.msk [tilespmem:v7+s19+$0x0], $0xffff  }
0x2c0: {  	v5 =	vor.u32 s7, v60;
	v42 =	vld.idx.msk [tilespmem:v14+s19+$0x0], $0xffff  }
0x2c1: {  	v17 =	vld.idx.msk [tilespmem:v8+s31+$0x0], $0xffff  }
0x2c2: {  	s18 =	simm.s32 $0x30;
	s10 =	simm.s32 $0x0;
	v3 =	vld.idx.msk [tilespmem:v3+s31+$0x0], $0xffff  }
0x2c3: {  	v18 =	vor.u32 s10, v47;
	s13 =	simm.s32 $0x100;
	v0 =	vmov s18;
	v41 =	vld.idx.msk [tilespmem:v13+s19+$0x0], $0xffff  }
0x2c4: {  	v19 =	vor.u32 s10, v53;
	v22 =	vor.u32 s13, v47;
	v9 =	vshll.u32 v0, $0x3;
	v34 =	vld.idx.msk [tilespmem:v11+s19+$0x0], $0xffff  }
0x2c5: {  	v9 =	vor.u32 v48, v9;
	v5 =	vld.idx.msk [tilespmem:v5+s31+$0x0], $0xffff;
	v1 =	vmul.f32 v1, v2;
	v10 =	vmul.f32 v10, v6  }
0x2c6: {  	v8 =	vor.u32 $0x1, v9;
	v51 =	vld.idx.msk [tilespmem:v15+s19+$0x0], $0xffff  }
0x2c7: {  	v20 =	vor.u32 $0x2, v15;
	v50 =	vld.idx.msk [tilespmem:v16+s19+$0x0], $0xffff;
	v10 =	vadd.f32 v10, v1;
	v3 =	vmul.f32 v3, v42  }
0x2c8: {  	v18 =	vld.idx.msk [tilespmem:v18+s31+$0x0], $0xffff;
	v21 =	vor.u32 s10, v57  }
0x2c9: {  	v19 =	vld.idx.msk [tilespmem:v19+s31+$0x0], $0xffff;
	v3 =	vadd.f32 v3, v10;
	v10 =	vor.u32 s13, v53  }
0x2ca: {  	s20 =	simm.s32 $0x60;
	v23 =	vor.u32 $0x2, v16;
	v22 =	vld.idx.msk [tilespmem:v22+s31+$0x0], $0xffff  }
0x2cb: {  	v25 =	vadd.s32 s20, v49;
	v1 =	vld.idx.msk [tilespmem:v8+s19+$0x0], $0xffff;
	v24 =	vadd.f32 v3, v5;
	v5 =	vor.u32 s10, v60  }
0x2cc: {  	v25 =	vand.u32 $0x1FF8, v25;
	v26 =	vor.u32 s13, v57;
	v3 =	vld.idx.msk [tilespmem:v20+s19+$0x0], $0xffff  }
0x2cd: {  	v25 =	vor.u32 v28, v25;
	v21 =	vld.idx.msk [tilespmem:v21+s31+$0x0], $0xffff  }
0x2ce: {  	v0 =	vmov v28;
	v27 =	vtrunc.f32 v24;
	v28 =	vld.idx.msk [tilespmem:v10+s31+$0x0], $0xffff;
	[tilespmem:$0x1F860] =	vst v51  }
0x2cf: {  	v27 =	vcvt.f32.s32 v27;
	v12 =	vld.idx.msk [tilespmem:v23+s19+$0x0], $0xffff;
	[tilespmem:$0x1F880] =	vst v41  }
0x2d0: {  	v10 =	vmul.f32 v18, v51;
	v30 =	vld.idx.msk [tilespmem:v5+s31+$0x0], $0xffff  }
0x2d1: {  	v18 =	vmul.f32 v19, v41;
	v19 =	vcvt.s32.f32 v27;
	v27 =	vor.u32 s3, v53;
	v26 =	vld.idx.msk [tilespmem:v26+s31+$0x0], $0xffff;
	[tilespmem:$0x1F900] =	vst v3  }
0x2d2: {  	v29 =	vor.u32 s13, v60;
	v31 =	vld.idx.msk [tilespmem:v25+s0+$0x0], $0xffff  }
0x2d3: {  	v54 =	vimm.f32 $0.0e+00;
	v39 =	vld.idx.msk [tilespmem:v9+s19+$0x0], $0xffff;
	[tilespmem:$0x1F890] =	vst v50;
	vm0 =	vlt.f32 v24, v19  }
0x2d4: {  	[tilespmem:$0x1F8A0] =	vst v34;
	v32 =	vsel vm0, $0x3F800000, v54  }
0x2d5: {  	v61 =	vld.idx.msk [tilespmem:v4+s17+$0x0], $0xffff;
	v19 =	vsub.f32 v19, v32  }
0x2d6: {  	v18 =	vadd.f32 v18, v10;
	v21 =	vmul.f32 v21, v3;
	v27 =	vld.idx.msk [tilespmem:v27+s31+$0x0], $0xffff  }
0x2d7: {  	v33 =	vor.u32 s3, v57;
	v10 =	vor.u32 $0x2, v9;
	v19 =	vsub.f32 v24, v19;
	v24 =	vld.idx.msk [tilespmem:v29+s31+$0x0], $0xffff;
	[tilespmem:$0x1F910] =	vst v12  }
0x2d8: {  	s15 =	simm.s32 $0x0;
	v22 =	vmul.f32 v22, v50;
	v18 =	vadd.f32 v21, v18;
	v28 =	vmul.f32 v28, v34;
	v32 =	vld.idx.msk [tilespmem:v7+s17+$0x0], $0xffff  }
0x2d9: {  	v21 =	vor.u32 s3, v60;
	v4 =	vor.u32 s15, v49;
	v7 =	vld.idx.msk [tilespmem:v14+s17+$0x0], $0xffff  }
0x2da: {  	v18 =	vadd.f32 v18, v30;
	v22 =	vadd.f32 v28, v22;
	v26 =	vmul.f32 v26, v12  }
0x2db: {  	v63 =	vor.u32 s7, v37;
	v28 =	vand.u32 v35, v4;
	v19 =	vadd.f32 v19, v31  }
0x2dc: {  	s18 =	simm.s32 $0x30;
	v4 =	vld.idx.msk [tilespmem:v10+s19+$0x0], $0xffff;
	v29 =	vtrunc.f32 v18;
	v22 =	vadd.f32 v26, v22;
	v31 =	vor.u32 s7, v36  }
0x2dd: {  	v62 =	vadd.s32 s18, v49;
	v30 =	vld.idx.msk [tilespmem:v33+s31+$0x0], $0xffff;
	v26 =	vcvt.f32.s32 v29;
	v19 =	vsub.f32 v61, v19  }
0x2de: {  	v21 =	vld.idx.msk [tilespmem:v21+s31+$0x0], $0xffff;
	v29 =	vand.u32 $0x1FF8, v62;
	v22 =	vadd.f32 v22, v24;
	[tilespmem:$0x1F850] =	vst v7  }
0x2df: {  	v24 =	vcvt.s32.f32 v26;
	v26 =	vor.u32 v0, v29;
	v29 =	vor.u32 s7, v38;
	[tilespmem:v25+s16+$0x0] =	vst.idx.msk $0xffff, v19  }
0x2e0: {  	v14 =	vld.idx.msk [tilespmem:v28+s0+$0x0], $0xffff;
	[tilespmem:$0x1F8E0] =	vst v39  }
0x2e1: {  	v25 =	vld.idx.msk [tilespmem:v31+s31+$0x0], $0xffff;
	[tilespmem:$0x1F8F0] =	vst v1  }
0x2e2: {  	v17 =	vmul.f32 v17, v39;
	v33 =	vld.idx.msk [tilespmem:v63+s31+$0x0], $0xffff  }
0x2e3: {  	v27 =	vmul.f32 v27, v1;
	v19 =	vtrunc.f32 v22;
	vm12 =	vlt.f32 v18, v24;
	v15 =	vld.idx.msk [tilespmem:v15+s17+$0x0], $0xffff;
	[tilespmem:$0x1F940] =	vst v4  }
0x2e4: {  	v52 =	vmovc v36;
	v36 =	vmovc v39;
	v19 =	vcvt.f32.s32 v19;
	v39 =	vor.u32 s7, v43;
	v31 =	vsel vm12, $0x3F800000, v54;
	v29 =	vld.idx.msk [tilespmem:v29+s31+$0x0], $0xffff  }
0x2e5: {  	v24 =	vsub.f32 v24, v31;
	v20 =	vld.idx.msk [tilespmem:v20+s17+$0x0], $0xffff  }
0x2e6: {  	v17 =	vadd.f32 v27, v17;
	v27 =	vmul.f32 v30, v4;
	v19 =	vcvt.s32.f32 v19;
	v31 =	vld.idx.msk [tilespmem:v26+s0+$0x0], $0xffff  }
0x2e7: {  	v16 =	vld.idx.msk [tilespmem:v16+s17+$0x0], $0xffff;
	v18 =	vsub.f32 v18, v24  }
0x2e8: {  	v30 =	vor.u32 s10, v37;
	v17 =	vadd.f32 v27, v17;
	v13 =	vld.idx.msk [tilespmem:v13+s17+$0x0], $0xffff;
	vm13 =	vlt.f32 v22, v19  }
0x2e9: {  	v24 =	vor.u32 s10, v52;
	v27 =	vsel vm13, $0x3F800000, v54;
	v14 =	vadd.f32 v18, v14;
	v18 =	vld.idx.msk [tilespmem:v39+s31+$0x0], $0xffff  }
0x2ea: {  	v25 =	vmul.f32 v25, v2;
	v19 =	vsub.f32 v19, v27;
	v33 =	vmul.f32 v33, v6;
	[tilespmem:$0x1F820] =	vst v20  }
0x2eb: {  	v17 =	vadd.f32 v17, v21;
	v27 =	vor.u32 s10, v38;
	v14 =	vsub.f32 v15, v14;
	v23 =	vld.idx.msk [tilespmem:v23+s17+$0x0], $0xffff  }
0x2ec: {  	s11 =	simm.s32 $0x90;
	v21 =	vmul.f32 v29, v42;
	v19 =	vsub.f32 v22, v19;
	v15 =	vadd.f32 v33, v25  }
0x2ed: {  	v20 =	vor.u32 s13, v52;
	v11 =	vld.idx.msk [tilespmem:v11+s17+$0x0], $0xffff;
	v25 =	vadd.s32 s11, v49;
	[tilespmem:v28+s16+$0x0] =	vst.idx.msk $0xffff, v14  }
0x2ee: {  	v14 =	vtrunc.f32 v17;
	v19 =	vadd.f32 v19, v31;
	v15 =	vadd.f32 v21, v15;
	v21 =	vld.idx.msk [tilespmem:v24+s31+$0x0], $0xffff  }
0x2ef: {  	v22 =	vor.u32 s13, v37;
	v25 =	vand.u32 $0x1FF8, v25;
	v14 =	vcvt.f32.s32 v14;
	v28 =	vld.idx.msk [tilespmem:v30+s31+$0x0], $0xffff  }
0x2f0: {  	v16 =	vsub.f32 v16, v19;
	v15 =	vadd.f32 v15, v18;
	v18 =	vor.u32 v0, v25;
	[tilespmem:$0x1F830] =	vst v23  }
0x2f1: {  	v24 =	vor.u32 s10, v43;
	v19 =	vld.idx.msk [tilespmem:v27+s31+$0x0], $0xffff  }
0x2f2: {  	v14 =	vcvt.s32.f32 v14;
	[tilespmem:v26+s16+$0x0] =	vst.idx.msk $0xffff, v16;
	v16 =	vadd.s32 s20, v44;
	v56 =	vld.idx.msk [tilespmem:v9+s17+$0x0], $0xffff  }
0x2f3: {  	v25 =	vor.u32 s13, v38;
	v27 =	vtrunc.f32 v15;
	v20 =	vld.idx.msk [tilespmem:v20+s31+$0x0], $0xffff;
	v16 =	vand.u32 $0x1FF8, v16  }
0x2f4: {  	vm14 =	vlt.f32 v17, v14;
	v26 =	vcvt.f32.s32 v27;
	v22 =	vld.idx.msk [tilespmem:v22+s31+$0x0], $0xffff;
	v16 =	vor.u32 v46, v16  }
0x2f5: {  	v21 =	vmul.f32 v21, v51;
	v27 =	vmul.f32 v28, v41;
	v29 =	vsel vm14, $0x3F800000, v54;
	v30 =	vld.idx.msk [tilespmem:v18+s0+$0x0], $0xffff  }
0x2f6: {  	v24 =	vld.idx.msk [tilespmem:v24+s31+$0x0], $0xffff;
	v14 =	vsub.f32 v14, v29;
	v26 =	vcvt.s32.f32 v26  }
0x2f7: {  	v7 =	vld.idx.msk [tilespmem:v10+s17+$0x0], $0xffff;
	v21 =	vadd.f32 v27, v21;
	v19 =	vmul.f32 v19, v3  }
0x2f8: {  	v28 =	vor.u32 s13, v43;
	v25 =	vld.idx.msk [tilespmem:v25+s31+$0x0], $0xffff;
	v14 =	vsub.f32 v17, v14;
	vm15 =	vlt.f32 v15, v26  }
0x2f9: {  	v17 =	vsel vm15, $0x3F800000, v54;
	v9 =	vadd.f32 v19, v21;
	v21 =	vld.idx.msk [tilespmem:v16+s0+$0x0], $0xffff  }
0x2fa: {  	v40 =	vmovc v34;
	v23 =	vor.u32 s3, v52;
	v17 =	vsub.f32 v26, v17;
	v14 =	vadd.f32 v14, v30  }
0x2fb: {  	v20 =	vmul.f32 v20, v50;
	v22 =	vmul.f32 v22, v40;
	v24 =	vadd.f32 v9, v24  }
0x2fc: {  	v5 =	vmov v12;
	v9 =	vld.idx.msk [tilespmem:v8+s17+$0x0], $0xffff;
	v8 =	vsub.f32 v56, v14;
	v14 =	vsub.f32 v15, v17  }
0x2fd: {  	v27 =	vor.u32 s3, v37;
	v26 =	vld.idx.msk [tilespmem:v28+s31+$0x0], $0xffff;
	v20 =	vadd.f32 v22, v20;
	v22 =	vmul.f32 v25, v5;
	[tilespmem:$0x1F840] =	vst v7  }
0x2fe: {  	v12 =	vmov v35;
	v35 =	vmov v1;
	v1 =	vld [tilespmem:$0x1FE70];
	[tilespmem:v18+s16+$0x0] =	vst.idx.msk $0xffff, v8;
	v8 =	vadd.f32 v14, v21  }
0x2ff: {  	v62 =	vor.u32 s15, v44;
	v10 =	vadd.f32 v22, v20;
	v25 =	vtrunc.f32 v24  }
0x300: {  	v15 =	vcvt.f32.s32 v25;
	v25 =	vadd.s32 s18, v44;
	v20 =	vld.idx.msk [tilespmem:v23+s31+$0x0], $0xffff;
	v8 =	vsub.f32 v32, v8  }
0x301: {  	v18 =	vand.u32 $0x1FF8, v25;
	v7 =	vld [tilespmem:$0x1FF40]  }
0x302: {  	v15 =	vcvt.s32.f32 v15;
	v22 =	vor.u32 v46, v18;
	v18 =	vld.idx.msk [tilespmem:v27+s31+$0x0], $0xffff;
	[tilespmem:v16+s16+$0x0] =	vst.idx.msk $0xffff, v8  }
0x303: {  	v31 =	vor.u32 s3, v38;
	v29 =	vor.u32 s3, v43;
	v10 =	vadd.f32 v10, v26;
	v39 =	vld [tilespmem:$0x1FF50]  }
0x304: {  	v19 =	vor.u32 s10, v1;
	v17 =	vadd.s32 s11, v44;
	vm4 =	vlt.f32 v24, v15;
	v40 =	vld [tilespmem:$0x1FF60]  }
0x305: {  	v21 =	vor.u32 s7, v45;
	v25 =	vld.idx.msk [tilespmem:v62+s0+$0x0], $0xffff;
	v26 =	vtrunc.f32 v10;
	v27 =	vsel vm4, $0x3F800000, v54  }
0x306: {  	v17 =	vand.u32 $0x1FF8, v17;
	v16 =	vcvt.f32.s32 v26;
	v41 =	vld [tilespmem:$0x1FF70];
	v15 =	vsub.f32 v15, v27  }
0x307: {  	v14 =	vor.u32 s7, v1;
	v5 =	vor.u32 v46, v17;
	v23 =	vor.u32 s7, v7  }
0x308: {  	v28 =	vld.idx.msk [tilespmem:v31+s31+$0x0], $0xffff;
	v16 =	vcvt.s32.f32 v16;
	v20 =	vmul.f32 v20, v36;
	v15 =	vsub.f32 v24, v15  }
0x309: {  	[tilespmem:$0x1F8D0] =	vst v5;
	v18 =	vmul.f32 v18, v35;
	v17 =	vor.u32 s7, v39;
	v26 =	vadd.s32 s20, v40  }
0x30a: {  	s6 =	simm.s32 $0x600;
	v21 =	vld.idx.msk [tilespmem:v21+s31+$0x0], $0xffff;
	vm5 =	vlt.f32 v10, v16;
	v15 =	vadd.f32 v15, v25;
	v26 =	vand.u32 $0x1FF8, v26  }
0x30b: {  	s21 =	simm.s32 $0x60;
	v24 =	vld.idx.msk [tilespmem:v29+s31+$0x0], $0xffff;
	v29 =	vor.u32 s6, v47;
	v18 =	vadd.f32 v18, v20;
	v3 =	vor.u32 v41, v26  }
0x30c: {  	v14 =	vld.idx.msk [tilespmem:v14+s31+$0x0], $0xffff;
	v27 =	vsel vm5, $0x3F800000, v54;
	v13 =	vsub.f32 v13, v15;
	v15 =	vmov s21;
	[tilespmem:$0x1F9B0] =	vst v3  }
0x30d: {  	v20 =	vmul.f32 v28, v4;
	v16 =	vsub.f32 v16, v27;
	v15 =	vshll.u32 v15, $0x3;
	v25 =	vld.idx.msk [tilespmem:v22+s0+$0x0], $0xffff  }
0x30e: {  	[tilespmem:v62+s16+$0x0] =	vst.idx.msk $0xffff, v13;
	v31 =	vor.u32 v48, v15;
	v30 =	vld.idx.msk [tilespmem:v17+s31+$0x0], $0xffff;
	v17 =	vor.u32 s6, v53  }
0x30f: {  	v15 =	vadd.f32 v20, v18;
	v18 =	vld.idx.msk [tilespmem:v19+s31+$0x0], $0xffff;
	v19 =	vor.u32 $0x1, v31  }
0x310: {  	v6 =	vmul.f32 v21, v6;
	v10 =	vsub.f32 v10, v16;
	v23 =	vld.idx.msk [tilespmem:v23+s31+$0x0], $0xffff;
	v21 =	vor.u32 $0x2, v31  }
0x311: {  	v2 =	vmul.f32 v14, v2;
	v26 =	vor.u32 s10, v45;
	v28 =	vld.idx.msk [tilespmem:v5+s0+$0x0], $0xffff  }
0x312: {  	s23 =	simm.s32 $0x40;
	v10 =	vadd.f32 v10, v25;
	v25 =	vld.idx.msk [tilespmem:v29+s31+$0x0], $0xffff  }
0x313: {  	v58 =	vmov v38;
	v29 =	vadd.f32 v6, v2;
	v2 =	vmov s23;
	v38 =	vld.idx.msk [tilespmem:v17+s31+$0x0], $0xffff  }
0x314: {  	v14 =	vor.u32 s6, v57;
	v24 =	vadd.f32 v15, v24;
	v15 =	vshll.u32 v2, $0x3;
	v2 =	vld.idx.msk [tilespmem:v19+s19+$0x0], $0xffff  }
0x315: {  	v4 =	vld.idx.msk [tilespmem:v21+s19+$0x0], $0xffff  }
0x316: {  	v20 =	vor.u32 s13, v1;
	v13 =	vld.idx.msk [tilespmem:v26+s31+$0x0], $0xffff  }
0x317: {  	s26 =	simm.s32 $0x500;
	s5 =	simm.s32 $0x700;
	v26 =	vor.u32 s13, v45;
	v56 =	vld.idx.msk [tilespmem:v31+s19+$0x0], $0xffff;
	v6 =	vsub.f32 v11, v10  }
0x318: {  	v55 =	vmovc v37;
	v63 =	vmov v46;
	v37 =	vor.u32 s26, v53;
	s20 =	simm.s32 $0x120;
	v27 =	vld.idx.msk [tilespmem:v3+s0+$0x0], $0xffff;
	v11 =	vor.u32 s5, v47  }
0x319: {  	v46 =	vadd.s32 s20, v49;
	v17 =	vmul.f32 v23, v42;
	v23 =	vld.idx.msk [tilespmem:v14+s31+$0x0], $0xffff;
	v42 =	vor.u32 s6, v60;
	[tilespmem:v22+s16+$0x0] =	vst.idx.msk $0xffff, v6  }
0x31a: {  	s25 =	simm.s32 $0x70;
	s7 =	simm.s32 $0x400;
	v15 =	vor.u32 v48, v15;
	[tilespmem:$0x1F8B0] =	vst v4;
	v32 =	vmul.f32 v38, v2;
	v38 =	vand.u32 $0x1FF8, v46;
	v46 =	vld [tilespmem:$0x1F850]  }
0x31b: {  	v35 =	vor.u32 s7, v53;
	v29 =	vadd.f32 v17, v29;
	v22 =	vmov s25;
	v20 =	vld.idx.msk [tilespmem:v20+s31+$0x0], $0xffff  }
0x31c: {  	s24 =	simm.s32 $0x50;
	v61 =	vmovc v44;
	v44 =	vor.u32 s7, v47;
	v17 =	vshll.u32 v22, $0x3;
	v25 =	vmul.f32 v25, v56;
	v22 =	vld.idx.msk [tilespmem:v26+s31+$0x0], $0xffff  }
0x31d: {  	v59 =	vmovc v43;
	v43 =	vtrunc.f32 v24;
	v10 =	vmov s24;
	v29 =	vadd.f32 v29, v30;
	v26 =	vld.idx.msk [tilespmem:v11+s31+$0x0], $0xffff  }
0x31e: {  	v62 =	vor.u32 $0x1, v15;
	v23 =	vmul.f32 v23, v4;
	v33 =	vld.idx.msk [tilespmem:v42+s31+$0x0], $0xffff;
	v25 =	vadd.f32 v32, v25  }
0x31f: {  	v34 =	vcvt.f32.s32 v43;
	v10 =	vshll.u32 v10, $0x3;
	v45 =	vtrunc.f32 v29;
	v4 =	vld.idx.msk [tilespmem:v15+s19+$0x0], $0xffff  }
0x320: {  	v16 =	vor.u32 v48, v10;
	v35 =	vld.idx.msk [tilespmem:v35+s31+$0x0], $0xffff;
	v23 =	vadd.f32 v23, v25;
	v25 =	vcvt.f32.s32 v45  }
0x321: {  	v14 =	vor.u32 $0x1, v16;
	v37 =	vld.idx.msk [tilespmem:v37+s31+$0x0], $0xffff  }
0x322: {  	v30 =	vcvt.s32.f32 v34;
	v34 =	vor.u32 s26, v47;
	v11 =	vld [tilespmem:$0x1F860];
	v25 =	vcvt.s32.f32 v25  }
0x323: {  	v17 =	vor.u32 v48, v17;
	v42 =	vld.idx.msk [tilespmem:v62+s19+$0x0], $0xffff  }
0x324: {  	v6 =	vmovc v2;
	v2 =	vor.u32 $0x2, v15;
	v8 =	vor.u32 $0x1, v17;
	v32 =	vld.idx.msk [tilespmem:v44+s31+$0x0], $0xffff;
	vm7 =	vlt.f32 v29, v25  }
0x325: {  	vm6 =	vlt.f32 v24, v30;
	v10 =	vld.idx.msk [tilespmem:v16+s19+$0x0], $0xffff;
	v23 =	vadd.f32 v23, v33;
	v43 =	vsel vm7, $0x3F800000, v54  }
0x326: {  	v36 =	vsel vm6, $0x3F800000, v54;
	v51 =	vld.idx.msk [tilespmem:v14+s19+$0x0], $0xffff;
	v33 =	vor.u32 s5, v53;
	v25 =	vsub.f32 v25, v43  }
0x327: {  	v38 =	vor.u32 v0, v38;
	v30 =	vsub.f32 v30, v36;
	v34 =	vld.idx.msk [tilespmem:v34+s31+$0x0], $0xffff;
	v44 =	vtrunc.f32 v23  }
0x328: {  	v45 =	vor.u32 $0x2, v16;
	v5 =	vld.idx.msk [tilespmem:v17+s19+$0x0], $0xffff;
	v44 =	vcvt.f32.s32 v44;
	v25 =	vsub.f32 v29, v25  }
0x329: {  	v36 =	vor.u32 $0x2, v17;
	v24 =	vsub.f32 v24, v30;
	v3 =	vld.idx.msk [tilespmem:v2+s19+$0x0], $0xffff  }
0x32a: {  	v50 =	vld.idx.msk [tilespmem:v8+s19+$0x0], $0xffff;
	v44 =	vcvt.s32.f32 v44;
	v25 =	vadd.f32 v25, v27  }
0x32b: {  	v24 =	vadd.f32 v24, v28;
	v30 =	vld.idx.msk [tilespmem:v33+s31+$0x0], $0xffff  }
0x32c: {  	v33 =	vld.idx.msk [tilespmem:v38+s0+$0x0], $0xffff;
	v29 =	vor.u32 s7, v57;
	vm8 =	vlt.f32 v23, v44;
	v25 =	vsub.f32 v46, v25  }
0x32d: {  	v28 =	vor.u32 s26, v57;
	v43 =	vsel vm8, $0x3F800000, v54;
	v27 =	vor.u32 s5, v57;
	v57 =	vld.idx.msk [tilespmem:v45+s19+$0x0], $0xffff  }
0x32e: {  	v44 =	vsub.f32 v44, v43;
	v43 =	vld.idx.msk [tilespmem:v36+s19+$0x0], $0xffff;
	[tilespmem:$0x1F9C0] =	vst v25  }
0x32f: {  	v24 =	vsub.f32 v9, v24;
	v9 =	vor.u32 s7, v60;
	v25 =	vld.idx.msk [tilespmem:v31+s17+$0x0], $0xffff  }
0x330: {  	v23 =	vsub.f32 v23, v44;
	v21 =	vld.idx.msk [tilespmem:v21+s17+$0x0], $0xffff  }
0x331: {  	v31 =	vor.u32 s26, v60;
	v29 =	vld.idx.msk [tilespmem:v29+s31+$0x0], $0xffff  }
0x332: {  	v32 =	vmul.f32 v32, v4;
	v35 =	vmul.f32 v35, v42;
	v28 =	vld.idx.msk [tilespmem:v28+s31+$0x0], $0xffff;
	v23 =	vadd.f32 v23, v33  }
0x333: {  	v34 =	vmul.f32 v34, v10;
	v33 =	vor.u32 s5, v60;
	v27 =	vld.idx.msk [tilespmem:v27+s31+$0x0], $0xffff  }
0x334: {  	s1 =	simm.s32 $0x150;
	s23 =	simm.s32 $0xF0;
	v32 =	vadd.f32 v35, v32;
	v35 =	vor.u32 s6, v52;
	v9 =	vld.idx.msk [tilespmem:v9+s31+$0x0], $0xffff;
	v23 =	vsub.f32 v25, v23  }
0x335: {  	v26 =	vmul.f32 v26, v5;
	v46 =	vadd.s32 s23, v49;
	v19 =	vld.idx.msk [tilespmem:v19+s17+$0x0], $0xffff;
	v25 =	vadd.s32 s1, v49;
	[tilespmem:$0x1F870] =	vst v21  }
0x336: {  	v30 =	vmul.f32 v30, v50;
	v21 =	vand.u32 $0x1FF8, v46;
	v31 =	vld.idx.msk [tilespmem:v31+s31+$0x0], $0xffff;
	v25 =	vand.u32 $0x1FF8, v25;
	[tilespmem:v38+s16+$0x0] =	vst.idx.msk $0xffff, v23  }
0x337: {  	v37 =	vmul.f32 v37, v51;
	v21 =	vor.u32 v0, v21;
	v25 =	vor.u32 v0, v25;
	v0 =	vld [tilespmem:$0x1F890]  }
0x338: {  	v26 =	vadd.f32 v30, v26;
	v30 =	vor.u32 s6, v55;
	v33 =	vld.idx.msk [tilespmem:v33+s31+$0x0], $0xffff  }
0x339: {  	v34 =	vadd.f32 v37, v34;
	v17 =	vld.idx.msk [tilespmem:v17+s17+$0x0], $0xffff  }
0x33a: {  	v29 =	vmul.f32 v29, v3;
	v28 =	vmul.f32 v28, v57;
	v23 =	vor.u32 s6, v58;
	v35 =	vld.idx.msk [tilespmem:v35+s31+$0x0], $0xffff  }
0x33b: {  	v18 =	vmul.f32 v18, v11;
	v11 =	vld [tilespmem:$0x1F880]  }
0x33c: {  	s21 =	simm.s32 $0xC0;
	v29 =	vadd.f32 v29, v32;
	v28 =	vadd.f32 v28, v34;
	v20 =	vmul.f32 v20, v0;
	v0 =	vld [tilespmem:$0x1F8A0]  }
0x33d: {  	v44 =	vor.u32 s21, v49;
	v30 =	vld.idx.msk [tilespmem:v30+s31+$0x0], $0xffff  }
0x33e: {  	v29 =	vadd.f32 v29, v9;
	v9 =	vor.u32 s6, v59;
	v28 =	vadd.f32 v28, v31;
	v31 =	vld.idx.msk [tilespmem:v21+s0+$0x0], $0xffff  }
0x33f: {  	v32 =	vand.u32 v12, v44;
	v23 =	vld.idx.msk [tilespmem:v23+s31+$0x0], $0xffff  }
0x340: {  	v37 =	vld.idx.msk [tilespmem:v25+s0+$0x0], $0xffff  }
0x341: {  	v27 =	vmul.f32 v27, v43;
	v12 =	vmul.f32 v22, v0;
	v0 =	vld.idx.msk [tilespmem:v62+s17+$0x0], $0xffff  }
0x342: {  	v13 =	vmul.f32 v13, v11;
	v11 =	vld [tilespmem:$0x1F8B0]  }
0x343: {  	v38 =	vld.idx.msk [tilespmem:v9+s31+$0x0], $0xffff;
	v22 =	vadd.f32 v27, v26  }
0x344: {  	v27 =	vld.idx.msk [tilespmem:v32+s0+$0x0], $0xffff  }
0x345: {  	v46 =	vmul.f32 v35, v56;
	v30 =	vmul.f32 v30, v6;
	v22 =	vadd.f32 v22, v33;
	v33 =	vld.idx.msk [tilespmem:v15+s17+$0x0], $0xffff  }
0x346: {  	v15 =	vadd.f32 v12, v20;
	v12 =	vld.idx.msk [tilespmem:v16+s17+$0x0], $0xffff;
	[tilespmem:$0x1F9A0] =	vst v0  }
0x347: {  	v9 =	vadd.f32 v30, v46;
	v23 =	vmul.f32 v23, v11;
	v0 =	vld.idx.msk [tilespmem:v2+s17+$0x0], $0xffff  }
0x348: {  	v13 =	vadd.f32 v13, v18;
	v26 =	vtrunc.f32 v29  }
0x349: {  	v18 =	vtrunc.f32 v28;
	v26 =	vcvt.f32.s32 v26;
	v20 =	vadd.f32 v23, v9  }
0x34a: {  	v18 =	vcvt.f32.s32 v18;
	v46 =	vld.idx.msk [tilespmem:v14+s17+$0x0], $0xffff  }
0x34b: {  	v26 =	vcvt.s32.f32 v26;
	v20 =	vadd.f32 v20, v38;
	v38 =	vld.idx.msk [tilespmem:v45+s17+$0x0], $0xffff  }
0x34c: {  	v16 =	vcvt.s32.f32 v18;
	[tilespmem:$0x1F8C0] =	vst v0;
	v0 =	vld [tilespmem:$0x1F8D0]  }
0x34d: {  	vm9 =	vlt.f32 v29, v26  }
0x34e: {  	v18 =	vtrunc.f32 v22;
	vm10 =	vlt.f32 v28, v16;
	v23 =	vsel vm9, $0x3F800000, v54  }
0x34f: {  	v18 =	vcvt.f32.s32 v18;
	v14 =	vsel vm10, $0x3F800000, v54;
	v23 =	vsub.f32 v26, v23  }
0x350: {  	v14 =	vsub.f32 v16, v14  }
0x351: {  	v18 =	vcvt.s32.f32 v18;
	v23 =	vsub.f32 v29, v23  }
0x352: {  	v9 =	vld.idx.msk [tilespmem:v8+s17+$0x0], $0xffff;
	v8 =	vsub.f32 v28, v14  }
0x353: {  	v34 =	vor.u32 s3, v1;
	v44 =	vld [tilespmem:$0x1FF30];
	vm11 =	vlt.f32 v22, v18;
	v23 =	vadd.f32 v23, v27  }
0x354: {  	v62 =	vld [tilespmem:$0x1FF30];
	v8 =	vadd.f32 v8, v31;
	[tilespmem:v0+s16+$0x0] =	vst.idx.msk $0xffff, v24;
	v24 =	vsel vm11, $0x3F800000, v54  }
0x355: {  	v16 =	vadd.s32 s20, v61;
	v23 =	vsub.f32 v33, v23;
	v18 =	vsub.f32 v18, v24  }
0x356: {  	v26 =	vor.u32 s13, v7;
	v16 =	vand.u32 $0x1FF8, v16;
	v8 =	vsub.f32 v12, v8  }
0x357: {  	v16 =	vor.u32 v63, v16;
	[tilespmem:v32+s16+$0x0] =	vst.idx.msk $0xffff, v23;
	v18 =	vsub.f32 v22, v18  }
0x358: {  	v35 =	vor.u32 s3, v44;
	[tilespmem:v21+s16+$0x0] =	vst.idx.msk $0xffff, v8;
	v28 =	vld.idx.msk [tilespmem:v34+s31+$0x0], $0xffff  }
0x359: {  	v29 =	vtrunc.f32 v20;
	v0 =	vld [tilespmem:$0x1F8E0];
	v18 =	vadd.f32 v18, v37  }
0x35a: {  	v30 =	vor.u32 s10, v7;
	v29 =	vcvt.f32.s32 v29;
	v44 =	vld.idx.msk [tilespmem:v36+s17+$0x0], $0xffff  }
0x35b: {  	v14 =	vor.u32 s3, v7;
	v26 =	vld.idx.msk [tilespmem:v26+s31+$0x0], $0xffff;
	v17 =	vsub.f32 v17, v18  }
0x35c: {  	v29 =	vcvt.s32.f32 v29;
	v12 =	vld.idx.msk [tilespmem:v16+s0+$0x0], $0xffff;
	v24 =	vor.u32 s7, v52  }
0x35d: {  	v27 =	vor.u32 s7, v55;
	v31 =	vld.idx.msk [tilespmem:v35+s31+$0x0], $0xffff;
	[tilespmem:v25+s16+$0x0] =	vst.idx.msk $0xffff, v17  }
0x35e: {  	vm12 =	vlt.f32 v20, v29;
	v36 =	vmul.f32 v28, v0;
	v0 =	vld [tilespmem:$0x1F8F0]  }
0x35f: {  	v45 =	vor.u32 s26, v52;
	v22 =	vld.idx.msk [tilespmem:v30+s31+$0x0], $0xffff;
	v30 =	vsel vm12, $0x3F800000, v54  }
0x360: {  	v35 =	vld.idx.msk [tilespmem:v14+s31+$0x0], $0xffff;
	v29 =	vsub.f32 v29, v30;
	v30 =	vor.u32 s26, v55  }
0x361: {  	v32 =	vor.u32 s5, v52;
	v21 =	vld.idx.msk [tilespmem:v24+s31+$0x0], $0xffff  }
0x362: {  	v8 =	vsub.f32 v20, v29;
	v20 =	vor.u32 s5, v55;
	v55 =	vmov v5;
	v5 =	vld.idx.msk [tilespmem:v27+s31+$0x0], $0xffff  }
0x363: {  	v52 =	vmul.f32 v31, v0;
	v0 =	vld [tilespmem:$0x1F900]  }
0x364: {  	v28 =	vld.idx.msk [tilespmem:v45+s31+$0x0], $0xffff;
	v18 =	vor.u32 s7, v58;
	v8 =	vadd.f32 v8, v12  }
0x365: {  	v29 =	vld.idx.msk [tilespmem:v30+s31+$0x0], $0xffff  }
0x366: {  	v12 =	vor.u32 s26, v58;
	v8 =	vsub.f32 v19, v8;
	v30 =	vld.idx.msk [tilespmem:v32+s31+$0x0], $0xffff  }
0x367: {  	v25 =	vor.u32 s5, v58;
	v20 =	vld.idx.msk [tilespmem:v20+s31+$0x0], $0xffff  }
0x368: {  	v58 =	vmov v3;
	v19 =	vor.u32 s7, v59;
	v3 =	vmul.f32 v22, v0;
	v0 =	vld [tilespmem:$0x1F910];
	[tilespmem:v16+s16+$0x0] =	vst.idx.msk $0xffff, v8  }
0x369: {  	v27 =	vadd.s32 s18, v40;
	v18 =	vld.idx.msk [tilespmem:v18+s31+$0x0], $0xffff;
	[tilespmem:$0x1F920] =	vst v4  }
0x36a: {  	v27 =	vand.u32 $0x1FF8, v27;
	v17 =	vadd.s32 s11, v40;
	v22 =	vor.u32 s26, v59;
	[tilespmem:$0x1F930] =	vst v42  }
0x36b: {  	v24 =	vor.u32 v41, v27;
	v27 =	vor.u32 s5, v59;
	v17 =	vand.u32 $0x1FF8, v17;
	v12 =	vld.idx.msk [tilespmem:v12+s31+$0x0], $0xffff  }
0x36c: {  	v5 =	vmul.f32 v5, v42;
	v8 =	vor.u32 s6, v1;
	v16 =	vmul.f32 v21, v4;
	v25 =	vld.idx.msk [tilespmem:v25+s31+$0x0], $0xffff;
	[tilespmem:$0x1F950] =	vst v10  }
0x36d: {  	v28 =	vmul.f32 v28, v10;
	v30 =	vmul.f32 v30, v55;
	v21 =	vor.u32 s6, v62;
	v19 =	vld.idx.msk [tilespmem:v19+s31+$0x0], $0xffff  }
0x36e: {  	v5 =	vadd.f32 v5, v16;
	v16 =	vmul.f32 v29, v51;
	[tilespmem:$0x1F960] =	vst v51;
	v26 =	vmul.f32 v26, v0;
	v0 =	vld [tilespmem:$0x1F940]  }
0x36f: {  	v32 =	vor.u32 v41, v17;
	v20 =	vmul.f32 v20, v50;
	v17 =	vmul.f32 v18, v58;
	v22 =	vld.idx.msk [tilespmem:v22+s31+$0x0], $0xffff  }
0x370: {  	v29 =	vor.u32 s6, v7;
	v28 =	vadd.f32 v16, v28;
	v12 =	vmul.f32 v12, v57  }
0x371: {  	v33 =	vor.u32 s10, v39;
	v23 =	vor.u32 s13, v39;
	v20 =	vadd.f32 v20, v30;
	v8 =	vld.idx.msk [tilespmem:v8+s31+$0x0], $0xffff  }
0x372: {  	v5 =	vadd.f32 v17, v5;
	v18 =	vld.idx.msk [tilespmem:v21+s31+$0x0], $0xffff;
	v17 =	vmul.f32 v25, v43;
	v12 =	vadd.f32 v12, v28  }
0x373: {  	v34 =	vor.u32 s26, v1;
	v25 =	vld.idx.msk [tilespmem:v27+s31+$0x0], $0xffff;
	v4 =	vmul.f32 v35, v0;
	v0 =	vor.u32 s5, v1  }
0x374: {  	v17 =	vadd.f32 v17, v20;
	[tilespmem:$0x1F970] =	vst v0;
	v20 =	vadd.f32 v12, v22;
	v22 =	vor.u32 s6, v39  }
0x375: {  	v42 =	vor.u32 s7, v1;
	v19 =	vadd.f32 v5, v19;
	v5 =	vadd.s32 s1, v61;
	v21 =	vld.idx.msk [tilespmem:v29+s31+$0x0], $0xffff  }
0x376: {  	v5 =	vand.u32 $0x1FF8, v5;
	v0 =	vmul.f32 v8, v56;
	v8 =	vadd.s32 s23, v61  }
0x377: {  	v2 =	vmul.f32 v18, v6;
	v6 =	vor.u32 s5, v62;
	v8 =	vand.u32 $0x1FF8, v8  }
0x378: {  	[tilespmem:$0x1F980] =	vst v6;
	v28 =	vor.u32 v63, v8;
	v8 =	vadd.f32 v17, v25;
	v17 =	vtrunc.f32 v19  }
0x379: {  	v3 =	vadd.f32 v3, v13;
	v10 =	vor.u32 v63, v5;
	v17 =	vcvt.f32.s32 v17;
	v18 =	vld.idx.msk [tilespmem:v22+s31+$0x0], $0xffff  }
0x37a: {  	v1 =	vadd.f32 v52, v36;
	v0 =	vadd.f32 v2, v0;
	v6 =	vmul.f32 v21, v11  }
0x37b: {  	v5 =	vor.u32 s7, v7;
	v13 =	vcvt.s32.f32 v17;
	v21 =	vtrunc.f32 v20  }
0x37c: {  	v2 =	vcvt.f32.s32 v21;
	v21 =	vtrunc.f32 v8;
	v0 =	vadd.f32 v6, v0  }
0x37d: {  	v4 =	vadd.f32 v4, v1;
	[tilespmem:$0x1F990] =	vst v5;
	v17 =	vcvt.f32.s32 v21  }
0x37e: {  	vm13 =	vlt.f32 v19, v13;
	v6 =	vld.idx.msk [tilespmem:v33+s31+$0x0], $0xffff;
	v2 =	vcvt.s32.f32 v2;
	v12 =	vadd.f32 v0, v18  }
0x37f: {  	v25 =	vor.u32 s21, v61;
	v17 =	vcvt.s32.f32 v17;
	v0 =	vsel vm13, $0x3F800000, v54  }
0x380: {  	vm14 =	vlt.f32 v20, v2;
	v0 =	vsub.f32 v13, v0;
	v1 =	vtrunc.f32 v12  }
0x381: {  	v13 =	vld.idx.msk [tilespmem:v23+s31+$0x0], $0xffff;
	vm1 =	vlt.f32 v8, v17;
	v22 =	vsel vm14, $0x3F800000, v54;
	v5 =	vcvt.f32.s32 v1  }
0x382: {  	v23 =	vsel vm1, $0x3F800000, v54;
	v2 =	vsub.f32 v2, v22;
	v0 =	vsub.f32 v19, v0  }
0x383: {  	v1 =	vsub.f32 v17, v23;
	v23 =	vadd.f32 v3, v6;
	v6 =	vld.idx.msk [tilespmem:v10+s0+$0x0], $0xffff;
	v19 =	vcvt.s32.f32 v5  }
0x384: {  	v14 =	vor.u32 s3, v39;
	v15 =	vadd.f32 v26, v15;
	v22 =	vld.idx.msk [tilespmem:v28+s0+$0x0], $0xffff  }
0x385: {  	v31 =	vor.u32 s15, v40;
	v21 =	vld.idx.msk [tilespmem:v25+s0+$0x0], $0xffff;
	v2 =	vsub.f32 v20, v2;
	vm15 =	vlt.f32 v12, v19  }
0x386: {  	v8 =	vsub.f32 v8, v1;
	v33 =	vadd.f32 v15, v13;
	v15 =	vsel vm15, $0x3F800000, v54  }
0x387: {  	v1 =	vadd.s32 s23, v40;
	v15 =	vsub.f32 v19, v15;
	v19 =	vadd.s32 s1, v40  }
0x388: {  	v3 =	vld [tilespmem:$0x1F9A0];
	v20 =	vadd.f32 v8, v6;
	v6 =	vand.u32 $0x1FF8, v1;
	v1 =	vand.u32 $0x1FF8, v19  }
0x389: {  	v2 =	vadd.f32 v2, v22;
	v22 =	vor.u32 v41, v1;
	v1 =	vld [tilespmem:$0x1F9B0]  }
0x38a: {  	v14 =	vld.idx.msk [tilespmem:v14+s31+$0x0], $0xffff;
	v13 =	vadd.f32 v0, v21;
	v0 =	vadd.s32 s20, v40  }
0x38b: {  	v37 =	vor.u32 s7, v62;
	v45 =	vor.u32 s26, v7;
	v0 =	vand.u32 $0x1FF8, v0  }
0x38c: {  	v30 =	vor.u32 s26, v39;
	v0 =	vor.u32 v41, v0;
	v8 =	vsub.f32 v46, v2;
	v2 =	vld [tilespmem:$0x1F9C0]  }
0x38d: {  	v16 =	vor.u32 s26, v62;
	v26 =	vor.u32 s5, v39;
	v35 =	vor.u32 s7, v39;
	v27 =	vld.idx.msk [tilespmem:v31+s0+$0x0], $0xffff  }
0x38e: {  	v61 =	vor.u32 s5, v7;
	v36 =	vld.idx.msk [tilespmem:v24+s0+$0x0], $0xffff;
	v18 =	vor.u32 s21, v40;
	v13 =	vsub.f32 v3, v13  }
0x38f: {  	v59 =	vmovc v57;
	v29 =	vld.idx.msk [tilespmem:v32+s0+$0x0], $0xffff;
	v4 =	vadd.f32 v4, v14;
	v7 =	vtrunc.f32 v23;
	v21 =	vor.u32 v41, v6  }
0x390: {  	v19 =	vcvt.f32.s32 v7;
	v6 =	vsub.f32 v12, v15;
	[tilespmem:v25+s16+$0x0] =	vst.idx.msk $0xffff, v13;
	v15 =	vmovc v10;
	v10 =	vtrunc.f32 v33  }
0x391: {  	s13 =	simm.s32 $0xB00;
	s3 =	simm.s32 $0x4;
	s15 =	simm.s32 $0xB0;
	v9 =	vsub.f32 v9, v20;
	v25 =	vmov v28;
	v39 =	vcvt.f32.s32 v10;
	[tilespmem:v1+s16+$0x0] =	vst.idx.msk $0xffff, v2;
	v2 =	vld.idx.msk [tilespmem:v0+s0+$0x0], $0xffff  }
.LBB2_10:
0x392: {  	[tilespmem:$0x1F5B0] =	vst v55  }
0x393: {  	[tilespmem:$0x1F570] =	vst v23  }
0x394: {  	[tilespmem:$0x1F5F0] =	vst v58  }
0x395: {  	[tilespmem:$0x1F610] =	vst v59;
	v1 =	vld [tilespmem:$0x1F870]  }
0x396: {  	[tilespmem:$0x1F580] =	vst v33  }
0x397: {  	[tilespmem:$0x1F5D0] =	vst v50  }
0x398: {  	[tilespmem:$0x1F710] =	vst v36;
	v2 =	vadd.f32 v6, v2  }
0x399: {  	[tilespmem:$0x1F740] =	vst v30  }
0x39a: {  	v63 =	vld [tilespmem:$0x1FFC0];
	[tilespmem:$0x1F6F0] =	vst v27;
	v2 =	vsub.f32 v1, v2  }
0x39b: {  	s5 =	sadd.s32 $0xFFFFFFF0, s15;
	s10 =	sadd.s32 $0xFFFFFF00, s13;
	[tilespmem:v25+s16+$0x0] =	vst.idx.msk $0xffff, v8;
	v27 =	vld [tilespmem:$0x1FFD0];
	v11 =	vor.u32 s13, v47  }
0x39c: {  	v8 =	vmov s5;
	v12 =	vor.u32 s10, v47;
	[tilespmem:v0+s16+$0x0] =	vst.idx.msk $0xffff, v2;
	v2 =	vld [tilespmem:$0x1FE60]  }
0x39d: {  	[tilespmem:$0x1F720] =	vst v29;
	s4 =	sadd.s32 $0xFFFFFFE0, s15;
	v5 =	vshll.u32 v8, $0x3;
	v13 =	vld.idx.msk [tilespmem:v42+s31+$0x0], $0xffff;
	v8 =	vor.u32 s10, v53  }
0x39e: {  	[tilespmem:$0x1F750] =	vst v26;
	v6 =	vmov s4;
	v26 =	vld.idx.msk [tilespmem:v37+s31+$0x0], $0xffff;
	v5 =	vor.u32 v48, v5  }
0x39f: {  	[tilespmem:v15+s16+$0x0] =	vst.idx.msk $0xffff, v9;
	v50 =	vld.idx.msk [tilespmem:v34+s31+$0x0], $0xffff;
	v6 =	vshll.u32 v6, $0x3;
	v29 =	vor.u32 $0x1, v5  }
0x3a0: {  	[tilespmem:$0x1F760] =	vst v31;
	v10 =	vmov s15;
	s11 =	sadd.s32 $0xFFFFFFD0, s15;
	v51 =	vor.u32 $0x2, v5;
	v31 =	vor.u32 v48, v6;
	v6 =	vld.idx.msk [tilespmem:v11+s31+$0x0], $0xffff  }
0x3a1: {  	[tilespmem:$0x1F7A0] =	vst v21;
	v9 =	vmov s11;
	v10 =	vshll.u32 v10, $0x3;
	v12 =	vld.idx.msk [tilespmem:v12+s31+$0x0], $0xffff;
	v0 =	vor.u32 s10, v2  }
0x3a2: {  	[tilespmem:$0x1F7E0] =	vst v32;
	v9 =	vshll.u32 v9, $0x3;
	v32 =	vor.u32 v48, v10;
	v10 =	vld.idx.msk [tilespmem:v8+s31+$0x0], $0xffff  }
0x3a3: {  	[tilespmem:$0x1F7C0] =	vst v22;
	s7 =	sadd.s32 $0xFFFFFD00, s13;
	v33 =	vor.u32 v48, v9;
	v48 =	vld.idx.msk [tilespmem:v5+s19+$0x0], $0xffff  }
0x3a4: {  	[tilespmem:$0x1F7B0] =	vst v24;
	s6 =	sadd.s32 $0xFFFFFE00, s13;
	v1 =	vor.u32 s7, v27;
	v9 =	vld.idx.msk [tilespmem:v29+s19+$0x0], $0xffff  }
0x3a5: {  	v22 =	vor.u32 s10, v60;
	[tilespmem:$0x1F6A0] =	vst v1;
	v1 =	vor.u32 s6, v27;
	v14 =	vld.idx.msk [tilespmem:v51+s19+$0x0], $0xffff  }
0x3a6: {  	v20 =	vor.u32 s7, v47;
	[tilespmem:$0x1F6B0] =	vst v1;
	v1 =	vor.u32 s13, v63;
	v21 =	vld.idx.msk [tilespmem:v0+s31+$0x0], $0xffff  }
0x3a7: {  	[tilespmem:$0x1F690] =	vst v1;
	v1 =	vor.u32 s13, v27;
	v0 =	vld [tilespmem:$0x1FFA0]  }
0x3a8: {  	v24 =	vor.u32 s7, v53;
	v30 =	vor.u32 s6, v47;
	v34 =	vor.u32 s6, v53;
	[tilespmem:$0x1F6E0] =	vst v1;
	v1 =	vld [tilespmem:$0x1FE70]  }
0x3a9: {  	[tilespmem:$0x1F7D0] =	vst v44;
	v54 =	vor.u32 s7, v60;
	v58 =	vor.u32 s6, v60;
	v59 =	vor.u32 s13, v60;
	v60 =	vld.idx.msk [tilespmem:v33+s19+$0x0], $0xffff  }
0x3aa: {  	[tilespmem:$0x1F730] =	vst v35;
	v35 =	vor.u32 s13, v53;
	v28 =	vor.u32 $0x1, v33;
	v37 =	vld.idx.msk [tilespmem:v22+s31+$0x0], $0xffff;
	v53 =	vor.u32 s7, v2  }
0x3ab: {  	[tilespmem:$0x1F770] =	vst v18;
	v20 =	vld.idx.msk [tilespmem:v20+s31+$0x0], $0xffff;
	v55 =	vor.u32 s6, v2;
	v56 =	vor.u32 s13, v2;
	v12 =	vmul.f32 v12, v48  }
0x3ac: {  	[tilespmem:$0x1F790] =	vst v38;
	s1 =	sadd.s32 $0xC0, s1;
	v22 =	vmul.f32 v10, v9;
	v2 =	vor.u32 s7, v0;
	v46 =	vmul.f32 v21, v14;
	v21 =	vld.idx.msk [tilespmem:v32+s19+$0x0], $0xffff  }
0x3ad: {  	s25 =	sadd.s32 $0xFFFFFFA0, s1;
	v38 =	vadd.s32 s1, v49;
	v3 =	vor.u32 s7, v1;
	[tilespmem:$0x1F5A0] =	vst v2;
	v2 =	vld [tilespmem:$0x1FFB0]  }
0x3ae: {  	v47 =	vadd.s32 s25, v49;
	v24 =	vld.idx.msk [tilespmem:v24+s31+$0x0], $0xffff;
	[tilespmem:$0x1F6C0] =	vst v3;
	v3 =	vor.u32 s7, v62;
	v12 =	vadd.f32 v22, v12  }
0x3af: {  	v23 =	vor.u32 $0x1, v32;
	v38 =	vand.u32 $0x1FF8, v38;
	v57 =	vld.idx.msk [tilespmem:v28+s19+$0x0], $0xffff;
	[tilespmem:$0x1F6D0] =	vst v3;
	v3 =	vor.u32 s6, v1  }
0x3b0: {  	v36 =	vor.u32 s13, v1;
	v1 =	vor.u32 s13, v62;
	[tilespmem:$0x1F7F0] =	vst v3;
	v12 =	vadd.f32 v46, v12;
	v46 =	vld [tilespmem:$0x1FF80]  }
0x3b1: {  	s26 =	sadd.s32 $0xFFFFFFD0, s1;
	v41 =	vor.u32 $0x1, v31;
	v42 =	vor.u32 $0x2, v31;
	v3 =	vor.u32 s6, v62;
	[tilespmem:$0x1F560] =	vst v1;
	v1 =	vld.idx.msk [tilespmem:v30+s31+$0x0], $0xffff  }
0x3b2: {  	v10 =	vmovc v45;
	v30 =	vadd.s32 s26, v49;
	[tilespmem:$0x1F800] =	vst v3;
	v45 =	vmul.f32 v6, v21;
	v6 =	vld [tilespmem:$0x1FF90];
	v7 =	vor.u32 s7, v2  }
0x3b3: {  	v18 =	vld [tilespmem:$0x1FFE0];
	s24 =	sadd.s32 $0xFFFFFF70, s1;
	v30 =	vand.u32 $0x1FF8, v30;
	v17 =	vadd.f32 v12, v37;
	[tilespmem:$0x1F5C0] =	vst v7;
	v7 =	vor.u32 s6, v0  }
0x3b4: {  	v12 =	vor.u32 s24, v49;
	v37 =	vand.u32 $0x1FF8, v47;
	[tilespmem:$0x1F5E0] =	vst v7;
	v7 =	vor.u32 s6, v2  }
0x3b5: {  	v49 =	vtrunc.f32 v17;
	v62 =	vor.u32 v46, v30;
	[tilespmem:$0x1F600] =	vst v7;
	v7 =	vor.u32 s7, v63  }
0x3b6: {  	v3 =	vld [tilespmem:$0x1FFF0];
	v37 =	vor.u32 v46, v37;
	v44 =	vcvt.f32.s32 v49;
	[tilespmem:$0x1F660] =	vst v7;
	v7 =	vor.u32 s13, v0  }
0x3b7: {  	v25 =	vld [tilespmem:$0x1F920];
	v49 =	vand.u32 v6, v12;
	v6 =	vmul.f32 v20, v60;
	v12 =	vmul.f32 v24, v57  }
0x3b8: {  	v34 =	vld.idx.msk [tilespmem:v34+s31+$0x0], $0xffff;
	v20 =	vadd.s32 s25, v18;
	v24 =	vcvt.s32.f32 v44;
	[tilespmem:$0x1F620] =	vst v7;
	v7 =	vor.u32 s13, v2  }
0x3b9: {  	v35 =	vld.idx.msk [tilespmem:v35+s31+$0x0], $0xffff;
	v38 =	vor.u32 v46, v38;
	v20 =	vand.u32 $0x1FF8, v20;
	[tilespmem:$0x1F650] =	vst v7;
	v7 =	vor.u32 s6, v63  }
0x3ba: {  	[tilespmem:$0x1F590] =	vst v61;
	v61 =	vld.idx.msk [tilespmem:v31+s19+$0x0], $0xffff;
	v46 =	vadd.f32 v12, v6;
	vm0 =	vlt.f32 v17, v24;
	v12 =	vimm.f32 $0.0e+00  }
0x3bb: {  	v47 =	vld.idx.msk [tilespmem:v62+s0+$0x0], $0xffff;
	[tilespmem:$0x1F670] =	vst v7;
	v7 =	vor.u32 v3, v20;
	v20 =	vsel vm0, $0x3F800000, v12  }
0x3bc: {  	v8 =	vld.idx.msk [tilespmem:v41+s19+$0x0], $0xffff;
	v20 =	vsub.f32 v24, v20  }
0x3bd: {  	[tilespmem:$0x1F630] =	vst v43;
	v43 =	vld.idx.msk [tilespmem:v42+s19+$0x0], $0xffff  }
0x3be: {  	v11 =	vor.u32 $0x2, v32;
	v22 =	vld.idx.msk [tilespmem:v23+s19+$0x0], $0xffff;
	v17 =	vsub.f32 v17, v20  }
0x3bf: {  	v55 =	vld.idx.msk [tilespmem:v55+s31+$0x0], $0xffff  }
0x3c0: {  	v17 =	vadd.f32 v17, v47;
	v47 =	vor.u32 s10, v0;
	v0 =	vld [tilespmem:$0x1F930]  }
0x3c1: {  	v40 =	vor.u32 $0x2, v33;
	v53 =	vld.idx.msk [tilespmem:v53+s31+$0x0], $0xffff  }
0x3c2: {  	v56 =	vld.idx.msk [tilespmem:v56+s31+$0x0], $0xffff  }
0x3c3: {  	v13 =	vmul.f32 v13, v25;
	v44 =	vld.idx.msk [tilespmem:v11+s19+$0x0], $0xffff  }
0x3c4: {  	v6 =	vmul.f32 v34, v8;
	v34 =	vmul.f32 v35, v22;
	v35 =	vld.idx.msk [tilespmem:v5+s17+$0x0], $0xffff  }
0x3c5: {  	v25 =	vmovc v60;
	v60 =	vmul.f32 v26, v0;
	v26 =	vmul.f32 v55, v43;
	v55 =	vor.u32 s10, v2;
	v2 =	vld [tilespmem:$0x1F950]  }
0x3c6: {  	v1 =	vmul.f32 v1, v61;
	v30 =	vld.idx.msk [tilespmem:v40+s19+$0x0], $0xffff  }
0x3c7: {  	v52 =	vld.idx.msk [tilespmem:v16+s31+$0x0], $0xffff  }
0x3c8: {  	v1 =	vadd.f32 v6, v1;
	v0 =	vmov v8;
	v8 =	vld.idx.msk [tilespmem:v51+s17+$0x0], $0xffff  }
0x3c9: {  	v59 =	vld.idx.msk [tilespmem:v59+s31+$0x0], $0xffff;
	v45 =	vadd.f32 v34, v45;
	v56 =	vmul.f32 v56, v44;
	v17 =	vsub.f32 v35, v17  }
0x3ca: {  	v54 =	vld.idx.msk [tilespmem:v54+s31+$0x0], $0xffff;
	v35 =	vmul.f32 v50, v2;
	v50 =	vadd.f32 v26, v1;
	v1 =	vor.u32 s10, v63  }
0x3cb: {  	v58 =	vld.idx.msk [tilespmem:v58+s31+$0x0], $0xffff;
	v53 =	vmul.f32 v53, v30  }
0x3cc: {  	v45 =	vadd.f32 v56, v45;
	v2 =	vld [tilespmem:$0x1F960]  }
0x3cd: {  	v46 =	vadd.f32 v53, v46;
	v26 =	vld.idx.msk [tilespmem:v29+s17+$0x0], $0xffff;
	[tilespmem:$0x1F870] =	vst v8  }
0x3ce: {  	v45 =	vadd.f32 v45, v59;
	[tilespmem:v62+s16+$0x0] =	vst.idx.msk $0xffff, v17;
	v8 =	vld.idx.msk [tilespmem:v28+s17+$0x0], $0xffff  }
0x3cf: {  	v54 =	vadd.f32 v46, v54;
	v1 =	vld.idx.msk [tilespmem:v1+s31+$0x0], $0xffff  }
0x3d0: {  	v13 =	vadd.f32 v60, v13;
	v60 =	vtrunc.f32 v45;
	v47 =	vld.idx.msk [tilespmem:v47+s31+$0x0], $0xffff;
	v17 =	vadd.f32 v50, v58  }
0x3d1: {  	v62 =	vtrunc.f32 v54;
	v55 =	vld.idx.msk [tilespmem:v55+s31+$0x0], $0xffff;
	v52 =	vmul.f32 v52, v2  }
0x3d2: {  	v51 =	vcvt.f32.s32 v62;
	v63 =	vtrunc.f32 v17  }
0x3d3: {  	v62 =	vld.idx.msk [tilespmem:v31+s17+$0x0], $0xffff;
	v31 =	vcvt.f32.s32 v60;
	v35 =	vadd.f32 v52, v35;
	v52 =	vcvt.f32.s32 v63  }
0x3d4: {  	[tilespmem:$0x1F810] =	vst v8;
	v8 =	vmov v14;
	v1 =	vmul.f32 v1, v14;
	v14 =	vld [tilespmem:$0x1F970]  }
0x3d5: {  	v28 =	vcvt.s32.f32 v31;
	v52 =	vcvt.s32.f32 v52  }
0x3d6: {  	v60 =	vld.idx.msk [tilespmem:v32+s17+$0x0], $0xffff;
	v32 =	vmul.f32 v47, v48;
	v47 =	vmul.f32 v55, v9  }
0x3d7: {  	v24 =	vld [tilespmem:$0x1FF50];
	vm9 =	vlt.f32 v17, v52  }
0x3d8: {  	vm10 =	vlt.f32 v45, v28;
	v47 =	vadd.f32 v47, v32;
	v32 =	vld.idx.msk [tilespmem:v42+s17+$0x0], $0xffff;
	v31 =	vsel vm9, $0x3F800000, v12  }
0x3d9: {  	v42 =	vsub.f32 v52, v31;
	v31 =	vld.idx.msk [tilespmem:v40+s17+$0x0], $0xffff;
	v40 =	vsel vm10, $0x3F800000, v12  }
0x3da: {  	v16 =	vadd.s32 s1, v18;
	v28 =	vsub.f32 v28, v40  }
0x3db: {  	v16 =	vand.u32 $0x1FF8, v16;
	v55 =	vadd.s32 s26, v18  }
0x3dc: {  	v17 =	vsub.f32 v17, v42;
	v42 =	vand.u32 $0x1FF8, v55;
	v28 =	vsub.f32 v45, v28;
	v45 =	vld.idx.msk [tilespmem:v14+s31+$0x0], $0xffff  }
0x3dd: {  	v5 =	vor.u32 v3, v16;
	v14 =	vmov v36;
	v36 =	vor.u32 v3, v42;
	v3 =	vld [tilespmem:$0x1F980]  }
0x3de: {  	v2 =	vor.u32 s13, v24;
	_ =	sdelay $0x2  }
0x3df: {  	[tilespmem:$0x1F780] =	vst v2;
	v2 =	vmov v9;
	v9 =	vld [tilespmem:$0x1F560]  }
0x3e0: {  	v50 =	vtrunc.f32 v4  }
0x3e1: {  	v50 =	vcvt.f32.s32 v50;
	_ =	sdelay $0x1  }
0x3e2: {  	v40 =	vcvt.s32.f32 v50;
	v50 =	vld.idx.msk [tilespmem:v3+s31+$0x0], $0xffff  }
0x3e3: {  	v3 =	vmov v9;
	v9 =	vld [tilespmem:$0x1F590]  }
0x3e4: {  	v63 =	vld [tilespmem:$0x1FF60]  }
0x3e5: {  	[tilespmem:$0x1F980] =	vst v3;
	v3 =	vld [tilespmem:$0x1F990];
	_ =	sdelay $0x1  }
0x3e6: {  	[tilespmem:$0x1F680] =	vst v5;
	v5 =	vor.u32 s24, v18;
	v53 =	vld.idx.msk [tilespmem:v37+s0+$0x0], $0xffff;
	v51 =	vcvt.s32.f32 v51  }
0x3e7: {  	[tilespmem:$0x1F700] =	vst v5;
	v5 =	vld [tilespmem:$0x1FF40]  }
0x3e8: {  	v33 =	vld.idx.msk [tilespmem:v33+s17+$0x0], $0xffff;
	v15 =	vmov v61;
	vm8 =	vlt.f32 v54, v51;
	v46 =	vadd.s32 s1, v63  }
0x3e9: {  	[tilespmem:$0x1F640] =	vst v7;
	v7 =	vmovc v57;
	v57 =	vld.idx.msk [tilespmem:v49+s0+$0x0], $0xffff;
	v61 =	vand.u32 $0x1FF8, v46;
	v46 =	vcvt.s32.f32 v19;
	v19 =	vmovc v48;
	v48 =	vsel vm8, $0x3F800000, v12  }
0x3ea: {  	v51 =	vsub.f32 v51, v48;
	v48 =	vld.idx.msk [tilespmem:v9+s31+$0x0], $0xffff  }
0x3eb: {  	v17 =	vadd.f32 v17, v53;
	v9 =	vld [tilespmem:$0x1F5A0]  }
0x3ec: {  	v6 =	vor.u32 s7, v5;
	v42 =	vld.idx.msk [tilespmem:v3+s31+$0x0], $0xffff  }
0x3ed: {  	v51 =	vsub.f32 v54, v51;
	v3 =	vmov v6;
	v6 =	vsub.f32 v62, v17;
	v17 =	vld.idx.msk [tilespmem:v10+s31+$0x0], $0xffff  }
0x3ee: {  	v10 =	vld [tilespmem:$0x1F5F0]  }
0x3ef: {  	v57 =	vadd.f32 v51, v57  }
0x3f0: {  	v58 =	vld.idx.msk [tilespmem:v38+s0+$0x0], $0xffff  }
0x3f1: {  	v33 =	vsub.f32 v33, v57  }
0x3f2: {  	v56 =	vor.u32 s10, v27  }
0x3f3: {  	[tilespmem:v49+s16+$0x0] =	vst.idx.msk $0xffff, v33;
	v42 =	vmul.f32 v42, v10;
	v10 =	vld [tilespmem:$0x1F600]  }
0x3f4: {  	v49 =	vld.idx.msk [tilespmem:v9+s31+$0x0], $0xffff  }
0x3f5: {  	v28 =	vadd.f32 v28, v58;
	v9 =	vld [tilespmem:$0x1F5B0]  }
0x3f6: {  	v41 =	vld.idx.msk [tilespmem:v41+s17+$0x0], $0xffff  }
0x3f7: {  	v56 =	vld.idx.msk [tilespmem:v56+s31+$0x0], $0xffff;
	v28 =	vsub.f32 v60, v28  }
0x3f8: {  	v54 =	vld.idx.msk [tilespmem:v23+s17+$0x0], $0xffff  }
0x3f9: {  	v23 =	vld.idx.msk [tilespmem:v11+s17+$0x0], $0xffff;
	[tilespmem:v38+s16+$0x0] =	vst.idx.msk $0xffff, v28  }
0x3fa: {  	[tilespmem:v37+s16+$0x0] =	vst.idx.msk $0xffff, v6;
	v28 =	vmul.f32 v45, v9;
	v9 =	vld [tilespmem:$0x1F5C0]  }
0x3fb: {  	v55 =	vmov v21;
	v21 =	vld.idx.msk [tilespmem:v10+s31+$0x0], $0xffff  }
0x3fc: {  	v10 =	vld [tilespmem:$0x1F610]  }
0x3fd: {  	v1 =	vadd.f32 v1, v47;
	_ =	sdelay $0x1  }
0x3fe: {  	v1 =	vadd.f32 v1, v56  }
0x3ff: {  	v52 =	vld [tilespmem:$0x1FF70]  }
0x400: {  	v56 =	vtrunc.f32 v1;
	v11 =	vmul.f32 v17, v10;
	v10 =	vld [tilespmem:$0x1F620]  }
0x401: {  	v57 =	vcvt.f32.s32 v56;
	v37 =	vld.idx.msk [tilespmem:v9+s31+$0x0], $0xffff  }
0x402: {  	v9 =	vld [tilespmem:$0x1F5D0]  }
0x403: {  	v47 =	vcvt.s32.f32 v39;
	v39 =	vcvt.s32.f32 v57  }
0x404: {  	v59 =	vadd.s32 s25, v63  }
0x405: {  	v59 =	vand.u32 $0x1FF8, v59;
	vm3 =	vlt.f32 v1, v39  }
0x406: {  	v57 =	vor.u32 v52, v59;
	v59 =	vsel vm3, $0x3F800000, v12  }
0x407: {  	[tilespmem:$0x1F990] =	vst v3;
	v3 =	vld [tilespmem:$0x1FE70];
	v62 =	vmul.f32 v50, v9;
	v50 =	vmov v22;
	v22 =	vsub.f32 v39, v59  }
0x408: {  	v6 =	vld.idx.msk [tilespmem:v36+s0+$0x0], $0xffff  }
0x409: {  	v1 =	vsub.f32 v1, v22;
	v22 =	vld.idx.msk [tilespmem:v10+s31+$0x0], $0xffff  }
0x40a: {  	v10 =	vld [tilespmem:$0x1F630];
	_ =	sdelay $0x1  }
0x40b: {  	[tilespmem:$0x1F960] =	vst v0;
	v21 =	vmul.f32 v21, v0;
	v0 =	vld [tilespmem:$0x1F6B0];
	_ =	sdelay $0x1  }
0x40c: {  	v1 =	vadd.f32 v1, v6;
	v6 =	vor.u32 s10, v3;
	v3 =	vld [tilespmem:$0x1F670]  }
0x40d: {  	v56 =	vadd.f32 v42, v13;
	v13 =	vmul.f32 v48, v10;
	v10 =	vld [tilespmem:$0x1F650]  }
0x40e: {  	v17 =	vadd.f32 v62, v28  }
0x40f: {  	v58 =	vmov v30;
	v30 =	vmul.f32 v49, v25  }
0x410: {  	[tilespmem:$0x1F970] =	vst v14;
	v14 =	vadd.f32 v11, v35;
	v11 =	vadd.f32 v13, v17;
	v13 =	vmul.f32 v37, v7  }
0x411: {  	v9 =	vld [tilespmem:$0x1F5E0]  }
0x412: {  	v13 =	vadd.f32 v13, v30;
	v30 =	vld.idx.msk [tilespmem:v0+s31+$0x0], $0xffff  }
0x413: {  	v0 =	vld [tilespmem:$0x1F6E0]  }
0x414: {  	v17 =	vld.idx.msk [tilespmem:v3+s31+$0x0], $0xffff  }
0x415: {  	v38 =	vld.idx.msk [tilespmem:v10+s31+$0x0], $0xffff  }
0x416: {  	v10 =	vld [tilespmem:$0x1F660]  }
0x417: {  	v3 =	vld [tilespmem:$0x1F690]  }
0x418: {  	v18 =	vld [tilespmem:$0x1F580];
	vm1 =	vlt.f32 v4, v40;
	v1 =	vsub.f32 v26, v1  }
0x419: {  	v35 =	vsel vm1, $0x3F800000, v12  }
0x41a: {  	v27 =	vld [tilespmem:$0x1F570];
	[tilespmem:v36+s16+$0x0] =	vst.idx.msk $0xffff, v1;
	v1 =	vmul.f32 v22, v55;
	v22 =	vsub.f32 v40, v35  }
0x41b: {  	v9 =	vld.idx.msk [tilespmem:v9+s31+$0x0], $0xffff  }
0x41c: {  	v4 =	vsub.f32 v4, v22;
	v22 =	vld.idx.msk [tilespmem:v0+s31+$0x0], $0xffff  }
0x41d: {  	vm11 =	vlt.f32 v18, v47;
	v0 =	vld [tilespmem:$0x1F6F0]  }
0x41e: {  	v16 =	vor.u32 s6, v5;
	v28 =	vsel vm11, $0x3F800000, v12;
	v42 =	vld.idx.msk [tilespmem:v10+s31+$0x0], $0xffff  }
0x41f: {  	vm2 =	vlt.f32 v27, v46;
	v45 =	vmovc v16;
	v16 =	vsub.f32 v47, v28;
	v28 =	vor.u32 s10, v5;
	v10 =	vld.idx.msk [tilespmem:v3+s31+$0x0], $0xffff  }
0x420: {  	v39 =	vsel vm2, $0x3F800000, v12;
	v9 =	vmul.f32 v9, v15;
	v3 =	vld [tilespmem:$0x1F6A0]  }
0x421: {  	v39 =	vsub.f32 v46, v39  }
0x422: {  	v34 =	vor.u32 s13, v5;
	v9 =	vadd.f32 v21, v9;
	v21 =	vmul.f32 v38, v50  }
0x423: {  	v51 =	vor.u32 v52, v61;
	v61 =	vmov v34;
	v34 =	vsub.f32 v27, v39  }
0x424: {  	v1 =	vadd.f32 v21, v1;
	v21 =	vld.idx.msk [tilespmem:v28+s31+$0x0], $0xffff  }
0x425: {  	v28 =	vadd.f32 v34, v0;
	v0 =	vld [tilespmem:$0x1F710];
	_ =	sdelay $0x2  }
0x426: {  	v26 =	vld.idx.msk [tilespmem:v3+s31+$0x0], $0xffff;
	v3 =	vsub.f32 v18, v16;
	_ =	sdelay $0x1  }
0x427: {  	v3 =	vadd.f32 v3, v0;
	v0 =	vld [tilespmem:$0x1F720];
	_ =	sdelay $0x4  }
0x428: {  	v4 =	vadd.f32 v4, v0;
	v0 =	vld [tilespmem:$0x1F820]  }
0x429: {  	v46 =	vmul.f32 v42, v58;
	_ =	sdelay $0x1  }
0x42a: {  	v13 =	vadd.f32 v46, v13  }
0x42b: {  	v62 =	vld [tilespmem:$0x1FF30]  }
0x42c: {  	v13 =	vadd.f32 v13, v26;
	v26 =	vsub.f32 v0, v28;
	v0 =	vld [tilespmem:$0x1F730];
	_ =	sdelay $0x2  }
0x42d: {  	v59 =	vmov v43;
	v43 =	vmov v44  }
0x42e: {  	v5 =	vld [tilespmem:$0x1F8C0];
	v10 =	vmul.f32 v10, v43  }
0x42f: {  	v37 =	vor.u32 s10, v62  }
0x430: {  	v1 =	vadd.f32 v10, v1  }
0x431: {  	v6 =	vld.idx.msk [tilespmem:v6+s31+$0x0], $0xffff  }
0x432: {  	v1 =	vadd.f32 v1, v22;
	v22 =	vld.idx.msk [tilespmem:v0+s31+$0x0], $0xffff  }
0x433: {  	v0 =	vmov v5;
	v5 =	vld [tilespmem:$0x1F740]  }
0x434: {  	v36 =	vld.idx.msk [tilespmem:v37+s31+$0x0], $0xffff;
	_ =	sdelay $0x4  }
0x435: {  	v6 =	vmul.f32 v6, v19;
	v2 =	vmul.f32 v36, v2;
	_ =	sdelay $0x1  }
0x436: {  	v2 =	vadd.f32 v2, v6;
	v6 =	vld.idx.msk [tilespmem:v5+s31+$0x0], $0xffff  }
0x437: {  	v5 =	vld [tilespmem:$0x1F750]  }
0x438: {  	v16 =	vmul.f32 v17, v59;
	_ =	sdelay $0x1  }
0x439: {  	v9 =	vadd.f32 v16, v9;
	_ =	sdelay $0x1  }
0x43a: {  	v9 =	vadd.f32 v9, v30;
	_ =	sdelay $0x1  }
0x43b: {  	v40 =	vld [tilespmem:$0x1F700];
	v28 =	vtrunc.f32 v9  }
0x43c: {  	[tilespmem:$0x1F820] =	vst v0;
	v0 =	vmul.f32 v21, v8;
	v21 =	vcvt.f32.s32 v28;
	v28 =	vld.idx.msk [tilespmem:v5+s31+$0x0], $0xffff  }
0x43d: {  	v5 =	vld [tilespmem:$0x1F760];
	_ =	sdelay $0x6  }
0x43e: {  	v34 =	vld.idx.msk [tilespmem:v40+s0+$0x0], $0xffff  }
0x43f: {  	[tilespmem:v5+s16+$0x0] =	vst.idx.msk $0xffff, v26;
	v5 =	vld [tilespmem:$0x1F780];
	_ =	sdelay $0x4  }
0x440: {  	v26 =	vmov v5;
	v5 =	vld [tilespmem:$0x1F790];
	_ =	sdelay $0x2  }
0x441: {  	v39 =	vld [tilespmem:$0x1F7A0]  }
0x442: {  	[tilespmem:$0x1F920] =	vst v25;
	v25 =	vld [tilespmem:$0x1F640]  }
0x443: {  	v8 =	vmov v5;
	v5 =	vld [tilespmem:$0x1F7B0]  }
0x444: {  	v18 =	vld [tilespmem:$0x1F830];
	_ =	sdelay $0x3  }
0x445: {  	[tilespmem:$0x1F930] =	vst v7;
	v7 =	vld [tilespmem:$0x1F7D0]  }
0x446: {  	v36 =	vld.idx.msk [tilespmem:v39+s0+$0x0], $0xffff;
	v3 =	vsub.f32 v18, v3  }
0x447: {  	v16 =	vld.idx.msk [tilespmem:v25+s0+$0x0], $0xffff  }
0x448: {  	[tilespmem:v5+s16+$0x0] =	vst.idx.msk $0xffff, v3;
	v3 =	vld [tilespmem:$0x1F840];
	_ =	sdelay $0x1  }
0x449: {  	v17 =	vor.u32 s10, v24;
	_ =	sdelay $0x1  }
0x44a: {  	v20 =	vor.u32 s7, v24;
	[tilespmem:$0x1F950] =	vst v15;
	v29 =	vor.u32 s6, v24;
	v15 =	vld [tilespmem:$0x1F680]  }
0x44b: {  	v24 =	vadd.f32 v0, v2;
	v0 =	vmovc v7;
	v5 =	vld [tilespmem:$0x1F7C0];
	v3 =	vsub.f32 v3, v4;
	v4 =	vadd.s32 s26, v63  }
0x44c: {  	[tilespmem:$0x1F840] =	vst v0;
	v0 =	vand.u32 $0x1FF8, v4;
	v4 =	vld [tilespmem:$0x1F7E0]  }
0x44d: {  	v17 =	vld.idx.msk [tilespmem:v17+s31+$0x0], $0xffff;
	_ =	sdelay $0x1  }
0x44e: {  	v27 =	vtrunc.f32 v13  }
0x44f: {  	v35 =	vmov v20;
	v20 =	vcvt.f32.s32 v27;
	v27 =	vtrunc.f32 v1  }
0x450: {  	v2 =	vcvt.f32.s32 v27  }
0x451: {  	v10 =	vld.idx.msk [tilespmem:v15+s0+$0x0], $0xffff;
	v20 =	vcvt.s32.f32 v20;
	v17 =	vadd.f32 v24, v17  }
0x452: {  	v30 =	vmov v29;
	v18 =	vld [tilespmem:$0x1F770];
	v2 =	vcvt.s32.f32 v2;
	[tilespmem:$0x1F830] =	vst v8  }
0x453: {  	vm12 =	vlt.f32 v13, v20;
	v8 =	vcvt.s32.f32 v21;
	v29 =	vld.idx.msk [tilespmem:v5+s0+$0x0], $0xffff;
	[tilespmem:v4+s16+$0x0] =	vst.idx.msk $0xffff, v3;
	v3 =	vtrunc.f32 v17  }
0x454: {  	v53 =	vld [tilespmem:$0x1FF10];
	vm14 =	vlt.f32 v1, v2;
	v4 =	vsel vm12, $0x3F800000, v12;
	v3 =	vcvt.f32.s32 v3  }
0x455: {  	v60 =	vld [tilespmem:$0x1FF20];
	v19 =	vmovc v31;
	vm13 =	vlt.f32 v9, v8;
	v4 =	vsub.f32 v20, v4;
	v20 =	vsel vm14, $0x3F800000, v12  }
0x456: {  	v49 =	vld [tilespmem:$0x1FF00];
	[tilespmem:$0x1F8C0] =	vst v19;
	v7 =	vsel vm13, $0x3F800000, v12;
	v19 =	vcvt.s32.f32 v3;
	v3 =	vsub.f32 v2, v20  }
0x457: {  	v47 =	vld [tilespmem:$0x1FEE0];
	v8 =	vsub.f32 v8, v7  }
0x458: {  	v33 =	vor.u32 s24, v63;
	v1 =	vsub.f32 v1, v3;
	v3 =	vld [tilespmem:$0x1F810]  }
0x459: {  	s3 =	sadd.s32 $0x4, s3;
	v48 =	vld [tilespmem:$0x1FEF0];
	v8 =	vsub.f32 v9, v8;
	v0 =	vor.u32 v52, v0;
	v4 =	vsub.f32 v13, v4  }
0x45a: {  	p0 =	slt.u32 s3, $0x3C;
	v31 =	vmovc v18;
	v27 =	vld.idx.msk [tilespmem:v18+s0+$0x0], $0xffff;
	v18 =	vmov v33;
	v33 =	vadd.f32 v14, v6;
	vm15 =	vlt.f32 v17, v19  }
.Ltmp6:
0x45b: {  	v44 =	vmovc v23;
	v37 =	vld [tilespmem:$0x1F6D0];
	v6 =	vadd.f32 v8, v16;
	v4 =	vadd.f32 v4, v34;
	v8 =	vsel vm15, $0x3F800000, v12;
	(pc) =	sbr.rel @p0 .LBB2_10-.Ltmp6, $4  }
0x45c: {  	v38 =	vmovc v32;
	v42 =	vld [tilespmem:$0x1F6C0];
	v23 =	vadd.f32 v56, v22;
	v22 =	vmovc v51;
	v13 =	vtrunc.f32 v33;
	v9 =	vsub.f32 v19, v8  }
0x45d: {  	v24 =	vmovc v39;
	v21 =	vmovc v57;
	v16 =	vld [tilespmem:$0x1F800];
	v39 =	vcvt.f32.s32 v13;
	v1 =	vadd.f32 v1, v10;
	v4 =	vsub.f32 v3, v4  }
0x45e: {  	v32 =	vmovc v5;
	v2 =	vld.idx.msk [tilespmem:v0+s0+$0x0], $0xffff;
	v10 =	vtrunc.f32 v23;
	v8 =	vsub.f32 v41, v6;
	v6 =	vsub.f32 v17, v9  }
0x45f: {  	s15 =	sadd.s32 $0x40, s15;
	s13 =	sadd.s32 $0x400, s13;
	v34 =	vld [tilespmem:$0x1F7F0];
	v19 =	vcvt.f32.s32 v10;
	v9 =	vsub.f32 v54, v1;
	[tilespmem:v40+s16+$0x0] =	vst.idx.msk $0xffff, v4;
	v4 =	vadd.f32 v11, v28  }
0x460: {  	_ =	sdelay $0x3  }
0x461: {  	[tilespmem:v25+s16+$0x0] =	vst.idx.msk $0xffff, v8;
	v25 =	vld.idx.msk [tilespmem:v37+s31+$0x0], $0xffff  }
0x462: {  	v1 =	vld.idx.msk [tilespmem:v42+s31+$0x0], $0xffff  }
0x463: {  	v13 =	vld.idx.msk [tilespmem:v45+s31+$0x0], $0xffff  }
0x464: {  	[tilespmem:v15+s16+$0x0] =	vst.idx.msk $0xffff, v9;
	v5 =	vld.idx.msk [tilespmem:v16+s31+$0x0], $0xffff  }
0x465: {  	v3 =	vld [tilespmem:$0x1F970]  }
0x466: {  	v28 =	vld [tilespmem:$0x1F980]  }
0x467: {  	v37 =	vld [tilespmem:$0x1F930]  }
0x468: {  	v40 =	vld [tilespmem:$0x1F990]  }
0x469: {  	v41 =	vld [tilespmem:$0x1F950]  }
0x46a: {  	v51 =	vld [tilespmem:$0x1F960]  }
0x46b: {  	v15 =	vld [tilespmem:$0x1F870]  }
0x46c: {  	v10 =	vld.idx.msk [tilespmem:v34+s31+$0x0], $0xffff  }
0x46d: {  	v34 =	vld [tilespmem:$0x1F920]  }
0x46e: {  	v54 =	vcvt.s32.f32 v39;
	v9 =	vld.idx.msk [tilespmem:v3+s31+$0x0], $0xffff  }
0x46f: {  	v17 =	vimm.f32 $0.0e+00;
	v46 =	vtrunc.f32 v4;
	v7 =	vcvt.s32.f32 v19;
	v11 =	vld.idx.msk [tilespmem:v28+s31+$0x0], $0xffff  }
0x470: {  	vm1 =	vlt.f32 v33, v54;
	v2 =	vadd.f32 v6, v2;
	v13 =	vmul.f32 v13, v59;
	v12 =	vld.idx.msk [tilespmem:v40+s31+$0x0], $0xffff  }
0x471: {  	v52 =	vld.idx.msk [tilespmem:v61+s31+$0x0], $0xffff;
	vm0 =	vlt.f32 v23, v7;
	v8 =	vmul.f32 v25, v37;
	v5 =	vmul.f32 v5, v51  }
0x472: {  	v2 =	vsub.f32 v15, v2;
	v25 =	vld.idx.msk [tilespmem:v30+s31+$0x0], $0xffff;
	v30 =	vsel vm0, $0x3F800000, v17;
	v42 =	vmul.f32 v10, v41  }
0x473: {  	v7 =	vsub.f32 v7, v30;
	v1 =	vmul.f32 v1, v34;
	v34 =	vsel vm1, $0x3F800000, v17  }
0x474: {  	v57 =	vld.idx.msk [tilespmem:v35+s31+$0x0], $0xffff;
	v5 =	vadd.f32 v5, v42;
	v9 =	vmul.f32 v9, v55;
	v61 =	vmul.f32 v11, v50  }
0x475: {  	v16 =	vld.idx.msk [tilespmem:v26+s31+$0x0], $0xffff;
	v37 =	vsub.f32 v54, v34;
	v1 =	vadd.f32 v8, v1;
	v63 =	vmul.f32 v12, v58  }
0x476: {  	v28 =	vmul.f32 v52, v43;
	v5 =	vadd.f32 v13, v5;
	v6 =	vadd.f32 v61, v9  }
0x477: {  	v10 =	vcvt.f32.s32 v46;
	v7 =	vsub.f32 v23, v7;
	v1 =	vadd.f32 v63, v1  }
0x478: {  	v5 =	vadd.f32 v5, v25;
	v6 =	vadd.f32 v28, v6  }
0x479: {  	v56 =	vcvt.s32.f32 v10;
	v42 =	vsub.f32 v33, v37;
	v55 =	vld [tilespmem:$0x1F820];
	v1 =	vadd.f32 v1, v57  }
0x47a: {  	v7 =	vadd.f32 v7, v27;
	v40 =	vtrunc.f32 v5;
	v6 =	vadd.f32 v6, v16  }
0x47b: {  	vm2 =	vlt.f32 v4, v56;
	v58 =	vld [tilespmem:$0x1F830];
	v9 =	vcvt.f32.s32 v40;
	v39 =	vtrunc.f32 v1  }
0x47c: {  	v35 =	vsel vm2, $0x3F800000, v17;
	v11 =	vcvt.f32.s32 v39;
	v41 =	vtrunc.f32 v6  }
0x47d: {  	v51 =	vld.idx.msk [tilespmem:v18+s0+$0x0], $0xffff;
	v8 =	vsub.f32 v56, v35;
	v46 =	vcvt.s32.f32 v9;
	v43 =	vcvt.f32.s32 v41  }
0x47e: {  	v54 =	vld.idx.msk [tilespmem:v21+s0+$0x0], $0xffff;
	v3 =	vadd.f32 v42, v36;
	v7 =	vsub.f32 v55, v7;
	v11 =	vcvt.s32.f32 v11  }
0x47f: {  	[tilespmem:v0+s16+$0x0] =	vst.idx.msk $0xffff, v2;
	v45 =	vsub.f32 v4, v8;
	vm14 =	vlt.f32 v5, v46;
	v50 =	vcvt.s32.f32 v43  }
0x480: {  	v3 =	vsub.f32 v58, v3;
	[tilespmem:v31+s16+$0x0] =	vst.idx.msk $0xffff, v7;
	v14 =	vsel vm14, $0x3F800000, v17;
	vm13 =	vlt.f32 v1, v11  }
0x481: {  	v2 =	vld [tilespmem:$0x1F840];
	v8 =	vsub.f32 v46, v14;
	v52 =	vsel vm13, $0x3F800000, v17;
	vm15 =	vlt.f32 v6, v50  }
0x482: {  	v56 =	vld.idx.msk [tilespmem:v22+s0+$0x0], $0xffff;
	[tilespmem:v24+s16+$0x0] =	vst.idx.msk $0xffff, v3;
	v11 =	vsub.f32 v11, v52;
	v57 =	vsel vm15, $0x3F800000, v17  }
0x483: {  	v3 =	vld [tilespmem:$0x1F8C0];
	v5 =	vsub.f32 v5, v8;
	v9 =	vsub.f32 v50, v57  }
0x484: {  	v4 =	vadd.f32 v45, v29;
	v1 =	vsub.f32 v1, v11  }
0x485: {  	v61 =	vadd.f32 v5, v54;
	v59 =	vsub.f32 v6, v9  }
0x486: {  	v2 =	vsub.f32 v2, v4;
	v1 =	vadd.f32 v1, v51  }
0x487: {  	v63 =	vsub.f32 v38, v61;
	v0 =	vadd.f32 v59, v56  }
0x488: {  	[tilespmem:v32+s16+$0x0] =	vst.idx.msk $0xffff, v2;
	v1 =	vsub.f32 v3, v1  }
0x489: {  	[tilespmem:v21+s16+$0x0] =	vst.idx.msk $0xffff, v63;
	v0 =	vsub.f32 v44, v0  }
0x48a: {  	[tilespmem:v18+s16+$0x0] =	vst.idx.msk $0xffff, v1  }
0x48b: {  	[tilespmem:v22+s16+$0x0] =	vst.idx.msk $0xffff, v0  }
0x48c: {  	v18 =	vld [tilespmem:$0x1FE80]  }
0x48d: {  	v19 =	vld [tilespmem:$0x1FE90]  }
0x48e: {  	v20 =	vld [tilespmem:$0x1FEA0]  }
0x48f: {  	v21 =	vld [tilespmem:$0x1FEB0]  }
0x490: {  	v22 =	vld [tilespmem:$0x1FEC0]  }
0x491: {  	v23 =	vld [tilespmem:$0x1FED0]  }
0x492: {  	s13 =	simm.s32 $0x0;
	s1 =	rddreg [dreg:$0x11];
	v41 =	vld [tilespmem:$0x1FF90]  }
0x493: {  	v52 =	vld [tilespmem:$0x1FFA0];
	[hbm4b:s1+s13] =	stream.linear.scatter [tilespmem:s16], [sflag:$0x8], $0xC00, $0x38  }
0x494: {  	s24 =	rddreg [dreg:$0x12];
	v36 =	vld [tilespmem:$0x1FFB0]  }
0x495: {  	v37 =	vld [tilespmem:$0x1FFC0];
	[tilespmem:s30], [sflag:$0x5] =	stream.linear.gather [hbm4b:s24+s13], $0x800, $0x38  }
.Ltmp7:
0x496: {  	v58 =	vld [tilespmem:$0x1FFD0];
	(pc) =	sbr.rel .LBB2_12-.Ltmp7, $4  }
0x497: {  	s25 =	rddreg [dreg:$0x13];
	v44 =	vld [tilespmem:$0x1FFE0]  }
0x498: {  	v43 =	vld [tilespmem:$0x1FF80];
	[tilespmem:s31], [sflag:$0x6] =	stream.linear.gather [hbm4b:s25+s13], $0x4000, $0x38  }
0x499: {  	s26 =	rddreg [dreg:$0x14];
	v63 =	vld [tilespmem:$0x1FFF0]  }
0x49a: {  	v56 =	vld [tilespmem:$0x1FF70];
	[tilespmem:s0], [sflag:$0x6] =	stream.linear.gather [hbm4b:s26+s13], $0xC00, $0x38  }
.LBB2_28:
0x49b: {  	s13 =	sadd.s32 $0x1, s13  }
0x49c: {  	p0 =	sne.s32 s13, $0x31  }
.Ltmp8:
0x49d: {  	_ = 	snop;
	(pc) =	sbr.rel @!p0 .LBB2_29-.Ltmp8, $1  }
0x49e: {  	_ =	sdelay $0x3  }
.LBB2_12:
0x49f: {  	s15 =	sshll.u32 s13, $0x1  }
0x4a0: {  	s3 =	sadd.s32 $0x2, s15  }
0x4a1: {  	p0 =	sge.u32 s3, s9  }
.Ltmp9:
0x4a2: {  	_ = 	snop;
	(pc) =	sbr.rel @p0 .LBB2_20-.Ltmp9, $1  }
0x4a3: {  	_ =	sdelay $0x3  }
0x4a4: {  	s1 =	rddreg [dreg:$0x15]  }
0x4a5: {  	p0 =	sge.u32 s15, s1  }
.Ltmp10:
0x4a6: {  	_ = 	snop;
	(pc) =	sbr.rel @p0 .LBB2_17-.Ltmp10, $2  }
0x4a7: {  	_ =	sdelay $0x2  }
0x4a8: {  	v39 =	vmov v41  }
0x4a9: {  	s1 =	simm.s32 $0x0  }
0x4aa: {  	s23 =	simm.s32 $0x40;
	v1 =	vor.u32 s1, v20  }
0x4ab: {  	s5 =	simm.s32 $0x5;
	v0 =	vor.u32 s1, v18;
	v3 =	vor.u32 s23, v20  }
0x4ac: {  	s4 =	simm.s32 $0x60;
	_ =	swait.ge [sflag:s5], $0x800;
	v2 =	vor.u32 s23, v18;
	v0 =	vand.u32 v19, v0  }
0x4ad: {  	s24 =	simm.s32 $0x20;
	v4 =	vor.u32 s4, v18;
	[sflag:s5] =	ssyncset.done $0x0;
	v2 =	vand.u32 v22, v2  }
0x4ae: {  	v5 =	vor.u32 s24, v18;
	v4 =	vand.u32 v23, v4;
	[sflag:s5] =	ssyncadd.s32 $0xFFFFF800  }
0x4af: {  	v5 =	vand.u32 v21, v5;
	v7 =	vld.idx.msk [tilespmem:v1+s30+$0x0], $0xffff  }
0x4b0: {  	s25 =	simm.s32 $0x80;
	v12 =	vld.idx.msk [tilespmem:v3+s30+$0x0], $0xffff;
	v3 =	vor.u32 s4, v20  }
0x4b1: {  	v6 =	vor.u32 s25, v18;
	v8 =	vor.u32 s25, v20;
	v0 =	vld.idx.msk [tilespmem:v0+s30+$0x0], $0xffff  }
0x4b2: {  	v11 =	vand.u32 v19, v6;
	v10 =	vld.idx.msk [tilespmem:v2+s30+$0x0], $0xffff  }
0x4b3: {  	v1 =	vor.u32 s24, v20;
	v9 =	vld.idx.msk [tilespmem:v4+s30+$0x0], $0xffff  }
0x4b4: {  	s6 =	simm.s32 $0xA0;
	v6 =	vld.idx.msk [tilespmem:v5+s30+$0x0], $0xffff  }
0x4b5: {  	s26 =	simm.s32 $0xC0;
	s1 =	simm.s32 $0x13C20;
	v2 =	vld.idx.msk [tilespmem:v3+s30+$0x0], $0xffff;
	v3 =	vor.u32 s6, v18  }
0x4b6: {  	s10 =	simm.s32 $0xE0;
	v13 =	vor.u32 s26, v20;
	s4 =	simm.s32 $0x14020;
	[tilespmem:s1+$0xFFFFFFE0] =	vst v0;
	v0 =	vld.idx.msk [tilespmem:v8+s30+$0x0], $0xffff;
	v4 =	vand.u32 v21, v3;
	v3 =	vor.u32 s26, v18  }
0x4b7: {  	v8 =	vor.u32 s10, v18;
	[tilespmem:s4+$0xFFFFFFE0] =	vst v7;
	v7 =	vld.idx.msk [tilespmem:v11+s30+$0x0], $0xffff;
	v11 =	vand.u32 v22, v3  }
0x4b8: {  	v5 =	vld.idx.msk [tilespmem:v1+s30+$0x0], $0xffff;
	[tilespmem:s1+$0x0] =	vst v10;
	v10 =	vand.u32 v23, v8;
	_ =	sdelay $0x1  }
0x4b9: {  	s7 =	simm.s32 $0x4;
	v1 =	vor.u32 s6, v20  }
0x4ba: {  	s5 =	simm.s32 $0x13C60;
	s6 =	simm.s32 $0x14060;
	v3 =	vld.idx.msk [tilespmem:v13+s30+$0x0], $0xffff;
	v8 =	vor.u32 s10, v20;
	s10 =	simm.s32 $0x100;
	[tilespmem:s4+$0x0] =	vst v12  }
.LBB2_15:
0x4bb: {  	v12 =	vor.u32 s10, v18;
	v13 =	vor.u32 s10, v20;
	s11 =	sadd.s32 $0x20, s10;
	s18 =	sadd.s32 $0x60, s10;
	s7 =	sadd.s32 $0x4, s7;
	v14 =	vld.idx.msk [tilespmem:v11+s30+$0x0], $0xffff;
	[tilespmem:s1+$0xFFFFFFF0] =	vst v6  }
0x4bc: {  	v12 =	vand.u32 v19, v12;
	v11 =	vor.u32 s11, v18;
	v15 =	vor.u32 s11, v20;
	s11 =	sadd.s32 $0x40, s10;
	p0 =	slt.u32 s7, $0x3C;
	v16 =	vld.idx.msk [tilespmem:v10+s30+$0x0], $0xffff;
	[tilespmem:s4+$0xFFFFFFF0] =	vst v5  }
0x4bd: {  	v5 =	vor.u32 s11, v18;
	v17 =	vor.u32 s11, v20;
	v6 =	vld.idx.msk [tilespmem:v4+s30+$0x0], $0xffff;
	v4 =	vand.u32 v21, v11;
	[tilespmem:s1+$0x10] =	vst v9;
	s1 =	smov.u32 s5  }
.Ltmp11:
0x4be: {  	v9 =	vor.u32 s18, v18;
	v11 =	vand.u32 v22, v5;
	v5 =	vld.idx.msk [tilespmem:v1+s30+$0x0], $0xffff;
	[tilespmem:s4+$0x10] =	vst v2;
	v1 =	vmov v15;
	s4 =	smov.u32 s6;
	(pc) =	sbr.rel @p0 .LBB2_15-.Ltmp11, $4  }
0x4bf: {  	v10 =	vand.u32 v23, v9;
	[tilespmem:s5+$0xFFFFFFE0] =	vst v7;
	v2 =	vld.idx.msk [tilespmem:v8+s30+$0x0], $0xffff  }
0x4c0: {  	[tilespmem:s6+$0xFFFFFFE0] =	vst v0;
	v0 =	vld.idx.msk [tilespmem:v13+s30+$0x0], $0xffff  }
0x4c1: {  	v7 =	vld.idx.msk [tilespmem:v12+s30+$0x0], $0xffff;
	[tilespmem:s5+$0x0] =	vst v14  }
0x4c2: {  	s10 =	sadd.s32 $0x80, s10;
	v8 =	vor.u32 s18, v20;
	s6 =	sadd.s32 $0x40, s6;
	s5 =	sadd.s32 $0x40, s5;
	v9 =	vmov v16;
	[tilespmem:s4+$0x0] =	vst v3;
	v3 =	vld.idx.msk [tilespmem:v17+s30+$0x0], $0xffff  }
0x4c3: {  	_ =	sdelay $0x2  }
0x4c4: {  	[tilespmem:s1+$0xFFFFFFF0] =	vst v6  }
0x4c5: {  	v57 =	vld.idx.msk [tilespmem:v11+s30+$0x0], $0xffff;
	[tilespmem:s1+$0x10] =	vst v9  }
0x4c6: {  	v4 =	vld.idx.msk [tilespmem:v4+s30+$0x0], $0xffff;
	[tilespmem:s4+$0xFFFFFFF0] =	vst v5  }
0x4c7: {  	v59 =	vld.idx.msk [tilespmem:v10+s30+$0x0], $0xffff;
	[tilespmem:s4+$0x10] =	vst v2  }
0x4c8: {  	[tilespmem:s5+$0xFFFFFFE0] =	vst v7  }
0x4c9: {  	v1 =	vld.idx.msk [tilespmem:v1+s30+$0x0], $0xffff;
	[tilespmem:s6+$0xFFFFFFE0] =	vst v0  }
0x4ca: {  	v61 =	vld.idx.msk [tilespmem:v8+s30+$0x0], $0xffff;
	[tilespmem:s5+$0x0] =	vst v57  }
0x4cb: {  	[tilespmem:s5+$0xFFFFFFF0] =	vst v4  }
0x4cc: {  	[tilespmem:s5+$0x10] =	vst v59  }
0x4cd: {  	[tilespmem:s6+$0x0] =	vst v3  }
0x4ce: {  	[tilespmem:s6+$0xFFFFFFF0] =	vst v1  }
0x4cf: {  	[tilespmem:s6+$0x10] =	vst v61  }
0x4d0: {  	s24 =	simm.s32 $0x400;
	s25 =	simm.s32 $0x13C00;
	s1 =	rddreg [dreg:$0x3]  }
0x4d1: {  	[tilespmem:s17], [sflag:$0x7] =	stream.indirect.gather [hbm4b:s1+s24], $0x8, s25, s24, $0xb8;
	[tilespmem:$0x15000] =	vst v63  }
0x4d2: {  	s26 =	simm.s32 $0x14000  }
0x4d3: {  	[tilespmem:s19], [sflag:$0x7] =	stream.indirect.gather [hbm4b:s1+s24], $0x8, s26, s24, $0xb8;
	[tilespmem:$0x15000] =	vst v63  }
.LBB2_17:
0x4d4: {  	s1 =	simm.s32 $0x2  }
0x4d5: {  	_ =	swait.ge [sflag:s1], $0x4000  }
0x4d6: {  	[sflag:s1] =	ssyncset.done $0x0  }
0x4d7: {  	[sflag:s1] =	ssyncadd.s32 $0xFFFFC000  }
0x4d8: {  	_ =	swait.ge [sflag:s1], $0xC00  }
0x4d9: {  	[sflag:s1] =	ssyncset.done $0x0  }
0x4da: {  	s5 =	simm.s32 $0x3;
	[sflag:s1] =	ssyncadd.s32 $0xFFFFF400  }
0x4db: {  	_ =	swait.ge [sflag:s5], $0x2000  }
0x4dc: {  	[sflag:s5] =	ssyncset.done $0x0  }
0x4dd: {  	[sflag:s5] =	ssyncadd.s32 $0xFFFFE000  }
0x4de: {  	_ =	swait.ge [sflag:s5], $0x2000  }
0x4df: {  	s4 =	simm.s32 $0x20;
	[sflag:s5] =	ssyncset.done $0x0  }
0x4e0: {  	s23 =	simm.s32 $0x200;
	s24 =	simm.s32 $0x4;
	[sflag:s5] =	ssyncadd.s32 $0xFFFFE000  }
0x4e1: {  	v0 =	vmov s4;
	v1 =	vor.u32 s23, v47;
	_ =	swait.ge [sflag:s24], $0xC00  }
0x4e2: {  	v2 =	vor.u32 s23, v53;
	v0 =	vshll.u32 v0, $0x3;
	v57 =	vld [tilespmem:$0x1FE60]  }
0x4e3: {  	v4 =	vor.u32 v48, v0  }
0x4e4: {  	s25 =	simm.s32 $0x0;
	v7 =	vor.u32 $0x1, v4;
	[sflag:s24] =	ssyncset.done $0x0  }
0x4e5: {  	s26 =	simm.s32 $0x10;
	s10 =	simm.s32 $0x300;
	v0 =	vmov s25;
	v14 =	vor.u32 $0x2, v4;
	[sflag:s24] =	ssyncadd.s32 $0xFFFFF400  }
0x4e6: {  	v5 =	vmov s26;
	v8 =	vor.u32 s10, v47;
	v0 =	vshll.u32 v0, $0x3;
	v1 =	vld.idx.msk [tilespmem:v1+s28+$0x0], $0xffff  }
0x4e7: {  	v5 =	vshll.u32 v5, $0x3;
	v15 =	vor.u32 v48, v0;
	v10 =	vld.idx.msk [tilespmem:v2+s28+$0x0], $0xffff;
	v3 =	vor.u32 s23, v57  }
0x4e8: {  	v16 =	vor.u32 v48, v5;
	v13 =	vor.u32 $0x1, v15;
	v2 =	vld.idx.msk [tilespmem:v4+s14+$0x0], $0xffff  }
0x4e9: {  	v11 =	vor.u32 $0x1, v16;
	v6 =	vld.idx.msk [tilespmem:v7+s14+$0x0], $0xffff  }
0x4ea: {  	s6 =	simm.s32 $0x30;
	v5 =	vor.u32 s23, v60;
	v45 =	vld.idx.msk [tilespmem:v14+s14+$0x0], $0xffff  }
0x4eb: {  	v0 =	vmov s6;
	v17 =	vld.idx.msk [tilespmem:v8+s28+$0x0], $0xffff  }
0x4ec: {  	s26 =	simm.s32 $0x100;
	v9 =	vshll.u32 v0, $0x3;
	v3 =	vld.idx.msk [tilespmem:v3+s28+$0x0], $0xffff  }
0x4ed: {  	v22 =	vor.u32 s26, v47;
	v9 =	vor.u32 v48, v9;
	v46 =	vld.idx.msk [tilespmem:v13+s14+$0x0], $0xffff  }
0x4ee: {  	s24 =	simm.s32 $0x0;
	v8 =	vor.u32 $0x1, v9;
	v50 =	vld.idx.msk [tilespmem:v11+s14+$0x0], $0xffff  }
0x4ef: {  	v18 =	vor.u32 s24, v47;
	v5 =	vld.idx.msk [tilespmem:v5+s28+$0x0], $0xffff;
	v1 =	vmul.f32 v1, v2;
	v10 =	vmul.f32 v10, v6  }
0x4f0: {  	v19 =	vor.u32 s24, v53;
	v12 =	vld.idx.msk [tilespmem:v15+s14+$0x0], $0xffff  }
0x4f1: {  	v20 =	vor.u32 $0x2, v15;
	v51 =	vld.idx.msk [tilespmem:v16+s14+$0x0], $0xffff;
	v10 =	vadd.f32 v10, v1;
	v3 =	vmul.f32 v3, v45  }
0x4f2: {  	v22 =	vld.idx.msk [tilespmem:v22+s28+$0x0], $0xffff;
	v21 =	vor.u32 s24, v57  }
0x4f3: {  	v23 =	vor.u32 $0x2, v16;
	v0 =	vld.idx.msk [tilespmem:v8+s14+$0x0], $0xffff;
	v3 =	vadd.f32 v3, v10  }
0x4f4: {  	s7 =	simm.s32 $0x60;
	v18 =	vld.idx.msk [tilespmem:v18+s28+$0x0], $0xffff;
	v10 =	vor.u32 s26, v53  }
0x4f5: {  	v25 =	vadd.s32 s7, v49;
	v26 =	vor.u32 s26, v57;
	v19 =	vld.idx.msk [tilespmem:v19+s28+$0x0], $0xffff;
	v24 =	vadd.f32 v3, v5  }
0x4f6: {  	v25 =	vand.u32 $0x1FF8, v25;
	v1 =	vld.idx.msk [tilespmem:v20+s14+$0x0], $0xffff;
	v5 =	vor.u32 s24, v60  }
0x4f7: {  	v25 =	vor.u32 v43, v25;
	v21 =	vld.idx.msk [tilespmem:v21+s28+$0x0], $0xffff;
	v27 =	vtrunc.f32 v24  }
0x4f8: {  	v3 =	vld.idx.msk [tilespmem:v23+s14+$0x0], $0xffff;
	v27 =	vcvt.f32.s32 v27  }
0x4f9: {  	v28 =	vld.idx.msk [tilespmem:v10+s28+$0x0], $0xffff;
	v10 =	vmul.f32 v18, v12;
	[tilespmem:$0x1F400] =	vst v46  }
0x4fa: {  	v18 =	vmul.f32 v19, v46;
	v26 =	vld.idx.msk [tilespmem:v26+s28+$0x0], $0xffff;
	v19 =	vcvt.s32.f32 v27  }
0x4fb: {  	v42 =	vimm.f32 $0.0e+00;
	v29 =	vor.u32 s26, v60;
	v30 =	vld.idx.msk [tilespmem:v5+s28+$0x0], $0xffff;
	[tilespmem:$0x1F470] =	vst v1  }
0x4fc: {  	v21 =	vmul.f32 v21, v1;
	v27 =	vor.u32 s10, v53;
	v31 =	vld.idx.msk [tilespmem:v25+s29+$0x0], $0xffff;
	vm0 =	vlt.f32 v24, v19  }
0x4fd: {  	v18 =	vadd.f32 v18, v10;
	v10 =	vor.u32 $0x2, v9;
	v41 =	vld.idx.msk [tilespmem:v9+s14+$0x0], $0xffff;
	[tilespmem:$0x1F410] =	vst v51;
	v32 =	vsel vm0, $0x3F800000, v42  }
0x4fe: {  	v33 =	vor.u32 s10, v57;
	v22 =	vmul.f32 v22, v51;
	[tilespmem:$0x1F420] =	vst v50;
	v19 =	vsub.f32 v19, v32  }
0x4ff: {  	v18 =	vadd.f32 v21, v18;
	v21 =	vor.u32 s10, v60;
	v38 =	vld.idx.msk [tilespmem:v4+s12+$0x0], $0xffff;
	v28 =	vmul.f32 v28, v50  }
0x500: {  	s18 =	simm.s32 $0x0;
	v26 =	vmul.f32 v26, v3;
	v19 =	vsub.f32 v24, v19;
	v24 =	vld.idx.msk [tilespmem:v29+s28+$0x0], $0xffff  }
0x501: {  	s11 =	simm.s32 $0x30;
	v4 =	vor.u32 s18, v49;
	v18 =	vadd.f32 v18, v30;
	v27 =	vld.idx.msk [tilespmem:v27+s28+$0x0], $0xffff;
	v22 =	vadd.f32 v28, v22;
	[tilespmem:$0x1F480] =	vst v3  }
0x502: {  	v34 =	vadd.s32 s11, v49;
	v40 =	vmovc v3;
	v28 =	vand.u32 v39, v4;
	v3 =	vld.idx.msk [tilespmem:v10+s14+$0x0], $0xffff;
	v19 =	vadd.f32 v19, v31  }
0x503: {  	v29 =	vtrunc.f32 v18;
	v30 =	vld.idx.msk [tilespmem:v33+s28+$0x0], $0xffff;
	v22 =	vadd.f32 v26, v22;
	v31 =	vor.u32 s23, v52  }
0x504: {  	v59 =	vor.u32 s23, v36;
	v21 =	vld.idx.msk [tilespmem:v21+s28+$0x0], $0xffff;
	v26 =	vcvt.f32.s32 v29;
	v19 =	vsub.f32 v38, v19  }
0x505: {  	v32 =	vld.idx.msk [tilespmem:v7+s12+$0x0], $0xffff;
	v29 =	vand.u32 $0x1FF8, v34;
	v22 =	vadd.f32 v22, v24  }
0x506: {  	v7 =	vld.idx.msk [tilespmem:v14+s12+$0x0], $0xffff;
	v24 =	vcvt.s32.f32 v26;
	v26 =	vor.u32 v43, v29;
	v29 =	vor.u32 s23, v37;
	[tilespmem:v25+s22+$0x0] =	vst.idx.msk $0xffff, v19  }
0x507: {  	v61 =	vld.idx.msk [tilespmem:v28+s29+$0x0], $0xffff;
	[tilespmem:$0x1F450] =	vst v41  }
0x508: {  	v25 =	vld.idx.msk [tilespmem:v31+s28+$0x0], $0xffff;
	[tilespmem:$0x1F460] =	vst v0  }
0x509: {  	v17 =	vmul.f32 v17, v41;
	v33 =	vld.idx.msk [tilespmem:v59+s28+$0x0], $0xffff  }
0x50a: {  	v27 =	vmul.f32 v27, v0;
	v19 =	vtrunc.f32 v22;
	vm12 =	vlt.f32 v18, v24;
	v15 =	vld.idx.msk [tilespmem:v15+s12+$0x0], $0xffff;
	[tilespmem:$0x1F4B0] =	vst v3  }
0x50b: {  	v38 =	vor.u32 s23, v58;
	v19 =	vcvt.f32.s32 v19;
	v31 =	vsel vm12, $0x3F800000, v42;
	v29 =	vld.idx.msk [tilespmem:v29+s28+$0x0], $0xffff  }
0x50c: {  	v24 =	vsub.f32 v24, v31;
	v20 =	vld.idx.msk [tilespmem:v20+s12+$0x0], $0xffff  }
0x50d: {  	v17 =	vadd.f32 v27, v17;
	v27 =	vmul.f32 v30, v3;
	v19 =	vcvt.s32.f32 v19;
	v31 =	vld.idx.msk [tilespmem:v26+s29+$0x0], $0xffff  }
0x50e: {  	v16 =	vld.idx.msk [tilespmem:v16+s12+$0x0], $0xffff;
	v18 =	vsub.f32 v18, v24  }
0x50f: {  	v30 =	vor.u32 s24, v36;
	v17 =	vadd.f32 v27, v17;
	v13 =	vld.idx.msk [tilespmem:v13+s12+$0x0], $0xffff;
	vm13 =	vlt.f32 v22, v19  }
0x510: {  	v24 =	vor.u32 s24, v52;
	v27 =	vsel vm13, $0x3F800000, v42;
	v14 =	vadd.f32 v18, v61;
	v18 =	vld.idx.msk [tilespmem:v38+s28+$0x0], $0xffff  }
0x511: {  	v25 =	vmul.f32 v25, v2;
	v33 =	vmul.f32 v33, v6;
	v19 =	vsub.f32 v19, v27;
	[tilespmem:$0x1F3C0] =	vst v20  }
0x512: {  	v17 =	vadd.f32 v17, v21;
	v27 =	vor.u32 s24, v37;
	v14 =	vsub.f32 v15, v14;
	v23 =	vld.idx.msk [tilespmem:v23+s12+$0x0], $0xffff  }
0x513: {  	v21 =	vmul.f32 v29, v45;
	v39 =	vadd.f32 v33, v25;
	v19 =	vsub.f32 v22, v19  }
0x514: {  	s5 =	simm.s32 $0x90;
	v4 =	vmov v41;
	v41 =	vtrunc.f32 v17;
	v20 =	vor.u32 s26, v52;
	v11 =	vld.idx.msk [tilespmem:v11+s12+$0x0], $0xffff;
	[tilespmem:v28+s22+$0x0] =	vst.idx.msk $0xffff, v14  }
0x515: {  	v25 =	vadd.s32 s5, v49;
	v15 =	vadd.f32 v21, v39;
	v19 =	vadd.f32 v19, v31;
	v21 =	vld.idx.msk [tilespmem:v24+s28+$0x0], $0xffff  }
0x516: {  	v22 =	vor.u32 s26, v36;
	v14 =	vcvt.f32.s32 v41;
	v25 =	vand.u32 $0x1FF8, v25;
	v28 =	vld.idx.msk [tilespmem:v30+s28+$0x0], $0xffff  }
0x517: {  	v15 =	vadd.f32 v15, v18;
	v16 =	vsub.f32 v16, v19;
	v18 =	vor.u32 v43, v25;
	[tilespmem:$0x1F3D0] =	vst v23  }
0x518: {  	v24 =	vor.u32 s24, v58;
	v19 =	vld.idx.msk [tilespmem:v27+s28+$0x0], $0xffff  }
0x519: {  	v14 =	vcvt.s32.f32 v14;
	[tilespmem:v26+s22+$0x0] =	vst.idx.msk $0xffff, v16;
	v16 =	vadd.s32 s7, v44;
	v59 =	vld.idx.msk [tilespmem:v9+s12+$0x0], $0xffff  }
0x51a: {  	v25 =	vor.u32 s26, v37;
	v27 =	vtrunc.f32 v15;
	v20 =	vld.idx.msk [tilespmem:v20+s28+$0x0], $0xffff;
	v16 =	vand.u32 $0x1FF8, v16  }
0x51b: {  	vm14 =	vlt.f32 v17, v14;
	v26 =	vcvt.f32.s32 v27;
	v22 =	vld.idx.msk [tilespmem:v22+s28+$0x0], $0xffff;
	v16 =	vor.u32 v63, v16  }
0x51c: {  	v29 =	vsel vm14, $0x3F800000, v42;
	v21 =	vmul.f32 v21, v12;
	v27 =	vmul.f32 v28, v46;
	v30 =	vld.idx.msk [tilespmem:v18+s29+$0x0], $0xffff  }
0x51d: {  	v5 =	vmovc v1;
	v28 =	vor.u32 s26, v58;
	v24 =	vld.idx.msk [tilespmem:v24+s28+$0x0], $0xffff;
	v14 =	vsub.f32 v14, v29;
	v26 =	vcvt.s32.f32 v26  }
0x51e: {  	v10 =	vld.idx.msk [tilespmem:v10+s12+$0x0], $0xffff;
	v21 =	vadd.f32 v27, v21;
	v19 =	vmul.f32 v19, v5  }
0x51f: {  	v25 =	vld.idx.msk [tilespmem:v25+s28+$0x0], $0xffff;
	v14 =	vsub.f32 v17, v14;
	vm15 =	vlt.f32 v15, v26  }
0x520: {  	v17 =	vsel vm15, $0x3F800000, v42;
	v9 =	vadd.f32 v19, v21;
	v21 =	vld.idx.msk [tilespmem:v16+s29+$0x0], $0xffff  }
0x521: {  	v23 =	vor.u32 s10, v52;
	v17 =	vsub.f32 v26, v17;
	v14 =	vadd.f32 v14, v30  }
0x522: {  	v20 =	vmul.f32 v20, v51;
	v22 =	vmul.f32 v22, v50;
	v26 =	vld.idx.msk [tilespmem:v28+s28+$0x0], $0xffff;
	v24 =	vadd.f32 v9, v24  }
0x523: {  	v27 =	vor.u32 s10, v36;
	v9 =	vld.idx.msk [tilespmem:v8+s12+$0x0], $0xffff;
	v33 =	vsub.f32 v15, v17;
	v8 =	vsub.f32 v59, v14  }
0x524: {  	v1 =	vmov v0;
	v0 =	vld [tilespmem:$0x1FE70];
	v20 =	vadd.f32 v22, v20;
	v22 =	vmul.f32 v25, v40;
	[tilespmem:$0x1F3E0] =	vst v10  }
0x525: {  	v25 =	vtrunc.f32 v24;
	[tilespmem:v18+s22+$0x0] =	vst.idx.msk $0xffff, v8;
	v8 =	vadd.f32 v33, v21  }
0x526: {  	v61 =	vor.u32 s18, v44;
	v10 =	vadd.f32 v22, v20;
	v35 =	vcvt.f32.s32 v25  }
0x527: {  	s20 =	simm.s32 $0x60;
	v31 =	vor.u32 s10, v37;
	v20 =	vld.idx.msk [tilespmem:v23+s28+$0x0], $0xffff;
	v8 =	vsub.f32 v32, v8  }
0x528: {  	v55 =	vmovc v37;
	v37 =	vmov s20;
	v10 =	vadd.f32 v10, v26;
	v22 =	vld.idx.msk [tilespmem:v27+s28+$0x0], $0xffff;
	v15 =	vcvt.s32.f32 v35  }
0x529: {  	v54 =	vmovc v36;
	v29 =	vor.u32 s10, v58;
	v36 =	vor.u32 s23, v0;
	v17 =	vadd.s32 s5, v44;
	v59 =	vld [tilespmem:$0x1FF40];
	[tilespmem:v16+s22+$0x0] =	vst.idx.msk $0xffff, v8  }
0x52a: {  	v25 =	vadd.s32 s11, v44;
	v26 =	vtrunc.f32 v10;
	vm4 =	vlt.f32 v24, v15;
	v40 =	vld [tilespmem:$0x1FF60]  }
0x52b: {  	v18 =	vand.u32 $0x1FF8, v25;
	v25 =	vld.idx.msk [tilespmem:v61+s29+$0x0], $0xffff;
	v16 =	vcvt.f32.s32 v26;
	v27 =	vsel vm4, $0x3F800000, v42  }
0x52c: {  	v17 =	vand.u32 $0x1FF8, v17;
	v21 =	vor.u32 s23, v62;
	v39 =	vld [tilespmem:$0x1FF50];
	v15 =	vsub.f32 v15, v27  }
0x52d: {  	v5 =	vor.u32 v63, v17;
	v18 =	vor.u32 v63, v18;
	v16 =	vcvt.s32.f32 v16  }
0x52e: {  	v28 =	vld.idx.msk [tilespmem:v31+s28+$0x0], $0xffff;
	v23 =	vor.u32 s23, v59;
	v20 =	vmul.f32 v20, v4;
	v15 =	vsub.f32 v24, v15  }
0x52f: {  	[tilespmem:$0x1F440] =	vst v5;
	v22 =	vmul.f32 v22, v1;
	vm5 =	vlt.f32 v10, v16;
	v26 =	vadd.s32 s7, v40  }
0x530: {  	v14 =	vld.idx.msk [tilespmem:v36+s28+$0x0], $0xffff;
	v27 =	vsel vm5, $0x3F800000, v42;
	v15 =	vadd.f32 v15, v25;
	v26 =	vand.u32 $0x1FF8, v26  }
0x531: {  	v21 =	vld.idx.msk [tilespmem:v21+s28+$0x0], $0xffff;
	v17 =	vor.u32 s23, v39;
	s7 =	simm.s32 $0x600;
	v16 =	vsub.f32 v16, v27;
	v1 =	vor.u32 v56, v26  }
0x532: {  	v24 =	vld.idx.msk [tilespmem:v29+s28+$0x0], $0xffff;
	v27 =	vor.u32 s7, v53;
	v13 =	vsub.f32 v13, v15;
	v15 =	vshll.u32 v37, $0x3;
	[tilespmem:$0x1F540] =	vst v1  }
0x533: {  	v20 =	vadd.f32 v22, v20;
	v22 =	vmul.f32 v28, v3;
	v32 =	vor.u32 v48, v15;
	v23 =	vld.idx.msk [tilespmem:v23+s28+$0x0], $0xffff  }
0x534: {  	v29 =	vor.u32 s7, v47;
	v25 =	vld.idx.msk [tilespmem:v18+s29+$0x0], $0xffff  }
0x535: {  	v38 =	vadd.f32 v22, v20;
	v28 =	vld.idx.msk [tilespmem:v5+s29+$0x0], $0xffff;
	v22 =	vor.u32 $0x2, v32  }
0x536: {  	v20 =	vor.u32 $0x1, v32;
	v30 =	vld.idx.msk [tilespmem:v17+s28+$0x0], $0xffff  }
0x537: {  	v26 =	vor.u32 s24, v62;
	v10 =	vsub.f32 v10, v16;
	v27 =	vld.idx.msk [tilespmem:v27+s28+$0x0], $0xffff  }
0x538: {  	v41 =	vmov v44;
	v19 =	vor.u32 s24, v0;
	v44 =	vor.u32 s7, v57;
	v63 =	vld.idx.msk [tilespmem:v32+s14+$0x0], $0xffff  }
0x539: {  	v2 =	vmul.f32 v14, v2;
	v6 =	vmul.f32 v21, v6;
	v10 =	vadd.f32 v10, v25;
	v25 =	vld.idx.msk [tilespmem:v29+s28+$0x0], $0xffff  }
0x53a: {  	s21 =	simm.s32 $0x40;
	v21 =	vor.u32 s26, v0;
	v4 =	vld.idx.msk [tilespmem:v22+s14+$0x0], $0xffff  }
0x53b: {  	[tilespmem:v61+s22+$0x0] =	vst.idx.msk $0xffff, v13;
	v13 =	vadd.f32 v38, v24;
	v24 =	vadd.f32 v6, v2;
	v2 =	vmov s21;
	v8 =	vld.idx.msk [tilespmem:v20+s14+$0x0], $0xffff  }
0x53c: {  	v46 =	vshll.u32 v2, $0x3;
	v17 =	vld.idx.msk [tilespmem:v26+s28+$0x0], $0xffff;
	v26 =	vor.u32 s26, v62;
	v6 =	vsub.f32 v11, v10  }
0x53d: {  	v50 =	vor.u32 s7, v60;
	v15 =	vor.u32 v48, v46;
	v23 =	vmul.f32 v23, v45;
	v29 =	vld.idx.msk [tilespmem:v44+s28+$0x0], $0xffff  }
0x53e: {  	s4 =	simm.s32 $0x400;
	v19 =	vld.idx.msk [tilespmem:v19+s28+$0x0], $0xffff;
	v62 =	vor.u32 $0x1, v15;
	[tilespmem:v18+s22+$0x0] =	vst.idx.msk $0xffff, v6  }
0x53f: {  	s20 =	simm.s32 $0x500;
	v35 =	vor.u32 s4, v53;
	v51 =	vtrunc.f32 v13;
	v31 =	vld.idx.msk [tilespmem:v1+s29+$0x0], $0xffff;
	v23 =	vadd.f32 v23, v24;
	[tilespmem:$0x1F430] =	vst v4  }
0x540: {  	s6 =	simm.s32 $0x700;
	v37 =	vor.u32 s20, v53;
	v25 =	vmul.f32 v25, v63;
	v27 =	vmul.f32 v27, v8;
	v21 =	vld.idx.msk [tilespmem:v21+s28+$0x0], $0xffff  }
0x541: {  	s23 =	simm.s32 $0x50;
	v1 =	vor.u32 $0x2, v15;
	v11 =	vor.u32 s6, v47;
	v23 =	vadd.f32 v23, v30;
	v24 =	vld.idx.msk [tilespmem:v26+s28+$0x0], $0xffff  }
0x542: {  	v10 =	vmov s23;
	v33 =	vld.idx.msk [tilespmem:v50+s28+$0x0], $0xffff;
	v25 =	vadd.f32 v27, v25;
	v27 =	vmul.f32 v29, v4  }
0x543: {  	v34 =	vcvt.f32.s32 v51;
	v10 =	vshll.u32 v10, $0x3;
	v50 =	vld.idx.msk [tilespmem:v62+s14+$0x0], $0xffff;
	v61 =	vtrunc.f32 v23  }
0x544: {  	s25 =	simm.s32 $0x70;
	v16 =	vor.u32 v48, v10;
	v35 =	vld.idx.msk [tilespmem:v35+s28+$0x0], $0xffff;
	v25 =	vadd.f32 v27, v25;
	v27 =	vcvt.f32.s32 v61  }
0x545: {  	v18 =	vmov s25;
	v30 =	vor.u32 s4, v47;
	v37 =	vld.idx.msk [tilespmem:v37+s28+$0x0], $0xffff;
	v29 =	vcvt.s32.f32 v34  }
0x546: {  	v14 =	vor.u32 $0x1, v16;
	v18 =	vshll.u32 v18, $0x3;
	v6 =	vld.idx.msk [tilespmem:v1+s14+$0x0], $0xffff;
	v27 =	vcvt.s32.f32 v27  }
0x547: {  	v45 =	vor.u32 $0x2, v16;
	v18 =	vor.u32 v48, v18;
	v26 =	vld.idx.msk [tilespmem:v11+s28+$0x0], $0xffff;
	vm6 =	vlt.f32 v13, v29  }
0x548: {  	v3 =	vor.u32 $0x1, v18;
	v4 =	vld.idx.msk [tilespmem:v15+s14+$0x0], $0xffff;
	v36 =	vsel vm6, $0x3F800000, v42;
	vm7 =	vlt.f32 v23, v27  }
0x549: {  	s21 =	simm.s32 $0x120;
	v11 =	vld.idx.msk [tilespmem:v16+s14+$0x0], $0xffff;
	v25 =	vadd.f32 v25, v33;
	v29 =	vsub.f32 v29, v36;
	v36 =	vsel vm7, $0x3F800000, v42  }
0x54a: {  	v38 =	vadd.s32 s21, v49;
	v34 =	vor.u32 s20, v47;
	v30 =	vld.idx.msk [tilespmem:v30+s28+$0x0], $0xffff;
	v27 =	vsub.f32 v27, v36  }
0x54b: {  	v38 =	vand.u32 $0x1FF8, v38;
	v51 =	vld.idx.msk [tilespmem:v14+s14+$0x0], $0xffff;
	v33 =	vor.u32 s6, v53;
	v44 =	vtrunc.f32 v25  }
0x54c: {  	v38 =	vor.u32 v43, v38;
	v2 =	vld.idx.msk [tilespmem:v45+s14+$0x0], $0xffff;
	v44 =	vcvt.f32.s32 v44;
	v23 =	vsub.f32 v23, v27  }
0x54d: {  	v10 =	vld.idx.msk [tilespmem:v18+s14+$0x0], $0xffff;
	v36 =	vor.u32 $0x2, v18  }
0x54e: {  	v61 =	vld.idx.msk [tilespmem:v3+s14+$0x0], $0xffff;
	v44 =	vcvt.s32.f32 v44;
	v23 =	vadd.f32 v23, v31  }
0x54f: {  	v34 =	vld.idx.msk [tilespmem:v34+s28+$0x0], $0xffff;
	v13 =	vsub.f32 v13, v29  }
0x550: {  	v29 =	vld.idx.msk [tilespmem:v33+s28+$0x0], $0xffff;
	v27 =	vor.u32 s4, v57;
	vm8 =	vlt.f32 v25, v44;
	v7 =	vsub.f32 v7, v23  }
0x551: {  	v13 =	vadd.f32 v13, v28;
	v28 =	vor.u32 s20, v57;
	v33 =	vld.idx.msk [tilespmem:v38+s29+$0x0], $0xffff;
	v46 =	vsel vm8, $0x3F800000, v42  }
0x552: {  	v31 =	vor.u32 s6, v57;
	v44 =	vsub.f32 v44, v46;
	v46 =	vld.idx.msk [tilespmem:v36+s14+$0x0], $0xffff;
	[tilespmem:$0x1F550] =	vst v7  }
0x553: {  	v5 =	vsub.f32 v9, v13;
	v9 =	vor.u32 s4, v60;
	v7 =	vld.idx.msk [tilespmem:v32+s12+$0x0], $0xffff  }
0x554: {  	s25 =	simm.s32 $0xF0;
	v23 =	vsub.f32 v25, v44;
	v44 =	vmul.f32 v37, v51;
	v37 =	vld.idx.msk [tilespmem:v22+s12+$0x0], $0xffff  }
0x555: {  	v57 =	vadd.s32 s25, v49;
	v25 =	vor.u32 s20, v60;
	v27 =	vld.idx.msk [tilespmem:v27+s28+$0x0], $0xffff  }
0x556: {  	v28 =	vld.idx.msk [tilespmem:v28+s28+$0x0], $0xffff;
	v23 =	vadd.f32 v23, v33;
	v33 =	vor.u32 s6, v60;
	v22 =	vand.u32 $0x1FF8, v57  }
0x557: {  	v31 =	vld.idx.msk [tilespmem:v31+s28+$0x0], $0xffff;
	v22 =	vor.u32 v43, v22  }
0x558: {  	v9 =	vld.idx.msk [tilespmem:v9+s28+$0x0], $0xffff  }
0x559: {  	v20 =	vld.idx.msk [tilespmem:v20+s12+$0x0], $0xffff;
	[tilespmem:$0x1F3F0] =	vst v37  }
0x55a: {  	v26 =	vmul.f32 v26, v10;
	v7 =	vsub.f32 v7, v23;
	v25 =	vld.idx.msk [tilespmem:v25+s28+$0x0], $0xffff  }
0x55b: {  	v13 =	vmul.f32 v35, v50;
	v34 =	vmul.f32 v34, v11;
	v33 =	vld.idx.msk [tilespmem:v33+s28+$0x0], $0xffff  }
0x55c: {  	v29 =	vmul.f32 v29, v61;
	v35 =	vld.idx.msk [tilespmem:v22+s29+$0x0], $0xffff;
	[tilespmem:v38+s22+$0x0] =	vst.idx.msk $0xffff, v7;
	v7 =	vor.u32 s7, v55  }
0x55d: {  	v32 =	vadd.f32 v44, v34;
	v28 =	vmul.f32 v28, v2;
	v18 =	vld.idx.msk [tilespmem:v18+s12+$0x0], $0xffff  }
0x55e: {  	v30 =	vmul.f32 v30, v4;
	v26 =	vadd.f32 v29, v26;
	v29 =	vor.u32 s7, v54;
	v57 =	vld [tilespmem:$0x1FF90]  }
0x55f: {  	v34 =	vor.u32 s7, v52;
	v28 =	vadd.f32 v28, v32;
	v37 =	vld [tilespmem:$0x1F400]  }
0x560: {  	v30 =	vadd.f32 v13, v30;
	v27 =	vmul.f32 v27, v6;
	v38 =	vld [tilespmem:$0x1F410]  }
0x561: {  	v25 =	vadd.f32 v28, v25;
	v28 =	vld.idx.msk [tilespmem:v7+s28+$0x0], $0xffff  }
0x562: {  	s1 =	simm.s32 $0x150;
	v27 =	vadd.f32 v27, v30;
	v7 =	vld [tilespmem:$0x1F420]  }
0x563: {  	v23 =	vadd.s32 s1, v49;
	v29 =	vld.idx.msk [tilespmem:v29+s28+$0x0], $0xffff  }
0x564: {  	v23 =	vand.u32 $0x1FF8, v23;
	v34 =	vld.idx.msk [tilespmem:v34+s28+$0x0], $0xffff;
	v27 =	vadd.f32 v27, v9;
	v9 =	vor.u32 s7, v58  }
0x565: {  	v19 =	vmul.f32 v19, v12;
	s23 =	simm.s32 $0xC0;
	v23 =	vor.u32 v43, v23;
	v43 =	vld [tilespmem:$0x1FF30]  }
0x566: {  	v44 =	vor.u32 s23, v49;
	v31 =	vmul.f32 v31, v46;
	v36 =	vld.idx.msk [tilespmem:v36+s12+$0x0], $0xffff;
	v17 =	vmul.f32 v17, v37  }
0x567: {  	v30 =	vand.u32 v57, v44;
	v21 =	vmul.f32 v21, v38;
	v12 =	vmul.f32 v24, v7;
	v7 =	vld [tilespmem:$0x1F430]  }
0x568: {  	v29 =	vmul.f32 v29, v8;
	v38 =	vld.idx.msk [tilespmem:v14+s12+$0x0], $0xffff;
	v24 =	vadd.f32 v31, v26;
	v26 =	vtrunc.f32 v27  }
0x569: {  	v44 =	vld.idx.msk [tilespmem:v9+s28+$0x0], $0xffff;
	v13 =	vadd.f32 v17, v19;
	v17 =	vtrunc.f32 v25;
	v19 =	vcvt.f32.s32 v26  }
0x56a: {  	v24 =	vadd.f32 v24, v33;
	v33 =	vmul.f32 v34, v63;
	v34 =	vor.u32 s10, v43;
	v43 =	vld.idx.msk [tilespmem:v1+s12+$0x0], $0xffff  }
0x56b: {  	v32 =	vor.u32 s10, v0;
	v17 =	vcvt.f32.s32 v17;
	v1 =	vld [tilespmem:$0x1F440]  }
0x56c: {  	v19 =	vcvt.s32.f32 v19;
	v9 =	vadd.f32 v29, v33;
	v33 =	vld.idx.msk [tilespmem:v15+s12+$0x0], $0xffff;
	v28 =	vmul.f32 v28, v7  }
0x56d: {  	v29 =	vor.u32 s24, v59;
	v15 =	vadd.f32 v12, v21;
	v12 =	vld.idx.msk [tilespmem:v16+s12+$0x0], $0xffff;
	v16 =	vcvt.s32.f32 v17  }
0x56e: {  	v37 =	vld.idx.msk [tilespmem:v3+s12+$0x0], $0xffff;
	v17 =	vtrunc.f32 v24;
	vm9 =	vlt.f32 v27, v19;
	v21 =	vadd.f32 v28, v9  }
0x56f: {  	v31 =	vld.idx.msk [tilespmem:v30+s29+$0x0], $0xffff;
	v17 =	vcvt.f32.s32 v17;
	vm10 =	vlt.f32 v25, v16;
	v28 =	vsel vm9, $0x3F800000, v42  }
0x570: {  	v19 =	vsub.f32 v19, v28;
	v14 =	vadd.f32 v21, v44;
	v21 =	vsel vm10, $0x3F800000, v42;
	v44 =	vld.idx.msk [tilespmem:v45+s12+$0x0], $0xffff  }
0x571: {  	v17 =	vcvt.s32.f32 v17;
	v28 =	vor.u32 s26, v59;
	v45 =	vld [tilespmem:$0x1FFF0];
	v16 =	vsub.f32 v16, v21  }
0x572: {  	v26 =	vld.idx.msk [tilespmem:v23+s29+$0x0], $0xffff;
	v21 =	vadd.s32 s21, v41;
	v19 =	vsub.f32 v27, v19;
	v27 =	vtrunc.f32 v14  }
0x573: {  	v9 =	vld.idx.msk [tilespmem:v62+s12+$0x0], $0xffff;
	vm11 =	vlt.f32 v24, v17;
	v21 =	vand.u32 $0x1FF8, v21;
	v27 =	vcvt.f32.s32 v27  }
0x574: {  	v57 =	vmovc v8;
	v62 =	vld [tilespmem:$0x1FF30];
	[tilespmem:v1+s22+$0x0] =	vst.idx.msk $0xffff, v5;
	v8 =	vsub.f32 v25, v16;
	v16 =	vor.u32 s10, v59;
	v25 =	vsel vm11, $0x3F800000, v42  }
0x575: {  	v32 =	vld.idx.msk [tilespmem:v32+s28+$0x0], $0xffff;
	v19 =	vadd.f32 v19, v31;
	v17 =	vsub.f32 v17, v25;
	v25 =	vor.u32 s4, v52  }
0x576: {  	v34 =	vld.idx.msk [tilespmem:v34+s28+$0x0], $0xffff;
	v21 =	vor.u32 v45, v21  }
0x577: {  	v28 =	vld.idx.msk [tilespmem:v28+s28+$0x0], $0xffff;
	v27 =	vcvt.s32.f32 v27;
	v8 =	vadd.f32 v8, v35;
	v19 =	vsub.f32 v33, v19  }
0x578: {  	v31 =	vor.u32 s4, v54;
	v35 =	vor.u32 s20, v52;
	v17 =	vsub.f32 v24, v17;
	v24 =	vld.idx.msk [tilespmem:v29+s28+$0x0], $0xffff  }
0x579: {  	vm12 =	vlt.f32 v14, v27;
	v8 =	vsub.f32 v12, v8;
	[tilespmem:v30+s22+$0x0] =	vst.idx.msk $0xffff, v19;
	v16 =	vld.idx.msk [tilespmem:v16+s28+$0x0], $0xffff  }
0x57a: {  	v29 =	vsel vm12, $0x3F800000, v42;
	v17 =	vadd.f32 v17, v26;
	v26 =	vor.u32 s6, v52;
	v25 =	vld.idx.msk [tilespmem:v25+s28+$0x0], $0xffff  }
0x57b: {  	v27 =	vsub.f32 v27, v29;
	[tilespmem:v22+s22+$0x0] =	vst.idx.msk $0xffff, v8;
	v12 =	vld.idx.msk [tilespmem:v21+s29+$0x0], $0xffff  }
0x57c: {  	v17 =	vsub.f32 v18, v17;
	v1 =	vld [tilespmem:$0x1F450]  }
0x57d: {  	v29 =	vor.u32 s20, v54;
	v14 =	vsub.f32 v14, v27;
	v27 =	vld.idx.msk [tilespmem:v31+s28+$0x0], $0xffff  }
0x57e: {  	v22 =	vor.u32 s6, v54;
	v31 =	vld.idx.msk [tilespmem:v35+s28+$0x0], $0xffff;
	[tilespmem:v23+s22+$0x0] =	vst.idx.msk $0xffff, v17  }
0x57f: {  	v26 =	vld.idx.msk [tilespmem:v26+s28+$0x0], $0xffff  }
0x580: {  	v18 =	vor.u32 s4, v55;
	v3 =	vld [tilespmem:$0x1F470]  }
0x581: {  	v54 =	vld [tilespmem:$0x1F480];
	v12 =	vadd.f32 v14, v12  }
0x582: {  	v33 =	vor.u32 s24, v39;
	v19 =	vor.u32 s26, v39;
	v29 =	vld.idx.msk [tilespmem:v29+s28+$0x0], $0xffff  }
0x583: {  	v30 =	vadd.s32 s11, v40;
	v52 =	vor.u32 s20, v55;
	v22 =	vld.idx.msk [tilespmem:v22+s28+$0x0], $0xffff;
	v12 =	vsub.f32 v20, v12  }
0x584: {  	v42 =	vor.u32 s4, v62;
	v23 =	vor.u32 s6, v55;
	v5 =	vmul.f32 v32, v1;
	v1 =	vld [tilespmem:$0x1F460]  }
0x585: {  	v30 =	vand.u32 $0x1FF8, v30;
	v8 =	vor.u32 s10, v39;
	v35 =	vor.u32 s18, v40;
	v18 =	vld.idx.msk [tilespmem:v18+s28+$0x0], $0xffff;
	[tilespmem:v21+s22+$0x0] =	vst.idx.msk $0xffff, v12  }
0x586: {  	v17 =	vadd.s32 s5, v40;
	v20 =	vor.u32 s4, v58;
	v21 =	vmul.f32 v25, v4;
	[tilespmem:$0x1F490] =	vst v4;
	v4 =	vld [tilespmem:$0x1F4B0]  }
0x587: {  	v55 =	vor.u32 s7, v0;
	v3 =	vmul.f32 v24, v3;
	v24 =	vor.u32 s20, v58  }
0x588: {  	v32 =	vor.u32 v56, v30;
	v30 =	vmul.f32 v31, v11;
	v28 =	vmul.f32 v28, v54;
	[tilespmem:$0x1F4A0] =	vst v50  }
0x589: {  	v26 =	vmul.f32 v26, v10;
	v25 =	vmul.f32 v27, v50;
	v27 =	vor.u32 s7, v62;
	v23 =	vld.idx.msk [tilespmem:v23+s28+$0x0], $0xffff  }
0x58a: {  	v17 =	vand.u32 $0x1FF8, v17;
	v22 =	vmul.f32 v22, v61;
	v1 =	vmul.f32 v34, v1;
	v14 =	vld.idx.msk [tilespmem:v52+s28+$0x0], $0xffff;
	[tilespmem:$0x1F4C0] =	vst v11  }
0x58b: {  	v18 =	vmul.f32 v18, v6;
	v20 =	vld.idx.msk [tilespmem:v20+s28+$0x0], $0xffff;
	[tilespmem:$0x1F4D0] =	vst v51;
	v16 =	vmul.f32 v16, v4;
	v4 =	vor.u32 s6, v58  }
0x58c: {  	v21 =	vadd.f32 v25, v21;
	v25 =	vmul.f32 v29, v51;
	v29 =	vor.u32 s7, v59;
	v24 =	vld.idx.msk [tilespmem:v24+s28+$0x0], $0xffff;
	[tilespmem:$0x1F4E0] =	vst v10  }
0x58d: {  	v34 =	vor.u32 s20, v0;
	v3 =	vadd.f32 v3, v13;
	v22 =	vadd.f32 v22, v26;
	v12 =	vld.idx.msk [tilespmem:v55+s28+$0x0], $0xffff;
	[tilespmem:$0x1F4F0] =	vst v6  }
0x58e: {  	v30 =	vadd.f32 v25, v30;
	v18 =	vadd.f32 v18, v21;
	v25 =	vld.idx.msk [tilespmem:v27+s28+$0x0], $0xffff;
	v21 =	vmul.f32 v23, v46  }
0x58f: {  	v15 =	vadd.f32 v28, v15;
	v52 =	vor.u32 s4, v0;
	v0 =	vor.u32 s6, v0;
	[tilespmem:$0x1F500] =	vst v2  }
0x590: {  	v14 =	vmul.f32 v14, v2;
	v21 =	vadd.f32 v21, v22;
	v22 =	vor.u32 s7, v39;
	v23 =	vld.idx.msk [tilespmem:v4+s28+$0x0], $0xffff;
	[tilespmem:$0x1F510] =	vst v0  }
0x591: {  	v31 =	vor.u32 v56, v17;
	v1 =	vadd.f32 v1, v5;
	v17 =	vadd.f32 v18, v20;
	v20 =	vld.idx.msk [tilespmem:v29+s28+$0x0], $0xffff  }
0x592: {  	v10 =	vor.u32 s4, v59;
	v6 =	vor.u32 s6, v62;
	v14 =	vadd.f32 v14, v30  }
0x593: {  	v4 =	vadd.s32 s1, v41;
	v0 =	vmul.f32 v12, v63;
	v2 =	vmul.f32 v25, v57  }
0x594: {  	v16 =	vadd.f32 v16, v1;
	v14 =	vadd.f32 v14, v24;
	[tilespmem:$0x1F520] =	vst v6;
	v4 =	vand.u32 $0x1FF8, v4  }
0x595: {  	v63 =	vadd.s32 s25, v41;
	v54 =	vor.u32 v45, v4;
	v0 =	vadd.f32 v2, v0;
	v5 =	vld.idx.msk [tilespmem:v22+s28+$0x0], $0xffff  }
0x596: {  	v4 =	vadd.f32 v21, v23;
	v6 =	vmul.f32 v20, v7;
	v20 =	vtrunc.f32 v17  }
0x597: {  	v22 =	vtrunc.f32 v14;
	v21 =	vor.u32 s23, v41;
	v20 =	vcvt.f32.s32 v20  }
0x598: {  	[tilespmem:$0x1F530] =	vst v10;
	v2 =	vcvt.f32.s32 v22;
	v22 =	vtrunc.f32 v4;
	v0 =	vadd.f32 v6, v0  }
0x599: {  	v12 =	vand.u32 $0x1FF8, v63;
	v6 =	vld.idx.msk [tilespmem:v33+s28+$0x0], $0xffff;
	v7 =	vcvt.s32.f32 v20;
	v20 =	vcvt.f32.s32 v22  }
0x59a: {  	v58 =	vor.u32 v45, v12;
	v2 =	vcvt.s32.f32 v2;
	v5 =	vadd.f32 v0, v5  }
0x59b: {  	v10 =	vimm.f32 $0.0e+00;
	v20 =	vcvt.s32.f32 v20;
	vm13 =	vlt.f32 v17, v7  }
0x59c: {  	vm14 =	vlt.f32 v14, v2;
	v22 =	vld.idx.msk [tilespmem:v21+s29+$0x0], $0xffff;
	v0 =	vsel vm13, $0x3F800000, v10;
	v1 =	vtrunc.f32 v5  }
0x59d: {  	vm1 =	vlt.f32 v4, v20;
	v0 =	vsub.f32 v7, v0;
	v7 =	vld.idx.msk [tilespmem:v19+s28+$0x0], $0xffff;
	v19 =	vsel vm14, $0x3F800000, v10  }
0x59e: {  	v1 =	vcvt.f32.s32 v1;
	v28 =	vadd.f32 v3, v6;
	v6 =	vld.idx.msk [tilespmem:v54+s29+$0x0], $0xffff;
	v23 =	vsel vm1, $0x3F800000, v10  }
0x59f: {  	v26 =	vor.u32 s20, v62;
	v18 =	vld.idx.msk [tilespmem:v58+s29+$0x0], $0xffff;
	v2 =	vsub.f32 v2, v19;
	v45 =	vsub.f32 v20, v23  }
0x5a0: {  	v10 =	vimm.f32 $0.0e+00;
	v0 =	vsub.f32 v17, v0;
	v17 =	vcvt.s32.f32 v1  }
0x5a1: {  	v1 =	vadd.s32 s25, v40;
	v2 =	vsub.f32 v14, v2;
	v55 =	vsub.f32 v4, v45  }
0x5a2: {  	vm15 =	vlt.f32 v5, v17;
	v50 =	vadd.f32 v15, v7;
	v7 =	vadd.f32 v0, v22  }
0x5a3: {  	v0 =	vadd.s32 s21, v40;
	v4 =	vadd.f32 v55, v6;
	v6 =	vand.u32 $0x1FF8, v1;
	v1 =	vld [tilespmem:$0x1F540]  }
0x5a4: {  	v2 =	vadd.f32 v2, v18;
	v57 =	vsel vm15, $0x3F800000, v10;
	v0 =	vand.u32 $0x1FF8, v0  }
0x5a5: {  	v8 =	vld.idx.msk [tilespmem:v8+s28+$0x0], $0xffff;
	v15 =	vsub.f32 v17, v57;
	v17 =	vadd.s32 s1, v40;
	v0 =	vor.u32 v56, v0  }
0x5a6: {  	v63 =	vand.u32 $0x1FF8, v17;
	v17 =	vsub.f32 v9, v7;
	v7 =	vsub.f32 v38, v2;
	v2 =	vld [tilespmem:$0x1F550]  }
0x5a7: {  	s3 =	sshll.u32 s3, $0x5;
	v51 =	vor.u32 s20, v59;
	v59 =	vor.u32 s6, v59;
	v25 =	vor.u32 s20, v39;
	v30 =	vld.idx.msk [tilespmem:v31+s29+$0x0], $0xffff  }
0x5a8: {  	s3 =	sor.u32 s8, s3;
	v24 =	vor.u32 s6, v39;
	v41 =	vor.u32 s4, v39;
	v33 =	vld.idx.msk [tilespmem:v35+s29+$0x0], $0xffff;
	v19 =	vor.u32 s23, v40  }
0x5a9: {  	s3 =	smul.u32 $0x180, s3;
	v10 =	vtrunc.f32 v28;
	v20 =	vor.u32 v56, v6;
	v38 =	vld.idx.msk [tilespmem:v32+s29+$0x0], $0xffff;
	v23 =	vor.u32 v56, v63  }
0x5aa: {  	s24 =	simm.s32 $0x4;
	s26 =	rddreg [dreg:$0x1];
	v11 =	vtrunc.f32 v50;
	v6 =	vsub.f32 v5, v15;
	v9 =	vsub.f32 v37, v4;
	[tilespmem:v21+s22+$0x0] =	vst.idx.msk $0xffff, v17  }
0x5ab: {  	s3 =	sadd.s32 s26, s3;
	s26 =	simm.s32 $0xB00;
	s10 =	simm.s32 $0xB0;
	v5 =	vadd.f32 v16, v8;
	v8 =	vcvt.f32.s32 v10;
	v45 =	vcvt.f32.s32 v11;
	[tilespmem:v1+s22+$0x0] =	vst.idx.msk $0xffff, v2;
	v2 =	vld.idx.msk [tilespmem:v0+s29+$0x0], $0xffff  }
.LBB2_18:
0x5ac: {  	_ =	sdelay $0x1  }
0x5ad: {  	v1 =	vld [tilespmem:$0x1F3F0]  }
0x5ae: {  	v15 =	vld [tilespmem:$0x1FE60]  }
0x5af: {  	[tilespmem:$0x1F330] =	vst v20;
	v20 =	vld [tilespmem:$0x1FFC0]  }
0x5b0: {  	[tilespmem:$0x1F140] =	vst v50;
	v16 =	vld [tilespmem:$0x1FFD0]  }
0x5b1: {  	[tilespmem:$0x1F300] =	vst v19;
	v19 =	vld [tilespmem:$0x1FFF0]  }
0x5b2: {  	[tilespmem:$0x1F2E0] =	vst v24;
	s5 =	sadd.s32 $0xFFFFFFF0, s10;
	s11 =	sadd.s32 $0xFFFFFF00, s26;
	v11 =	vor.u32 s26, v47;
	v27 =	vld.idx.msk [tilespmem:v52+s28+$0x0], $0xffff  }
0x5b3: {  	[tilespmem:v58+s22+$0x0] =	vst.idx.msk $0xffff, v7;
	s18 =	sadd.s32 $0xFFFFFFD0, s10;
	v7 =	vmov s5;
	v2 =	vadd.f32 v6, v2;
	v12 =	vor.u32 s11, v47;
	v24 =	vld.idx.msk [tilespmem:v42+s28+$0x0], $0xffff  }
0x5b4: {  	[tilespmem:v54+s22+$0x0] =	vst.idx.msk $0xffff, v9;
	v9 =	vmov s18;
	v4 =	vshll.u32 v7, $0x3;
	v7 =	vor.u32 s11, v53;
	v50 =	vld.idx.msk [tilespmem:v34+s28+$0x0], $0xffff  }
0x5b5: {  	[tilespmem:$0x1F270] =	vst v33;
	v9 =	vshll.u32 v9, $0x3;
	v4 =	vor.u32 v48, v4;
	v52 =	vld.idx.msk [tilespmem:v26+s28+$0x0], $0xffff;
	v2 =	vsub.f32 v1, v2  }
0x5b6: {  	[tilespmem:$0x1F2D0] =	vst v25;
	s7 =	sadd.s32 $0xFFFFFD00, s26;
	v33 =	vor.u32 v48, v9;
	v26 =	vld [tilespmem:$0x1FFB0]  }
0x5b7: {  	s6 =	sadd.s32 $0xFFFFFE00, s26;
	v25 =	vor.u32 s7, v53;
	[tilespmem:v0+s22+$0x0] =	vst.idx.msk $0xffff, v2;
	v22 =	vld.idx.msk [tilespmem:v11+s28+$0x0], $0xffff  }
0x5b8: {  	[tilespmem:$0x1F1C0] =	vst v46;
	v46 =	vor.u32 s6, v53;
	v9 =	vld.idx.msk [tilespmem:v12+s28+$0x0], $0xffff  }
0x5b9: {  	[tilespmem:$0x1F2F0] =	vst v35;
	v35 =	vor.u32 s26, v53;
	v7 =	vld.idx.msk [tilespmem:v7+s28+$0x0], $0xffff  }
0x5ba: {  	v55 =	vor.u32 s7, v60;
	v0 =	vld.idx.msk [tilespmem:v4+s14+$0x0], $0xffff  }
0x5bb: {  	[tilespmem:$0x1F150] =	vst v59;
	s4 =	sadd.s32 $0xFFFFFFE0, s10;
	v58 =	vor.u32 s6, v60;
	v59 =	vor.u32 s26, v60;
	v11 =	vor.u32 s11, v60;
	v60 =	vld.idx.msk [tilespmem:v33+s14+$0x0], $0xffff  }
0x5bc: {  	v6 =	vmov s4;
	v29 =	vor.u32 $0x1, v4;
	v25 =	vld.idx.msk [tilespmem:v25+s28+$0x0], $0xffff  }
0x5bd: {  	v6 =	vshll.u32 v6, $0x3;
	v21 =	vor.u32 $0x1, v33;
	v34 =	vld.idx.msk [tilespmem:v46+s28+$0x0], $0xffff  }
0x5be: {  	[tilespmem:$0x1F380] =	vst v31;
	v31 =	vor.u32 v48, v6;
	v6 =	vor.u32 $0x2, v4;
	v35 =	vld.idx.msk [tilespmem:v35+s28+$0x0], $0xffff  }
0x5bf: {  	v2 =	vor.u32 s11, v15;
	v55 =	vld.idx.msk [tilespmem:v55+s28+$0x0], $0xffff  }
0x5c0: {  	[tilespmem:$0x1F360] =	vst v23;
	v58 =	vld.idx.msk [tilespmem:v58+s28+$0x0], $0xffff  }
0x5c1: {  	[tilespmem:$0x1F340] =	vst v32;
	v54 =	vor.u32 s7, v15;
	v3 =	vld.idx.msk [tilespmem:v29+s14+$0x0], $0xffff;
	v23 =	vmul.f32 v9, v0;
	v9 =	vmovc v0;
	v0 =	vor.u32 s7, v16  }
0x5c2: {  	v14 =	vor.u32 s6, v15;
	v57 =	vld.idx.msk [tilespmem:v21+s14+$0x0], $0xffff;
	[tilespmem:$0x1F220] =	vst v0;
	v0 =	vor.u32 s6, v16  }
0x5c3: {  	v10 =	vmov s10;
	v56 =	vor.u32 s26, v15;
	v1 =	vld.idx.msk [tilespmem:v6+s14+$0x0], $0xffff;
	[tilespmem:$0x1F230] =	vst v0;
	v0 =	vor.u32 s26, v20  }
0x5c4: {  	v10 =	vshll.u32 v10, $0x3;
	v13 =	vld.idx.msk [tilespmem:v2+s28+$0x0], $0xffff;
	[tilespmem:$0x1F210] =	vst v0;
	v0 =	vor.u32 s26, v16  }
0x5c5: {  	v32 =	vor.u32 v48, v10;
	v48 =	vor.u32 s7, v47;
	[tilespmem:$0x1F260] =	vst v0;
	v0 =	vld [tilespmem:$0x1FE70]  }
0x5c6: {  	[tilespmem:$0x1F180] =	vst v61;
	v54 =	vld.idx.msk [tilespmem:v54+s28+$0x0], $0xffff  }
0x5c7: {  	[tilespmem:$0x1F130] =	vst v28;
	v14 =	vld.idx.msk [tilespmem:v14+s28+$0x0], $0xffff  }
0x5c8: {  	[tilespmem:$0x1F370] =	vst v36;
	v56 =	vld.idx.msk [tilespmem:v56+s28+$0x0], $0xffff;
	v7 =	vmul.f32 v7, v3  }
0x5c9: {  	[tilespmem:$0x1F2A0] =	vst v30;
	v30 =	vor.u32 s6, v47;
	v37 =	vld.idx.msk [tilespmem:v11+s28+$0x0], $0xffff  }
0x5ca: {  	v12 =	vld.idx.msk [tilespmem:v48+s28+$0x0], $0xffff;
	[tilespmem:$0x1F120] =	vst v1;
	v7 =	vadd.f32 v7, v23;
	v47 =	vmul.f32 v13, v1;
	v1 =	vor.u32 s7, v0  }
0x5cb: {  	v2 =	vld [tilespmem:$0x1FFA0];
	[tilespmem:$0x1F3B0] =	vst v1;
	v1 =	vor.u32 s7, v62  }
0x5cc: {  	s1 =	sadd.s32 $0xC0, s1;
	v7 =	vadd.f32 v47, v7;
	v36 =	vor.u32 s26, v0;
	[tilespmem:$0x1F200] =	vst v1;
	v1 =	vor.u32 s6, v0;
	v0 =	vld [tilespmem:$0x1FF80]  }
0x5cd: {  	[tilespmem:$0x1F2B0] =	vst v41;
	s23 =	sadd.s32 $0xFFFFFFA0, s1;
	v28 =	vor.u32 $0x1, v32;
	v39 =	vor.u32 $0x2, v32;
	v41 =	vor.u32 $0x1, v31;
	v11 =	vmovc v3;
	v3 =	vld [tilespmem:$0x1FFE0]  }
0x5ce: {  	s25 =	sadd.s32 $0xFFFFFFD0, s1;
	v15 =	vadd.s32 s23, v49;
	v18 =	vadd.f32 v7, v37;
	[tilespmem:$0x1F390] =	vst v1;
	v1 =	vor.u32 s6, v62;
	v62 =	vld.idx.msk [tilespmem:v30+s28+$0x0], $0xffff  }
0x5cf: {  	v42 =	vor.u32 $0x2, v31;
	v46 =	vand.u32 $0x1FF8, v15;
	v30 =	vadd.s32 s25, v49;
	[tilespmem:$0x1F350] =	vst v1;
	v1 =	vld [tilespmem:$0x1FF90]  }
0x5d0: {  	[tilespmem:$0x1F290] =	vst v38;
	v61 =	vld.idx.msk [tilespmem:v31+s14+$0x0], $0xffff;
	v48 =	vadd.s32 s1, v49;
	v47 =	vtrunc.f32 v18;
	v30 =	vand.u32 $0x1FF8, v30  }
0x5d1: {  	[tilespmem:$0x1F320] =	vst v44;
	v6 =	vld.idx.msk [tilespmem:v6+s12+$0x0], $0xffff;
	v38 =	vand.u32 $0x1FF8, v48;
	v44 =	vcvt.f32.s32 v47;
	v63 =	vor.u32 v0, v30  }
0x5d2: {  	s21 =	sadd.s32 $0xFFFFFF70, s1;
	v53 =	vld.idx.msk [tilespmem:v41+s14+$0x0], $0xffff;
	v48 =	vmul.f32 v25, v57;
	v10 =	vor.u32 s7, v2;
	v25 =	vadd.s32 s23, v3  }
0x5d3: {  	v13 =	vld.idx.msk [tilespmem:v28+s14+$0x0], $0xffff;
	v7 =	vor.u32 s21, v49;
	v37 =	vor.u32 v0, v46;
	v46 =	vcvt.s32.f32 v44  }
0x5d4: {  	[tilespmem:$0x1F2C0] =	vst v43;
	v43 =	vld.idx.msk [tilespmem:v42+s14+$0x0], $0xffff;
	v25 =	vand.u32 $0x1FF8, v25;
	v49 =	vand.u32 v1, v7;
	v7 =	vmul.f32 v12, v60  }
0x5d5: {  	v38 =	vor.u32 v0, v38;
	vm0 =	vlt.f32 v18, v46;
	v12 =	vimm.f32 $0.0e+00;
	v1 =	vld [tilespmem:$0x1F490]  }
0x5d6: {  	v0 =	vor.u32 v19, v25;
	v25 =	vsel vm0, $0x3F800000, v12;
	v47 =	vadd.f32 v48, v7;
	v48 =	vld.idx.msk [tilespmem:v63+s29+$0x0], $0xffff  }
0x5d7: {  	v40 =	vor.u32 $0x2, v33;
	v23 =	vld.idx.msk [tilespmem:v32+s14+$0x0], $0xffff;
	[tilespmem:$0x1F160] =	vst v10;
	v10 =	vor.u32 s7, v26;
	v46 =	vsub.f32 v46, v25  }
0x5d8: {  	[tilespmem:$0x1F170] =	vst v10;
	v10 =	vor.u32 s6, v2;
	v15 =	vmul.f32 v35, v13;
	v35 =	vld.idx.msk [tilespmem:v4+s12+$0x0], $0xffff  }
0x5d9: {  	[tilespmem:$0x1F190] =	vst v10;
	v10 =	vor.u32 s6, v26;
	v44 =	vld.idx.msk [tilespmem:v39+s14+$0x0], $0xffff;
	v46 =	vsub.f32 v18, v46  }
0x5da: {  	[tilespmem:$0x1F1A0] =	vst v10;
	v10 =	vor.u32 s7, v20;
	v27 =	vmul.f32 v27, v1;
	v1 =	vld [tilespmem:$0x1F4A0]  }
0x5db: {  	[tilespmem:$0x1F1E0] =	vst v10;
	v10 =	vor.u32 s26, v2;
	v46 =	vadd.f32 v46, v48;
	v48 =	vor.u32 s11, v2;
	v2 =	vld [tilespmem:$0x1F4C0]  }
0x5dc: {  	v22 =	vmul.f32 v22, v23;
	v30 =	vld.idx.msk [tilespmem:v40+s14+$0x0], $0xffff  }
0x5dd: {  	v59 =	vld.idx.msk [tilespmem:v59+s28+$0x0], $0xffff;
	v62 =	vmul.f32 v62, v61;
	v7 =	vmul.f32 v34, v53  }
0x5de: {  	v14 =	vmul.f32 v14, v43;
	[tilespmem:$0x1F1B0] =	vst v10;
	v10 =	vor.u32 s26, v26;
	v22 =	vadd.f32 v15, v22;
	v15 =	vmovc v51  }
0x5df: {  	v51 =	vmovc v60;
	v56 =	vmul.f32 v56, v44;
	v62 =	vadd.f32 v7, v62;
	v60 =	vmul.f32 v24, v1  }
0x5e0: {  	[tilespmem:$0x1F3F0] =	vst v6;
	v1 =	vmovc v57;
	v57 =	vor.u32 s11, v26;
	v35 =	vsub.f32 v35, v46;
	v46 =	vmul.f32 v50, v2;
	v2 =	vld [tilespmem:$0x1F4D0]  }
0x5e1: {  	v17 =	vadd.s32 s1, v3;
	[tilespmem:$0x1F1D0] =	vst v10;
	v54 =	vmul.f32 v54, v30  }
0x5e2: {  	v17 =	vand.u32 $0x1FF8, v17;
	[tilespmem:$0x1F250] =	vst v0;
	v22 =	vadd.f32 v56, v22;
	v62 =	vadd.f32 v14, v62;
	v14 =	vld.idx.msk [tilespmem:v29+s12+$0x0], $0xffff  }
0x5e3: {  	v0 =	vor.u32 v19, v17;
	v47 =	vadd.f32 v54, v47;
	v26 =	vld [tilespmem:$0x1FF60];
	[tilespmem:v63+s22+$0x0] =	vst.idx.msk $0xffff, v35  }
0x5e4: {  	v10 =	vor.u32 s6, v20;
	[tilespmem:$0x1F240] =	vst v0;
	v22 =	vadd.f32 v22, v59;
	v6 =	vadd.f32 v62, v58;
	v35 =	vld.idx.msk [tilespmem:v48+s28+$0x0], $0xffff  }
0x5e5: {  	v0 =	vor.u32 s21, v3;
	v24 =	vmovc v53;
	v53 =	vadd.f32 v47, v55;
	v56 =	vld.idx.msk [tilespmem:v57+s28+$0x0], $0xffff;
	v52 =	vmul.f32 v52, v2  }
0x5e6: {  	v27 =	vadd.f32 v60, v27;
	v63 =	vtrunc.f32 v6;
	v60 =	vtrunc.f32 v22  }
0x5e7: {  	v62 =	vld.idx.msk [tilespmem:v31+s12+$0x0], $0xffff;
	v31 =	vcvt.f32.s32 v60;
	v46 =	vadd.f32 v52, v46;
	v52 =	vcvt.f32.s32 v63  }
0x5e8: {  	v50 =	vor.u32 s11, v20;
	v48 =	vtrunc.f32 v5;
	v47 =	vadd.s32 s1, v26  }
0x5e9: {  	[tilespmem:$0x1F280] =	vst v0;
	v0 =	vld [tilespmem:$0x1FF50];
	v20 =	vmovc v61;
	v61 =	vand.u32 $0x1FF8, v47;
	v47 =	vcvt.s32.f32 v31;
	v52 =	vcvt.s32.f32 v52  }
0x5ea: {  	v60 =	vld.idx.msk [tilespmem:v32+s12+$0x0], $0xffff;
	v32 =	vmul.f32 v35, v9;
	v35 =	vmul.f32 v56, v11  }
0x5eb: {  	v48 =	vcvt.f32.s32 v48;
	v63 =	vcvt.s32.f32 v8;
	v8 =	vld.idx.msk [tilespmem:v21+s12+$0x0], $0xffff;
	vm9 =	vlt.f32 v6, v52  }
0x5ec: {  	vm10 =	vlt.f32 v22, v47;
	v35 =	vadd.f32 v35, v32;
	v32 =	vld.idx.msk [tilespmem:v42+s12+$0x0], $0xffff;
	v31 =	vsel vm9, $0x3F800000, v12  }
0x5ed: {  	v42 =	vsub.f32 v52, v31;
	v31 =	vld.idx.msk [tilespmem:v40+s12+$0x0], $0xffff;
	v40 =	vsel vm10, $0x3F800000, v12  }
0x5ee: {  	v40 =	vsub.f32 v47, v40;
	v47 =	vcvt.s32.f32 v48;
	v48 =	vadd.s32 s25, v3;
	v3 =	vld [tilespmem:$0x1F510];
	_ =	sdelay $0x2  }
0x5ef: {  	v33 =	vld.idx.msk [tilespmem:v33+s12+$0x0], $0xffff;
	v55 =	vtrunc.f32 v53  }
0x5f0: {  	v55 =	vcvt.f32.s32 v55;
	v2 =	vor.u32 s26, v0;
	v50 =	vld.idx.msk [tilespmem:v50+s28+$0x0], $0xffff  }
0x5f1: {  	[tilespmem:$0x1F3A0] =	vst v8;
	v8 =	vld [tilespmem:$0x1F120]  }
0x5f2: {  	v4 =	vld.idx.msk [tilespmem:v49+s29+$0x0], $0xffff;
	v55 =	vcvt.s32.f32 v55  }
0x5f3: {  	[tilespmem:$0x1F310] =	vst v2;
	v2 =	vmov v9;
	v9 =	vld [tilespmem:$0x1F150]  }
0x5f4: {  	vm8 =	vlt.f32 v53, v55;
	v22 =	vsub.f32 v22, v40;
	v40 =	vld.idx.msk [tilespmem:v3+s28+$0x0], $0xffff;
	v3 =	vmov v36  }
0x5f5: {  	v56 =	vsel vm8, $0x3F800000, v12;
	[tilespmem:$0x1F510] =	vst v3;
	v3 =	vld [tilespmem:$0x1F520]  }
0x5f6: {  	v21 =	vld.idx.msk [tilespmem:v41+s12+$0x0], $0xffff;
	v41 =	vmul.f32 v50, v8;
	v50 =	vsub.f32 v55, v56  }
0x5f7: {  	[tilespmem:$0x1F1F0] =	vst v10;
	v10 =	vld [tilespmem:$0x1FF30]  }
0x5f8: {  	v50 =	vsub.f32 v53, v50;
	_ =	sdelay $0x1  }
0x5f9: {  	v4 =	vadd.f32 v50, v4;
	_ =	sdelay $0x1  }
0x5fa: {  	v10 =	vor.u32 s26, v10;
	v4 =	vsub.f32 v33, v4;
	v33 =	vld.idx.msk [tilespmem:v9+s28+$0x0], $0xffff  }
0x5fb: {  	v6 =	vsub.f32 v6, v42;
	v42 =	vld.idx.msk [tilespmem:v3+s28+$0x0], $0xffff;
	v3 =	vmov v10  }
0x5fc: {  	[tilespmem:$0x1F520] =	vst v3;
	v3 =	vld [tilespmem:$0x1F530]  }
0x5fd: {  	v9 =	vld [tilespmem:$0x1F160];
	_ =	sdelay $0x2  }
0x5fe: {  	v25 =	vld [tilespmem:$0x1FF40]  }
0x5ff: {  	v54 =	vld.idx.msk [tilespmem:v37+s29+$0x0], $0xffff  }
0x600: {  	v52 =	vld.idx.msk [tilespmem:v28+s12+$0x0], $0xffff  }
0x601: {  	v28 =	vld.idx.msk [tilespmem:v39+s12+$0x0], $0xffff  }
0x602: {  	v39 =	vld.idx.msk [tilespmem:v3+s28+$0x0], $0xffff;
	[tilespmem:v49+s22+$0x0] =	vst.idx.msk $0xffff, v4  }
0x603: {  	v50 =	vand.u32 $0x1FF8, v48;
	v48 =	vld.idx.msk [tilespmem:v9+s28+$0x0], $0xffff  }
0x604: {  	v9 =	vld [tilespmem:$0x1F170];
	_ =	sdelay $0x3  }
0x605: {  	v6 =	vadd.f32 v6, v54  }
0x606: {  	v7 =	vor.u32 s7, v25  }
0x607: {  	v58 =	vld.idx.msk [tilespmem:v38+s29+$0x0], $0xffff;
	v3 =	vmov v7;
	v7 =	vsub.f32 v62, v6  }
0x608: {  	v35 =	vadd.f32 v41, v35;
	v41 =	vcvt.s32.f32 v45;
	v45 =	vld.idx.msk [tilespmem:v15+s28+$0x0], $0xffff  }
0x609: {  	[tilespmem:v37+s22+$0x0] =	vst.idx.msk $0xffff, v7;
	v37 =	vld.idx.msk [tilespmem:v9+s28+$0x0], $0xffff  }
0x60a: {  	v9 =	vld [tilespmem:$0x1F180];
	_ =	sdelay $0x3  }
0x60b: {  	v57 =	vor.u32 s11, v16  }
0x60c: {  	v22 =	vadd.f32 v22, v58;
	v58 =	vmul.f32 v42, v9;
	v9 =	vld [tilespmem:$0x1F190];
	_ =	sdelay $0x3  }
0x60d: {  	v57 =	vld.idx.msk [tilespmem:v57+s28+$0x0], $0xffff;
	_ =	sdelay $0x2  }
0x60e: {  	v56 =	vld [tilespmem:$0x1FF70]  }
0x60f: {  	v42 =	vld.idx.msk [tilespmem:v9+s28+$0x0], $0xffff  }
0x610: {  	v35 =	vadd.f32 v35, v57;
	v9 =	vld [tilespmem:$0x1F4F0];
	_ =	sdelay $0x1  }
0x611: {  	v54 =	vtrunc.f32 v35  }
0x612: {  	v55 =	vcvt.f32.s32 v54;
	_ =	sdelay $0x1  }
0x613: {  	v4 =	vcvt.s32.f32 v55;
	v55 =	vor.u32 v56, v61;
	v61 =	vmovc v13;
	v13 =	vmul.f32 v39, v9;
	v9 =	vld [tilespmem:$0x1F1A0];
	_ =	sdelay $0x7  }
0x614: {  	v54 =	vmov v23;
	v23 =	vld.idx.msk [tilespmem:v9+s28+$0x0], $0xffff  }
0x615: {  	v9 =	vld [tilespmem:$0x1F500];
	_ =	sdelay $0x2  }
0x616: {  	vm3 =	vlt.f32 v35, v4  }
0x617: {  	v15 =	vsel vm3, $0x3F800000, v12  }
0x618: {  	v4 =	vsub.f32 v4, v15;
	v15 =	vmul.f32 v45, v9;
	v9 =	vld [tilespmem:$0x1F1B0]  }
0x619: {  	v62 =	vld [tilespmem:$0x1F4E0];
	_ =	sdelay $0x2  }
0x61a: {  	v22 =	vsub.f32 v60, v22;
	_ =	sdelay $0x1  }
0x61b: {  	[tilespmem:v38+s22+$0x0] =	vst.idx.msk $0xffff, v22;
	v22 =	vmul.f32 v40, v62;
	_ =	sdelay $0x1  }
0x61c: {  	v22 =	vadd.f32 v58, v22;
	v58 =	vmov v30;
	v30 =	vld.idx.msk [tilespmem:v9+s28+$0x0], $0xffff  }
0x61d: {  	v9 =	vld [tilespmem:$0x1F1C0];
	_ =	sdelay $0x2  }
0x61e: {  	v59 =	vadd.s32 s23, v26  }
0x61f: {  	v59 =	vand.u32 $0x1FF8, v59  }
0x620: {  	v36 =	vor.u32 v19, v50;
	v50 =	vor.u32 v56, v59;
	v59 =	vmul.f32 v33, v9;
	_ =	sdelay $0x1  }
0x621: {  	[tilespmem:$0x1F4A0] =	vst v1;
	v45 =	vadd.f32 v13, v27;
	v13 =	vadd.f32 v59, v22;
	v22 =	vmul.f32 v37, v1;
	v1 =	vld [tilespmem:$0x1F1F0];
	_ =	sdelay $0x6  }
0x622: {  	v9 =	vld [tilespmem:$0x1F1D0]  }
0x623: {  	v37 =	vld.idx.msk [tilespmem:v1+s28+$0x0], $0xffff  }
0x624: {  	v1 =	vld [tilespmem:$0x1F210];
	_ =	sdelay $0x4  }
0x625: {  	v7 =	vld.idx.msk [tilespmem:v36+s29+$0x0], $0xffff  }
0x626: {  	v33 =	vld.idx.msk [tilespmem:v9+s28+$0x0], $0xffff  }
0x627: {  	v9 =	vld [tilespmem:$0x1F1E0]  }
0x628: {  	v16 =	vmov v11;
	v11 =	vld.idx.msk [tilespmem:v1+s28+$0x0], $0xffff  }
0x629: {  	v1 =	vld [tilespmem:$0x1F220]  }
0x62a: {  	v4 =	vsub.f32 v35, v4  }
0x62b: {  	v62 =	vld [tilespmem:$0x1FF30]  }
0x62c: {  	v4 =	vadd.f32 v4, v7  }
0x62d: {  	v18 =	vor.u32 s7, v0;
	v57 =	vld [tilespmem:$0x1F130]  }
0x62e: {  	v29 =	vor.u32 s6, v0;
	v4 =	vsub.f32 v14, v4;
	v14 =	vor.u32 s11, v0;
	v0 =	vld [tilespmem:$0x1F260];
	_ =	sdelay $0x1  }
0x62f: {  	v10 =	vmov v43;
	v43 =	vor.u32 s11, v62;
	v40 =	vld.idx.msk [tilespmem:v9+s28+$0x0], $0xffff  }
0x630: {  	v9 =	vld.idx.msk [tilespmem:v1+s28+$0x0], $0xffff  }
0x631: {  	v1 =	vld [tilespmem:$0x1F230]  }
0x632: {  	v19 =	vld [tilespmem:$0x1F140];
	vm2 =	vlt.f32 v57, v63;
	[tilespmem:$0x1F530] =	vst v3  }
0x633: {  	v38 =	vsel vm2, $0x3F800000, v12;
	v3 =	vld [tilespmem:$0x1FE70];
	[tilespmem:v36+s22+$0x0] =	vst.idx.msk $0xffff, v4  }
0x634: {  	v38 =	vsub.f32 v63, v38;
	v63 =	vld.idx.msk [tilespmem:v43+s28+$0x0], $0xffff  }
0x635: {  	v43 =	vld.idx.msk [tilespmem:v0+s28+$0x0], $0xffff  }
0x636: {  	v0 =	vld [tilespmem:$0x1F270];
	_ =	sdelay $0x1  }
0x637: {  	v34 =	vor.u32 s26, v25  }
0x638: {  	v59 =	vmov v34;
	v34 =	vld.idx.msk [tilespmem:v1+s28+$0x0], $0xffff;
	v1 =	vsub.f32 v57, v38  }
0x639: {  	vm1 =	vlt.f32 v5, v47;
	vm11 =	vlt.f32 v19, v41;
	v7 =	vor.u32 s11, v3  }
0x63a: {  	v35 =	vsel vm1, $0x3F800000, v12;
	v39 =	vsel vm11, $0x3F800000, v12;
	v1 =	vadd.f32 v1, v0;
	v0 =	vld [tilespmem:$0x1F290]  }
0x63b: {  	v39 =	vsub.f32 v41, v39;
	v4 =	vmul.f32 v30, v54;
	v30 =	vsub.f32 v47, v35;
	_ =	sdelay $0x1  }
0x63c: {  	v3 =	vsub.f32 v19, v39;
	[tilespmem:$0x1F500] =	vst v10;
	v5 =	vsub.f32 v5, v30;
	v30 =	vmul.f32 v37, v10;
	v10 =	vld [tilespmem:$0x1F2E0]  }
0x63d: {  	v7 =	vld.idx.msk [tilespmem:v7+s28+$0x0], $0xffff  }
0x63e: {  	v3 =	vadd.f32 v3, v0;
	v0 =	vld [tilespmem:$0x1F2A0];
	_ =	sdelay $0x3  }
0x63f: {  	[tilespmem:$0x1F490] =	vst v51;
	v17 =	vor.u32 s6, v25;
	v39 =	vld [tilespmem:$0x1F280];
	v27 =	vmul.f32 v48, v51  }
0x640: {  	v51 =	vmovc v17;
	v17 =	vmul.f32 v42, v20;
	v5 =	vadd.f32 v5, v0;
	v0 =	vmul.f32 v7, v2;
	v2 =	vld [tilespmem:$0x1F2B0]  }
0x641: {  	v23 =	vmul.f32 v23, v24;
	v22 =	vadd.f32 v22, v27;
	v27 =	vor.u32 s11, v25;
	v25 =	vmovc v29;
	v29 =	vld.idx.msk [tilespmem:v10+s28+$0x0], $0xffff  }
0x642: {  	v10 =	vld [tilespmem:$0x1F2F0]  }
0x643: {  	[tilespmem:$0x1F4D0] =	vst v24;
	v24 =	vld [tilespmem:$0x1F3C0];
	v17 =	vadd.f32 v23, v17;
	v23 =	vmul.f32 v33, v61  }
0x644: {  	v15 =	vadd.f32 v15, v46;
	v46 =	vmov v44  }
0x645: {  	v4 =	vadd.f32 v23, v4;
	v44 =	vmul.f32 v40, v58;
	v11 =	vmul.f32 v11, v46  }
0x646: {  	v23 =	vld.idx.msk [tilespmem:v27+s28+$0x0], $0xffff;
	v17 =	vadd.f32 v30, v17  }
0x647: {  	v27 =	vld.idx.msk [tilespmem:v39+s29+$0x0], $0xffff;
	v22 =	vadd.f32 v44, v22;
	v4 =	vadd.f32 v11, v4  }
0x648: {  	v1 =	vsub.f32 v24, v1;
	v11 =	vadd.f32 v17, v34;
	v34 =	vld.idx.msk [tilespmem:v2+s28+$0x0], $0xffff  }
0x649: {  	v2 =	vld [tilespmem:$0x1F2C0]  }
0x64a: {  	v9 =	vadd.f32 v22, v9;
	[tilespmem:v10+s22+$0x0] =	vst.idx.msk $0xffff, v1;
	v10 =	vld [tilespmem:$0x1F310];
	_ =	sdelay $0x1  }
0x64b: {  	v24 =	vtrunc.f32 v9;
	_ =	sdelay $0x1  }
0x64c: {  	v41 =	vmov v18;
	v18 =	vmov v2  }
0x64d: {  	[tilespmem:$0x1F3C0] =	vst v18;
	v18 =	vcvt.f32.s32 v24;
	v24 =	vmov v10;
	v10 =	vld [tilespmem:$0x1F320]  }
0x64e: {  	[tilespmem:$0x1F4F0] =	vst v58;
	v58 =	vld [tilespmem:$0x1F250];
	v7 =	vmul.f32 v63, v16  }
0x64f: {  	[tilespmem:$0x1F4C0] =	vst v20;
	v20 =	vld [tilespmem:$0x1F330]  }
0x650: {  	v0 =	vadd.f32 v7, v0;
	v7 =	vld [tilespmem:$0x1F2D0];
	_ =	sdelay $0x1  }
0x651: {  	v57 =	vmov v10;
	v10 =	vld [tilespmem:$0x1F340]  }
0x652: {  	v1 =	vld [tilespmem:$0x1F3D0];
	_ =	sdelay $0x2  }
0x653: {  	v4 =	vadd.f32 v4, v43;
	v22 =	vld.idx.msk [tilespmem:v58+s29+$0x0], $0xffff  }
0x654: {  	v38 =	vld.idx.msk [tilespmem:v20+s29+$0x0], $0xffff;
	v2 =	vmul.f32 v23, v8  }
0x655: {  	v19 =	vtrunc.f32 v4;
	v7 =	vld.idx.msk [tilespmem:v7+s28+$0x0], $0xffff;
	v1 =	vsub.f32 v1, v3  }
0x656: {  	v16 =	vadd.f32 v2, v0;
	v2 =	vcvt.f32.s32 v19;
	v19 =	vld [tilespmem:$0x1F370]  }
0x657: {  	[tilespmem:v10+s22+$0x0] =	vst.idx.msk $0xffff, v1;
	v1 =	vld [tilespmem:$0x1F3E0];
	_ =	sdelay $0x2  }
0x658: {  	[tilespmem:$0x1F4E0] =	vst v54;
	v54 =	vld [tilespmem:$0x1F240]  }
0x659: {  	v30 =	vld.idx.msk [tilespmem:v14+s28+$0x0], $0xffff  }
0x65a: {  	v0 =	vmov v19;
	v10 =	vld [tilespmem:$0x1F360];
	v1 =	vsub.f32 v1, v5;
	v5 =	vadd.s32 s25, v26  }
0x65b: {  	[tilespmem:$0x1F3E0] =	vst v0;
	v0 =	vand.u32 $0x1FF8, v5;
	v5 =	vld [tilespmem:$0x1F380]  }
0x65c: {  	v8 =	vld [tilespmem:$0x1F300]  }
0x65d: {  	v44 =	vtrunc.f32 v11  }
0x65e: {  	v23 =	vcvt.f32.s32 v44;
	_ =	sdelay $0x1  }
0x65f: {  	v53 =	vld [tilespmem:$0x1FF10];
	v63 =	vcvt.s32.f32 v23;
	v3 =	vcvt.s32.f32 v18  }
0x660: {  	v60 =	vld [tilespmem:$0x1FF20];
	v18 =	vadd.f32 v16, v30;
	v2 =	vcvt.s32.f32 v2  }
0x661: {  	v17 =	vld.idx.msk [tilespmem:v54+s29+$0x0], $0xffff;
	vm13 =	vlt.f32 v11, v63;
	vm12 =	vlt.f32 v9, v3  }
0x662: {  	v6 =	vor.u32 s21, v26;
	vm14 =	vlt.f32 v4, v2;
	v30 =	vld.idx.msk [tilespmem:v10+s29+$0x0], $0xffff;
	[tilespmem:v5+s22+$0x0] =	vst.idx.msk $0xffff, v1;
	v1 =	vtrunc.f32 v18  }
0x663: {  	v35 =	vmovc v8;
	v33 =	vld.idx.msk [tilespmem:v8+s29+$0x0], $0xffff;
	v8 =	vsel vm13, $0x3F800000, v12;
	v5 =	vsel vm12, $0x3F800000, v12;
	v1 =	vcvt.f32.s32 v1  }
0x664: {  	v49 =	vld [tilespmem:$0x1FF00];
	v36 =	vmovc v28;
	v19 =	vmovc v6;
	v6 =	vsel vm14, $0x3F800000, v12;
	v3 =	vsub.f32 v3, v5;
	v5 =	vsub.f32 v63, v8  }
0x665: {  	v44 =	vmovc v32;
	v28 =	vadd.f32 v45, v34;
	[tilespmem:$0x1F3D0] =	vst v57;
	v6 =	vsub.f32 v2, v6;
	v57 =	vcvt.s32.f32 v1;
	v1 =	vld [tilespmem:$0x1F3A0]  }
0x666: {  	s24 =	sadd.s32 $0x4, s24;
	v48 =	vld [tilespmem:$0x1FEF0];
	v32 =	vmovc v20;
	v0 =	vor.u32 v56, v0;
	v9 =	vsub.f32 v9, v3;
	v5 =	vsub.f32 v11, v5  }
0x667: {  	p0 =	slt.u32 s24, $0x3C;
	v42 =	vld [tilespmem:$0x1F200];
	v20 =	vmovc v50;
	v50 =	vadd.f32 v15, v7;
	v4 =	vsub.f32 v4, v6;
	vm15 =	vlt.f32 v18, v57  }
.Ltmp12:
0x668: {  	v47 =	vld [tilespmem:$0x1FEE0];
	v6 =	vadd.f32 v9, v27;
	v5 =	vadd.f32 v5, v22;
	v7 =	vsel vm15, $0x3F800000, v12;
	(pc) =	sbr.rel @p0 .LBB2_18-.Ltmp12, $4  }
0x669: {  	v34 =	vld [tilespmem:$0x1F390];
	v4 =	vadd.f32 v4, v17;
	v9 =	vsub.f32 v57, v7  }
0x66a: {  	v43 =	vmovc v31;
	v26 =	vld [tilespmem:$0x1F350];
	v7 =	vsub.f32 v21, v5;
	v5 =	vtrunc.f32 v50;
	v63 =	vsub.f32 v1, v6  }
0x66b: {  	v23 =	vmovc v55;
	v31 =	vmovc v10;
	v2 =	vld.idx.msk [tilespmem:v0+s29+$0x0], $0xffff;
	v11 =	vtrunc.f32 v28;
	v45 =	vcvt.f32.s32 v5;
	v5 =	vadd.f32 v13, v29  }
0x66c: {  	s10 =	sadd.s32 $0x40, s10;
	s26 =	sadd.s32 $0x400, s26;
	v8 =	vcvt.f32.s32 v11;
	v6 =	vsub.f32 v18, v9;
	v9 =	vsub.f32 v52, v4;
	v52 =	vld [tilespmem:$0x1F3B0];
	[tilespmem:v39+s22+$0x0] =	vst.idx.msk $0xffff, v63  }
0x66d: {  	_ =	sdelay $0x3  }
0x66e: {  	[tilespmem:v58+s22+$0x0] =	vst.idx.msk $0xffff, v7;
	v58 =	vld.idx.msk [tilespmem:v42+s28+$0x0], $0xffff  }
0x66f: {  	v10 =	vld.idx.msk [tilespmem:v34+s28+$0x0], $0xffff  }
0x670: {  	[tilespmem:v54+s22+$0x0] =	vst.idx.msk $0xffff, v9;
	v63 =	vld.idx.msk [tilespmem:v26+s28+$0x0], $0xffff  }
0x671: {  	v1 =	vld [tilespmem:$0x1F510]  }
0x672: {  	v14 =	vld [tilespmem:$0x1F520]  }
0x673: {  	v15 =	vld [tilespmem:$0x1F490]  }
0x674: {  	v26 =	vld [tilespmem:$0x1F4A0]  }
0x675: {  	v27 =	vld [tilespmem:$0x1F530]  }
0x676: {  	v29 =	vld [tilespmem:$0x1F4C0]  }
0x677: {  	v39 =	vld [tilespmem:$0x1F4D0]  }
0x678: {  	v3 =	vld.idx.msk [tilespmem:v59+s28+$0x0], $0xffff  }
0x679: {  	v40 =	vld [tilespmem:$0x1F3F0]  }
0x67a: {  	v16 =	vcvt.s32.f32 v45;
	v45 =	vld [tilespmem:$0x1F4E0]  }
0x67b: {  	v55 =	vld [tilespmem:$0x1F4F0]  }
0x67c: {  	v59 =	vld [tilespmem:$0x1F500]  }
0x67d: {  	v4 =	vld.idx.msk [tilespmem:v52+s28+$0x0], $0xffff  }
0x67e: {  	v11 =	vld.idx.msk [tilespmem:v1+s28+$0x0], $0xffff  }
0x67f: {  	v12 =	vld.idx.msk [tilespmem:v14+s28+$0x0], $0xffff  }
0x680: {  	v37 =	vtrunc.f32 v5;
	v8 =	vcvt.s32.f32 v8;
	v13 =	vld.idx.msk [tilespmem:v27+s28+$0x0], $0xffff  }
0x681: {  	vm1 =	vlt.f32 v50, v16;
	v2 =	vadd.f32 v6, v2;
	v7 =	vmul.f32 v58, v26;
	v14 =	vld.idx.msk [tilespmem:v51+s28+$0x0], $0xffff  }
0x682: {  	vm0 =	vlt.f32 v28, v8;
	v34 =	vmul.f32 v10, v29;
	v10 =	vcvt.f32.s32 v37  }
0x683: {  	v9 =	vmul.f32 v63, v39;
	v2 =	vsub.f32 v40, v2;
	v4 =	vmul.f32 v4, v15  }
0x684: {  	v52 =	vld.idx.msk [tilespmem:v41+s28+$0x0], $0xffff;
	v42 =	vcvt.s32.f32 v10;
	v15 =	vimm.f32 $0.0e+00;
	v51 =	vmul.f32 v11, v45  }
0x685: {  	v58 =	vld.idx.msk [tilespmem:v25+s28+$0x0], $0xffff;
	v4 =	vadd.f32 v7, v4;
	v54 =	vmul.f32 v12, v61;
	v57 =	vmul.f32 v13, v55  }
0x686: {  	v17 =	vld.idx.msk [tilespmem:v24+s28+$0x0], $0xffff;
	v6 =	vadd.f32 v9, v34;
	v63 =	vsel vm0, $0x3F800000, v15;
	v14 =	vmul.f32 v14, v59  }
0x687: {  	v61 =	vmul.f32 v3, v46;
	v9 =	vadd.f32 v54, v51;
	v4 =	vadd.f32 v57, v4  }
0x688: {  	v1 =	vsel vm1, $0x3F800000, v15;
	v8 =	vsub.f32 v8, v63;
	v6 =	vadd.f32 v14, v6  }
0x689: {  	vm2 =	vlt.f32 v5, v42;
	v9 =	vadd.f32 v61, v9;
	v4 =	vadd.f32 v4, v52  }
0x68a: {  	v25 =	vsub.f32 v16, v1;
	v24 =	vsel vm2, $0x3F800000, v15;
	v54 =	vld [tilespmem:$0x1F3C0];
	v6 =	vadd.f32 v6, v58  }
0x68b: {  	v29 =	vsub.f32 v28, v8;
	v26 =	vtrunc.f32 v4;
	v9 =	vadd.f32 v9, v17  }
0x68c: {  	v7 =	vsub.f32 v42, v24;
	v27 =	vtrunc.f32 v6;
	v12 =	vcvt.f32.s32 v26  }
0x68d: {  	v1 =	vadd.f32 v29, v33;
	v34 =	vcvt.f32.s32 v27;
	v37 =	vtrunc.f32 v9  }
0x68e: {  	v39 =	vsub.f32 v50, v25;
	v10 =	vcvt.f32.s32 v37;
	v40 =	vcvt.s32.f32 v12  }
0x68f: {  	v41 =	vsub.f32 v5, v7;
	v46 =	vld.idx.msk [tilespmem:v19+s29+$0x0], $0xffff;
	v1 =	vsub.f32 v54, v1;
	v42 =	vcvt.s32.f32 v34  }
0x690: {  	v3 =	vadd.f32 v39, v38;
	v57 =	vld [tilespmem:$0x1F3D0];
	[tilespmem:v0+s22+$0x0] =	vst.idx.msk $0xffff, v2;
	v45 =	vcvt.s32.f32 v10;
	vm13 =	vlt.f32 v4, v40  }
0x691: {  	v51 =	vld.idx.msk [tilespmem:v20+s29+$0x0], $0xffff;
	[tilespmem:v35+s22+$0x0] =	vst.idx.msk $0xffff, v1;
	vm14 =	vlt.f32 v6, v42;
	v50 =	vsel vm13, $0x3F800000, v15  }
0x692: {  	v1 =	vld [tilespmem:$0x1F3E0];
	v52 =	vsel vm14, $0x3F800000, v15;
	vm15 =	vlt.f32 v9, v45;
	v11 =	vsub.f32 v40, v50  }
0x693: {  	v55 =	vld.idx.msk [tilespmem:v23+s29+$0x0], $0xffff;
	v5 =	vadd.f32 v41, v30;
	v7 =	vsub.f32 v42, v52;
	v15 =	vsel vm15, $0x3F800000, v15  }
0x694: {  	v8 =	vsub.f32 v45, v15;
	v4 =	vsub.f32 v4, v11  }
0x695: {  	v3 =	vsub.f32 v57, v3;
	v6 =	vsub.f32 v6, v7  }
0x696: {  	v58 =	vsub.f32 v9, v8;
	v59 =	vadd.f32 v4, v46  }
0x697: {  	v1 =	vsub.f32 v1, v5;
	v61 =	vadd.f32 v6, v51  }
0x698: {  	[tilespmem:v32+s22+$0x0] =	vst.idx.msk $0xffff, v3;
	v0 =	vadd.f32 v58, v55;
	v2 =	vsub.f32 v43, v59  }
0x699: {  	[tilespmem:v31+s22+$0x0] =	vst.idx.msk $0xffff, v1;
	v63 =	vsub.f32 v44, v61  }
0x69a: {  	[tilespmem:v19+s22+$0x0] =	vst.idx.msk $0xffff, v2;
	v0 =	vsub.f32 v36, v0  }
0x69b: {  	s1 =	sadd.s32 $0x4, s15;
	[tilespmem:v20+s22+$0x0] =	vst.idx.msk $0xffff, v63  }
0x69c: {  	p0 =	sge.u32 s1, s9;
	[tilespmem:v23+s22+$0x0] =	vst.idx.msk $0xffff, v0  }
0x69d: {  	s1 =	sshll.u32 @!p0 s1, $0x5;
	v18 =	vld [tilespmem:$0x1FE80]  }
0x69e: {  	s1 =	sor.u32 @!p0 s8, s1;
	v19 =	vld [tilespmem:$0x1FE90]  }
0x69f: {  	[hbm4b:s3+s2] =	stream.linear.scatter [tilespmem:s22], [sflag:$0x4], $0xC00, $0x38;
	v20 =	vld [tilespmem:$0x1FEA0]  }
0x6a0: {  	s3 =	sshll.u32 @!p0 s1, $0x8;
	v21 =	vld [tilespmem:$0x1FEB0]  }
0x6a1: {  	s4 =	rddreg [dreg:$0x4];
	v22 =	vld [tilespmem:$0x1FEC0];
	s3 =	sand.u32 @!p0 $0x1FFFDF00, s3  }
0x6a2: {  	v23 =	vld [tilespmem:$0x1FED0];
	s3 =	sadd.s32 @!p0 s4, s3;
	s4 =	simm.s32 @!p0 $0x0  }
0x6a3: {  	v41 =	vld [tilespmem:$0x1FF90];
	[tilespmem:s4], [sflag:$0x1] =	stream.linear.gather @!p0 [hbm4b:s3+s4], $0x800, $0x38  }
0x6a4: {  	v52 =	vld [tilespmem:$0x1FFA0];
	s3 =	sshll.u32 @!p0 s1, $0xB  }
0x6a5: {  	s5 =	rddreg [dreg:$0x5];
	v36 =	vld [tilespmem:$0x1FFB0];
	s3 =	sand.u32 @!p0 $0x1FFEF800, s3  }
0x6a6: {  	v37 =	vld [tilespmem:$0x1FFC0];
	s1 =	smul.u32 @!p0 $0x180, s1;
	s3 =	sadd.s32 @!p0 s5, s3;
	s5 =	simm.s32 @!p0 $0x800  }
0x6a7: {  	v58 =	vld [tilespmem:$0x1FFD0];
	[tilespmem:s5], [sflag:$0x2] =	stream.linear.gather @!p0 [hbm4b:s3+s4], $0x4000, $0x38  }
0x6a8: {  	v44 =	vld [tilespmem:$0x1FFE0];
	s3 =	rddreg [dreg:$0x6]  }
0x6a9: {  	v43 =	vld [tilespmem:$0x1FF80];
	s1 =	sadd.s32 @!p0 s3, s1;
	s3 =	simm.s32 @!p0 $0x4800  }
0x6aa: {  	v63 =	vld [tilespmem:$0x1FFF0];
	[tilespmem:s3], [sflag:$0x2] =	stream.linear.gather @!p0 [hbm4b:s1+s4], $0xC00, $0x38  }
.LBB2_20:
0x6ab: {  	s3 =	sadd.s32 $0x3, s15  }
0x6ac: {  	p0 =	sge.u32 s3, s9  }
.Ltmp13:
0x6ad: {  	_ = 	snop;
	(pc) =	sbr.rel @p0 .LBB2_28-.Ltmp13, $1  }
0x6ae: {  	_ =	sdelay $0x3  }
0x6af: {  	s1 =	rddreg [dreg:$0x17]  }
0x6b0: {  	p0 =	sge.u32 s15, s1  }
.Ltmp14:
0x6b1: {  	_ = 	snop;
	(pc) =	sbr.rel @p0 .LBB2_25-.Ltmp14, $1  }
0x6b2: {  	_ =	sdelay $0x3  }
0x6b3: {  	s1 =	simm.s32 $0x0  }
0x6b4: {  	s23 =	simm.s32 $0x40;
	v1 =	vor.u32 s1, v20  }
0x6b5: {  	s5 =	simm.s32 $0x1;
	v0 =	vor.u32 s1, v18;
	v3 =	vor.u32 s23, v20  }
0x6b6: {  	s4 =	simm.s32 $0x60;
	_ =	swait.ge [sflag:s5], $0x800;
	v2 =	vor.u32 s23, v18;
	v0 =	vand.u32 v19, v0  }
0x6b7: {  	s24 =	simm.s32 $0x20;
	v4 =	vor.u32 s4, v18;
	[sflag:s5] =	ssyncset.done $0x0;
	v2 =	vand.u32 v22, v2  }
0x6b8: {  	v5 =	vor.u32 s24, v18;
	v4 =	vand.u32 v23, v4;
	[sflag:s5] =	ssyncadd.s32 $0xFFFFF800  }
0x6b9: {  	v5 =	vand.u32 v21, v5;
	v7 =	vld.idx.msk [tilespmem:v1+s2+$0x0], $0xffff  }
0x6ba: {  	s25 =	simm.s32 $0x80;
	v12 =	vld.idx.msk [tilespmem:v3+s2+$0x0], $0xffff;
	v3 =	vor.u32 s4, v20  }
0x6bb: {  	v6 =	vor.u32 s25, v18;
	v8 =	vor.u32 s25, v20;
	v0 =	vld.idx.msk [tilespmem:v0+s2+$0x0], $0xffff  }
0x6bc: {  	v11 =	vand.u32 v19, v6;
	v10 =	vld.idx.msk [tilespmem:v2+s2+$0x0], $0xffff  }
0x6bd: {  	v1 =	vor.u32 s24, v20;
	v9 =	vld.idx.msk [tilespmem:v4+s2+$0x0], $0xffff  }
0x6be: {  	s6 =	simm.s32 $0xA0;
	v6 =	vld.idx.msk [tilespmem:v5+s2+$0x0], $0xffff  }
0x6bf: {  	s26 =	simm.s32 $0xC0;
	s1 =	simm.s32 $0x9420;
	v2 =	vld.idx.msk [tilespmem:v3+s2+$0x0], $0xffff;
	v3 =	vor.u32 s6, v18  }
0x6c0: {  	s10 =	simm.s32 $0xE0;
	v13 =	vor.u32 s26, v20;
	s4 =	simm.s32 $0x9820;
	[tilespmem:s1+$0xFFFFFFE0] =	vst v0;
	v0 =	vld.idx.msk [tilespmem:v8+s2+$0x0], $0xffff;
	v4 =	vand.u32 v21, v3;
	v3 =	vor.u32 s26, v18  }
0x6c1: {  	v8 =	vor.u32 s10, v18;
	[tilespmem:s4+$0xFFFFFFE0] =	vst v7;
	v7 =	vld.idx.msk [tilespmem:v11+s2+$0x0], $0xffff;
	v11 =	vand.u32 v22, v3  }
0x6c2: {  	v5 =	vld.idx.msk [tilespmem:v1+s2+$0x0], $0xffff;
	[tilespmem:s1+$0x0] =	vst v10;
	v10 =	vand.u32 v23, v8;
	_ =	sdelay $0x1  }
0x6c3: {  	s7 =	simm.s32 $0x4;
	v1 =	vor.u32 s6, v20  }
0x6c4: {  	s5 =	simm.s32 $0x9460;
	s6 =	simm.s32 $0x9860;
	v3 =	vld.idx.msk [tilespmem:v13+s2+$0x0], $0xffff;
	v8 =	vor.u32 s10, v20;
	s10 =	simm.s32 $0x100;
	[tilespmem:s4+$0x0] =	vst v12  }
.LBB2_23:
0x6c5: {  	v12 =	vor.u32 s10, v18;
	v13 =	vor.u32 s10, v20;
	s11 =	sadd.s32 $0x20, s10;
	s18 =	sadd.s32 $0x60, s10;
	s7 =	sadd.s32 $0x4, s7;
	v14 =	vld.idx.msk [tilespmem:v11+s2+$0x0], $0xffff;
	[tilespmem:s1+$0xFFFFFFF0] =	vst v6  }
0x6c6: {  	v12 =	vand.u32 v19, v12;
	v11 =	vor.u32 s11, v18;
	v15 =	vor.u32 s11, v20;
	s11 =	sadd.s32 $0x40, s10;
	p0 =	slt.u32 s7, $0x3C;
	v16 =	vld.idx.msk [tilespmem:v10+s2+$0x0], $0xffff;
	[tilespmem:s4+$0xFFFFFFF0] =	vst v5  }
0x6c7: {  	v5 =	vor.u32 s11, v18;
	v17 =	vor.u32 s11, v20;
	v6 =	vld.idx.msk [tilespmem:v4+s2+$0x0], $0xffff;
	v4 =	vand.u32 v21, v11;
	[tilespmem:s1+$0x10] =	vst v9;
	s1 =	smov.u32 s5  }
.Ltmp15:
0x6c8: {  	v9 =	vor.u32 s18, v18;
	v11 =	vand.u32 v22, v5;
	v5 =	vld.idx.msk [tilespmem:v1+s2+$0x0], $0xffff;
	[tilespmem:s4+$0x10] =	vst v2;
	v1 =	vmov v15;
	s4 =	smov.u32 s6;
	(pc) =	sbr.rel @p0 .LBB2_23-.Ltmp15, $4  }
0x6c9: {  	v10 =	vand.u32 v23, v9;
	[tilespmem:s5+$0xFFFFFFE0] =	vst v7;
	v2 =	vld.idx.msk [tilespmem:v8+s2+$0x0], $0xffff  }
0x6ca: {  	[tilespmem:s6+$0xFFFFFFE0] =	vst v0;
	v0 =	vld.idx.msk [tilespmem:v13+s2+$0x0], $0xffff  }
0x6cb: {  	v7 =	vld.idx.msk [tilespmem:v12+s2+$0x0], $0xffff;
	[tilespmem:s5+$0x0] =	vst v14  }
0x6cc: {  	s10 =	sadd.s32 $0x80, s10;
	v8 =	vor.u32 s18, v20;
	s6 =	sadd.s32 $0x40, s6;
	s5 =	sadd.s32 $0x40, s5;
	v9 =	vmov v16;
	[tilespmem:s4+$0x0] =	vst v3;
	v3 =	vld.idx.msk [tilespmem:v17+s2+$0x0], $0xffff  }
0x6cd: {  	_ =	sdelay $0x2  }
0x6ce: {  	[tilespmem:s1+$0xFFFFFFF0] =	vst v6  }
0x6cf: {  	v57 =	vld.idx.msk [tilespmem:v11+s2+$0x0], $0xffff;
	[tilespmem:s1+$0x10] =	vst v9  }
0x6d0: {  	v4 =	vld.idx.msk [tilespmem:v4+s2+$0x0], $0xffff;
	[tilespmem:s4+$0xFFFFFFF0] =	vst v5  }
0x6d1: {  	v59 =	vld.idx.msk [tilespmem:v10+s2+$0x0], $0xffff;
	[tilespmem:s4+$0x10] =	vst v2  }
0x6d2: {  	[tilespmem:s5+$0xFFFFFFE0] =	vst v7  }
0x6d3: {  	v1 =	vld.idx.msk [tilespmem:v1+s2+$0x0], $0xffff;
	[tilespmem:s6+$0xFFFFFFE0] =	vst v0  }
0x6d4: {  	v61 =	vld.idx.msk [tilespmem:v8+s2+$0x0], $0xffff;
	[tilespmem:s5+$0x0] =	vst v57  }
0x6d5: {  	[tilespmem:s5+$0xFFFFFFF0] =	vst v4  }
0x6d6: {  	[tilespmem:s5+$0x10] =	vst v59  }
0x6d7: {  	[tilespmem:s6+$0x0] =	vst v3  }
0x6d8: {  	[tilespmem:s6+$0xFFFFFFF0] =	vst v1  }
0x6d9: {  	[tilespmem:s6+$0x10] =	vst v61  }
0x6da: {  	s24 =	simm.s32 $0x400;
	s25 =	simm.s32 $0x9400;
	s1 =	rddreg [dreg:$0x3]  }
0x6db: {  	[tilespmem:s12], [sflag:$0x3] =	stream.indirect.gather [hbm4b:s1+s24], $0x8, s25, s24, $0xb8;
	[tilespmem:$0x15000] =	vst v63  }
0x6dc: {  	s26 =	simm.s32 $0x9800  }
0x6dd: {  	[tilespmem:s14], [sflag:$0x3] =	stream.indirect.gather [hbm4b:s1+s24], $0x8, s26, s24, $0xb8;
	[tilespmem:$0x15000] =	vst v63  }
.LBB2_25:
0x6de: {  	s1 =	simm.s32 $0x6  }
0x6df: {  	_ =	swait.ge [sflag:s1], $0x4000  }
0x6e0: {  	[sflag:s1] =	ssyncset.done $0x0  }
0x6e1: {  	[sflag:s1] =	ssyncadd.s32 $0xFFFFC000  }
0x6e2: {  	_ =	swait.ge [sflag:s1], $0xC00  }
0x6e3: {  	[sflag:s1] =	ssyncset.done $0x0  }
0x6e4: {  	s5 =	simm.s32 $0x7;
	[sflag:s1] =	ssyncadd.s32 $0xFFFFF400  }
0x6e5: {  	_ =	swait.ge [sflag:s5], $0x2000  }
0x6e6: {  	[sflag:s5] =	ssyncset.done $0x0  }
0x6e7: {  	[sflag:s5] =	ssyncadd.s32 $0xFFFFE000  }
0x6e8: {  	_ =	swait.ge [sflag:s5], $0x2000  }
0x6e9: {  	s4 =	simm.s32 $0x20;
	[sflag:s5] =	ssyncset.done $0x0  }
0x6ea: {  	s23 =	simm.s32 $0x200;
	s24 =	simm.s32 $0x8;
	[sflag:s5] =	ssyncadd.s32 $0xFFFFE000  }
0x6eb: {  	v0 =	vmov s4;
	v1 =	vor.u32 s23, v47;
	_ =	swait.ge [sflag:s24], $0xC00  }
0x6ec: {  	v2 =	vor.u32 s23, v53;
	v0 =	vshll.u32 v0, $0x3;
	v57 =	vld [tilespmem:$0x1FE60]  }
0x6ed: {  	v4 =	vor.u32 v48, v0  }
0x6ee: {  	s25 =	simm.s32 $0x0;
	v7 =	vor.u32 $0x1, v4;
	[sflag:s24] =	ssyncset.done $0x0  }
0x6ef: {  	s26 =	simm.s32 $0x10;
	s10 =	simm.s32 $0x300;
	v0 =	vmov s25;
	v14 =	vor.u32 $0x2, v4;
	[sflag:s24] =	ssyncadd.s32 $0xFFFFF400  }
0x6f0: {  	v5 =	vmov s26;
	v8 =	vor.u32 s10, v47;
	v0 =	vshll.u32 v0, $0x3;
	v1 =	vld.idx.msk [tilespmem:v1+s31+$0x0], $0xffff  }
0x6f1: {  	v5 =	vshll.u32 v5, $0x3;
	v15 =	vor.u32 v48, v0;
	v10 =	vld.idx.msk [tilespmem:v2+s31+$0x0], $0xffff;
	v3 =	vor.u32 s23, v57  }
0x6f2: {  	v16 =	vor.u32 v48, v5;
	v13 =	vor.u32 $0x1, v15;
	v2 =	vld.idx.msk [tilespmem:v4+s19+$0x0], $0xffff  }
0x6f3: {  	v11 =	vor.u32 $0x1, v16;
	v6 =	vld.idx.msk [tilespmem:v7+s19+$0x0], $0xffff  }
0x6f4: {  	s6 =	simm.s32 $0x30;
	v5 =	vor.u32 s23, v60;
	v42 =	vld.idx.msk [tilespmem:v14+s19+$0x0], $0xffff  }
0x6f5: {  	v0 =	vmov s6;
	v17 =	vld.idx.msk [tilespmem:v8+s31+$0x0], $0xffff  }
0x6f6: {  	s26 =	simm.s32 $0x100;
	v9 =	vshll.u32 v0, $0x3;
	v3 =	vld.idx.msk [tilespmem:v3+s31+$0x0], $0xffff  }
0x6f7: {  	v22 =	vor.u32 s26, v47;
	v9 =	vor.u32 v48, v9;
	v46 =	vld.idx.msk [tilespmem:v13+s19+$0x0], $0xffff  }
0x6f8: {  	s24 =	simm.s32 $0x0;
	v8 =	vor.u32 $0x1, v9;
	v34 =	vld.idx.msk [tilespmem:v11+s19+$0x0], $0xffff  }
0x6f9: {  	v18 =	vor.u32 s24, v47;
	v5 =	vld.idx.msk [tilespmem:v5+s31+$0x0], $0xffff;
	v1 =	vmul.f32 v1, v2;
	v10 =	vmul.f32 v10, v6  }
0x6fa: {  	v19 =	vor.u32 s24, v53;
	v12 =	vld.idx.msk [tilespmem:v15+s19+$0x0], $0xffff  }
0x6fb: {  	v20 =	vor.u32 $0x2, v15;
	v50 =	vld.idx.msk [tilespmem:v16+s19+$0x0], $0xffff;
	v10 =	vadd.f32 v10, v1;
	v3 =	vmul.f32 v3, v42  }
0x6fc: {  	v22 =	vld.idx.msk [tilespmem:v22+s31+$0x0], $0xffff;
	v21 =	vor.u32 s24, v57  }
0x6fd: {  	v23 =	vor.u32 $0x2, v16;
	v0 =	vld.idx.msk [tilespmem:v8+s19+$0x0], $0xffff;
	v3 =	vadd.f32 v3, v10  }
0x6fe: {  	s7 =	simm.s32 $0x60;
	v18 =	vld.idx.msk [tilespmem:v18+s31+$0x0], $0xffff;
	v10 =	vor.u32 s26, v53  }
0x6ff: {  	v25 =	vadd.s32 s7, v49;
	v26 =	vor.u32 s26, v57;
	v19 =	vld.idx.msk [tilespmem:v19+s31+$0x0], $0xffff;
	v24 =	vadd.f32 v3, v5  }
0x700: {  	v25 =	vand.u32 $0x1FF8, v25;
	v1 =	vld.idx.msk [tilespmem:v20+s19+$0x0], $0xffff;
	v5 =	vor.u32 s24, v60  }
0x701: {  	v25 =	vor.u32 v43, v25;
	v21 =	vld.idx.msk [tilespmem:v21+s31+$0x0], $0xffff;
	v27 =	vtrunc.f32 v24  }
0x702: {  	v3 =	vld.idx.msk [tilespmem:v23+s19+$0x0], $0xffff;
	v27 =	vcvt.f32.s32 v27  }
0x703: {  	v28 =	vld.idx.msk [tilespmem:v10+s31+$0x0], $0xffff;
	v10 =	vmul.f32 v18, v12;
	[tilespmem:$0x1EFD0] =	vst v46  }
0x704: {  	v18 =	vmul.f32 v19, v46;
	v26 =	vld.idx.msk [tilespmem:v26+s31+$0x0], $0xffff;
	v19 =	vcvt.s32.f32 v27  }
0x705: {  	v55 =	vimm.f32 $0.0e+00;
	v29 =	vor.u32 s26, v60;
	v30 =	vld.idx.msk [tilespmem:v5+s31+$0x0], $0xffff;
	[tilespmem:$0x1F030] =	vst v1  }
0x706: {  	v21 =	vmul.f32 v21, v1;
	v27 =	vor.u32 s10, v53;
	v31 =	vld.idx.msk [tilespmem:v25+s0+$0x0], $0xffff;
	vm0 =	vlt.f32 v24, v19  }
0x707: {  	v18 =	vadd.f32 v18, v10;
	v10 =	vor.u32 $0x2, v9;
	v45 =	vld.idx.msk [tilespmem:v9+s19+$0x0], $0xffff;
	[tilespmem:$0x1EFE0] =	vst v50;
	v32 =	vsel vm0, $0x3F800000, v55  }
0x708: {  	v33 =	vor.u32 s10, v57;
	v22 =	vmul.f32 v22, v50;
	[tilespmem:$0x1EFF0] =	vst v34;
	v19 =	vsub.f32 v19, v32  }
0x709: {  	v18 =	vadd.f32 v21, v18;
	v21 =	vor.u32 s10, v60;
	v61 =	vld.idx.msk [tilespmem:v4+s17+$0x0], $0xffff;
	v28 =	vmul.f32 v28, v34  }
0x70a: {  	s18 =	simm.s32 $0x0;
	v26 =	vmul.f32 v26, v3;
	v19 =	vsub.f32 v24, v19;
	v24 =	vld.idx.msk [tilespmem:v29+s31+$0x0], $0xffff  }
0x70b: {  	s11 =	simm.s32 $0x30;
	v4 =	vor.u32 s18, v49;
	v18 =	vadd.f32 v18, v30;
	v27 =	vld.idx.msk [tilespmem:v27+s31+$0x0], $0xffff;
	v22 =	vadd.f32 v28, v22;
	[tilespmem:$0x1F040] =	vst v3  }
0x70c: {  	v38 =	vadd.s32 s11, v49;
	v5 =	vmovc v3;
	v28 =	vand.u32 v41, v4;
	v3 =	vld.idx.msk [tilespmem:v10+s19+$0x0], $0xffff;
	v19 =	vadd.f32 v19, v31  }
0x70d: {  	v29 =	vtrunc.f32 v18;
	v30 =	vld.idx.msk [tilespmem:v33+s31+$0x0], $0xffff;
	v22 =	vadd.f32 v26, v22;
	v31 =	vor.u32 s23, v52  }
0x70e: {  	v39 =	vor.u32 s23, v36;
	v21 =	vld.idx.msk [tilespmem:v21+s31+$0x0], $0xffff;
	v26 =	vcvt.f32.s32 v29;
	v19 =	vsub.f32 v61, v19  }
0x70f: {  	v41 =	vld.idx.msk [tilespmem:v7+s17+$0x0], $0xffff;
	v29 =	vand.u32 $0x1FF8, v38;
	v22 =	vadd.f32 v22, v24  }
0x710: {  	v7 =	vld.idx.msk [tilespmem:v14+s17+$0x0], $0xffff;
	v24 =	vcvt.s32.f32 v26;
	v26 =	vor.u32 v43, v29;
	v29 =	vor.u32 s23, v37;
	[tilespmem:v25+s16+$0x0] =	vst.idx.msk $0xffff, v19  }
0x711: {  	v14 =	vld.idx.msk [tilespmem:v28+s0+$0x0], $0xffff;
	[tilespmem:$0x1F010] =	vst v45  }
0x712: {  	v25 =	vld.idx.msk [tilespmem:v31+s31+$0x0], $0xffff;
	[tilespmem:$0x1F020] =	vst v0  }
0x713: {  	v51 =	vor.u32 s23, v58;
	v33 =	vld.idx.msk [tilespmem:v39+s31+$0x0], $0xffff  }
0x714: {  	v17 =	vmul.f32 v17, v45;
	v19 =	vtrunc.f32 v22;
	vm12 =	vlt.f32 v18, v24;
	v15 =	vld.idx.msk [tilespmem:v15+s17+$0x0], $0xffff;
	[tilespmem:$0x1F070] =	vst v3  }
0x715: {  	v27 =	vmul.f32 v27, v0;
	v19 =	vcvt.f32.s32 v19;
	v31 =	vsel vm12, $0x3F800000, v55;
	v29 =	vld.idx.msk [tilespmem:v29+s31+$0x0], $0xffff  }
0x716: {  	v24 =	vsub.f32 v24, v31;
	v20 =	vld.idx.msk [tilespmem:v20+s17+$0x0], $0xffff  }
0x717: {  	v17 =	vadd.f32 v27, v17;
	v27 =	vmul.f32 v30, v3;
	v19 =	vcvt.s32.f32 v19;
	v31 =	vld.idx.msk [tilespmem:v26+s0+$0x0], $0xffff  }
0x718: {  	v16 =	vld.idx.msk [tilespmem:v16+s17+$0x0], $0xffff;
	v18 =	vsub.f32 v18, v24  }
0x719: {  	v54 =	vmovc v52;
	v30 =	vor.u32 s24, v36;
	v17 =	vadd.f32 v27, v17;
	v13 =	vld.idx.msk [tilespmem:v13+s17+$0x0], $0xffff;
	vm13 =	vlt.f32 v22, v19  }
0x71a: {  	v24 =	vor.u32 s24, v54;
	v27 =	vsel vm13, $0x3F800000, v55;
	v14 =	vadd.f32 v18, v14;
	v18 =	vld.idx.msk [tilespmem:v51+s31+$0x0], $0xffff  }
0x71b: {  	v25 =	vmul.f32 v25, v2;
	v33 =	vmul.f32 v33, v6;
	v19 =	vsub.f32 v19, v27;
	[tilespmem:$0x1EF90] =	vst v20  }
0x71c: {  	v17 =	vadd.f32 v17, v21;
	v27 =	vor.u32 s24, v37;
	v14 =	vsub.f32 v15, v14;
	v23 =	vld.idx.msk [tilespmem:v23+s17+$0x0], $0xffff  }
0x71d: {  	s5 =	simm.s32 $0x90;
	v21 =	vmul.f32 v29, v42;
	v15 =	vadd.f32 v33, v25;
	v19 =	vsub.f32 v22, v19  }
0x71e: {  	v20 =	vor.u32 s26, v54;
	v11 =	vld.idx.msk [tilespmem:v11+s17+$0x0], $0xffff;
	v25 =	vadd.s32 s5, v49;
	[tilespmem:v28+s16+$0x0] =	vst.idx.msk $0xffff, v14  }
0x71f: {  	v14 =	vtrunc.f32 v17;
	v15 =	vadd.f32 v21, v15;
	v19 =	vadd.f32 v19, v31;
	v21 =	vld.idx.msk [tilespmem:v24+s31+$0x0], $0xffff  }
0x720: {  	v22 =	vor.u32 s26, v36;
	v25 =	vand.u32 $0x1FF8, v25;
	v14 =	vcvt.f32.s32 v14;
	v28 =	vld.idx.msk [tilespmem:v30+s31+$0x0], $0xffff  }
0x721: {  	v15 =	vadd.f32 v15, v18;
	v16 =	vsub.f32 v16, v19;
	v18 =	vor.u32 v43, v25;
	[tilespmem:$0x1EFA0] =	vst v23  }
0x722: {  	v24 =	vor.u32 s24, v58;
	v19 =	vld.idx.msk [tilespmem:v27+s31+$0x0], $0xffff  }
0x723: {  	v14 =	vcvt.s32.f32 v14;
	[tilespmem:v26+s16+$0x0] =	vst.idx.msk $0xffff, v16;
	v16 =	vadd.s32 s7, v44;
	v10 =	vld.idx.msk [tilespmem:v10+s17+$0x0], $0xffff  }
0x724: {  	v25 =	vor.u32 s26, v37;
	v27 =	vtrunc.f32 v15;
	v20 =	vld.idx.msk [tilespmem:v20+s31+$0x0], $0xffff;
	v16 =	vand.u32 $0x1FF8, v16  }
0x725: {  	vm14 =	vlt.f32 v17, v14;
	v26 =	vcvt.f32.s32 v27;
	v22 =	vld.idx.msk [tilespmem:v22+s31+$0x0], $0xffff;
	v16 =	vor.u32 v63, v16  }
0x726: {  	v21 =	vmul.f32 v21, v12;
	v27 =	vmul.f32 v28, v46;
	v29 =	vsel vm14, $0x3F800000, v55;
	v30 =	vld.idx.msk [tilespmem:v18+s0+$0x0], $0xffff  }
0x727: {  	v28 =	vor.u32 s26, v58;
	v24 =	vld.idx.msk [tilespmem:v24+s31+$0x0], $0xffff;
	v14 =	vsub.f32 v14, v29;
	v26 =	vcvt.s32.f32 v26  }
0x728: {  	v29 =	vor.u32 s10, v58;
	v58 =	vld.idx.msk [tilespmem:v9+s17+$0x0], $0xffff;
	v21 =	vadd.f32 v27, v21;
	v19 =	vmul.f32 v19, v1  }
0x729: {  	v25 =	vld.idx.msk [tilespmem:v25+s31+$0x0], $0xffff;
	v14 =	vsub.f32 v17, v14;
	vm15 =	vlt.f32 v15, v26  }
0x72a: {  	v17 =	vsel vm15, $0x3F800000, v55;
	v9 =	vadd.f32 v19, v21;
	v21 =	vld.idx.msk [tilespmem:v16+s0+$0x0], $0xffff  }
0x72b: {  	v40 =	vmovc v34;
	v23 =	vor.u32 s10, v54;
	v17 =	vsub.f32 v26, v17;
	v14 =	vadd.f32 v14, v30  }
0x72c: {  	v20 =	vmul.f32 v20, v50;
	v22 =	vmul.f32 v22, v40;
	v26 =	vld.idx.msk [tilespmem:v28+s31+$0x0], $0xffff;
	v24 =	vadd.f32 v9, v24  }
0x72d: {  	v27 =	vor.u32 s10, v36;
	v9 =	vld.idx.msk [tilespmem:v8+s17+$0x0], $0xffff;
	v8 =	vsub.f32 v58, v14;
	v14 =	vsub.f32 v15, v17  }
0x72e: {  	v20 =	vadd.f32 v22, v20;
	v22 =	vmul.f32 v25, v5;
	[tilespmem:$0x1EFB0] =	vst v10  }
0x72f: {  	v4 =	vmov v0;
	v0 =	vld [tilespmem:$0x1FE70];
	[tilespmem:v18+s16+$0x0] =	vst.idx.msk $0xffff, v8;
	v8 =	vadd.f32 v14, v21  }
0x730: {  	v59 =	vor.u32 s18, v44;
	v10 =	vadd.f32 v22, v20;
	v25 =	vtrunc.f32 v24  }
0x731: {  	v15 =	vcvt.f32.s32 v25;
	v20 =	vld.idx.msk [tilespmem:v23+s31+$0x0], $0xffff;
	v8 =	vsub.f32 v41, v8  }
0x732: {  	v10 =	vadd.f32 v10, v26;
	v22 =	vld.idx.msk [tilespmem:v27+s31+$0x0], $0xffff  }
0x733: {  	v31 =	vor.u32 s10, v37;
	v17 =	vadd.s32 s5, v44;
	v61 =	vld [tilespmem:$0x1FF40];
	v15 =	vcvt.s32.f32 v15;
	[tilespmem:v16+s16+$0x0] =	vst.idx.msk $0xffff, v8  }
0x734: {  	v25 =	vadd.s32 s11, v44;
	v14 =	vor.u32 s23, v0;
	v26 =	vtrunc.f32 v10;
	v40 =	vld [tilespmem:$0x1FF60]  }
0x735: {  	v18 =	vand.u32 $0x1FF8, v25;
	v25 =	vld.idx.msk [tilespmem:v59+s0+$0x0], $0xffff;
	vm4 =	vlt.f32 v24, v15;
	v16 =	vcvt.f32.s32 v26  }
0x736: {  	v17 =	vand.u32 $0x1FF8, v17;
	v21 =	vor.u32 s23, v62;
	v27 =	vsel vm4, $0x3F800000, v55;
	v39 =	vld [tilespmem:$0x1FF50]  }
0x737: {  	v18 =	vor.u32 v63, v18;
	v15 =	vsub.f32 v15, v27;
	v16 =	vcvt.s32.f32 v16  }
0x738: {  	v8 =	vor.u32 v63, v17;
	v23 =	vor.u32 s23, v61;
	v20 =	vmul.f32 v20, v45  }
0x739: {  	v28 =	vld.idx.msk [tilespmem:v31+s31+$0x0], $0xffff;
	[tilespmem:$0x1F000] =	vst v8;
	v15 =	vsub.f32 v24, v15;
	vm5 =	vlt.f32 v10, v16;
	v26 =	vadd.s32 s7, v40  }
0x73a: {  	v14 =	vld.idx.msk [tilespmem:v14+s31+$0x0], $0xffff;
	v22 =	vmul.f32 v22, v4;
	v27 =	vsel vm5, $0x3F800000, v55;
	v26 =	vand.u32 $0x1FF8, v26  }
0x73b: {  	v21 =	vld.idx.msk [tilespmem:v21+s31+$0x0], $0xffff;
	v17 =	vor.u32 s23, v39;
	v15 =	vadd.f32 v15, v25;
	s7 =	simm.s32 $0x600;
	v1 =	vor.u32 v56, v26  }
0x73c: {  	s20 =	simm.s32 $0x60;
	v24 =	vld.idx.msk [tilespmem:v29+s31+$0x0], $0xffff;
	v16 =	vsub.f32 v16, v27;
	v27 =	vor.u32 s7, v53;
	[tilespmem:$0x1F100] =	vst v1  }
0x73d: {  	v20 =	vadd.f32 v22, v20;
	v13 =	vsub.f32 v13, v15;
	v15 =	vmov s20;
	v23 =	vld.idx.msk [tilespmem:v23+s31+$0x0], $0xffff  }
0x73e: {  	v22 =	vmul.f32 v28, v3;
	v29 =	vor.u32 s7, v47;
	v15 =	vshll.u32 v15, $0x3;
	v25 =	vld.idx.msk [tilespmem:v18+s0+$0x0], $0xffff  }
0x73f: {  	v28 =	vld.idx.msk [tilespmem:v8+s0+$0x0], $0xffff;
	v32 =	vor.u32 v48, v15  }
0x740: {  	[tilespmem:v59+s16+$0x0] =	vst.idx.msk $0xffff, v13;
	v13 =	vadd.f32 v22, v20;
	v30 =	vld.idx.msk [tilespmem:v17+s31+$0x0], $0xffff;
	v20 =	vor.u32 $0x1, v32  }
0x741: {  	v2 =	vmul.f32 v14, v2;
	v14 =	vor.u32 s7, v57;
	v10 =	vsub.f32 v10, v16;
	v27 =	vld.idx.msk [tilespmem:v27+s31+$0x0], $0xffff  }
0x742: {  	v22 =	vor.u32 $0x2, v32;
	v31 =	vld.idx.msk [tilespmem:v1+s0+$0x0], $0xffff  }
0x743: {  	s4 =	simm.s32 $0x400;
	v26 =	vor.u32 s24, v62;
	v10 =	vadd.f32 v10, v25;
	v25 =	vld.idx.msk [tilespmem:v29+s31+$0x0], $0xffff  }
0x744: {  	v35 =	vor.u32 s4, v53;
	v6 =	vmul.f32 v21, v6;
	v1 =	vld.idx.msk [tilespmem:v32+s19+$0x0], $0xffff  }
0x745: {  	s21 =	simm.s32 $0x40;
	v19 =	vor.u32 s24, v0;
	v44 =	vor.u32 s7, v60;
	v58 =	vld.idx.msk [tilespmem:v20+s19+$0x0], $0xffff  }
0x746: {  	s20 =	simm.s32 $0x500;
	v13 =	vadd.f32 v13, v24;
	v24 =	vadd.f32 v6, v2;
	v2 =	vmov s21;
	v29 =	vld.idx.msk [tilespmem:v14+s31+$0x0], $0xffff  }
0x747: {  	v52 =	vmovc v37;
	v37 =	vor.u32 s20, v53;
	v15 =	vshll.u32 v2, $0x3;
	v23 =	vmul.f32 v23, v42;
	v51 =	vld.idx.msk [tilespmem:v22+s19+$0x0], $0xffff  }
0x748: {  	v21 =	vor.u32 s26, v0;
	v17 =	vld.idx.msk [tilespmem:v26+s31+$0x0], $0xffff;
	v26 =	vor.u32 s26, v62;
	v15 =	vor.u32 v48, v15  }
0x749: {  	v35 =	vld.idx.msk [tilespmem:v35+s31+$0x0], $0xffff;
	v45 =	vtrunc.f32 v13;
	v62 =	vor.u32 $0x1, v15;
	v23 =	vadd.f32 v23, v24  }
0x74a: {  	s6 =	simm.s32 $0x700;
	s23 =	simm.s32 $0x50;
	v19 =	vld.idx.msk [tilespmem:v19+s31+$0x0], $0xffff;
	v6 =	vsub.f32 v11, v10;
	v25 =	vmul.f32 v25, v1;
	v27 =	vmul.f32 v27, v58  }
0x74b: {  	v33 =	vld.idx.msk [tilespmem:v44+s31+$0x0], $0xffff;
	v11 =	vor.u32 s6, v47;
	v10 =	vmov s23;
	v23 =	vadd.f32 v23, v30  }
0x74c: {  	v37 =	vld.idx.msk [tilespmem:v37+s31+$0x0], $0xffff;
	v10 =	vshll.u32 v10, $0x3;
	v25 =	vadd.f32 v27, v25;
	v27 =	vmul.f32 v29, v51  }
0x74d: {  	v34 =	vcvt.f32.s32 v45;
	[tilespmem:v18+s16+$0x0] =	vst.idx.msk $0xffff, v6;
	v16 =	vor.u32 v48, v10;
	v4 =	vld.idx.msk [tilespmem:v15+s19+$0x0], $0xffff;
	v46 =	vtrunc.f32 v23  }
0x74e: {  	s25 =	simm.s32 $0x70;
	v30 =	vor.u32 s4, v47;
	v21 =	vld.idx.msk [tilespmem:v21+s31+$0x0], $0xffff;
	v25 =	vadd.f32 v27, v25;
	v27 =	vcvt.f32.s32 v46  }
0x74f: {  	v18 =	vmov s25;
	v14 =	vor.u32 $0x1, v16;
	v24 =	vld.idx.msk [tilespmem:v26+s31+$0x0], $0xffff;
	v29 =	vcvt.s32.f32 v34  }
0x750: {  	v18 =	vshll.u32 v18, $0x3;
	v42 =	vld.idx.msk [tilespmem:v62+s19+$0x0], $0xffff;
	v45 =	vor.u32 $0x2, v16;
	v27 =	vcvt.s32.f32 v27  }
0x751: {  	v18 =	vor.u32 v48, v18;
	v6 =	vmovc v1;
	v1 =	vor.u32 $0x2, v15;
	v26 =	vld.idx.msk [tilespmem:v11+s31+$0x0], $0xffff;
	vm6 =	vlt.f32 v13, v29  }
0x752: {  	v5 =	vmovc v36;
	v3 =	vor.u32 $0x1, v18;
	v41 =	vld.idx.msk [tilespmem:v16+s19+$0x0], $0xffff;
	v36 =	vsel vm6, $0x3F800000, v55;
	vm7 =	vlt.f32 v23, v27  }
0x753: {  	s21 =	simm.s32 $0x120;
	v30 =	vld.idx.msk [tilespmem:v30+s31+$0x0], $0xffff;
	v25 =	vadd.f32 v25, v33;
	v29 =	vsub.f32 v29, v36;
	v36 =	vsel vm7, $0x3F800000, v55  }
0x754: {  	v38 =	vadd.s32 s21, v49;
	v34 =	vor.u32 s20, v47;
	v50 =	vld.idx.msk [tilespmem:v14+s19+$0x0], $0xffff;
	v27 =	vsub.f32 v27, v36  }
0x755: {  	v38 =	vand.u32 $0x1FF8, v38;
	v2 =	vld.idx.msk [tilespmem:v45+s19+$0x0], $0xffff;
	v33 =	vor.u32 s6, v53;
	v44 =	vtrunc.f32 v25  }
0x756: {  	v38 =	vor.u32 v43, v38;
	v11 =	vld.idx.msk [tilespmem:v18+s19+$0x0], $0xffff;
	v44 =	vcvt.f32.s32 v44;
	v23 =	vsub.f32 v23, v27  }
0x757: {  	v10 =	vld.idx.msk [tilespmem:v1+s19+$0x0], $0xffff;
	v36 =	vor.u32 $0x2, v18  }
0x758: {  	v59 =	vld.idx.msk [tilespmem:v3+s19+$0x0], $0xffff;
	v44 =	vcvt.s32.f32 v44;
	v23 =	vadd.f32 v23, v31  }
0x759: {  	v34 =	vld.idx.msk [tilespmem:v34+s31+$0x0], $0xffff;
	v13 =	vsub.f32 v13, v29  }
0x75a: {  	v29 =	vld.idx.msk [tilespmem:v33+s31+$0x0], $0xffff;
	v27 =	vor.u32 s4, v57;
	vm8 =	vlt.f32 v25, v44;
	v7 =	vsub.f32 v7, v23  }
0x75b: {  	v13 =	vadd.f32 v13, v28;
	v28 =	vor.u32 s20, v57;
	v33 =	vld.idx.msk [tilespmem:v38+s0+$0x0], $0xffff;
	v46 =	vsel vm8, $0x3F800000, v55  }
0x75c: {  	v31 =	vor.u32 s6, v57;
	v44 =	vsub.f32 v44, v46;
	v46 =	vld.idx.msk [tilespmem:v36+s19+$0x0], $0xffff;
	[tilespmem:$0x1F110] =	vst v7  }
0x75d: {  	v8 =	vsub.f32 v9, v13;
	v9 =	vor.u32 s4, v60;
	v7 =	vld.idx.msk [tilespmem:v32+s17+$0x0], $0xffff  }
0x75e: {  	v19 =	vmul.f32 v19, v12;
	v23 =	vsub.f32 v25, v44;
	v12 =	vld.idx.msk [tilespmem:v22+s17+$0x0], $0xffff  }
0x75f: {  	v27 =	vld.idx.msk [tilespmem:v27+s31+$0x0], $0xffff  }
0x760: {  	v28 =	vld.idx.msk [tilespmem:v28+s31+$0x0], $0xffff;
	v23 =	vadd.f32 v23, v33  }
0x761: {  	v31 =	vld.idx.msk [tilespmem:v31+s31+$0x0], $0xffff  }
0x762: {  	v9 =	vld.idx.msk [tilespmem:v9+s31+$0x0], $0xffff;
	v7 =	vsub.f32 v7, v23  }
0x763: {  	v25 =	vor.u32 s20, v60;
	v20 =	vld.idx.msk [tilespmem:v20+s17+$0x0], $0xffff;
	[tilespmem:$0x1EFC0] =	vst v12  }
0x764: {  	v30 =	vmul.f32 v30, v4;
	v57 =	vmul.f32 v35, v42;
	v33 =	vor.u32 s6, v60;
	[tilespmem:v38+s16+$0x0] =	vst.idx.msk $0xffff, v7  }
0x765: {  	v37 =	vmul.f32 v37, v50;
	v12 =	vld [tilespmem:$0x1FF90]  }
0x766: {  	v34 =	vmul.f32 v34, v41;
	v30 =	vadd.f32 v57, v30;
	v57 =	vor.u32 s7, v54  }
0x767: {  	v26 =	vmul.f32 v26, v11;
	v29 =	vmul.f32 v29, v59  }
0x768: {  	s23 =	simm.s32 $0xC0;
	s25 =	simm.s32 $0xF0;
	v44 =	vadd.f32 v37, v34;
	v27 =	vmul.f32 v27, v10;
	v25 =	vld.idx.msk [tilespmem:v25+s31+$0x0], $0xffff;
	v7 =	vor.u32 s7, v52  }
0x769: {  	v37 =	vadd.s32 s25, v49;
	v28 =	vmul.f32 v28, v2;
	v33 =	vld.idx.msk [tilespmem:v33+s31+$0x0], $0xffff;
	v38 =	vor.u32 s23, v49  }
0x76a: {  	v26 =	vadd.f32 v29, v26;
	v27 =	vadd.f32 v27, v30;
	v30 =	vand.u32 v12, v38;
	v12 =	vld [tilespmem:$0x1EFD0]  }
0x76b: {  	v29 =	vor.u32 s7, v5;
	v22 =	vand.u32 $0x1FF8, v37;
	v28 =	vadd.f32 v28, v44;
	v34 =	vld.idx.msk [tilespmem:v57+s31+$0x0], $0xffff  }
0x76c: {  	v22 =	vor.u32 v43, v22;
	v57 =	vld [tilespmem:$0x1FFD0]  }
0x76d: {  	v25 =	vadd.f32 v28, v25;
	v28 =	vld.idx.msk [tilespmem:v7+s31+$0x0], $0xffff  }
0x76e: {  	v7 =	vld [tilespmem:$0x1EFF0]  }
0x76f: {  	s1 =	simm.s32 $0x150;
	v17 =	vmul.f32 v17, v12;
	v12 =	vld [tilespmem:$0x1EFE0]  }
0x770: {  	v23 =	vadd.s32 s1, v49;
	v29 =	vld.idx.msk [tilespmem:v29+s31+$0x0], $0xffff  }
0x771: {  	v23 =	vand.u32 $0x1FF8, v23;
	v35 =	vld.idx.msk [tilespmem:v22+s0+$0x0], $0xffff;
	v27 =	vadd.f32 v27, v9;
	v9 =	vor.u32 s7, v57  }
0x772: {  	v31 =	vmul.f32 v31, v46;
	v23 =	vor.u32 v43, v23;
	v43 =	vld [tilespmem:$0x1FF30]  }
0x773: {  	v18 =	vld.idx.msk [tilespmem:v18+s17+$0x0], $0xffff  }
0x774: {  	v37 =	vld.idx.msk [tilespmem:v3+s17+$0x0], $0xffff;
	v21 =	vmul.f32 v21, v12;
	v12 =	vmul.f32 v24, v7;
	v24 =	vadd.f32 v31, v26  }
0x775: {  	v29 =	vmul.f32 v29, v58;
	v38 =	vld.idx.msk [tilespmem:v14+s17+$0x0], $0xffff;
	v13 =	vadd.f32 v17, v19  }
0x776: {  	v44 =	vld.idx.msk [tilespmem:v9+s31+$0x0], $0xffff;
	v26 =	vtrunc.f32 v27;
	v24 =	vadd.f32 v24, v33;
	v33 =	vmul.f32 v34, v6  }
0x777: {  	v17 =	vtrunc.f32 v25;
	v19 =	vcvt.f32.s32 v26;
	v34 =	vor.u32 s10, v43;
	v43 =	vld.idx.msk [tilespmem:v1+s17+$0x0], $0xffff  }
0x778: {  	v28 =	vmul.f32 v28, v51;
	v17 =	vcvt.f32.s32 v17;
	v1 =	vld [tilespmem:$0x1F000];
	v9 =	vadd.f32 v29, v33  }
0x779: {  	v19 =	vcvt.s32.f32 v19;
	v33 =	vld.idx.msk [tilespmem:v15+s17+$0x0], $0xffff;
	v15 =	vadd.f32 v12, v21  }
0x77a: {  	v12 =	vld.idx.msk [tilespmem:v16+s17+$0x0], $0xffff;
	v16 =	vcvt.s32.f32 v17;
	v17 =	vtrunc.f32 v24;
	v21 =	vadd.f32 v28, v9  }
0x77b: {  	v31 =	vld.idx.msk [tilespmem:v30+s0+$0x0], $0xffff;
	vm9 =	vlt.f32 v27, v19;
	v17 =	vcvt.f32.s32 v17  }
0x77c: {  	v28 =	vsel vm9, $0x3F800000, v55;
	vm10 =	vlt.f32 v25, v16;
	v14 =	vadd.f32 v21, v44;
	v44 =	vld.idx.msk [tilespmem:v45+s17+$0x0], $0xffff  }
0x77d: {  	v32 =	vor.u32 s10, v0;
	v19 =	vsub.f32 v19, v28;
	v21 =	vsel vm10, $0x3F800000, v55;
	v45 =	vld [tilespmem:$0x1FFE0]  }
0x77e: {  	v36 =	vld.idx.msk [tilespmem:v36+s17+$0x0], $0xffff;
	v29 =	vor.u32 s24, v61;
	v17 =	vcvt.s32.f32 v17;
	v16 =	vsub.f32 v16, v21  }
0x77f: {  	v9 =	vld.idx.msk [tilespmem:v62+s17+$0x0], $0xffff;
	v28 =	vor.u32 s26, v61;
	v19 =	vsub.f32 v27, v19;
	v27 =	vtrunc.f32 v14  }
0x780: {  	v62 =	vld [tilespmem:$0x1FF30];
	vm11 =	vlt.f32 v24, v17;
	[tilespmem:v1+s16+$0x0] =	vst.idx.msk $0xffff, v8;
	v27 =	vcvt.f32.s32 v27;
	v8 =	vsub.f32 v25, v16  }
0x781: {  	v26 =	vld.idx.msk [tilespmem:v23+s0+$0x0], $0xffff;
	v16 =	vor.u32 s10, v61;
	v25 =	vsel vm11, $0x3F800000, v55;
	v19 =	vadd.f32 v19, v31  }
0x782: {  	v32 =	vld.idx.msk [tilespmem:v32+s31+$0x0], $0xffff;
	v17 =	vsub.f32 v17, v25;
	v25 =	vor.u32 s4, v54;
	v21 =	vadd.s32 s21, v45  }
0x783: {  	v34 =	vld.idx.msk [tilespmem:v34+s31+$0x0], $0xffff;
	v8 =	vadd.f32 v8, v35;
	v21 =	vand.u32 $0x1FF8, v21  }
0x784: {  	v28 =	vld.idx.msk [tilespmem:v28+s31+$0x0], $0xffff;
	v27 =	vcvt.s32.f32 v27;
	v19 =	vsub.f32 v33, v19;
	v21 =	vor.u32 v63, v21  }
0x785: {  	v31 =	vor.u32 s4, v5;
	v17 =	vsub.f32 v24, v17;
	v24 =	vld.idx.msk [tilespmem:v29+s31+$0x0], $0xffff;
	v8 =	vsub.f32 v12, v8  }
0x786: {  	v35 =	vor.u32 s20, v54;
	vm12 =	vlt.f32 v14, v27;
	[tilespmem:v30+s16+$0x0] =	vst.idx.msk $0xffff, v19;
	v16 =	vld.idx.msk [tilespmem:v16+s31+$0x0], $0xffff  }
0x787: {  	v29 =	vsel vm12, $0x3F800000, v55;
	v17 =	vadd.f32 v17, v26;
	v26 =	vor.u32 s6, v54;
	[tilespmem:v22+s16+$0x0] =	vst.idx.msk $0xffff, v8;
	v25 =	vld.idx.msk [tilespmem:v25+s31+$0x0], $0xffff  }
0x788: {  	v27 =	vsub.f32 v27, v29;
	v1 =	vld [tilespmem:$0x1F010]  }
0x789: {  	v17 =	vsub.f32 v18, v17;
	v12 =	vld.idx.msk [tilespmem:v21+s0+$0x0], $0xffff  }
0x78a: {  	v29 =	vor.u32 s20, v5;
	v14 =	vsub.f32 v14, v27;
	v27 =	vld.idx.msk [tilespmem:v31+s31+$0x0], $0xffff  }
0x78b: {  	v22 =	vor.u32 s6, v5;
	v31 =	vld.idx.msk [tilespmem:v35+s31+$0x0], $0xffff;
	[tilespmem:v23+s16+$0x0] =	vst.idx.msk $0xffff, v17  }
0x78c: {  	v26 =	vld.idx.msk [tilespmem:v26+s31+$0x0], $0xffff  }
0x78d: {  	v18 =	vor.u32 s4, v52;
	v3 =	vld [tilespmem:$0x1F030]  }
0x78e: {  	v54 =	vld [tilespmem:$0x1F040];
	v12 =	vadd.f32 v14, v12  }
0x78f: {  	v29 =	vld.idx.msk [tilespmem:v29+s31+$0x0], $0xffff  }
0x790: {  	v33 =	vor.u32 s24, v39;
	v19 =	vor.u32 s26, v39;
	v22 =	vld.idx.msk [tilespmem:v22+s31+$0x0], $0xffff;
	v12 =	vsub.f32 v20, v12  }
0x791: {  	v30 =	vadd.s32 s11, v40;
	v23 =	vor.u32 s6, v52;
	v5 =	vmul.f32 v32, v1;
	v1 =	vld [tilespmem:$0x1F020]  }
0x792: {  	v30 =	vand.u32 $0x1FF8, v30;
	v8 =	vor.u32 s10, v39;
	v18 =	vld.idx.msk [tilespmem:v18+s31+$0x0], $0xffff;
	v14 =	vor.u32 s20, v52;
	[tilespmem:v21+s16+$0x0] =	vst.idx.msk $0xffff, v12  }
0x793: {  	v17 =	vadd.s32 s5, v40;
	v20 =	vor.u32 s4, v57;
	v21 =	vmul.f32 v25, v4;
	[tilespmem:$0x1F050] =	vst v4;
	v4 =	vld [tilespmem:$0x1F070]  }
0x794: {  	v17 =	vand.u32 $0x1FF8, v17;
	v3 =	vmul.f32 v24, v3;
	v24 =	vor.u32 s20, v57  }
0x795: {  	v32 =	vor.u32 v56, v30;
	v30 =	vmul.f32 v31, v41;
	v12 =	vor.u32 s7, v0;
	[tilespmem:$0x1F060] =	vst v42  }
0x796: {  	v31 =	vor.u32 v56, v17;
	v25 =	vmul.f32 v27, v42;
	v27 =	vor.u32 s7, v62;
	v23 =	vld.idx.msk [tilespmem:v23+s31+$0x0], $0xffff  }
0x797: {  	v35 =	vor.u32 s20, v0;
	v26 =	vmul.f32 v26, v11;
	v22 =	vmul.f32 v22, v59;
	v14 =	vld.idx.msk [tilespmem:v14+s31+$0x0], $0xffff;
	[tilespmem:$0x1F080] =	vst v41  }
0x798: {  	v18 =	vmul.f32 v18, v10;
	v20 =	vld.idx.msk [tilespmem:v20+s31+$0x0], $0xffff;
	[tilespmem:$0x1F090] =	vst v50;
	v16 =	vmul.f32 v16, v4;
	v4 =	vor.u32 s6, v57  }
0x799: {  	v21 =	vadd.f32 v25, v21;
	v25 =	vmul.f32 v29, v50;
	v29 =	vor.u32 s7, v61;
	v24 =	vld.idx.msk [tilespmem:v24+s31+$0x0], $0xffff;
	[tilespmem:$0x1F0A0] =	vst v11  }
0x79a: {  	v28 =	vmul.f32 v28, v54;
	v54 =	vor.u32 s4, v0;
	v22 =	vadd.f32 v22, v26;
	v12 =	vld.idx.msk [tilespmem:v12+s31+$0x0], $0xffff;
	[tilespmem:$0x1F0B0] =	vst v10  }
0x79b: {  	v30 =	vadd.f32 v25, v30;
	v18 =	vadd.f32 v18, v21;
	v25 =	vld.idx.msk [tilespmem:v27+s31+$0x0], $0xffff;
	v21 =	vmul.f32 v23, v46  }
0x79c: {  	v1 =	vmul.f32 v34, v1;
	v3 =	vadd.f32 v3, v13;
	v0 =	vor.u32 s6, v0;
	[tilespmem:$0x1F0C0] =	vst v2  }
0x79d: {  	v14 =	vmul.f32 v14, v2;
	v21 =	vadd.f32 v21, v22;
	v22 =	vor.u32 s7, v39;
	v23 =	vld.idx.msk [tilespmem:v4+s31+$0x0], $0xffff;
	[tilespmem:$0x1F0D0] =	vst v0  }
0x79e: {  	v52 =	vor.u32 s4, v62;
	v15 =	vadd.f32 v28, v15;
	v17 =	vadd.f32 v18, v20;
	v20 =	vld.idx.msk [tilespmem:v29+s31+$0x0], $0xffff  }
0x79f: {  	v1 =	vadd.f32 v1, v5;
	v14 =	vadd.f32 v14, v30;
	v4 =	vadd.s32 s1, v45  }
0x7a0: {  	v0 =	vmul.f32 v12, v6;
	v2 =	vmul.f32 v25, v58;
	v6 =	vor.u32 s6, v62  }
0x7a1: {  	v10 =	vor.u32 s4, v61;
	v14 =	vadd.f32 v14, v24;
	[tilespmem:$0x1F0E0] =	vst v6;
	v4 =	vand.u32 $0x1FF8, v4  }
0x7a2: {  	v12 =	vadd.s32 s25, v45;
	v42 =	vor.u32 v63, v4;
	v0 =	vadd.f32 v2, v0;
	v5 =	vld.idx.msk [tilespmem:v22+s31+$0x0], $0xffff  }
0x7a3: {  	v4 =	vadd.f32 v21, v23;
	v6 =	vmul.f32 v20, v51;
	v20 =	vtrunc.f32 v17  }
0x7a4: {  	v22 =	vtrunc.f32 v14;
	v21 =	vor.u32 s23, v45;
	v20 =	vcvt.f32.s32 v20  }
0x7a5: {  	[tilespmem:$0x1F0F0] =	vst v10;
	v2 =	vcvt.f32.s32 v22;
	v22 =	vtrunc.f32 v4;
	v0 =	vadd.f32 v6, v0  }
0x7a6: {  	v12 =	vand.u32 $0x1FF8, v12;
	v6 =	vld.idx.msk [tilespmem:v33+s31+$0x0], $0xffff;
	v7 =	vcvt.s32.f32 v20;
	v20 =	vcvt.f32.s32 v22  }
0x7a7: {  	v58 =	vor.u32 v63, v12;
	v2 =	vcvt.s32.f32 v2;
	v5 =	vadd.f32 v0, v5  }
0x7a8: {  	v16 =	vadd.f32 v16, v1;
	v20 =	vcvt.s32.f32 v20;
	vm13 =	vlt.f32 v17, v7  }
0x7a9: {  	vm14 =	vlt.f32 v14, v2;
	v22 =	vld.idx.msk [tilespmem:v21+s0+$0x0], $0xffff;
	v0 =	vsel vm13, $0x3F800000, v55;
	v1 =	vtrunc.f32 v5  }
0x7aa: {  	vm1 =	vlt.f32 v4, v20;
	v0 =	vsub.f32 v7, v0;
	v7 =	vld.idx.msk [tilespmem:v19+s31+$0x0], $0xffff;
	v19 =	vsel vm14, $0x3F800000, v55  }
0x7ab: {  	v1 =	vcvt.f32.s32 v1;
	v28 =	vadd.f32 v3, v6;
	v6 =	vld.idx.msk [tilespmem:v42+s0+$0x0], $0xffff;
	v23 =	vsel vm1, $0x3F800000, v55  }
0x7ac: {  	v34 =	vor.u32 s18, v40;
	v18 =	vld.idx.msk [tilespmem:v58+s0+$0x0], $0xffff;
	v2 =	vsub.f32 v2, v19;
	v12 =	vsub.f32 v20, v23  }
0x7ad: {  	v26 =	vor.u32 s20, v62;
	v0 =	vsub.f32 v17, v0;
	v17 =	vcvt.s32.f32 v1  }
0x7ae: {  	v1 =	vadd.s32 s25, v40;
	v2 =	vsub.f32 v14, v2;
	v14 =	vsub.f32 v4, v12  }
0x7af: {  	vm15 =	vlt.f32 v5, v17;
	v30 =	vadd.f32 v15, v7;
	v7 =	vadd.f32 v0, v22  }
0x7b0: {  	v0 =	vadd.s32 s21, v40;
	v4 =	vadd.f32 v14, v6;
	v6 =	vand.u32 $0x1FF8, v1;
	v1 =	vld [tilespmem:$0x1F100]  }
0x7b1: {  	v2 =	vadd.f32 v2, v18;
	v15 =	vsel vm15, $0x3F800000, v55;
	v0 =	vand.u32 $0x1FF8, v0  }
0x7b2: {  	v8 =	vld.idx.msk [tilespmem:v8+s31+$0x0], $0xffff;
	v15 =	vsub.f32 v17, v15;
	v17 =	vadd.s32 s1, v40;
	v0 =	vor.u32 v56, v0  }
0x7b3: {  	v14 =	vand.u32 $0x1FF8, v17;
	v17 =	vsub.f32 v9, v7;
	v7 =	vsub.f32 v38, v2;
	v2 =	vld [tilespmem:$0x1F110]  }
0x7b4: {  	s3 =	sshll.u32 s3, $0x5;
	v41 =	vor.u32 s4, v39;
	v27 =	vor.u32 s6, v39;
	v25 =	vor.u32 s20, v39;
	v24 =	vld.idx.msk [tilespmem:v32+s0+$0x0], $0xffff  }
0x7b5: {  	s3 =	sor.u32 s8, s3;
	v45 =	vor.u32 s20, v61;
	v61 =	vor.u32 s6, v61;
	v33 =	vld.idx.msk [tilespmem:v34+s0+$0x0], $0xffff;
	v19 =	vor.u32 s23, v40  }
0x7b6: {  	s3 =	smul.u32 $0x180, s3;
	v10 =	vtrunc.f32 v28;
	v20 =	vor.u32 v56, v6;
	v38 =	vld.idx.msk [tilespmem:v31+s0+$0x0], $0xffff;
	v23 =	vor.u32 v56, v14  }
0x7b7: {  	s24 =	simm.s32 $0x4;
	s26 =	rddreg [dreg:$0x1];
	v11 =	vtrunc.f32 v30;
	v6 =	vsub.f32 v5, v15;
	v9 =	vsub.f32 v37, v4;
	[tilespmem:v21+s16+$0x0] =	vst.idx.msk $0xffff, v17  }
0x7b8: {  	s3 =	sadd.s32 s26, s3;
	s26 =	simm.s32 $0xB00;
	s10 =	simm.s32 $0xB0;
	v5 =	vadd.f32 v16, v8;
	v8 =	vcvt.f32.s32 v10;
	v15 =	vcvt.f32.s32 v11;
	[tilespmem:v1+s16+$0x0] =	vst.idx.msk $0xffff, v2;
	v2 =	vld.idx.msk [tilespmem:v0+s0+$0x0], $0xffff  }
.LBB2_26:
0x7b9: {  	_ =	sdelay $0x1  }
0x7ba: {  	v1 =	vld [tilespmem:$0x1EFC0]  }
0x7bb: {  	[tilespmem:$0x1EED0] =	vst v19;
	v16 =	vld [tilespmem:$0x1FE60]  }
0x7bc: {  	[tilespmem:$0x1EF00] =	vst v20;
	v20 =	vld [tilespmem:$0x1FFC0]  }
0x7bd: {  	[tilespmem:$0x1EE60] =	vst v24;
	v19 =	vld [tilespmem:$0x1FFF0]  }
0x7be: {  	[tilespmem:$0x1EEB0] =	vst v27;
	s5 =	sadd.s32 $0xFFFFFFF0, s10;
	v27 =	vld.idx.msk [tilespmem:v54+s31+$0x0], $0xffff  }
0x7bf: {  	s11 =	sadd.s32 $0xFFFFFF00, s26;
	[tilespmem:v58+s16+$0x0] =	vst.idx.msk $0xffff, v7;
	s18 =	sadd.s32 $0xFFFFFFD0, s10;
	v7 =	vmov s5;
	v11 =	vor.u32 s26, v47;
	v2 =	vadd.f32 v6, v2;
	v24 =	vld.idx.msk [tilespmem:v52+s31+$0x0], $0xffff  }
0x7c0: {  	[tilespmem:v42+s16+$0x0] =	vst.idx.msk $0xffff, v9;
	v9 =	vmov s18;
	v4 =	vshll.u32 v7, $0x3;
	v12 =	vor.u32 s11, v47;
	v50 =	vld.idx.msk [tilespmem:v35+s31+$0x0], $0xffff  }
0x7c1: {  	s7 =	sadd.s32 $0xFFFFFD00, s26;
	v9 =	vshll.u32 v9, $0x3;
	v7 =	vor.u32 s11, v53;
	v52 =	vld.idx.msk [tilespmem:v26+s31+$0x0], $0xffff;
	v2 =	vsub.f32 v1, v2  }
0x7c2: {  	[tilespmem:$0x1EE40] =	vst v33;
	s6 =	sadd.s32 $0xFFFFFE00, s26;
	v4 =	vor.u32 v48, v4;
	v33 =	vor.u32 v48, v9;
	v26 =	vld [tilespmem:$0x1FFB0];
	v54 =	vor.u32 s7, v16  }
0x7c3: {  	v14 =	vor.u32 s6, v16;
	v56 =	vor.u32 s26, v16;
	[tilespmem:v0+s16+$0x0] =	vst.idx.msk $0xffff, v2;
	v2 =	vor.u32 s11, v16;
	v16 =	vld [tilespmem:$0x1FFD0]  }
0x7c4: {  	[tilespmem:$0x1EEA0] =	vst v25;
	v25 =	vor.u32 s7, v53;
	v22 =	vld.idx.msk [tilespmem:v11+s31+$0x0], $0xffff  }
0x7c5: {  	[tilespmem:$0x1EEC0] =	vst v34;
	v34 =	vor.u32 s6, v53;
	v9 =	vld.idx.msk [tilespmem:v12+s31+$0x0], $0xffff  }
0x7c6: {  	s4 =	sadd.s32 $0xFFFFFFE0, s10;
	v35 =	vor.u32 s26, v53;
	v7 =	vld.idx.msk [tilespmem:v7+s31+$0x0], $0xffff  }
0x7c7: {  	v6 =	vmov s4;
	v55 =	vor.u32 s7, v60;
	v58 =	vor.u32 s6, v60;
	v0 =	vld.idx.msk [tilespmem:v4+s19+$0x0], $0xffff  }
0x7c8: {  	[tilespmem:$0x1ED50] =	vst v59;
	v59 =	vor.u32 s26, v60;
	v29 =	vor.u32 $0x1, v4;
	v11 =	vor.u32 s11, v60;
	v60 =	vld.idx.msk [tilespmem:v33+s19+$0x0], $0xffff  }
0x7c9: {  	v6 =	vshll.u32 v6, $0x3;
	v21 =	vor.u32 $0x1, v33;
	v25 =	vld.idx.msk [tilespmem:v25+s31+$0x0], $0xffff  }
0x7ca: {  	[tilespmem:$0x1EF50] =	vst v31;
	v31 =	vor.u32 v48, v6;
	v6 =	vor.u32 $0x2, v4;
	v34 =	vld.idx.msk [tilespmem:v34+s31+$0x0], $0xffff  }
0x7cb: {  	[tilespmem:$0x1ED10] =	vst v30;
	v35 =	vld.idx.msk [tilespmem:v35+s31+$0x0], $0xffff  }
0x7cc: {  	[tilespmem:$0x1ED00] =	vst v28;
	v55 =	vld.idx.msk [tilespmem:v55+s31+$0x0], $0xffff  }
0x7cd: {  	[tilespmem:$0x1EF30] =	vst v23;
	v3 =	vld.idx.msk [tilespmem:v29+s19+$0x0], $0xffff;
	v23 =	vmul.f32 v9, v0;
	v9 =	vmov v0;
	v0 =	vor.u32 s7, v16  }
0x7ce: {  	v57 =	vld.idx.msk [tilespmem:v21+s19+$0x0], $0xffff;
	[tilespmem:$0x1EDE0] =	vst v0;
	v0 =	vor.u32 s6, v16  }
0x7cf: {  	v1 =	vld.idx.msk [tilespmem:v6+s19+$0x0], $0xffff;
	[tilespmem:$0x1EDF0] =	vst v0;
	v0 =	vor.u32 s26, v20  }
0x7d0: {  	v13 =	vld.idx.msk [tilespmem:v2+s31+$0x0], $0xffff;
	[tilespmem:$0x1EDD0] =	vst v0;
	v0 =	vor.u32 s26, v16  }
0x7d1: {  	[tilespmem:$0x1EE30] =	vst v0;
	v0 =	vld [tilespmem:$0x1FE70]  }
0x7d2: {  	[tilespmem:$0x1EF40] =	vst v36;
	v12 =	vor.u32 s7, v47;
	v54 =	vld.idx.msk [tilespmem:v54+s31+$0x0], $0xffff  }
0x7d3: {  	[tilespmem:$0x1EE80] =	vst v41;
	v10 =	vmov s10;
	v14 =	vld.idx.msk [tilespmem:v14+s31+$0x0], $0xffff;
	v7 =	vmul.f32 v7, v3  }
0x7d4: {  	[tilespmem:$0x1EF10] =	vst v32;
	v10 =	vshll.u32 v10, $0x3;
	v37 =	vld.idx.msk [tilespmem:v11+s31+$0x0], $0xffff  }
0x7d5: {  	v32 =	vor.u32 v48, v10;
	v56 =	vld.idx.msk [tilespmem:v56+s31+$0x0], $0xffff;
	v7 =	vadd.f32 v7, v23;
	v48 =	vmul.f32 v13, v1  }
0x7d6: {  	v30 =	vor.u32 s6, v47;
	v2 =	vld [tilespmem:$0x1FFA0];
	[tilespmem:$0x1ECE0] =	vst v1;
	v1 =	vor.u32 s7, v0  }
0x7d7: {  	s1 =	sadd.s32 $0xC0, s1;
	v12 =	vld.idx.msk [tilespmem:v12+s31+$0x0], $0xffff;
	v7 =	vadd.f32 v48, v7;
	[tilespmem:$0x1EE00] =	vst v1;
	v1 =	vor.u32 s7, v62  }
0x7d8: {  	v51 =	vadd.s32 s1, v49;
	v36 =	vor.u32 s26, v0;
	[tilespmem:$0x1EF80] =	vst v1;
	v1 =	vor.u32 s6, v0;
	v0 =	vld [tilespmem:$0x1FF80]  }
0x7d9: {  	s23 =	sadd.s32 $0xFFFFFFA0, s1;
	v41 =	vor.u32 $0x1, v31;
	v11 =	vmovc v3;
	v3 =	vld [tilespmem:$0x1FFE0];
	v18 =	vadd.f32 v7, v37;
	[tilespmem:$0x1EF60] =	vst v1;
	v1 =	vor.u32 s6, v62  }
0x7da: {  	s21 =	sadd.s32 $0xFFFFFF70, s1;
	s25 =	sadd.s32 $0xFFFFFFD0, s1;
	v28 =	vor.u32 $0x1, v32;
	v42 =	vor.u32 $0x2, v31;
	v47 =	vadd.s32 s23, v49;
	[tilespmem:$0x1EF20] =	vst v1;
	v1 =	vld [tilespmem:$0x1FF90]  }
0x7db: {  	[tilespmem:$0x1ED20] =	vst v61;
	v7 =	vor.u32 s21, v49;
	v62 =	vld.idx.msk [tilespmem:v30+s31+$0x0], $0xffff;
	v30 =	vadd.s32 s25, v49;
	v49 =	vtrunc.f32 v18  }
0x7dc: {  	[tilespmem:$0x1EEF0] =	vst v44;
	v61 =	vld.idx.msk [tilespmem:v31+s19+$0x0], $0xffff;
	v30 =	vand.u32 $0x1FF8, v30;
	v44 =	vcvt.f32.s32 v49  }
0x7dd: {  	[tilespmem:$0x1EE70] =	vst v38;
	v39 =	vor.u32 $0x2, v32;
	v38 =	vand.u32 $0x1FF8, v51;
	v6 =	vld.idx.msk [tilespmem:v6+s17+$0x0], $0xffff;
	v63 =	vor.u32 v0, v30  }
0x7de: {  	[tilespmem:$0x1ED90] =	vst v46;
	v53 =	vld.idx.msk [tilespmem:v41+s19+$0x0], $0xffff;
	v10 =	vor.u32 s7, v2;
	v48 =	vand.u32 $0x1FF8, v47;
	v46 =	vcvt.s32.f32 v44  }
0x7df: {  	v23 =	vld.idx.msk [tilespmem:v28+s19+$0x0], $0xffff;
	v49 =	vand.u32 v1, v7;
	v7 =	vmul.f32 v12, v60;
	v12 =	vmul.f32 v25, v57  }
0x7e0: {  	[tilespmem:$0x1EE90] =	vst v43;
	v43 =	vld.idx.msk [tilespmem:v42+s19+$0x0], $0xffff;
	v37 =	vor.u32 v0, v48;
	vm0 =	vlt.f32 v18, v46;
	v25 =	vadd.s32 s23, v3  }
0x7e1: {  	v1 =	vld [tilespmem:$0x1F050];
	v25 =	vand.u32 $0x1FF8, v25;
	v47 =	vadd.f32 v12, v7;
	v12 =	vimm.f32 $0.0e+00  }
0x7e2: {  	v38 =	vor.u32 v0, v38;
	v0 =	vor.u32 v19, v25;
	v48 =	vld.idx.msk [tilespmem:v63+s0+$0x0], $0xffff;
	v25 =	vsel vm0, $0x3F800000, v12  }
0x7e3: {  	v40 =	vor.u32 $0x2, v33;
	v13 =	vld.idx.msk [tilespmem:v32+s19+$0x0], $0xffff;
	[tilespmem:$0x1ED30] =	vst v10;
	v10 =	vor.u32 s7, v26;
	v46 =	vsub.f32 v46, v25  }
0x7e4: {  	[tilespmem:$0x1ED40] =	vst v10;
	v10 =	vor.u32 s6, v2;
	v51 =	vmul.f32 v35, v23;
	v35 =	vld.idx.msk [tilespmem:v4+s17+$0x0], $0xffff  }
0x7e5: {  	[tilespmem:$0x1ED60] =	vst v10;
	v10 =	vor.u32 s6, v26;
	v44 =	vld.idx.msk [tilespmem:v39+s19+$0x0], $0xffff;
	v46 =	vsub.f32 v18, v46  }
0x7e6: {  	[tilespmem:$0x1ED70] =	vst v10;
	v10 =	vor.u32 s7, v20;
	v27 =	vmul.f32 v27, v1;
	v1 =	vld [tilespmem:$0x1F060]  }
0x7e7: {  	[tilespmem:$0x1EDB0] =	vst v10;
	v10 =	vor.u32 s26, v2;
	v46 =	vadd.f32 v46, v48;
	v48 =	vor.u32 s11, v2;
	v2 =	vld [tilespmem:$0x1F080]  }
0x7e8: {  	v22 =	vmul.f32 v22, v13;
	v30 =	vld.idx.msk [tilespmem:v40+s19+$0x0], $0xffff  }
0x7e9: {  	v58 =	vld.idx.msk [tilespmem:v58+s31+$0x0], $0xffff;
	v62 =	vmul.f32 v62, v61;
	v7 =	vmul.f32 v34, v53  }
0x7ea: {  	v59 =	vld.idx.msk [tilespmem:v59+s31+$0x0], $0xffff;
	v14 =	vmul.f32 v14, v43;
	[tilespmem:$0x1ED80] =	vst v10;
	v10 =	vor.u32 s26, v26;
	v22 =	vadd.f32 v51, v22  }
0x7eb: {  	v51 =	vmovc v60;
	v56 =	vmul.f32 v56, v44;
	v62 =	vadd.f32 v7, v62;
	v60 =	vmul.f32 v24, v1  }
0x7ec: {  	[tilespmem:$0x1EFC0] =	vst v6;
	v1 =	vmovc v57;
	v57 =	vor.u32 s11, v26;
	v35 =	vsub.f32 v35, v46;
	v46 =	vmul.f32 v50, v2;
	v2 =	vld [tilespmem:$0x1F090]  }
0x7ed: {  	[tilespmem:$0x1EDA0] =	vst v10;
	v54 =	vmul.f32 v54, v30  }
0x7ee: {  	v17 =	vadd.s32 s1, v3;
	[tilespmem:$0x1EE20] =	vst v0;
	v22 =	vadd.f32 v56, v22;
	v62 =	vadd.f32 v14, v62;
	v14 =	vld.idx.msk [tilespmem:v29+s17+$0x0], $0xffff  }
0x7ef: {  	v17 =	vand.u32 $0x1FF8, v17;
	v47 =	vadd.f32 v54, v47;
	v26 =	vld [tilespmem:$0x1FF60];
	[tilespmem:v63+s16+$0x0] =	vst.idx.msk $0xffff, v35  }
0x7f0: {  	v0 =	vor.u32 v19, v17;
	v22 =	vadd.f32 v22, v59;
	v6 =	vadd.f32 v62, v58;
	v35 =	vld.idx.msk [tilespmem:v48+s31+$0x0], $0xffff  }
0x7f1: {  	v10 =	vor.u32 s6, v20;
	v24 =	vmovc v53;
	v53 =	vadd.f32 v47, v55;
	v56 =	vld.idx.msk [tilespmem:v57+s31+$0x0], $0xffff;
	v52 =	vmul.f32 v52, v2  }
0x7f2: {  	v27 =	vadd.f32 v60, v27;
	v63 =	vtrunc.f32 v6;
	v60 =	vtrunc.f32 v22  }
0x7f3: {  	v62 =	vld.idx.msk [tilespmem:v31+s17+$0x0], $0xffff;
	v31 =	vcvt.f32.s32 v60;
	v46 =	vadd.f32 v52, v46;
	v52 =	vcvt.f32.s32 v63  }
0x7f4: {  	v50 =	vor.u32 s11, v20;
	v48 =	vtrunc.f32 v5;
	v47 =	vadd.s32 s1, v26  }
0x7f5: {  	[tilespmem:$0x1EDC0] =	vst v10;
	v10 =	vld [tilespmem:$0x1FF30];
	v20 =	vmovc v61;
	v61 =	vand.u32 $0x1FF8, v47;
	v47 =	vcvt.s32.f32 v31;
	v52 =	vcvt.s32.f32 v52  }
0x7f6: {  	[tilespmem:$0x1EE10] =	vst v0;
	v0 =	vor.u32 s21, v3;
	v60 =	vld.idx.msk [tilespmem:v32+s17+$0x0], $0xffff;
	v32 =	vmul.f32 v35, v9;
	v35 =	vmul.f32 v56, v11  }
0x7f7: {  	[tilespmem:$0x1EE50] =	vst v0;
	v0 =	vld [tilespmem:$0x1FF50];
	v48 =	vcvt.f32.s32 v48;
	vm9 =	vlt.f32 v6, v52  }
0x7f8: {  	vm10 =	vlt.f32 v22, v47;
	v35 =	vadd.f32 v35, v32;
	v32 =	vld.idx.msk [tilespmem:v42+s17+$0x0], $0xffff;
	v31 =	vsel vm9, $0x3F800000, v12  }
0x7f9: {  	v42 =	vsub.f32 v52, v31;
	v31 =	vld.idx.msk [tilespmem:v40+s17+$0x0], $0xffff;
	v40 =	vsel vm10, $0x3F800000, v12  }
0x7fa: {  	v40 =	vsub.f32 v47, v40;
	v47 =	vcvt.s32.f32 v48;
	v48 =	vadd.s32 s25, v3;
	v3 =	vld [tilespmem:$0x1F0D0];
	_ =	sdelay $0x2  }
0x7fb: {  	v2 =	vor.u32 s26, v0;
	_ =	sdelay $0x1  }
0x7fc: {  	[tilespmem:$0x1ECF0] =	vst v45;
	v45 =	vor.u32 s26, v10;
	v10 =	vld [tilespmem:$0x1ECE0]  }
0x7fd: {  	v55 =	vtrunc.f32 v53;
	[tilespmem:$0x1EEE0] =	vst v2;
	v2 =	vmov v9;
	v9 =	vld.idx.msk [tilespmem:v21+s17+$0x0], $0xffff  }
0x7fe: {  	v55 =	vcvt.f32.s32 v55;
	v50 =	vld.idx.msk [tilespmem:v50+s31+$0x0], $0xffff  }
0x7ff: {  	v22 =	vsub.f32 v22, v40;
	v40 =	vld.idx.msk [tilespmem:v3+s31+$0x0], $0xffff;
	v3 =	vmov v36  }
0x800: {  	v55 =	vcvt.s32.f32 v55;
	[tilespmem:$0x1F0D0] =	vst v3;
	v3 =	vld [tilespmem:$0x1F0E0];
	_ =	sdelay $0x1  }
0x801: {  	vm8 =	vlt.f32 v53, v55;
	[tilespmem:$0x1EF70] =	vst v9;
	v9 =	vld [tilespmem:$0x1ED20]  }
0x802: {  	v4 =	vld.idx.msk [tilespmem:v49+s0+$0x0], $0xffff;
	v56 =	vsel vm8, $0x3F800000, v12  }
0x803: {  	v21 =	vld.idx.msk [tilespmem:v41+s17+$0x0], $0xffff;
	v41 =	vmul.f32 v50, v10;
	v50 =	vsub.f32 v55, v56  }
0x804: {  	v33 =	vld.idx.msk [tilespmem:v33+s17+$0x0], $0xffff  }
0x805: {  	v50 =	vsub.f32 v53, v50  }
0x806: {  	v54 =	vld.idx.msk [tilespmem:v37+s0+$0x0], $0xffff  }
0x807: {  	v4 =	vadd.f32 v50, v4;
	v6 =	vsub.f32 v6, v42;
	v42 =	vld.idx.msk [tilespmem:v3+s31+$0x0], $0xffff;
	v3 =	vmov v45  }
0x808: {  	[tilespmem:$0x1F0E0] =	vst v3;
	v3 =	vld [tilespmem:$0x1F0F0]  }
0x809: {  	v4 =	vsub.f32 v33, v4;
	v33 =	vld.idx.msk [tilespmem:v9+s31+$0x0], $0xffff  }
0x80a: {  	v9 =	vld [tilespmem:$0x1ED30]  }
0x80b: {  	v25 =	vld [tilespmem:$0x1FF40];
	_ =	sdelay $0x2  }
0x80c: {  	v52 =	vld.idx.msk [tilespmem:v28+s17+$0x0], $0xffff  }
0x80d: {  	v28 =	vld.idx.msk [tilespmem:v39+s17+$0x0], $0xffff;
	v6 =	vadd.f32 v6, v54  }
0x80e: {  	v7 =	vor.u32 s7, v25;
	v39 =	vld.idx.msk [tilespmem:v3+s31+$0x0], $0xffff  }
0x80f: {  	v3 =	vmov v7;
	v7 =	vsub.f32 v62, v6;
	v6 =	vld [tilespmem:$0x1ECF0];
	[tilespmem:v49+s16+$0x0] =	vst.idx.msk $0xffff, v4  }
0x810: {  	v50 =	vand.u32 $0x1FF8, v48;
	v48 =	vld.idx.msk [tilespmem:v9+s31+$0x0], $0xffff  }
0x811: {  	v9 =	vld [tilespmem:$0x1ED40];
	_ =	sdelay $0x4  }
0x812: {  	v58 =	vld.idx.msk [tilespmem:v38+s0+$0x0], $0xffff  }
0x813: {  	v35 =	vadd.f32 v41, v35;
	v41 =	vcvt.s32.f32 v15;
	v15 =	vld [tilespmem:$0x1F0A0]  }
0x814: {  	v45 =	vld.idx.msk [tilespmem:v6+s31+$0x0], $0xffff  }
0x815: {  	[tilespmem:v37+s16+$0x0] =	vst.idx.msk $0xffff, v7;
	v37 =	vld.idx.msk [tilespmem:v9+s31+$0x0], $0xffff  }
0x816: {  	v9 =	vld [tilespmem:$0x1ED50]  }
0x817: {  	v22 =	vadd.f32 v22, v58;
	_ =	sdelay $0x1  }
0x818: {  	v22 =	vsub.f32 v60, v22;
	_ =	sdelay $0x1  }
0x819: {  	[tilespmem:v38+s16+$0x0] =	vst.idx.msk $0xffff, v22;
	v22 =	vmul.f32 v40, v15;
	v40 =	vmul.f32 v42, v9;
	v9 =	vld [tilespmem:$0x1ED60];
	_ =	sdelay $0x2  }
0x81a: {  	v56 =	vld [tilespmem:$0x1FF70]  }
0x81b: {  	v59 =	vadd.s32 s23, v26  }
0x81c: {  	v59 =	vand.u32 $0x1FF8, v59;
	_ =	sdelay $0x2  }
0x81d: {  	v36 =	vor.u32 v19, v50;
	v50 =	vor.u32 v56, v59;
	v59 =	vmov v23;
	v23 =	vld.idx.msk [tilespmem:v9+s31+$0x0], $0xffff  }
0x81e: {  	v9 =	vld [tilespmem:$0x1ED70]  }
0x81f: {  	v57 =	vor.u32 s11, v16;
	_ =	sdelay $0x1  }
0x820: {  	v15 =	vld [tilespmem:$0x1F0B0];
	_ =	sdelay $0x2  }
0x821: {  	v57 =	vld.idx.msk [tilespmem:v57+s31+$0x0], $0xffff;
	_ =	sdelay $0x1  }
0x822: {  	v15 =	vmul.f32 v39, v15;
	v39 =	vld.idx.msk [tilespmem:v9+s31+$0x0], $0xffff  }
0x823: {  	v9 =	vld [tilespmem:$0x1ED80];
	_ =	sdelay $0x1  }
0x824: {  	v35 =	vadd.f32 v35, v57;
	_ =	sdelay $0x1  }
0x825: {  	v54 =	vtrunc.f32 v35;
	_ =	sdelay $0x2  }
0x826: {  	v55 =	vcvt.f32.s32 v54;
	v54 =	vmov v13;
	v13 =	vld [tilespmem:$0x1F0C0]  }
0x827: {  	v58 =	vmov v30;
	v30 =	vld.idx.msk [tilespmem:v9+s31+$0x0], $0xffff  }
0x828: {  	v9 =	vld [tilespmem:$0x1ED90];
	_ =	sdelay $0x3  }
0x829: {  	v16 =	vadd.f32 v15, v27  }
0x82a: {  	v13 =	vmul.f32 v45, v13;
	v22 =	vadd.f32 v40, v22;
	v27 =	vmul.f32 v33, v9;
	_ =	sdelay $0x1  }
0x82b: {  	[tilespmem:$0x1F060] =	vst v1;
	v15 =	vadd.f32 v13, v46;
	v13 =	vadd.f32 v27, v22;
	v22 =	vmul.f32 v37, v1;
	v1 =	vld [tilespmem:$0x1EDC0];
	_ =	sdelay $0x6  }
0x82c: {  	v9 =	vld [tilespmem:$0x1EDA0]  }
0x82d: {  	v27 =	vld.idx.msk [tilespmem:v1+s31+$0x0], $0xffff  }
0x82e: {  	v4 =	vcvt.s32.f32 v55;
	v1 =	vld [tilespmem:$0x1EDD0];
	_ =	sdelay $0x1  }
0x82f: {  	vm3 =	vlt.f32 v35, v4  }
0x830: {  	v19 =	vld [tilespmem:$0x1ED10];
	v62 =	vsel vm3, $0x3F800000, v12  }
0x831: {  	[tilespmem:$0x1F0F0] =	vst v3;
	v3 =	vld [tilespmem:$0x1FE70];
	v4 =	vsub.f32 v4, v62  }
0x832: {  	v7 =	vld.idx.msk [tilespmem:v36+s0+$0x0], $0xffff  }
0x833: {  	v4 =	vsub.f32 v35, v4;
	v35 =	vld.idx.msk [tilespmem:v9+s31+$0x0], $0xffff  }
0x834: {  	v9 =	vld [tilespmem:$0x1EDB0]  }
0x835: {  	v63 =	vcvt.s32.f32 v8;
	v8 =	vmov v11;
	v11 =	vld.idx.msk [tilespmem:v1+s31+$0x0], $0xffff  }
0x836: {  	v1 =	vld [tilespmem:$0x1EDE0]  }
0x837: {  	v17 =	vor.u32 s6, v25;
	vm11 =	vlt.f32 v19, v41  }
0x838: {  	v18 =	vor.u32 s7, v0;
	v29 =	vor.u32 s6, v0;
	v40 =	vsel vm11, $0x3F800000, v12  }
0x839: {  	v55 =	vor.u32 v56, v61;
	v45 =	vmovc v17;
	v17 =	vmul.f32 v23, v20;
	v23 =	vsub.f32 v41, v40  }
0x83a: {  	[tilespmem:$0x1F050] =	vst v51;
	v61 =	vmul.f32 v48, v51;
	v51 =	vmovc v43;
	v4 =	vadd.f32 v4, v7;
	v7 =	vor.u32 s11, v3  }
0x83b: {  	v3 =	vsub.f32 v19, v23;
	v23 =	vmul.f32 v27, v51;
	v27 =	vor.u32 s11, v0;
	v0 =	vld [tilespmem:$0x1EE30]  }
0x83c: {  	v57 =	vld [tilespmem:$0x1ED00]  }
0x83d: {  	v43 =	vld.idx.msk [tilespmem:v9+s31+$0x0], $0xffff  }
0x83e: {  	v9 =	vld.idx.msk [tilespmem:v1+s31+$0x0], $0xffff  }
0x83f: {  	vm1 =	vlt.f32 v5, v47;
	v4 =	vsub.f32 v14, v4;
	v1 =	vld [tilespmem:$0x1EDF0]  }
0x840: {  	v42 =	vsel vm1, $0x3F800000, v12  }
0x841: {  	[tilespmem:v36+s16+$0x0] =	vst.idx.msk $0xffff, v4;
	v4 =	vmul.f32 v30, v54;
	v30 =	vsub.f32 v47, v42;
	_ =	sdelay $0x1  }
0x842: {  	vm2 =	vlt.f32 v57, v63;
	v5 =	vsub.f32 v5, v30;
	v30 =	vld.idx.msk [tilespmem:v0+s31+$0x0], $0xffff  }
0x843: {  	v38 =	vsel vm2, $0x3F800000, v12;
	v0 =	vld [tilespmem:$0x1EE40]  }
0x844: {  	v38 =	vsub.f32 v63, v38;
	_ =	sdelay $0x1  }
0x845: {  	v63 =	vld.idx.msk [tilespmem:v1+s31+$0x0], $0xffff;
	v1 =	vsub.f32 v57, v38;
	_ =	sdelay $0x1  }
0x846: {  	v1 =	vadd.f32 v1, v0;
	v0 =	vld [tilespmem:$0x1EE60];
	_ =	sdelay $0x3  }
0x847: {  	v7 =	vld.idx.msk [tilespmem:v7+s31+$0x0], $0xffff  }
0x848: {  	v3 =	vadd.f32 v3, v0;
	v0 =	vld [tilespmem:$0x1EE70]  }
0x849: {  	v19 =	vld [tilespmem:$0x1EEB0]  }
0x84a: {  	v62 =	vld [tilespmem:$0x1FF30];
	v33 =	vmul.f32 v39, v24;
	v39 =	vor.u32 s11, v25;
	_ =	sdelay $0x2  }
0x84b: {  	v5 =	vadd.f32 v5, v0;
	v0 =	vmul.f32 v7, v2;
	v2 =	vld [tilespmem:$0x1EE80];
	_ =	sdelay $0x1  }
0x84c: {  	v46 =	vmov v44;
	v37 =	vor.u32 s11, v62;
	v44 =	vld.idx.msk [tilespmem:v39+s31+$0x0], $0xffff;
	v41 =	vmul.f32 v35, v59  }
0x84d: {  	v39 =	vld [tilespmem:$0x1EE50]  }
0x84e: {  	v34 =	vor.u32 s26, v25;
	v25 =	vmovc v29;
	v29 =	vld.idx.msk [tilespmem:v19+s31+$0x0], $0xffff;
	v4 =	vadd.f32 v41, v4;
	v11 =	vmul.f32 v11, v46  }
0x84f: {  	v19 =	vld [tilespmem:$0x1EEC0]  }
0x850: {  	[tilespmem:$0x1F090] =	vst v24;
	v24 =	vld [tilespmem:$0x1EF90];
	v4 =	vadd.f32 v11, v4  }
0x851: {  	v36 =	vld.idx.msk [tilespmem:v37+s31+$0x0], $0xffff  }
0x852: {  	v4 =	vadd.f32 v4, v30;
	v30 =	vld.idx.msk [tilespmem:v2+s31+$0x0], $0xffff  }
0x853: {  	v22 =	vadd.f32 v22, v61;
	v43 =	vmul.f32 v43, v58;
	v2 =	vld [tilespmem:$0x1EE90]  }
0x854: {  	v17 =	vadd.f32 v33, v17  }
0x855: {  	[tilespmem:$0x1F0C0] =	vst v51;
	v51 =	vld.idx.msk [tilespmem:v39+s0+$0x0], $0xffff;
	v22 =	vadd.f32 v43, v22;
	v1 =	vsub.f32 v24, v1  }
0x856: {  	[tilespmem:$0x1F0B0] =	vst v58;
	v17 =	vadd.f32 v23, v17;
	v58 =	vld [tilespmem:$0x1EE20]  }
0x857: {  	v9 =	vadd.f32 v22, v9;
	v7 =	vmul.f32 v36, v8;
	[tilespmem:v19+s16+$0x0] =	vst.idx.msk $0xffff, v1;
	v1 =	vld [tilespmem:$0x1EFA0]  }
0x858: {  	v41 =	vmovc v18;
	v11 =	vadd.f32 v17, v63;
	v18 =	vmov v2;
	v2 =	vmul.f32 v44, v10;
	v10 =	vld [tilespmem:$0x1EEE0]  }
0x859: {  	[tilespmem:$0x1F080] =	vst v20;
	v23 =	vld.idx.msk [tilespmem:v27+s31+$0x0], $0xffff;
	v20 =	vtrunc.f32 v4;
	v24 =	vtrunc.f32 v9;
	v0 =	vadd.f32 v7, v0  }
0x85a: {  	v27 =	vtrunc.f32 v11;
	v7 =	vld [tilespmem:$0x1EEA0];
	[tilespmem:$0x1EF90] =	vst v18;
	v18 =	vcvt.f32.s32 v24  }
0x85b: {  	v57 =	vadd.f32 v2, v0;
	v2 =	vcvt.f32.s32 v20;
	v20 =	vld [tilespmem:$0x1EF00]  }
0x85c: {  	v1 =	vsub.f32 v1, v3;
	v3 =	vcvt.s32.f32 v18;
	v18 =	vld [tilespmem:$0x1EF10]  }
0x85d: {  	v24 =	vcvt.f32.s32 v27;
	v27 =	vmov v10;
	v10 =	vld [tilespmem:$0x1EEF0];
	_ =	sdelay $0x2  }
0x85e: {  	v22 =	vld.idx.msk [tilespmem:v58+s0+$0x0], $0xffff  }
0x85f: {  	v19 =	vld [tilespmem:$0x1EF40]  }
0x860: {  	v7 =	vld.idx.msk [tilespmem:v7+s31+$0x0], $0xffff;
	v14 =	vmov v10  }
0x861: {  	[tilespmem:$0x1EFA0] =	vst v14;
	v14 =	vcvt.s32.f32 v24;
	v24 =	vld.idx.msk [tilespmem:v20+s0+$0x0], $0xffff  }
0x862: {  	[tilespmem:v18+s16+$0x0] =	vst.idx.msk $0xffff, v1;
	v1 =	vld [tilespmem:$0x1EFB0];
	_ =	sdelay $0x3  }
0x863: {  	v42 =	vld [tilespmem:$0x1EE10]  }
0x864: {  	v63 =	vld [tilespmem:$0x1EF30];
	v0 =	vmov v19;
	v1 =	vsub.f32 v1, v5;
	v5 =	vadd.s32 s25, v26  }
0x865: {  	[tilespmem:$0x1EFB0] =	vst v0;
	v0 =	vand.u32 $0x1FF8, v5;
	v5 =	vld [tilespmem:$0x1EF50]  }
0x866: {  	v8 =	vld [tilespmem:$0x1EED0];
	_ =	sdelay $0x3  }
0x867: {  	v53 =	vld [tilespmem:$0x1FF10]  }
0x868: {  	v17 =	vld.idx.msk [tilespmem:v42+s0+$0x0], $0xffff;
	v2 =	vcvt.s32.f32 v2;
	v18 =	vadd.f32 v57, v23  }
0x869: {  	v6 =	vor.u32 s21, v26;
	v38 =	vld.idx.msk [tilespmem:v63+s0+$0x0], $0xffff;
	vm12 =	vlt.f32 v9, v3  }
0x86a: {  	v60 =	vld [tilespmem:$0x1FF20];
	vm14 =	vlt.f32 v4, v2;
	vm13 =	vlt.f32 v11, v14;
	[tilespmem:v5+s16+$0x0] =	vst.idx.msk $0xffff, v1;
	v1 =	vtrunc.f32 v18  }
0x86b: {  	v61 =	vmovc v34;
	v34 =	vmovc v8;
	v33 =	vld.idx.msk [tilespmem:v8+s0+$0x0], $0xffff;
	v8 =	vsel vm13, $0x3F800000, v12;
	v5 =	vsel vm12, $0x3F800000, v12;
	v1 =	vcvt.f32.s32 v1  }
0x86c: {  	v49 =	vld [tilespmem:$0x1FF00];
	v19 =	vmovc v6;
	v6 =	vsel vm14, $0x3F800000, v12;
	v3 =	vsub.f32 v3, v5;
	v5 =	vsub.f32 v14, v8  }
0x86d: {  	v36 =	vmovc v28;
	v28 =	vadd.f32 v16, v30;
	v6 =	vsub.f32 v2, v6;
	v14 =	vcvt.s32.f32 v1;
	v1 =	vld [tilespmem:$0x1EF70]  }
0x86e: {  	s24 =	sadd.s32 $0x4, s24;
	v48 =	vld [tilespmem:$0x1FEF0];
	v0 =	vor.u32 v56, v0;
	v9 =	vsub.f32 v9, v3;
	v5 =	vsub.f32 v11, v5  }
0x86f: {  	p0 =	slt.u32 s24, $0x3C;
	[tilespmem:$0x1F0A0] =	vst v54;
	v54 =	vld [tilespmem:$0x1EE00];
	v30 =	vadd.f32 v15, v7;
	v4 =	vsub.f32 v4, v6;
	vm15 =	vlt.f32 v18, v14  }
.Ltmp16:
0x870: {  	v47 =	vld [tilespmem:$0x1FEE0];
	v6 =	vadd.f32 v9, v51;
	v5 =	vadd.f32 v5, v22;
	v7 =	vsel vm15, $0x3F800000, v12;
	(pc) =	sbr.rel @p0 .LBB2_26-.Ltmp16, $4  }
0x871: {  	v35 =	vld [tilespmem:$0x1EF60];
	v43 =	vmovc v31;
	v31 =	vmov v63;
	v4 =	vadd.f32 v4, v17;
	v9 =	vsub.f32 v14, v7  }
0x872: {  	v44 =	vmovc v32;
	v32 =	vmovc v20;
	v26 =	vld [tilespmem:$0x1EF20];
	v7 =	vsub.f32 v21, v5;
	v5 =	vtrunc.f32 v30;
	v14 =	vsub.f32 v1, v6  }
0x873: {  	v20 =	vmovc v50;
	v23 =	vmovc v55;
	v2 =	vld.idx.msk [tilespmem:v0+s0+$0x0], $0xffff;
	v11 =	vtrunc.f32 v28;
	v15 =	vcvt.f32.s32 v5;
	v5 =	vadd.f32 v13, v29  }
0x874: {  	s10 =	sadd.s32 $0x40, s10;
	s26 =	sadd.s32 $0x400, s26;
	v8 =	vcvt.f32.s32 v11;
	v6 =	vsub.f32 v18, v9;
	v9 =	vsub.f32 v52, v4;
	v52 =	vld [tilespmem:$0x1EF80];
	[tilespmem:v39+s16+$0x0] =	vst.idx.msk $0xffff, v14  }
0x875: {  	_ =	sdelay $0x3  }
0x876: {  	v4 =	vld.idx.msk [tilespmem:v54+s31+$0x0], $0xffff;
	[tilespmem:v58+s16+$0x0] =	vst.idx.msk $0xffff, v7  }
0x877: {  	v10 =	vld.idx.msk [tilespmem:v35+s31+$0x0], $0xffff  }
0x878: {  	[tilespmem:v42+s16+$0x0] =	vst.idx.msk $0xffff, v9;
	v63 =	vld.idx.msk [tilespmem:v26+s31+$0x0], $0xffff  }
0x879: {  	v1 =	vld [tilespmem:$0x1F0D0]  }
0x87a: {  	v12 =	vld [tilespmem:$0x1F0E0]  }
0x87b: {  	v13 =	vld [tilespmem:$0x1F050]  }
0x87c: {  	v14 =	vld [tilespmem:$0x1F060]  }
0x87d: {  	v26 =	vld [tilespmem:$0x1F0F0]  }
0x87e: {  	v58 =	vld.idx.msk [tilespmem:v52+s31+$0x0], $0xffff  }
0x87f: {  	v29 =	vld [tilespmem:$0x1F080]  }
0x880: {  	v39 =	vld [tilespmem:$0x1F090]  }
0x881: {  	v40 =	vld [tilespmem:$0x1EFC0]  }
0x882: {  	v54 =	vld [tilespmem:$0x1F0B0]  }
0x883: {  	v7 =	vmul.f32 v58, v14;
	v14 =	vld.idx.msk [tilespmem:v45+s31+$0x0], $0xffff  }
0x884: {  	v45 =	vld [tilespmem:$0x1F0A0]  }
0x885: {  	v58 =	vld [tilespmem:$0x1F0C0]  }
0x886: {  	v16 =	vcvt.s32.f32 v15;
	v11 =	vld.idx.msk [tilespmem:v1+s31+$0x0], $0xffff  }
0x887: {  	v37 =	vtrunc.f32 v5;
	v12 =	vld.idx.msk [tilespmem:v12+s31+$0x0], $0xffff  }
0x888: {  	v8 =	vcvt.s32.f32 v8;
	vm1 =	vlt.f32 v30, v16;
	v4 =	vmul.f32 v4, v13;
	v13 =	vld.idx.msk [tilespmem:v26+s31+$0x0], $0xffff  }
0x889: {  	v3 =	vld.idx.msk [tilespmem:v61+s31+$0x0], $0xffff;
	v61 =	vimm.f32 $0.0e+00;
	v2 =	vadd.f32 v6, v2;
	v35 =	vmul.f32 v10, v29  }
0x88a: {  	vm0 =	vlt.f32 v28, v8;
	v9 =	vmul.f32 v63, v39;
	v10 =	vcvt.f32.s32 v37  }
0x88b: {  	v57 =	vld.idx.msk [tilespmem:v25+s31+$0x0], $0xffff;
	v2 =	vsub.f32 v40, v2;
	v63 =	vsel vm0, $0x3F800000, v61;
	v14 =	vmul.f32 v14, v58  }
0x88c: {  	v51 =	vld.idx.msk [tilespmem:v41+s31+$0x0], $0xffff;
	v6 =	vadd.f32 v9, v35;
	v50 =	vmul.f32 v11, v45;
	v52 =	vmul.f32 v12, v59  }
0x88d: {  	v17 =	vld.idx.msk [tilespmem:v27+s31+$0x0], $0xffff;
	v8 =	vsub.f32 v8, v63;
	v4 =	vadd.f32 v7, v4;
	v55 =	vmul.f32 v13, v54  }
0x88e: {  	v59 =	vmul.f32 v3, v46;
	v6 =	vadd.f32 v14, v6;
	v9 =	vadd.f32 v52, v50  }
0x88f: {  	v42 =	vcvt.s32.f32 v10;
	v29 =	vsub.f32 v28, v8;
	v4 =	vadd.f32 v55, v4  }
0x890: {  	v1 =	vsel vm1, $0x3F800000, v61;
	v6 =	vadd.f32 v6, v57;
	v9 =	vadd.f32 v59, v9  }
0x891: {  	vm2 =	vlt.f32 v5, v42;
	v25 =	vsub.f32 v16, v1;
	v54 =	vld [tilespmem:$0x1EF90];
	v4 =	vadd.f32 v4, v51  }
0x892: {  	v1 =	vadd.f32 v29, v33;
	v27 =	vtrunc.f32 v6;
	v9 =	vadd.f32 v9, v17  }
0x893: {  	v39 =	vsub.f32 v30, v25;
	v26 =	vtrunc.f32 v4;
	v35 =	vcvt.f32.s32 v27  }
0x894: {  	v3 =	vsel vm2, $0x3F800000, v61;
	v12 =	vcvt.f32.s32 v26;
	v37 =	vtrunc.f32 v9  }
0x895: {  	v7 =	vsub.f32 v42, v3;
	v42 =	vcvt.s32.f32 v35;
	v10 =	vcvt.f32.s32 v37  }
0x896: {  	v46 =	vld.idx.msk [tilespmem:v19+s0+$0x0], $0xffff;
	v3 =	vadd.f32 v39, v24;
	v1 =	vsub.f32 v54, v1;
	v40 =	vcvt.s32.f32 v12  }
0x897: {  	v41 =	vsub.f32 v5, v7;
	v57 =	vld [tilespmem:$0x1EFA0];
	[tilespmem:v0+s16+$0x0] =	vst.idx.msk $0xffff, v2;
	vm14 =	vlt.f32 v6, v42;
	v45 =	vcvt.s32.f32 v10  }
0x898: {  	v51 =	vld.idx.msk [tilespmem:v20+s0+$0x0], $0xffff;
	[tilespmem:v34+s16+$0x0] =	vst.idx.msk $0xffff, v1;
	vm13 =	vlt.f32 v4, v40;
	v52 =	vsel vm14, $0x3F800000, v61  }
0x899: {  	v1 =	vld [tilespmem:$0x1EFB0];
	v50 =	vsel vm13, $0x3F800000, v61;
	v7 =	vsub.f32 v42, v52;
	vm15 =	vlt.f32 v9, v45  }
0x89a: {  	v55 =	vld.idx.msk [tilespmem:v23+s0+$0x0], $0xffff;
	v5 =	vadd.f32 v41, v38;
	v11 =	vsub.f32 v40, v50;
	v15 =	vsel vm15, $0x3F800000, v61  }
0x89b: {  	v6 =	vsub.f32 v6, v7;
	v8 =	vsub.f32 v45, v15  }
0x89c: {  	v3 =	vsub.f32 v57, v3;
	v4 =	vsub.f32 v4, v11  }
0x89d: {  	v61 =	vadd.f32 v6, v51;
	v58 =	vsub.f32 v9, v8  }
0x89e: {  	v1 =	vsub.f32 v1, v5;
	v59 =	vadd.f32 v4, v46  }
0x89f: {  	[tilespmem:v32+s16+$0x0] =	vst.idx.msk $0xffff, v3;
	v63 =	vsub.f32 v44, v61;
	v0 =	vadd.f32 v58, v55  }
0x8a0: {  	[tilespmem:v31+s16+$0x0] =	vst.idx.msk $0xffff, v1;
	v2 =	vsub.f32 v43, v59  }
0x8a1: {  	[tilespmem:v20+s16+$0x0] =	vst.idx.msk $0xffff, v63;
	v0 =	vsub.f32 v36, v0  }
0x8a2: {  	s1 =	sadd.s32 $0x5, s15;
	[tilespmem:v19+s16+$0x0] =	vst.idx.msk $0xffff, v2  }
0x8a3: {  	p0 =	sge.u32 s1, s9;
	[tilespmem:v23+s16+$0x0] =	vst.idx.msk $0xffff, v0  }
0x8a4: {  	s1 =	sshll.u32 @!p0 s1, $0x5;
	v18 =	vld [tilespmem:$0x1FE80]  }
0x8a5: {  	s1 =	sor.u32 @!p0 s8, s1;
	v19 =	vld [tilespmem:$0x1FE90]  }
0x8a6: {  	[hbm4b:s3+s2] =	stream.linear.scatter [tilespmem:s16], [sflag:$0x8], $0xC00, $0x38;
	v20 =	vld [tilespmem:$0x1FEA0]  }
0x8a7: {  	s3 =	sshll.u32 @!p0 s1, $0x8;
	v21 =	vld [tilespmem:$0x1FEB0]  }
0x8a8: {  	s4 =	rddreg [dreg:$0x4];
	v22 =	vld [tilespmem:$0x1FEC0];
	s3 =	sand.u32 @!p0 $0x1FFFFF00, s3  }
0x8a9: {  	s5 =	simm.s32 @!p0 $0xA800;
	v23 =	vld [tilespmem:$0x1FED0];
	s3 =	sadd.s32 @!p0 s4, s3;
	s4 =	simm.s32 @!p0 $0x0  }
0x8aa: {  	v41 =	vld [tilespmem:$0x1FF90];
	[tilespmem:s5], [sflag:$0x5] =	stream.linear.gather @!p0 [hbm4b:s3+s4], $0x800, $0x38  }
0x8ab: {  	v52 =	vld [tilespmem:$0x1FFA0];
	s3 =	sshll.u32 @!p0 s1, $0xB  }
0x8ac: {  	v36 =	vld [tilespmem:$0x1FFB0];
	s5 =	rddreg [dreg:$0x5];
	s1 =	smul.u32 @!p0 $0x180, s1;
	s3 =	sand.u32 @!p0 $0x1FFFF800, s3  }
.Ltmp17:
0x8ad: {  	v37 =	vld [tilespmem:$0x1FFC0];
	s3 =	sadd.s32 @!p0 s5, s3;
	s5 =	simm.s32 @!p0 $0xB000;
	(pc) =	sbr.rel .LBB2_28-.Ltmp17, $4  }
0x8ae: {  	v58 =	vld [tilespmem:$0x1FFD0];
	[tilespmem:s5], [sflag:$0x6] =	stream.linear.gather @!p0 [hbm4b:s3+s4], $0x4000, $0x38  }
0x8af: {  	v44 =	vld [tilespmem:$0x1FFE0];
	s3 =	rddreg [dreg:$0x6]  }
0x8b0: {  	v43 =	vld [tilespmem:$0x1FF80];
	s1 =	sadd.s32 @!p0 s3, s1;
	s3 =	simm.s32 @!p0 $0xF000  }
0x8b1: {  	v63 =	vld [tilespmem:$0x1FFF0];
	[tilespmem:s3], [sflag:$0x6] =	stream.linear.gather @!p0 [hbm4b:s1+s4], $0xC00, $0x38  }
.LBB2_30:
0x8b2: {  	_ =	sfence.sel $0x180000  }
0x8b3: {  	[bflag:$0x0] =	sbarrier.arrive $0xFFFF  }
0x8b4: {  	_ =	strace $0x90000047  }
0x8b5: {  	s0 =	stileid.u32;
	[bflag:$0x2] =	sbarrier.arrive $0xFFFF  }
0x8b6: {  	p0 =	sne.s32 s0, $0x0;
	s0 =	rddreg [dreg:$0x2]  }
0x8b7: {  	s0 =	sadd.s32 @!p0 $0x100000, s0  }
0x8b8: {  	[sflag:s0] =	ssyncadd.tile.s32 @!p0 $0x1;
	_ =	shalt  }
.Lfunc_end2:
_tile_overlayer_lowered:
.L_overlay_start_2:
0x8b9: {  	(tag) =	ssettag $0x2  }
0x8ba: {  	s0 =	rddreg [dreg:$0x0];
	s2 =	stileid.u32  }
0x8bb: {  	s1 =	rddreg [dreg:$0x1];
	p0 =	sne.s32 s2, $0x0  }
0x8bc: {  	s3 =	rddreg [dreg:$0x2];
	[bflag:$0x3] =	sbarrier.arrive $0xFFFF;
	s2 =	simm.s32 @!p0 $0x1C09  }
0x8bd: {  	[timem:s3], [sflag:s2] =	dma.local @!p0 [hbm:s0], s1  }
0x8be: {  	s0 =	simm.s32 @!p0 $0x9  }
0x8bf: {  	_ =	swait.ge @!p0 [sflag:s0], s1  }
0x8c0: {  	s1 =	ssub.s32 @!p0 $0x0, s1;
	[sflag:s0] =	ssyncset.done @!p0 $0x0  }
0x8c1: {  	[sflag:s0] =	ssyncadd.s32 @!p0 s1  }
0x8c2: {  	[bflag:$0x3] =	sbarrier.arrive $0xFFFF  }
0x8c3: {  	_ =	shalt  }

// kernel: sparse-core-data-format-call.cloned.1.call-start
scs
called_computation_lowered:
.L_overlay_start_0:
0x0: {  	s2 =	sld [smem:$0x3FD9]  }
0x1: {  	s3 =	sld [smem:$0x3FFE];
	_ =	sdelay $0x1  }
0x2: {  	s1 =	srdreg.scid  }
0x3: {  	s0 =	sand.u32 $0x1, s1  }
0x4: {  	s18 =	sshll.u32 s0, $0xA;
	s2 =	sadd.s32 s3, s2  }
0x5: {  	s2 =	sadd.s32 s2, s18  }
0x6: {  	[smem:$0x3FC4] =	sst s2  }
0x7: {  	_ = 	snop  }
0x8: {  	s2 =	sld [smem:$0x3FD0];
	(tm) =	ssettm $0x1  }
0x9: {  	s19 =	sld [smem:$0x3FFB];
	_ =	sdelay $0x3  }
0xa: {  	_ =	strace s19  }
0xb: {  	s3 =	sld [smem:$0x3FFC];
	_ =	sdelay $0x3  }
0xc: {  	_ =	strace s3  }
0xd: {  	s3 =	sld [smem:$0x3FFD];
	_ =	sdelay $0x3  }
0xe: {  	_ =	strace s3  }
0xf: {  	_ =	strace $0x8FFFFFFF  }
0x10: {  	s20 =	sld [smem:$0x3FDB];
	_ =	sdelay $0x1  }
0x11: {  	s4 =	simm.s32 $_scs_section_size  }
0x12: {  	s5 =	simm.s32 $_size__tile_overlayer_lowered;
	s6 =	simm.s32 $_tile_overlayer_lowered  }
0x13: {  	s23 =	simm.s32 $0x1BFF;
	s22 =	sshll.u32 s6, $0x1;
	s3 =	sadd.s32 s4, s20  }
0x14: {  	s7 =	simm.s32 $0x0;
	s21 =	sshll.u32 s5, $0x1;
	s5 =	sadd.s32 s22, s3  }
0x15: {  	[timem:s7], [sflag:s23] =	dma.local [hbm:s5], s21  }
0x16: {  	_ =	swait.ge [sflag:s23], s21  }
0x17: {  	s4 =	ssub.s32 $0x0, s21;
	[sflag:s23] =	ssyncset.done $0x0  }
0x18: {  	[sflag:s23] =	ssyncadd.s32 s4;
	_ =	sdelay $0x1  }
0x19: {  	s24 =	simm.s32 $0x1B8B  }
0x1a: {  	_ =	swait.ge [sflag:s24], $0x1  }
0x1b: {  	[sflag:s24] =	ssyncset.done $0x0  }
0x1c: {  	s26 =	simm.s32 $0x1B8E;
	s25 =	sld [smem:$0x3FFE];
	[sflag:s24] =	ssyncadd.s32 $0xFFFFFFFF  }
0x1d: {  	s27 =	simm.s32 $execute0_lowered;
	[smem:$0x3FD2] =	sst s26  }
0x1e: {  	s5 =	sshll.u32 s27, $0x1;
	_ =	strace $0x80000049;
	[dreg:$0x1] =	wrdreg $0xFFFFFFFF  }
0x1f: {  	s28 =	simm.s32 $_size_execute0_lowered;
	s3 =	sadd.s32 s3, s5;
	[dreg:$0x0] =	wrdreg $0x0  }
0x20: {  	s5 =	sshll.u32 s28, $0x1;
	[dreg:$0x2] =	wrdreg s3  }
0x21: {  	[dreg:$0x3] =	wrdreg s5  }
0x22: {  	[dreg:$0x4] =	wrdreg $0xC0  }
0x23: {  	_ =	task [dreg:s7], $0x5FFFF  }
0x24: {  	[dreg:$0x1] =	wrdreg $0xFFFFFFFF  }
0x25: {  	[dreg:$0x0] =	wrdreg $0x60  }
0x26: {  	[dreg:$0x2] =	wrdreg s25  }
0x27: {  	[dreg:$0x3] =	wrdreg s2  }
0x28: {  	[dreg:$0x4] =	wrdreg $0x9  }
0x29: {  	_ =	task.clear_ibuf [dreg:s7], $0x5FFFF;
	_ =	strace $0x90000049  }
0x2a: {  	s29 =	simm.s32 $0x9;
	_ =	strace $0x8000004B  }
0x2b: {  	_ =	swait.ge [sflag:s29], $0x1  }
0x2c: {  	[sflag:s29] =	ssyncadd.s32 $0xFFFFFFFF  }
0x2d: {  	_ =	strace $0x9000004B  }
0x2e: {  	_ =	sfence  }
0x2f: {  	s30 =	sld [smem:$0x0];
	_ =	sdelay $0x2  }
0x30: {  	s31 =	sshll.u32 s1, $0xD;
	s1 =	sshrl.u32 s1, $0x2  }
0x31: {  	s3 =	sand.u32 $0x4000, s31;
	s1 =	sadd.s32 s1, s30  }
0x32: {  	s0 =	sor.u32 s3, s0;
	s1 =	sshll.u32 s1, $0x11  }
0x33: {  	s0 =	sor.u32 s1, s0  }
0x34: {  	s0 =	sadd.s32 $0x8F2B, s0  }
0x35: {  	[sflag:s0] =	ssyncadd.remote.s32 $0x1  }
0x36: {  	_ =	sfence.sel $0xFFFF  }
0x37: {  	[dreg:$0x0] =	wrdreg $0xFFFFFFFF;
	(pc) =	sbr.abs _section_cstart, $3  }
0x38: {  	[dreg:$0x1] =	wrdreg $0xFFFFFFFF  }
0x39: {  	_ =	task.clear_ibuf [dreg:s7], $0x2FFFF;
	_ =	strace $0x9FFFFFFF  }
0x3a: {  	(tm) =	ssettm $0x7FFFFFFF  }
0x3b: {  	_ =	shalt  }
tec
execute0_lowered:
.L_overlay_start_1:
0x0: {  	(tag) =	ssettag $0x1  }
0x1: {  	s0 =	srdreg.scid  }
0x2: {  	s5 =	rddreg [dreg:$0x0];
	s1 =	sshll.u32 s0, $0x4  }
0x3: {  	s2 =	rddreg [dreg:$0x1];
	s0 =	stileid.u32;
	s1 =	sand.u32 $0x10, s1  }
0x4: {  	s4 =	simm.s32 $0x1;
	s8 =	simm.s32 $0x2;
	s1 =	sor.u32 s0, s1  }
0x5: {  	s12 =	simm.s32 $0x0;
	s9 =	simm.s32 $0x0;
	s3 =	sshll.u32 s1, $0x7  }
0x6: {  	s11 =	simm.s32 $0x0;
	s5 =	sadd.s32 $0xC00, s5;
	s6 =	ssub.s32 $0x30D400, s3  }
.Ltmp0:
0x7: {  	s1 =	rddreg [dreg:$0x2];
	s7 =	sand.u32 $0xF80, s6;
	(pc) =	sbr.rel .LBB1_1-.Ltmp0, $4  }
0x8: {  	_ =	strace $0x8000004A;
	p0 =	sne.s32 s7, $0x0;
	s7 =	simm.s32 $0x1  }
0x9: {  	[sflag:s4] =	ssyncpa.u1 $0x0;
	s6 =	sshrl.u32 s6, $0xC;
	s7 =	simm.s32 @!p0 $0x0  }
0xa: {  	s10 =	smov.u32 s3;
	[sflag:s8] =	ssyncpa.u1 $0x0;
	s6 =	sadd.s32 s7, s6  }
0xb: {  	s8 =	simm.s32 $0xC35000;
	p0 =	por $0x0, $0x0;
	s7 =	sadd.s32 $0x1, s6  }
.LBB1_4:
0xc: {  	s15 =	sshll.u32 s9, $0x2  }
0xd: {  	p1 =	sgt.s32 s9, $0x30D380;
	s16 =	sshrl.u32 s15, $0xA  }
0xe: {  	s17 =	smov.u32 s9;
	s18 =	sshra.s32 s9, $0x1F;
	s16 =	smulhi.u32 $0x53E2D7, s16  }
0xf: {  	s19 =	sand.u32 $0x7F, s9;
	s17 =	simm.s32 @!p1 $0x30D380;
	s18 =	sand.u32 s18, s9  }
0x10: {  	s15 =	sand.u32 $0xFFFFFE00, s15;
	s17 =	ssub.s32 s17, s18;
	s16 =	sshrl.u32 s16, $0x2  }
0x11: {  	s17 =	sadd.s32 $0xFFCF2C80, s17;
	s26 =	smul.u32 $0x30D400, s16  }
0x12: {  	s15 =	sor.u32 s19, s15;
	s27 =	sshll.u32 s17, $0x4;
	s16 =	sand.u32 $0x3, s16  }
0x13: {  	s28 =	ssub.s32 $0x800, s27;
	s16 =	smul.u32 $0x61A80, s16;
	s15 =	ssub.s32 s15, s26  }
0x14: {  	p1 =	sgt.s32 s17, $0x7F;
	s17 =	sshrl.u32 s28, $0x2;
	s29 =	sand.u32 $0x7, s15  }
0x15: {  	s15 =	sshrl.u32 s15, $0x3;
	s16 =	sadd.s32 s2, s16;
	s18 =	sshll.u32 s29, $0x12  }
0x16: {  	[tilespmem:s14+$0x0 ss:$0x81] =	vst.msk $0xffff, v0;
	s17 =	simm.s32 @p1 $0x0;
	s30 =	sadd.s32 s15, s16;
	s31 =	sor.u32 $0x200, s18  }
0x17: {  	[hbm4b:s30+s31] =	stream.strided.scatter [tilespmem:s13], [sflag:$0x2], s17, s8, s31, $0x20;
	[tilespmem:$0x4040] =	vst v63  }
.LBB1_5:
0x18: {  	p1 =	slt.u32 s11, $0x2  }
0x19: {  	p2 =	sgt.s32 @!p1 s12, $0x30D380  }
0x1a: {  	s13 =	smov.u32 s12;
	s14 =	sshra.s32 @!p1 s12, $0x1F;
	p2 =	por !p2, p1  }
0x1b: {  	s12 =	sand.u32 @!p1 s14, s12;
	s13 =	simm.s32 @p2 $0x30D380  }
0x1c: {  	s12 =	ssub.s32 @!p1 s13, s12  }
0x1d: {  	s12 =	sadd.s32 @!p1 $0xFFCF2C80, s12  }
0x1e: {  	s13 =	sshll.u32 @!p1 s12, $0x4  }
0x1f: {  	p2 =	sgt.s32 @!p1 s12, $0x7F;
	s12 =	ssub.s32 @!p1 $0x800, s13  }
0x20: {  	s14 =	sadd.s32 $0x1000, s10;
	p2 =	por !p2, p1;
	s12 =	sshrl.u32 @!p1 s12, $0x2  }
0x21: {  	s12 =	simm.s32 @!p2 $0x0;
	p2 =	sgt.s32 s14, $0x30D3FF  }
0x22: {  	s14 =	smov.u32 @p2 s3;
	p2 =	sne.s32 s11, s7  }
.Ltmp1:
0x23: {  	_ = 	snop;
	(pc) =	sbr.rel @!p2 .LBB1_6-.Ltmp1, $4  }
0x24: {  	s13 =	simm.s32 @!p1 $0x2  }
0x25: {  	p0 =	por !p0, !p0;
	_ =	swait.ge @!p1 [sflag:s13], s12;
	s15 =	ssub.s32 @!p1 $0x0, s12  }
0x26: {  	s12 =	smov.u32 s9;
	s11 =	sadd.s32 $0x1, s11;
	[sflag:s13] =	ssyncset.done @!p1 $0x0  }
0x27: {  	s9 =	smov.u32 s10;
	s10 =	smov.u32 s14;
	[sflag:s13] =	ssyncadd.s32 @!p1 s15  }
.LBB1_1:
0x28: {  	p1 =	sge.u32 s11, s6  }
0x29: {  	s13 =	sand.u32 @!p1 $0x1FFFFFF, s10  }
0x2a: {  	s14 =	smulhi.u32 @!p1 $0x14F8B59, s13;
	_ =	sdelay $0x1  }
0x2b: {  	s14 =	sshrl.u32 @!p1 s14, $0xE  }
0x2c: {  	s14 =	smul.u32 @!p1 $0x30D400, s14;
	_ =	sdelay $0x1  }
0x2d: {  	s31 =	sadd.s32 $0xFFFFFFFF, s11;
	s15 =	sxor.u32 @!p1 $0xFFFFFFFF, s11;
	s13 =	ssub.s32 @!p1 s13, s14  }
0x2e: {  	s16 =	simm.s32 @!p1 $0x80;
	s15 =	sshll.u32 @!p1 s15, $0xC;
	s13 =	sshll.u32 @!p1 s13, $0x4  }
0x2f: {  	s14 =	sand.u32 @!p1 $0x1000, s15;
	s15 =	simm.s32 @!p1 $0x20;
	s13 =	sadd.s32 @!p1 s5, s13  }
0x30: {  	[tilespmem:s14], [sflag:$0x1] =	stream.strided.gather @!p1 [hbm4b:s13+s15], $0x1000, s16, s15, $0x38;
	[tilespmem:$0x4040] =	vst v63  }
0x31: {  	p1 =	sge.u32 s31, s6  }
.Ltmp2:
0x32: {  	_ = 	snop;
	(pc) =	sbr.rel @p1 .LBB1_5-.Ltmp2, $1  }
0x33: {  	_ =	sdelay $0x3  }
0x34: {  	s13 =	simm.s32 $0x1  }
0x35: {  	_ =	swait.ge [sflag:s4], $0x1000;
	s13 =	simm.s32 @!p0 $0x0  }
0x36: {  	[sflag:s4] =	ssyncset.done $0x0;
	s14 =	sshll.u32 s13, $0xC  }
0x37: {  	[sflag:s4] =	ssyncadd.s32 $0xFFFFF000;
	s17 =	sor.u32 $0x10, s14  }
0x38: {  	s13 =	smul.u32 $0x4080, s13;
	v1 =	vld [tilespmem:s17+$0x0]  }
0x39: {  	s30 =	sand.u32 $0x1, s11;
	v0 =	vld [tilespmem:s17+$0xFFFFFFF0]  }
0x3a: {  	s14 =	smul.u32 $0x4080, s30;
	s13 =	sshrl.u32 s13, $0x2  }
0x3b: {  	s15 =	sor.u32 $0x2000, s13  }
0x3c: {  	s31 =	sshrl.u32 s14, $0x2;
	s14 =	sadd.s32 $0x0, s15  }
0x3d: {  	s16 =	simm.s32 $0x4;
	s17 =	sadd.s32 $0x20, s17;
	s13 =	sor.u32 $0x2000, s31;
	[tilespmem:s14+$0x810 ss:$0x81] =	vst.msk $0xffff, v1  }
.LBB1_3:
0x3e: {  	v1 =	vld [tilespmem:s17+$0x0];
	p1 =	sne.s32 s16, $0x1FC;
	[tilespmem:s14+$0x0 ss:$0x81] =	vst.msk $0xffff, v0;
	s14 =	smov.u32 s16;
	s16 =	sadd.s32 $0x4, s16  }
.Ltmp3:
0x3f: {  	v0 =	vld [tilespmem:s17+$0xFFFFFFF0];
	(pc) =	sbr.rel @p1 .LBB1_3-.Ltmp3, $4  }
0x40: {  	_ = 	snop  }
0x41: {  	s14 =	sshra.s32 s14, $0x2  }
0x42: {  	s14 =	sadd.s32 s14, s15  }
0x43: {  	s17 =	sadd.s32 $0x20, s17;
	[tilespmem:s14+$0x810 ss:$0x81] =	vst.msk $0xffff, v1  }
.Ltmp4:
0x44: {  	_ = 	snop;
	(pc) =	sbr.rel .LBB1_4-.Ltmp4, $1  }
0x45: {  	_ =	sdelay $0x3  }
.LBB1_6:
0x46: {  	_ =	sfence.sel $0x180000  }
0x47: {  	s2 =	simm.s32 $0x1;
	[bflag:$0x0] =	sbarrier.arrive $0xFFFF  }
0x48: {  	s31 =	simm.s32 $0x2;
	[sflag:s2] =	ssyncpa.u1 $0x1  }
0x49: {  	[sflag:s31] =	ssyncpa.u1 $0x1  }
0x4a: {  	p0 =	sne.s32 s0, $0x0;
	_ =	strace $0x9000004A  }
0x4b: {  	s0 =	sadd.s32 @!p0 $0x100000, s1;
	[bflag:$0x2] =	sbarrier.arrive $0xFFFF  }
0x4c: {  	[sflag:s0] =	ssyncadd.tile.s32 @!p0 $0x1;
	_ =	shalt  }
.Lfunc_end1:
_tile_overlayer_lowered:
.L_overlay_start_2:
0x4d: {  	(tag) =	ssettag $0x2  }
0x4e: {  	s0 =	rddreg [dreg:$0x0];
	s2 =	stileid.u32  }
0x4f: {  	s1 =	rddreg [dreg:$0x1];
	p0 =	sne.s32 s2, $0x0  }
0x50: {  	s3 =	rddreg [dreg:$0x2];
	[bflag:$0x3] =	sbarrier.arrive $0xFFFF;
	s2 =	simm.s32 @!p0 $0x1C01  }
0x51: {  	[timem:s3], [sflag:s2] =	dma.local @!p0 [hbm:s0], s1  }
0x52: {  	s0 =	simm.s32 @!p0 $0x1  }
0x53: {  	_ =	swait.ge @!p0 [sflag:s0], s1  }
0x54: {  	s1 =	ssub.s32 @!p0 $0x0, s1;
	[sflag:s0] =	ssyncset.done @!p0 $0x0  }
0x55: {  	[sflag:s0] =	ssyncadd.s32 @!p0 s1  }
0x56: {  	[bflag:$0x3] =	sbarrier.arrive $0xFFFF  }
0x57: {  	_ =	shalt  }

</sc_bundles>
